<compile_context>
chip_gen: v7x
topology: tpu7x:2x2x1
jax: 0.10.2.dev20260603
libtpu: 0.0.44.dev20260713+nightly
codegen_flags: <defaults>
</compile_context>

<pallas_src>
import functools

import numpy as np

import jax
import jax.numpy as jnp
from jax import lax
from jax.experimental import pallas as pl
from jax.experimental.pallas import tpu as pltpu
from jax.experimental.pallas import tpu_sc as plsc

_MARGIN = 0.2
_EPS = 1e-6

_NC = 2
_NS = 16
_NW = _NC * _NS

_TCH = 256
_IDXW = 128
_CUNROLL = 8

_RAND_CACHE = {}


def _negative_draw(n, v):
    key = (n, v)
    if key not in _RAND_CACHE:
        try:
            cpu = jax.devices("cpu")[0]
            with jax.default_device(cpu), jax.ensure_compile_time_eval():
                r = jax.random.randint(jax.random.key(42), (n,), 0, v)
                _RAND_CACHE[key] = np.asarray(r).astype(np.int32)
        except Exception:
            _RAND_CACHE[key] = None
    return _RAND_CACHE[key]


def _vsqrt(s):
    i = lax.bitcast_convert_type(s, jnp.int32)
    y = lax.bitcast_convert_type(
        jnp.int32(0x5F3759DF) - lax.shift_right_logical(i, 1), jnp.float32)
    for _ in range(4):
        y = y * (1.5 - 0.5 * s * y * y)
    return s * y


@functools.partial(jax.jit, static_argnums=(4, 5))
def _sc_triplet(student_features, codes3, rand3, codebook, v_size, sf_dims):
    B, C, L = sf_dims
    n_chunk = L // _TCH
    rows_per_chunk = _TCH // _IDXW
    idx_rows = L // _IDXW
    groups = _TCH // 16

    mesh = plsc.VectorSubcoreMesh(core_axis_name="c", subcore_axis_name="s")

    @functools.partial(
        pl.kernel,
        mesh=mesh,
        compiler_params=pltpu.CompilerParams(
            needs_layout_passes=False, use_tc_tiling_on_sc=False),
        out_type=jax.ShapeDtypeStruct((_NW, 4, 16), jnp.float32),
        scratch_types=[
            pltpu.VMEM((2, C, _TCH), jnp.float32),
            pltpu.VMEM((2, _TCH, C), jnp.float32),
            pltpu.VMEM((2, _TCH, C), jnp.float32),
            pltpu.VMEM((idx_rows, _IDXW), jnp.int32),
            pltpu.VMEM((idx_rows, _IDXW), jnp.int32),
            pltpu.VMEM((4, 16), jnp.float32),
            pltpu.SemaphoreType.DMA,
            pltpu.SemaphoreType.DMA,
        ],
    )
    def sc_kernel(sf_hbm, codes_hbm, rand_hbm, cb_hbm, out_hbm,
                  f_v, pos_v, neg_v, pidx_v, nidx_v, res_v, sem0, sem1):
        cid = lax.axis_index("c")
        sid = lax.axis_index("s")
        wid = sid * _NC + cid
        sems = (sem0, sem1)

        pltpu.sync_copy(codes_hbm.at[wid // 8, :, wid % 8, :], pidx_v)
        pltpu.sync_copy(rand_hbm.at[wid], nidx_v)

        def fix_body(i, _):
            for k in range(_IDXW // 16):
                r = nidx_v[i, pl.ds(k * 16, 16)]
                c = pidx_v[i, pl.ds(k * 16, 16)]
                nidx_v[i, pl.ds(k * 16, 16)] = jnp.where(
                    r == c, lax.rem(r + 1, jnp.int32(v_size)), r)
            return 0
        lax.fori_loop(0, idx_rows, fix_body, 0)

        def issue_chunk(j, q):
            r0 = j * rows_per_chunk
            for chi in range(C // 8):
                for i in range(rows_per_chunk):
                    pltpu.async_copy(
                        sf_hbm.at[wid, chi, r0 + i, :, :],
                        f_v.at[q, pl.ds(chi * 8, 8),
                               pl.ds(i * _IDXW, _IDXW)], sems[q])
            for i in range(rows_per_chunk):
                pltpu.async_copy(
                    cb_hbm.at[pidx_v.at[r0 + i]],
                    pos_v.at[q, pl.ds(i * _IDXW, _IDXW)], sems[q])
                pltpu.async_copy(
                    cb_hbm.at[nidx_v.at[r0 + i]],
                    neg_v.at[q, pl.ds(i * _IDXW, _IDXW)], sems[q])

        def wait_chunk(q):
            for chi in range(C // 8):
                for i in range(rows_per_chunk):
                    pltpu.make_async_copy(
                        sf_hbm.at[0, chi, i, :, :],
                        f_v.at[q, pl.ds(chi * 8, 8),
                               pl.ds(i * _IDXW, _IDXW)], sems[q]).wait()
            for i in range(rows_per_chunk):
                pltpu.make_async_copy(
                    cb_hbm.at[pidx_v.at[i]],
                    pos_v.at[q, pl.ds(i * _IDXW, _IDXW)], sems[q]).wait()
                pltpu.make_async_copy(
                    cb_hbm.at[nidx_v.at[i]],
                    neg_v.at[q, pl.ds(i * _IDXW, _IDXW)], sems[q]).wait()

        def compute_chunk(q, carry):
            fq, pq, nq = f_v.at[q], pos_v.at[q], neg_v.at[q]
            def group_body(g, gcarry):
                al, ap, an = gcarry
                t0 = g * 16
                lane = lax.iota(jnp.int32, 16)
                rows = t0 + lane
                dp2a = jnp.zeros((16,), jnp.float32)
                dp2b = jnp.zeros((16,), jnp.float32)
                dn2a = jnp.zeros((16,), jnp.float32)
                dn2b = jnp.zeros((16,), jnp.float32)

                def chan_octave(ci, ccarry):
                    dp2a, dp2b, dn2a, dn2b = ccarry
                    c0 = ci * _CUNROLL
                    for k in range(_CUNROLL):
                        col = lax.bitwise_xor(
                            jnp.full((16,), 0, jnp.int32) + (c0 + k), lane)
                        f = plsc.load_gather(fq, [col, rows])
                        p = plsc.load_gather(pq, [rows, col])
                        n = plsc.load_gather(nq, [rows, col])
                        dp = f - p
                        dn = f - n
                        if k % 2 == 0:
                            dp2a = dp2a + dp * dp
                            dn2a = dn2a + dn * dn
                        else:
                            dp2b = dp2b + dp * dp
                            dn2b = dn2b + dn * dn
                    return (dp2a, dp2b, dn2a, dn2b)

                dp2a, dp2b, dn2a, dn2b = lax.fori_loop(
                    0, C // _CUNROLL, chan_octave, (dp2a, dp2b, dn2a, dn2b))
                d_pos = _vsqrt(dp2a + dp2b)
                d_neg = _vsqrt(dn2a + dn2b)
                t = jnp.maximum(d_pos - d_neg + _MARGIN, 0.0)
                return (al + t, ap + d_pos, an + d_neg)

            return lax.fori_loop(0, groups, group_body, carry)

        issue_chunk(0, 0)

        def pair_body(m, carry):
            j0 = 2 * m

            @pl.when(j0 + 1 < n_chunk)
            def _():
                issue_chunk(j0 + 1, 1)
            wait_chunk(0)
            carry0 = compute_chunk(0, carry)

            @pl.when(j0 + 2 < n_chunk)
            def _():
                issue_chunk(j0 + 2, 0)
            wait_chunk(1)
            return compute_chunk(1, carry0)

        zero = jnp.zeros((16,), jnp.float32)
        acc_l, acc_p, acc_n = lax.fori_loop(0, n_chunk // 2, pair_body,
                                            (zero, zero, zero))
        res_v[0, :] = acc_l
        res_v[1, :] = acc_p
        res_v[2, :] = acc_n
        res_v[3, :] = jnp.zeros((16,), jnp.float32)
        pltpu.sync_copy(res_v, out_hbm.at[wid])

    return sc_kernel(student_features, codes3, rand3, codebook)


def kernel(student_features, teacher_codes, codebook):
    B, C, L = student_features.shape
    if teacher_codes.ndim == 3:
        teacher_codes = teacher_codes[0]
    V = codebook.shape[0]
    N = B * L
    nd = _negative_draw(N, V)
    if nd is None:
        nd = jax.random.randint(jax.random.key(42), (N,), 0, V)
    rand3 = jnp.asarray(nd).astype(jnp.int32).reshape(B, L // _IDXW, _IDXW)
    codes4 = teacher_codes.astype(jnp.int32).reshape(
        B // 8, 8, L // _IDXW, _IDXW).transpose(0, 2, 1, 3)
    sf5 = student_features.reshape(
        B, C // 8, 8, L // _IDXW, _IDXW).transpose(0, 1, 3, 2, 4)
    cb_adj = codebook - jnp.float32(_EPS)
    part = _sc_triplet(sf5, codes4, rand3, cb_adj, V, (B, C, L))
    sums = part[:, :3, :].sum(axis=(0, 2))
    inv = jnp.float32(1.0 / N)
    return (sums[0] * inv, sums[1] * inv, sums[2] * inv)

# --- scband reference (transcript-rebuilt; emitter-appended) ---
"""Pipeline reference for scband-triplet-margin-loss-8624294330665 (READ-ONLY COPY).

The authoritative reference and input builder live on the scoring server;
editing this copy changes nothing except your own understanding.
"""

import jax, jax.numpy as jnp
import numpy as np

MARGIN = 0.2

def setup_inputs(seed: int = 0) -> dict:
    key = jax.random.key(seed)
    k1, k2, k3 = jax.random.split(key, 3)
    student_features = jax.random.normal(k1, (32, 64, 4096), dtype=jnp.float32)
    teacher_codes = jax.random.randint(k2, (32, 4096), 0, 8192)
    codebook = jax.random.normal(k3, (8192, 64), dtype=jnp.float32)
    return {"student_features": student_features, "teacher_codes": teacher_codes, "codebook": codebook}

def reference(student_features, teacher_codes, codebook):
    B, C, L = student_features.shape
    if teacher_codes.ndim == 3:
        teacher_codes = teacher_codes[0]
    features = jnp.transpose(student_features, (0, 2, 1)).reshape(-1, C)
    codes_flat = teacher_codes.reshape(-1)
    positive = jnp.take(codebook, codes_flat, axis=0)
    V = codebook.shape[0]
    rkey = jax.random.key(42)
    random_indices = jax.random.randint(rkey, (features.shape[0],), 0, V)
    mask = random_indices == codes_flat
    random_indices = jnp.where(mask, (random_indices + 1) % V, random_indices)
    negative = jnp.take(codebook, random_indices, axis=0)
    eps = 1e-6
    d_pos = jnp.linalg.norm(features - positive + eps, axis=-1)
    d_neg = jnp.linalg.norm(features - negative + eps, axis=-1)
    loss = jnp.mean(jax.nn.relu(d_pos - d_neg + MARGIN))
    return (loss, jnp.mean(d_pos), jnp.mean(d_neg))

if __name__ == "__main__":
    import jax
    _d = setup_inputs()
    print(jax.jit(kernel)(*tuple(_d.values())))

</pallas_src>

<mosaic_0001>
#map = affine_map<(d0, d1) -> (0, 0, 0, 0, 0)>
#map1 = affine_map<(d0, d1) -> (0, 0, 0, 0)>
#map2 = affine_map<(d0, d1) -> (0, 0, 0)>
#map3 = affine_map<(d0, d1) -> (0, 0)>
module attributes {stable_mosaic.version = 14 : i64} {
  func.func @sc_kernel(%arg0: i32, %arg1: i32, %arg2: memref<32x8x32x8x128xf32, #tpu.memory_space<hbm>>, %arg3: memref<4x32x8x128xi32, #tpu.memory_space<hbm>>, %arg4: memref<32x32x128xi32, #tpu.memory_space<hbm>>, %arg5: memref<8192x64xf32, #tpu.memory_space<hbm>>, %arg6: memref<32x4x16xf32, #tpu.memory_space<hbm>>, %arg7: memref<2x64x256xf32, #tpu.memory_space<vmem>>, %arg8: memref<2x256x64xf32, #tpu.memory_space<vmem>>, %arg9: memref<2x256x64xf32, #tpu.memory_space<vmem>>, %arg10: memref<32x128xi32, #tpu.memory_space<vmem>>, %arg11: memref<32x128xi32, #tpu.memory_space<vmem>>, %arg12: memref<4x16xf32, #tpu.memory_space<vmem>>, %arg13: memref<!tpu.dma_semaphore, #tpu.memory_space<semaphore_mem>>, %arg14: memref<!tpu.dma_semaphore, #tpu.memory_space<semaphore_mem>>) attributes {dimension_semantics = [#tpu.dimension_semantics<core_parallel>, #tpu.dimension_semantics<subcore_parallel>], iteration_bounds = array<i64: 2, 16>, scalar_prefetch = 0 : i64, scratch_operands = 8 : i64, tpu.core_type = #tpu.core_type<sc_vector_subcore>, window_params = [{transform_indices = #map}, {transform_indices = #map1}, {transform_indices = #map2}, {transform_indices = #map3}, {transform_indices = #map2}]} {
    %mul3A = arith.constant 2 : i32
    %mul3A_0 = arith.muli %arg1, %mul3A : i32
    %add3A = arith.addi %mul3A_0, %arg0 : i32
    %jit3A = arith.constant 8 : i32
    %div3A = arith.divsi %add3A, %jit3A : i32
    %sign3A = arith.constant 0 : i32
    %sign3A_1 = arith.cmpi sgt, %add3A, %sign3A : i32
    %sign3A_2 = arith.extui %sign3A_1 : i1 to i32
    %sign3A_3 = arith.constant 0 : i32
    %sign3A_4 = arith.cmpi slt, %add3A, %sign3A_3 : i32
    %sign3A_5 = arith.extui %sign3A_4 : i1 to i32
    %sign3A_6 = arith.subi %sign3A_2, %sign3A_5 : i32
    %sign3A_7 = arith.constant 0 : i32
    %sign3A_8 = arith.cmpi sgt, %jit3A, %sign3A_7 : i32
    %sign3A_9 = arith.extui %sign3A_8 : i1 to i32
    %sign3A_10 = arith.constant 0 : i32
    %sign3A_11 = arith.cmpi slt, %jit3A, %sign3A_10 : i32
    %sign3A_12 = arith.extui %sign3A_11 : i1 to i32
    %sign3A_13 = arith.subi %sign3A_9, %sign3A_12 : i32
    %ne3A = arith.cmpi ne, %sign3A_6, %sign3A_13 : i32
    %rem3A = arith.remsi %add3A, %jit3A : i32
    %ne3A_14 = arith.constant 0 : i32
    %ne3A_15 = arith.cmpi ne, %rem3A, %ne3A_14 : i32
    %and3A = arith.andi %ne3A, %ne3A_15 : i1
    %sub3A = arith.constant 1 : i32
    %sub3A_16 = arith.subi %div3A, %sub3A : i32
    %select_n3A = arith.select %and3A, %sub3A_16, %div3A : i32
    %jit3A_17 = arith.constant 8 : i32
    %eq3A = arith.constant 0 : i32
    %eq3A_18 = arith.cmpi eq, %jit3A_17, %eq3A : i32
    %jit3A_19 = arith.constant 1 : i32
    %select_n3A_20 = arith.select %eq3A_18, %jit3A_19, %jit3A_17 : i32
    %rem3A_21 = arith.remsi %add3A, %select_n3A_20 : i32
    %ne3A_22 = arith.constant 0 : i32
    %ne3A_23 = arith.cmpi ne, %rem3A_21, %ne3A_22 : i32
    %lt3A = arith.constant 0 : i32
    %lt3A_24 = arith.cmpi slt, %rem3A_21, %lt3A : i32
    %lt3A_25 = arith.constant 0 : i32
    %lt3A_26 = arith.cmpi slt, %select_n3A_20, %lt3A_25 : i32
    %ne3A_27 = arith.xori %lt3A_24, %lt3A_26 : i1
    %and3A_28 = arith.andi %ne3A_27, %ne3A_23 : i1
    %add3A_29 = arith.addi %rem3A_21, %select_n3A_20 : i32
    %select_n3A_30 = arith.select %and3A_28, %add3A_29, %rem3A_21 : i32
    "tpu.region"() ({
      %run_scoped3A = tpu.sem_alloc : memref<!tpu.dma_semaphore, #tpu.memory_space<semaphore_mem>>
      %dma_start3A_412 = arith.constant 0 : i32
      %dma_start3A_413 = arith.constant 0 : i32
      %dma_start3A_414 = tpu.memref_slice %arg3[%select_n3A, %dma_start3A_412, %select_n3A_30, %dma_start3A_413] : memref<4x32x8x128xi32, #tpu.memory_space<hbm>> -> memref<1x32x1x128xi32, #tpu.memory_space<hbm>>
      %dma_start3A_415 = tpu.memref_squeeze %dma_start3A_414 : memref<1x32x1x128xi32, #tpu.memory_space<hbm>> -> memref<32x128xi32, #tpu.memory_space<hbm>>
      %dma_start3A_416 = arith.constant 0 : i32
      %dma_start3A_417 = arith.constant 0 : i32
      %dma_start3A_418 = tpu.memref_slice %arg3[%select_n3A, %dma_start3A_416, %select_n3A_30, %dma_start3A_417] : memref<4x32x8x128xi32, #tpu.memory_space<hbm>> -> memref<1x32x1x128xi32, #tpu.memory_space<hbm>>
      %dma_start3A_419 = tpu.memref_squeeze %dma_start3A_418 : memref<1x32x1x128xi32, #tpu.memory_space<hbm>> -> memref<32x128xi32, #tpu.memory_space<hbm>>
      tpu.enqueue_dma source(%dma_start3A_419 : memref<32x128xi32, #tpu.memory_space<hbm>>) target(%arg10 : memref<32x128xi32, #tpu.memory_space<vmem>>) target_semaphore(%run_scoped3A : memref<!tpu.dma_semaphore, #tpu.memory_space<semaphore_mem>>)
      %dma_wait3A = arith.constant 0 : i32
      %dma_wait3A_420 = arith.constant 0 : i32
      %dma_wait3A_421 = tpu.memref_slice %arg3[%select_n3A, %dma_wait3A, %select_n3A_30, %dma_wait3A_420] : memref<4x32x8x128xi32, #tpu.memory_space<hbm>> -> memref<1x32x1x128xi32, #tpu.memory_space<hbm>>
      %dma_wait3A_422 = tpu.memref_squeeze %dma_wait3A_421 : memref<1x32x1x128xi32, #tpu.memory_space<hbm>> -> memref<32x128xi32, #tpu.memory_space<hbm>>
      %dma_wait3A_423 = arith.constant 0 : i32
      %dma_wait3A_424 = arith.constant 0 : i32
      %dma_wait3A_425 = tpu.memref_slice %arg3[%select_n3A, %dma_wait3A_423, %select_n3A_30, %dma_wait3A_424] : memref<4x32x8x128xi32, #tpu.memory_space<hbm>> -> memref<1x32x1x128xi32, #tpu.memory_space<hbm>>
      %dma_wait3A_426 = tpu.memref_squeeze %dma_wait3A_425 : memref<1x32x1x128xi32, #tpu.memory_space<hbm>> -> memref<32x128xi32, #tpu.memory_space<hbm>>
      tpu.wait_dma2 semaphore(%run_scoped3A : memref<!tpu.dma_semaphore, #tpu.memory_space<semaphore_mem>>) src(%dma_wait3A_426 : memref<32x128xi32, #tpu.memory_space<hbm>>) dst(%arg10 : memref<32x128xi32, #tpu.memory_space<vmem>>)
      tpu.yield
    }) : () -> ()
    "tpu.region"() ({
      %run_scoped3A = tpu.sem_alloc : memref<!tpu.dma_semaphore, #tpu.memory_space<semaphore_mem>>
      %dma_start3A_412 = arith.constant 0 : i32
      %dma_start3A_413 = arith.constant 0 : i32
      %dma_start3A_414 = tpu.memref_slice %arg4[%add3A, %dma_start3A_412, %dma_start3A_413] : memref<32x32x128xi32, #tpu.memory_space<hbm>> -> memref<1x32x128xi32, #tpu.memory_space<hbm>>
      %dma_start3A_415 = tpu.memref_squeeze %dma_start3A_414 : memref<1x32x128xi32, #tpu.memory_space<hbm>> -> memref<32x128xi32, #tpu.memory_space<hbm>>
      %dma_start3A_416 = arith.constant 0 : i32
      %dma_start3A_417 = arith.constant 0 : i32
      %dma_start3A_418 = tpu.memref_slice %arg4[%add3A, %dma_start3A_416, %dma_start3A_417] : memref<32x32x128xi32, #tpu.memory_space<hbm>> -> memref<1x32x128xi32, #tpu.memory_space<hbm>>
      %dma_start3A_419 = tpu.memref_squeeze %dma_start3A_418 : memref<1x32x128xi32, #tpu.memory_space<hbm>> -> memref<32x128xi32, #tpu.memory_space<hbm>>
      tpu.enqueue_dma source(%dma_start3A_419 : memref<32x128xi32, #tpu.memory_space<hbm>>) target(%arg11 : memref<32x128xi32, #tpu.memory_space<vmem>>) target_semaphore(%run_scoped3A : memref<!tpu.dma_semaphore, #tpu.memory_space<semaphore_mem>>)
      %dma_wait3A = arith.constant 0 : i32
      %dma_wait3A_420 = arith.constant 0 : i32
      %dma_wait3A_421 = tpu.memref_slice %arg4[%add3A, %dma_wait3A, %dma_wait3A_420] : memref<32x32x128xi32, #tpu.memory_space<hbm>> -> memref<1x32x128xi32, #tpu.memory_space<hbm>>
      %dma_wait3A_422 = tpu.memref_squeeze %dma_wait3A_421 : memref<1x32x128xi32, #tpu.memory_space<hbm>> -> memref<32x128xi32, #tpu.memory_space<hbm>>
      %dma_wait3A_423 = arith.constant 0 : i32
      %dma_wait3A_424 = arith.constant 0 : i32
      %dma_wait3A_425 = tpu.memref_slice %arg4[%add3A, %dma_wait3A_423, %dma_wait3A_424] : memref<32x32x128xi32, #tpu.memory_space<hbm>> -> memref<1x32x128xi32, #tpu.memory_space<hbm>>
      %dma_wait3A_426 = tpu.memref_squeeze %dma_wait3A_425 : memref<1x32x128xi32, #tpu.memory_space<hbm>> -> memref<32x128xi32, #tpu.memory_space<hbm>>
      tpu.wait_dma2 semaphore(%run_scoped3A : memref<!tpu.dma_semaphore, #tpu.memory_space<semaphore_mem>>) src(%dma_wait3A_426 : memref<32x128xi32, #tpu.memory_space<hbm>>) dst(%arg11 : memref<32x128xi32, #tpu.memory_space<vmem>>)
      tpu.yield
    }) : () -> ()
    %scan3A = arith.constant 0 : i32
    %scan3A_31 = arith.constant 0 : i32
    %scan3A_32 = arith.constant 32 : i32
    %scan3A_33 = arith.addi %scan3A_31, %scan3A_32 : i32
    %scan3A_34 = arith.constant 1 : i32
    %scan3A_35 = scf.for %scan3A_412 = %scan3A_31 to %scan3A_33 step %scan3A_34 iter_args(%scan3A_413 = %scan3A) -> (i32)  : i32 {
      %get3A = arith.index_cast %scan3A_412 : i32 to index
      %get3A_414 = arith.constant 0 : index
      %get3A_415 = tpu.vector_load %arg11[%get3A, %get3A_414] {strides = array<i32>} : memref<32x128xi32, #tpu.memory_space<vmem>>, vector<16xi32>,
      %get3A_416 = arith.index_cast %scan3A_412 : i32 to index
      %get3A_417 = arith.constant 0 : index
      %get3A_418 = tpu.vector_load %arg10[%get3A_416, %get3A_417] {strides = array<i32>} : memref<32x128xi32, #tpu.memory_space<vmem>>, vector<16xi32>,
      %eq3A_419 = arith.cmpi eq, %get3A_415, %get3A_418 : vector<16xi32>
      %add3A_420 = arith.constant 1 : i32
      %add3A_421 = vector.broadcast %add3A_420 : i32 to vector<16xi32>
      %add3A_422 = arith.addi %get3A_415, %add3A_421 : vector<16xi32>
      %rem3A_423 = arith.constant 8192 : i32
      %rem3A_424 = vector.broadcast %rem3A_423 : i32 to vector<16xi32>
      %rem3A_425 = arith.remsi %add3A_422, %rem3A_424 : vector<16xi32>
      %select_n3A_426 = arith.select %eq3A_419, %rem3A_425, %get3A_415 : vector<16xi1>, vector<16xi32>
      %swap3A_427 = arith.index_cast %scan3A_412 : i32 to index
      %swap3A_428 = arith.constant 0 : index
      %swap3A_429 = tpu.vector_load %arg11[%swap3A_427, %swap3A_428] {strides = array<i32>} : memref<32x128xi32, #tpu.memory_space<vmem>>, vector<16xi32>,
      tpu.vector_store %arg11[%swap3A_427, %swap3A_428], %select_n3A_426 {strides = array<i32>} : memref<32x128xi32, #tpu.memory_space<vmem>>, vector<16xi32>,
      %get3A_430 = arith.index_cast %scan3A_412 : i32 to index
      %get3A_431 = arith.constant 16 : index
      %get3A_432 = tpu.vector_load %arg11[%get3A_430, %get3A_431] {strides = array<i32>} : memref<32x128xi32, #tpu.memory_space<vmem>>, vector<16xi32>,
      %get3A_433 = arith.index_cast %scan3A_412 : i32 to index
      %get3A_434 = arith.constant 16 : index
      %get3A_435 = tpu.vector_load %arg10[%get3A_433, %get3A_434] {strides = array<i32>} : memref<32x128xi32, #tpu.memory_space<vmem>>, vector<16xi32>,
      %eq3A_436 = arith.cmpi eq, %get3A_432, %get3A_435 : vector<16xi32>
      %add3A_437 = arith.constant 1 : i32
      %add3A_438 = vector.broadcast %add3A_437 : i32 to vector<16xi32>
      %add3A_439 = arith.addi %get3A_432, %add3A_438 : vector<16xi32>
      %rem3A_440 = arith.constant 8192 : i32
      %rem3A_441 = vector.broadcast %rem3A_440 : i32 to vector<16xi32>
      %rem3A_442 = arith.remsi %add3A_439, %rem3A_441 : vector<16xi32>
      %select_n3A_443 = arith.select %eq3A_436, %rem3A_442, %get3A_432 : vector<16xi1>, vector<16xi32>
      %swap3A_444 = arith.index_cast %scan3A_412 : i32 to index
      %swap3A_445 = arith.constant 16 : index
      %swap3A_446 = tpu.vector_load %arg11[%swap3A_444, %swap3A_445] {strides = array<i32>} : memref<32x128xi32, #tpu.memory_space<vmem>>, vector<16xi32>,
      tpu.vector_store %arg11[%swap3A_444, %swap3A_445], %select_n3A_443 {strides = array<i32>} : memref<32x128xi32, #tpu.memory_space<vmem>>, vector<16xi32>,
      %get3A_447 = arith.index_cast %scan3A_412 : i32 to index
      %get3A_448 = arith.constant 32 : index
      %get3A_449 = tpu.vector_load %arg11[%get3A_447, %get3A_448] {strides = array<i32>} : memref<32x128xi32, #tpu.memory_space<vmem>>, vector<16xi32>,
      %get3A_450 = arith.index_cast %scan3A_412 : i32 to index
      %get3A_451 = arith.constant 32 : index
      %get3A_452 = tpu.vector_load %arg10[%get3A_450, %get3A_451] {strides = array<i32>} : memref<32x128xi32, #tpu.memory_space<vmem>>, vector<16xi32>,
      %eq3A_453 = arith.cmpi eq, %get3A_449, %get3A_452 : vector<16xi32>
      %add3A_454 = arith.constant 1 : i32
      %add3A_455 = vector.broadcast %add3A_454 : i32 to vector<16xi32>
      %add3A_456 = arith.addi %get3A_449, %add3A_455 : vector<16xi32>
      %rem3A_457 = arith.constant 8192 : i32
      %rem3A_458 = vector.broadcast %rem3A_457 : i32 to vector<16xi32>
      %rem3A_459 = arith.remsi %add3A_456, %rem3A_458 : vector<16xi32>
      %select_n3A_460 = arith.select %eq3A_453, %rem3A_459, %get3A_449 : vector<16xi1>, vector<16xi32>
      %swap3A_461 = arith.index_cast %scan3A_412 : i32 to index
      %swap3A_462 = arith.constant 32 : index
      %swap3A_463 = tpu.vector_load %arg11[%swap3A_461, %swap3A_462] {strides = array<i32>} : memref<32x128xi32, #tpu.memory_space<vmem>>, vector<16xi32>,
      tpu.vector_store %arg11[%swap3A_461, %swap3A_462], %select_n3A_460 {strides = array<i32>} : memref<32x128xi32, #tpu.memory_space<vmem>>, vector<16xi32>,
      %get3A_464 = arith.index_cast %scan3A_412 : i32 to index
      %get3A_465 = arith.constant 48 : index
      %get3A_466 = tpu.vector_load %arg11[%get3A_464, %get3A_465] {strides = array<i32>} : memref<32x128xi32, #tpu.memory_space<vmem>>, vector<16xi32>,
      %get3A_467 = arith.index_cast %scan3A_412 : i32 to index
      %get3A_468 = arith.constant 48 : index
      %get3A_469 = tpu.vector_load %arg10[%get3A_467, %get3A_468] {strides = array<i32>} : memref<32x128xi32, #tpu.memory_space<vmem>>, vector<16xi32>,
      %eq3A_470 = arith.cmpi eq, %get3A_466, %get3A_469 : vector<16xi32>
      %add3A_471 = arith.constant 1 : i32
      %add3A_472 = vector.broadcast %add3A_471 : i32 to vector<16xi32>
      %add3A_473 = arith.addi %get3A_466, %add3A_472 : vector<16xi32>
      %rem3A_474 = arith.constant 8192 : i32
      %rem3A_475 = vector.broadcast %rem3A_474 : i32 to vector<16xi32>
      %rem3A_476 = arith.remsi %add3A_473, %rem3A_475 : vector<16xi32>
      %select_n3A_477 = arith.select %eq3A_470, %rem3A_476, %get3A_466 : vector<16xi1>, vector<16xi32>
      %swap3A_478 = arith.index_cast %scan3A_412 : i32 to index
      %swap3A_479 = arith.constant 48 : index
      %swap3A_480 = tpu.vector_load %arg11[%swap3A_478, %swap3A_479] {strides = array<i32>} : memref<32x128xi32, #tpu.memory_space<vmem>>, vector<16xi32>,
      tpu.vector_store %arg11[%swap3A_478, %swap3A_479], %select_n3A_477 {strides = array<i32>} : memref<32x128xi32, #tpu.memory_space<vmem>>, vector<16xi32>,
      %get3A_481 = arith.index_cast %scan3A_412 : i32 to index
      %get3A_482 = arith.constant 64 : index
      %get3A_483 = tpu.vector_load %arg11[%get3A_481, %get3A_482] {strides = array<i32>} : memref<32x128xi32, #tpu.memory_space<vmem>>, vector<16xi32>,
      %get3A_484 = arith.index_cast %scan3A_412 : i32 to index
      %get3A_485 = arith.constant 64 : index
      %get3A_486 = tpu.vector_load %arg10[%get3A_484, %get3A_485] {strides = array<i32>} : memref<32x128xi32, #tpu.memory_space<vmem>>, vector<16xi32>,
      %eq3A_487 = arith.cmpi eq, %get3A_483, %get3A_486 : vector<16xi32>
      %add3A_488 = arith.constant 1 : i32
      %add3A_489 = vector.broadcast %add3A_488 : i32 to vector<16xi32>
      %add3A_490 = arith.addi %get3A_483, %add3A_489 : vector<16xi32>
      %rem3A_491 = arith.constant 8192 : i32
      %rem3A_492 = vector.broadcast %rem3A_491 : i32 to vector<16xi32>
      %rem3A_493 = arith.remsi %add3A_490, %rem3A_492 : vector<16xi32>
      %select_n3A_494 = arith.select %eq3A_487, %rem3A_493, %get3A_483 : vector<16xi1>, vector<16xi32>
      %swap3A_495 = arith.index_cast %scan3A_412 : i32 to index
      %swap3A_496 = arith.constant 64 : index
      %swap3A_497 = tpu.vector_load %arg11[%swap3A_495, %swap3A_496] {strides = array<i32>} : memref<32x128xi32, #tpu.memory_space<vmem>>, vector<16xi32>,
      tpu.vector_store %arg11[%swap3A_495, %swap3A_496], %select_n3A_494 {strides = array<i32>} : memref<32x128xi32, #tpu.memory_space<vmem>>, vector<16xi32>,
      %get3A_498 = arith.index_cast %scan3A_412 : i32 to index
      %get3A_499 = arith.constant 80 : index
      %get3A_500 = tpu.vector_load %arg11[%get3A_498, %get3A_499] {strides = array<i32>} : memref<32x128xi32, #tpu.memory_space<vmem>>, vector<16xi32>,
      %get3A_501 = arith.index_cast %scan3A_412 : i32 to index
      %get3A_502 = arith.constant 80 : index
      %get3A_503 = tpu.vector_load %arg10[%get3A_501, %get3A_502] {strides = array<i32>} : memref<32x128xi32, #tpu.memory_space<vmem>>, vector<16xi32>,
      %eq3A_504 = arith.cmpi eq, %get3A_500, %get3A_503 : vector<16xi32>
      %add3A_505 = arith.constant 1 : i32
      %add3A_506 = vector.broadcast %add3A_505 : i32 to vector<16xi32>
      %add3A_507 = arith.addi %get3A_500, %add3A_506 : vector<16xi32>
      %rem3A_508 = arith.constant 8192 : i32
      %rem3A_509 = vector.broadcast %rem3A_508 : i32 to vector<16xi32>
      %rem3A_510 = arith.remsi %add3A_507, %rem3A_509 : vector<16xi32>
      %select_n3A_511 = arith.select %eq3A_504, %rem3A_510, %get3A_500 : vector<16xi1>, vector<16xi32>
      %swap3A_512 = arith.index_cast %scan3A_412 : i32 to index
      %swap3A_513 = arith.constant 80 : index
      %swap3A_514 = tpu.vector_load %arg11[%swap3A_512, %swap3A_513] {strides = array<i32>} : memref<32x128xi32, #tpu.memory_space<vmem>>, vector<16xi32>,
      tpu.vector_store %arg11[%swap3A_512, %swap3A_513], %select_n3A_511 {strides = array<i32>} : memref<32x128xi32, #tpu.memory_space<vmem>>, vector<16xi32>,
      %get3A_515 = arith.index_cast %scan3A_412 : i32 to index
      %get3A_516 = arith.constant 96 : index
      %get3A_517 = tpu.vector_load %arg11[%get3A_515, %get3A_516] {strides = array<i32>} : memref<32x128xi32, #tpu.memory_space<vmem>>, vector<16xi32>,
      %get3A_518 = arith.index_cast %scan3A_412 : i32 to index
      %get3A_519 = arith.constant 96 : index
      %get3A_520 = tpu.vector_load %arg10[%get3A_518, %get3A_519] {strides = array<i32>} : memref<32x128xi32, #tpu.memory_space<vmem>>, vector<16xi32>,
      %eq3A_521 = arith.cmpi eq, %get3A_517, %get3A_520 : vector<16xi32>
      %add3A_522 = arith.constant 1 : i32
      %add3A_523 = vector.broadcast %add3A_522 : i32 to vector<16xi32>
      %add3A_524 = arith.addi %get3A_517, %add3A_523 : vector<16xi32>
      %rem3A_525 = arith.constant 8192 : i32
      %rem3A_526 = vector.broadcast %rem3A_525 : i32 to vector<16xi32>
      %rem3A_527 = arith.remsi %add3A_524, %rem3A_526 : vector<16xi32>
      %select_n3A_528 = arith.select %eq3A_521, %rem3A_527, %get3A_517 : vector<16xi1>, vector<16xi32>
      %swap3A_529 = arith.index_cast %scan3A_412 : i32 to index
      %swap3A_530 = arith.constant 96 : index
      %swap3A_531 = tpu.vector_load %arg11[%swap3A_529, %swap3A_530] {strides = array<i32>} : memref<32x128xi32, #tpu.memory_space<vmem>>, vector<16xi32>,
      tpu.vector_store %arg11[%swap3A_529, %swap3A_530], %select_n3A_528 {strides = array<i32>} : memref<32x128xi32, #tpu.memory_space<vmem>>, vector<16xi32>,
      %get3A_532 = arith.index_cast %scan3A_412 : i32 to index
      %get3A_533 = arith.constant 112 : index
      %get3A_534 = tpu.vector_load %arg11[%get3A_532, %get3A_533] {strides = array<i32>} : memref<32x128xi32, #tpu.memory_space<vmem>>, vector<16xi32>,
      %get3A_535 = arith.index_cast %scan3A_412 : i32 to index
      %get3A_536 = arith.constant 112 : index
      %get3A_537 = tpu.vector_load %arg10[%get3A_535, %get3A_536] {strides = array<i32>} : memref<32x128xi32, #tpu.memory_space<vmem>>, vector<16xi32>,
      %eq3A_538 = arith.cmpi eq, %get3A_534, %get3A_537 : vector<16xi32>
      %add3A_539 = arith.constant 1 : i32
      %add3A_540 = vector.broadcast %add3A_539 : i32 to vector<16xi32>
      %add3A_541 = arith.addi %get3A_534, %add3A_540 : vector<16xi32>
      %rem3A_542 = arith.constant 8192 : i32
      %rem3A_543 = vector.broadcast %rem3A_542 : i32 to vector<16xi32>
      %rem3A_544 = arith.remsi %add3A_541, %rem3A_543 : vector<16xi32>
      %select_n3A_545 = arith.select %eq3A_538, %rem3A_544, %get3A_534 : vector<16xi1>, vector<16xi32>
      %swap3A_546 = arith.index_cast %scan3A_412 : i32 to index
      %swap3A_547 = arith.constant 112 : index
      %swap3A_548 = tpu.vector_load %arg11[%swap3A_546, %swap3A_547] {strides = array<i32>} : memref<32x128xi32, #tpu.memory_space<vmem>>, vector<16xi32>,
      tpu.vector_store %arg11[%swap3A_546, %swap3A_547], %select_n3A_545 {strides = array<i32>} : memref<32x128xi32, #tpu.memory_space<vmem>>, vector<16xi32>,
      %scan3A_549 = arith.constant 0 : i32
      scf.yield %scan3A_549 : i32
    }
    %scan3A_36 = arith.constant 32 : i32
    %dma_start3A = arith.constant 0 : i32
    %dma_start3A_37 = arith.constant 0 : i32
    %dma_start3A_38 = arith.constant 0 : i32
    %dma_start3A_39 = arith.constant 0 : i32
    %dma_start3A_40 = arith.constant 0 : i32
    %dma_start3A_41 = tpu.memref_slice %arg7[%dma_start3A_38, %dma_start3A_39, %dma_start3A_40] : memref<2x64x256xf32, #tpu.memory_space<vmem>> -> memref<1x8x128xf32, #tpu.memory_space<vmem>>
    %dma_start3A_42 = tpu.memref_squeeze %dma_start3A_41 : memref<1x8x128xf32, #tpu.memory_space<vmem>> -> memref<8x128xf32, #tpu.memory_space<vmem>>
    %dma_start3A_43 = arith.constant 0 : i32
    %dma_start3A_44 = arith.constant 0 : i32
    %dma_start3A_45 = tpu.memref_slice %arg2[%add3A, %dma_start3A, %dma_start3A_37, %dma_start3A_43, %dma_start3A_44] : memref<32x8x32x8x128xf32, #tpu.memory_space<hbm>> -> memref<1x1x1x8x128xf32, #tpu.memory_space<hbm>>
    %dma_start3A_46 = tpu.memref_squeeze %dma_start3A_45 : memref<1x1x1x8x128xf32, #tpu.memory_space<hbm>> -> memref<8x128xf32, #tpu.memory_space<hbm>>
    %dma_start3A_47 = arith.constant 0 : i32
    %dma_start3A_48 = arith.constant 0 : i32
    %dma_start3A_49 = tpu.memref_slice %arg7[%dma_start3A_38, %dma_start3A_47, %dma_start3A_48] : memref<2x64x256xf32, #tpu.memory_space<vmem>> -> memref<1x8x128xf32, #tpu.memory_space<vmem>>
    %dma_start3A_50 = tpu.memref_squeeze %dma_start3A_49 : memref<1x8x128xf32, #tpu.memory_space<vmem>> -> memref<8x128xf32, #tpu.memory_space<vmem>>
    %dma_start3A_51 = arith.constant 0 : i32
    %dma_start3A_52 = arith.constant 0 : i32
    %dma_start3A_53 = tpu.memref_slice %arg2[%add3A, %dma_start3A, %dma_start3A_37, %dma_start3A_51, %dma_start3A_52] : memref<32x8x32x8x128xf32, #tpu.memory_space<hbm>> -> memref<1x1x1x8x128xf32, #tpu.memory_space<hbm>>
    %dma_start3A_54 = tpu.memref_squeeze %dma_start3A_53 : memref<1x1x1x8x128xf32, #tpu.memory_space<hbm>> -> memref<8x128xf32, #tpu.memory_space<hbm>>
    tpu.enqueue_dma source(%dma_start3A_54 : memref<8x128xf32, #tpu.memory_space<hbm>>) target(%dma_start3A_50 : memref<8x128xf32, #tpu.memory_space<vmem>>) target_semaphore(%arg13 : memref<!tpu.dma_semaphore, #tpu.memory_space<semaphore_mem>>)
    %dma_start3A_55 = arith.constant 0 : i32
    %dma_start3A_56 = arith.constant 1 : i32
    %dma_start3A_57 = arith.constant 0 : i32
    %dma_start3A_58 = arith.constant 0 : i32
    %dma_start3A_59 = arith.constant 128 : i32
    %dma_start3A_60 = tpu.memref_slice %arg7[%dma_start3A_57, %dma_start3A_58, %dma_start3A_59] : memref<2x64x256xf32, #tpu.memory_space<vmem>> -> memref<1x8x128xf32, #tpu.memory_space<vmem>>
    %dma_start3A_61 = tpu.memref_squeeze %dma_start3A_60 : memref<1x8x128xf32, #tpu.memory_space<vmem>> -> memref<8x128xf32, #tpu.memory_space<vmem>>
    %dma_start3A_62 = arith.constant 0 : i32
    %dma_start3A_63 = arith.constant 0 : i32
    %dma_start3A_64 = tpu.memref_slice %arg2[%add3A, %dma_start3A_55, %dma_start3A_56, %dma_start3A_62, %dma_start3A_63] : memref<32x8x32x8x128xf32, #tpu.memory_space<hbm>> -> memref<1x1x1x8x128xf32, #tpu.memory_space<hbm>>
    %dma_start3A_65 = tpu.memref_squeeze %dma_start3A_64 : memref<1x1x1x8x128xf32, #tpu.memory_space<hbm>> -> memref<8x128xf32, #tpu.memory_space<hbm>>
    %dma_start3A_66 = arith.constant 0 : i32
    %dma_start3A_67 = arith.constant 128 : i32
    %dma_start3A_68 = tpu.memref_slice %arg7[%dma_start3A_57, %dma_start3A_66, %dma_start3A_67] : memref<2x64x256xf32, #tpu.memory_space<vmem>> -> memref<1x8x128xf32, #tpu.memory_space<vmem>>
    %dma_start3A_69 = tpu.memref_squeeze %dma_start3A_68 : memref<1x8x128xf32, #tpu.memory_space<vmem>> -> memref<8x128xf32, #tpu.memory_space<vmem>>
    %dma_start3A_70 = arith.constant 0 : i32
    %dma_start3A_71 = arith.constant 0 : i32
    %dma_start3A_72 = tpu.memref_slice %arg2[%add3A, %dma_start3A_55, %dma_start3A_56, %dma_start3A_70, %dma_start3A_71] : memref<32x8x32x8x128xf32, #tpu.memory_space<hbm>> -> memref<1x1x1x8x128xf32, #tpu.memory_space<hbm>>
    %dma_start3A_73 = tpu.memref_squeeze %dma_start3A_72 : memref<1x1x1x8x128xf32, #tpu.memory_space<hbm>> -> memref<8x128xf32, #tpu.memory_space<hbm>>
    tpu.enqueue_dma source(%dma_start3A_73 : memref<8x128xf32, #tpu.memory_space<hbm>>) target(%dma_start3A_69 : memref<8x128xf32, #tpu.memory_space<vmem>>) target_semaphore(%arg13 : memref<!tpu.dma_semaphore, #tpu.memory_space<semaphore_mem>>)
    %dma_start3A_74 = arith.constant 1 : i32
    %dma_start3A_75 = arith.constant 0 : i32
    %dma_start3A_76 = arith.constant 0 : i32
    %dma_start3A_77 = arith.constant 8 : i32
    %dma_start3A_78 = arith.constant 0 : i32
    %dma_start3A_79 = tpu.memref_slice %arg7[%dma_start3A_76, %dma_start3A_77, %dma_start3A_78] : memref<2x64x256xf32, #tpu.memory_space<vmem>> -> memref<1x8x128xf32, #tpu.memory_space<vmem>>
    %dma_start3A_80 = tpu.memref_squeeze %dma_start3A_79 : memref<1x8x128xf32, #tpu.memory_space<vmem>> -> memref<8x128xf32, #tpu.memory_space<vmem>>
    %dma_start3A_81 = arith.constant 0 : i32
    %dma_start3A_82 = arith.constant 0 : i32
    %dma_start3A_83 = tpu.memref_slice %arg2[%add3A, %dma_start3A_74, %dma_start3A_75, %dma_start3A_81, %dma_start3A_82] : memref<32x8x32x8x128xf32, #tpu.memory_space<hbm>> -> memref<1x1x1x8x128xf32, #tpu.memory_space<hbm>>
    %dma_start3A_84 = tpu.memref_squeeze %dma_start3A_83 : memref<1x1x1x8x128xf32, #tpu.memory_space<hbm>> -> memref<8x128xf32, #tpu.memory_space<hbm>>
    %dma_start3A_85 = arith.constant 8 : i32
    %dma_start3A_86 = arith.constant 0 : i32
    %dma_start3A_87 = tpu.memref_slice %arg7[%dma_start3A_76, %dma_start3A_85, %dma_start3A_86] : memref<2x64x256xf32, #tpu.memory_space<vmem>> -> memref<1x8x128xf32, #tpu.memory_space<vmem>>
    %dma_start3A_88 = tpu.memref_squeeze %dma_start3A_87 : memref<1x8x128xf32, #tpu.memory_space<vmem>> -> memref<8x128xf32, #tpu.memory_space<vmem>>
    %dma_start3A_89 = arith.constant 0 : i32
    %dma_start3A_90 = arith.constant 0 : i32
    %dma_start3A_91 = tpu.memref_slice %arg2[%add3A, %dma_start3A_74, %dma_start3A_75, %dma_start3A_89, %dma_start3A_90] : memref<32x8x32x8x128xf32, #tpu.memory_space<hbm>> -> memref<1x1x1x8x128xf32, #tpu.memory_space<hbm>>
    %dma_start3A_92 = tpu.memref_squeeze %dma_start3A_91 : memref<1x1x1x8x128xf32, #tpu.memory_space<hbm>> -> memref<8x128xf32, #tpu.memory_space<hbm>>
    tpu.enqueue_dma source(%dma_start3A_92 : memref<8x128xf32, #tpu.memory_space<hbm>>) target(%dma_start3A_88 : memref<8x128xf32, #tpu.memory_space<vmem>>) target_semaphore(%arg13 : memref<!tpu.dma_semaphore, #tpu.memory_space<semaphore_mem>>)
    %dma_start3A_93 = arith.constant 1 : i32
    %dma_start3A_94 = arith.constant 1 : i32
    %dma_start3A_95 = arith.constant 0 : i32
    %dma_start3A_96 = arith.constant 8 : i32
    %dma_start3A_97 = arith.constant 128 : i32
    %dma_start3A_98 = tpu.memref_slice %arg7[%dma_start3A_95, %dma_start3A_96, %dma_start3A_97] : memref<2x64x256xf32, #tpu.memory_space<vmem>> -> memref<1x8x128xf32, #tpu.memory_space<vmem>>
    %dma_start3A_99 = tpu.memref_squeeze %dma_start3A_98 : memref<1x8x128xf32, #tpu.memory_space<vmem>> -> memref<8x128xf32, #tpu.memory_space<vmem>>
    %dma_start3A_100 = arith.constant 0 : i32
    %dma_start3A_101 = arith.constant 0 : i32
    %dma_start3A_102 = tpu.memref_slice %arg2[%add3A, %dma_start3A_93, %dma_start3A_94, %dma_start3A_100, %dma_start3A_101] : memref<32x8x32x8x128xf32, #tpu.memory_space<hbm>> -> memref<1x1x1x8x128xf32, #tpu.memory_space<hbm>>
    %dma_start3A_103 = tpu.memref_squeeze %dma_start3A_102 : memref<1x1x1x8x128xf32, #tpu.memory_space<hbm>> -> memref<8x128xf32, #tpu.memory_space<hbm>>
    %dma_start3A_104 = arith.constant 8 : i32
    %dma_start3A_105 = arith.constant 128 : i32
    %dma_start3A_106 = tpu.memref_slice %arg7[%dma_start3A_95, %dma_start3A_104, %dma_start3A_105] : memref<2x64x256xf32, #tpu.memory_space<vmem>> -> memref<1x8x128xf32, #tpu.memory_space<vmem>>
    %dma_start3A_107 = tpu.memref_squeeze %dma_start3A_106 : memref<1x8x128xf32, #tpu.memory_space<vmem>> -> memref<8x128xf32, #tpu.memory_space<vmem>>
    %dma_start3A_108 = arith.constant 0 : i32
    %dma_start3A_109 = arith.constant 0 : i32
    %dma_start3A_110 = tpu.memref_slice %arg2[%add3A, %dma_start3A_93, %dma_start3A_94, %dma_start3A_108, %dma_start3A_109] : memref<32x8x32x8x128xf32, #tpu.memory_space<hbm>> -> memref<1x1x1x8x128xf32, #tpu.memory_space<hbm>>
    %dma_start3A_111 = tpu.memref_squeeze %dma_start3A_110 : memref<1x1x1x8x128xf32, #tpu.memory_space<hbm>> -> memref<8x128xf32, #tpu.memory_space<hbm>>
    tpu.enqueue_dma source(%dma_start3A_111 : memref<8x128xf32, #tpu.memory_space<hbm>>) target(%dma_start3A_107 : memref<8x128xf32, #tpu.memory_space<vmem>>) target_semaphore(%arg13 : memref<!tpu.dma_semaphore, #tpu.memory_space<semaphore_mem>>)
    %dma_start3A_112 = arith.constant 2 : i32
    %dma_start3A_113 = arith.constant 0 : i32
    %dma_start3A_114 = arith.constant 0 : i32
    %dma_start3A_115 = arith.constant 16 : i32
    %dma_start3A_116 = arith.constant 0 : i32
    %dma_start3A_117 = tpu.memref_slice %arg7[%dma_start3A_114, %dma_start3A_115, %dma_start3A_116] : memref<2x64x256xf32, #tpu.memory_space<vmem>> -> memref<1x8x128xf32, #tpu.memory_space<vmem>>
    %dma_start3A_118 = tpu.memref_squeeze %dma_start3A_117 : memref<1x8x128xf32, #tpu.memory_space<vmem>> -> memref<8x128xf32, #tpu.memory_space<vmem>>
    %dma_start3A_119 = arith.constant 0 : i32
    %dma_start3A_120 = arith.constant 0 : i32
    %dma_start3A_121 = tpu.memref_slice %arg2[%add3A, %dma_start3A_112, %dma_start3A_113, %dma_start3A_119, %dma_start3A_120] : memref<32x8x32x8x128xf32, #tpu.memory_space<hbm>> -> memref<1x1x1x8x128xf32, #tpu.memory_space<hbm>>
    %dma_start3A_122 = tpu.memref_squeeze %dma_start3A_121 : memref<1x1x1x8x128xf32, #tpu.memory_space<hbm>> -> memref<8x128xf32, #tpu.memory_space<hbm>>
    %dma_start3A_123 = arith.constant 16 : i32
    %dma_start3A_124 = arith.constant 0 : i32
    %dma_start3A_125 = tpu.memref_slice %arg7[%dma_start3A_114, %dma_start3A_123, %dma_start3A_124] : memref<2x64x256xf32, #tpu.memory_space<vmem>> -> memref<1x8x128xf32, #tpu.memory_space<vmem>>
    %dma_start3A_126 = tpu.memref_squeeze %dma_start3A_125 : memref<1x8x128xf32, #tpu.memory_space<vmem>> -> memref<8x128xf32, #tpu.memory_space<vmem>>
    %dma_start3A_127 = arith.constant 0 : i32
    %dma_start3A_128 = arith.constant 0 : i32
    %dma_start3A_129 = tpu.memref_slice %arg2[%add3A, %dma_start3A_112, %dma_start3A_113, %dma_start3A_127, %dma_start3A_128] : memref<32x8x32x8x128xf32, #tpu.memory_space<hbm>> -> memref<1x1x1x8x128xf32, #tpu.memory_space<hbm>>
    %dma_start3A_130 = tpu.memref_squeeze %dma_start3A_129 : memref<1x1x1x8x128xf32, #tpu.memory_space<hbm>> -> memref<8x128xf32, #tpu.memory_space<hbm>>
    tpu.enqueue_dma source(%dma_start3A_130 : memref<8x128xf32, #tpu.memory_space<hbm>>) target(%dma_start3A_126 : memref<8x128xf32, #tpu.memory_space<vmem>>) target_semaphore(%arg13 : memref<!tpu.dma_semaphore, #tpu.memory_space<semaphore_mem>>)
    %dma_start3A_131 = arith.constant 2 : i32
    %dma_start3A_132 = arith.constant 1 : i32
    %dma_start3A_133 = arith.constant 0 : i32
    %dma_start3A_134 = arith.constant 16 : i32
    %dma_start3A_135 = arith.constant 128 : i32
    %dma_start3A_136 = tpu.memref_slice %arg7[%dma_start3A_133, %dma_start3A_134, %dma_start3A_135] : memref<2x64x256xf32, #tpu.memory_space<vmem>> -> memref<1x8x128xf32, #tpu.memory_space<vmem>>
    %dma_start3A_137 = tpu.memref_squeeze %dma_start3A_136 : memref<1x8x128xf32, #tpu.memory_space<vmem>> -> memref<8x128xf32, #tpu.memory_space<vmem>>
    %dma_start3A_138 = arith.constant 0 : i32
    %dma_start3A_139 = arith.constant 0 : i32
    %dma_start3A_140 = tpu.memref_slice %arg2[%add3A, %dma_start3A_131, %dma_start3A_132, %dma_start3A_138, %dma_start3A_139] : memref<32x8x32x8x128xf32, #tpu.memory_space<hbm>> -> memref<1x1x1x8x128xf32, #tpu.memory_space<hbm>>
    %dma_start3A_141 = tpu.memref_squeeze %dma_start3A_140 : memref<1x1x1x8x128xf32, #tpu.memory_space<hbm>> -> memref<8x128xf32, #tpu.memory_space<hbm>>
    %dma_start3A_142 = arith.constant 16 : i32
    %dma_start3A_143 = arith.constant 128 : i32
    %dma_start3A_144 = tpu.memref_slice %arg7[%dma_start3A_133, %dma_start3A_142, %dma_start3A_143] : memref<2x64x256xf32, #tpu.memory_space<vmem>> -> memref<1x8x128xf32, #tpu.memory_space<vmem>>
    %dma_start3A_145 = tpu.memref_squeeze %dma_start3A_144 : memref<1x8x128xf32, #tpu.memory_space<vmem>> -> memref<8x128xf32, #tpu.memory_space<vmem>>
    %dma_start3A_146 = arith.constant 0 : i32
    %dma_start3A_147 = arith.constant 0 : i32
    %dma_start3A_148 = tpu.memref_slice %arg2[%add3A, %dma_start3A_131, %dma_start3A_132, %dma_start3A_146, %dma_start3A_147] : memref<32x8x32x8x128xf32, #tpu.memory_space<hbm>> -> memref<1x1x1x8x128xf32, #tpu.memory_space<hbm>>
    %dma_start3A_149 = tpu.memref_squeeze %dma_start3A_148 : memref<1x1x1x8x128xf32, #tpu.memory_space<hbm>> -> memref<8x128xf32, #tpu.memory_space<hbm>>
    tpu.enqueue_dma source(%dma_start3A_149 : memref<8x128xf32, #tpu.memory_space<hbm>>) target(%dma_start3A_145 : memref<8x128xf32, #tpu.memory_space<vmem>>) target_semaphore(%arg13 : memref<!tpu.dma_semaphore, #tpu.memory_space<semaphore_mem>>)
    %dma_start3A_150 = arith.constant 3 : i32
    %dma_start3A_151 = arith.constant 0 : i32
    %dma_start3A_152 = arith.constant 0 : i32
    %dma_start3A_153 = arith.constant 24 : i32
    %dma_start3A_154 = arith.constant 0 : i32
    %dma_start3A_155 = tpu.memref_slice %arg7[%dma_start3A_152, %dma_start3A_153, %dma_start3A_154] : memref<2x64x256xf32, #tpu.memory_space<vmem>> -> memref<1x8x128xf32, #tpu.memory_space<vmem>>
    %dma_start3A_156 = tpu.memref_squeeze %dma_start3A_155 : memref<1x8x128xf32, #tpu.memory_space<vmem>> -> memref<8x128xf32, #tpu.memory_space<vmem>>
    %dma_start3A_157 = arith.constant 0 : i32
    %dma_start3A_158 = arith.constant 0 : i32
    %dma_start3A_159 = tpu.memref_slice %arg2[%add3A, %dma_start3A_150, %dma_start3A_151, %dma_start3A_157, %dma_start3A_158] : memref<32x8x32x8x128xf32, #tpu.memory_space<hbm>> -> memref<1x1x1x8x128xf32, #tpu.memory_space<hbm>>
    %dma_start3A_160 = tpu.memref_squeeze %dma_start3A_159 : memref<1x1x1x8x128xf32, #tpu.memory_space<hbm>> -> memref<8x128xf32, #tpu.memory_space<hbm>>
    %dma_start3A_161 = arith.constant 24 : i32
    %dma_start3A_162 = arith.constant 0 : i32
    %dma_start3A_163 = tpu.memref_slice %arg7[%dma_start3A_152, %dma_start3A_161, %dma_start3A_162] : memref<2x64x256xf32, #tpu.memory_space<vmem>> -> memref<1x8x128xf32, #tpu.memory_space<vmem>>
    %dma_start3A_164 = tpu.memref_squeeze %dma_start3A_163 : memref<1x8x128xf32, #tpu.memory_space<vmem>> -> memref<8x128xf32, #tpu.memory_space<vmem>>
    %dma_start3A_165 = arith.constant 0 : i32
    %dma_start3A_166 = arith.constant 0 : i32
    %dma_start3A_167 = tpu.memref_slice %arg2[%add3A, %dma_start3A_150, %dma_start3A_151, %dma_start3A_165, %dma_start3A_166] : memref<32x8x32x8x128xf32, #tpu.memory_space<hbm>> -> memref<1x1x1x8x128xf32, #tpu.memory_space<hbm>>
    %dma_start3A_168 = tpu.memref_squeeze %dma_start3A_167 : memref<1x1x1x8x128xf32, #tpu.memory_space<hbm>> -> memref<8x128xf32, #tpu.memory_space<hbm>>
    tpu.enqueue_dma source(%dma_start3A_168 : memref<8x128xf32, #tpu.memory_space<hbm>>) target(%dma_start3A_164 : memref<8x128xf32, #tpu.memory_space<vmem>>) target_semaphore(%arg13 : memref<!tpu.dma_semaphore, #tpu.memory_space<semaphore_mem>>)
    %dma_start3A_169 = arith.constant 3 : i32
    %dma_start3A_170 = arith.constant 1 : i32
    %dma_start3A_171 = arith.constant 0 : i32
    %dma_start3A_172 = arith.constant 24 : i32
    %dma_start3A_173 = arith.constant 128 : i32
    %dma_start3A_174 = tpu.memref_slice %arg7[%dma_start3A_171, %dma_start3A_172, %dma_start3A_173] : memref<2x64x256xf32, #tpu.memory_space<vmem>> -> memref<1x8x128xf32, #tpu.memory_space<vmem>>
    %dma_start3A_175 = tpu.memref_squeeze %dma_start3A_174 : memref<1x8x128xf32, #tpu.memory_space<vmem>> -> memref<8x128xf32, #tpu.memory_space<vmem>>
    %dma_start3A_176 = arith.constant 0 : i32
    %dma_start3A_177 = arith.constant 0 : i32
    %dma_start3A_178 = tpu.memref_slice %arg2[%add3A, %dma_start3A_169, %dma_start3A_170, %dma_start3A_176, %dma_start3A_177] : memref<32x8x32x8x128xf32, #tpu.memory_space<hbm>> -> memref<1x1x1x8x128xf32, #tpu.memory_space<hbm>>
    %dma_start3A_179 = tpu.memref_squeeze %dma_start3A_178 : memref<1x1x1x8x128xf32, #tpu.memory_space<hbm>> -> memref<8x128xf32, #tpu.memory_space<hbm>>
    %dma_start3A_180 = arith.constant 24 : i32
    %dma_start3A_181 = arith.constant 128 : i32
    %dma_start3A_182 = tpu.memref_slice %arg7[%dma_start3A_171, %dma_start3A_180, %dma_start3A_181] : memref<2x64x256xf32, #tpu.memory_space<vmem>> -> memref<1x8x128xf32, #tpu.memory_space<vmem>>
    %dma_start3A_183 = tpu.memref_squeeze %dma_start3A_182 : memref<1x8x128xf32, #tpu.memory_space<vmem>> -> memref<8x128xf32, #tpu.memory_space<vmem>>
    %dma_start3A_184 = arith.constant 0 : i32
    %dma_start3A_185 = arith.constant 0 : i32
    %dma_start3A_186 = tpu.memref_slice %arg2[%add3A, %dma_start3A_169, %dma_start3A_170, %dma_start3A_184, %dma_start3A_185] : memref<32x8x32x8x128xf32, #tpu.memory_space<hbm>> -> memref<1x1x1x8x128xf32, #tpu.memory_space<hbm>>
    %dma_start3A_187 = tpu.memref_squeeze %dma_start3A_186 : memref<1x1x1x8x128xf32, #tpu.memory_space<hbm>> -> memref<8x128xf32, #tpu.memory_space<hbm>>
    tpu.enqueue_dma source(%dma_start3A_187 : memref<8x128xf32, #tpu.memory_space<hbm>>) target(%dma_start3A_183 : memref<8x128xf32, #tpu.memory_space<vmem>>) target_semaphore(%arg13 : memref<!tpu.dma_semaphore, #tpu.memory_space<semaphore_mem>>)
    %dma_start3A_188 = arith.constant 4 : i32
    %dma_start3A_189 = arith.constant 0 : i32
    %dma_start3A_190 = arith.constant 0 : i32
    %dma_start3A_191 = arith.constant 32 : i32
    %dma_start3A_192 = arith.constant 0 : i32
    %dma_start3A_193 = tpu.memref_slice %arg7[%dma_start3A_190, %dma_start3A_191, %dma_start3A_192] : memref<2x64x256xf32, #tpu.memory_space<vmem>> -> memref<1x8x128xf32, #tpu.memory_space<vmem>>
    %dma_start3A_194 = tpu.memref_squeeze %dma_start3A_193 : memref<1x8x128xf32, #tpu.memory_space<vmem>> -> memref<8x128xf32, #tpu.memory_space<vmem>>
    %dma_start3A_195 = arith.constant 0 : i32
    %dma_start3A_196 = arith.constant 0 : i32
    %dma_start3A_197 = tpu.memref_slice %arg2[%add3A, %dma_start3A_188, %dma_start3A_189, %dma_start3A_195, %dma_start3A_196] : memref<32x8x32x8x128xf32, #tpu.memory_space<hbm>> -> memref<1x1x1x8x128xf32, #tpu.memory_space<hbm>>
    %dma_start3A_198 = tpu.memref_squeeze %dma_start3A_197 : memref<1x1x1x8x128xf32, #tpu.memory_space<hbm>> -> memref<8x128xf32, #tpu.memory_space<hbm>>
    %dma_start3A_199 = arith.constant 32 : i32
    %dma_start3A_200 = arith.constant 0 : i32
    %dma_start3A_201 = tpu.memref_slice %arg7[%dma_start3A_190, %dma_start3A_199, %dma_start3A_200] : memref<2x64x256xf32, #tpu.memory_space<vmem>> -> memref<1x8x128xf32, #tpu.memory_space<vmem>>
    %dma_start3A_202 = tpu.memref_squeeze %dma_start3A_201 : memref<1x8x128xf32, #tpu.memory_space<vmem>> -> memref<8x128xf32, #tpu.memory_space<vmem>>
    %dma_start3A_203 = arith.constant 0 : i32
    %dma_start3A_204 = arith.constant 0 : i32
    %dma_start3A_205 = tpu.memref_slice %arg2[%add3A, %dma_start3A_188, %dma_start3A_189, %dma_start3A_203, %dma_start3A_204] : memref<32x8x32x8x128xf32, #tpu.memory_space<hbm>> -> memref<1x1x1x8x128xf32, #tpu.memory_space<hbm>>
    %dma_start3A_206 = tpu.memref_squeeze %dma_start3A_205 : memref<1x1x1x8x128xf32, #tpu.memory_space<hbm>> -> memref<8x128xf32, #tpu.memory_space<hbm>>
    tpu.enqueue_dma source(%dma_start3A_206 : memref<8x128xf32, #tpu.memory_space<hbm>>) target(%dma_start3A_202 : memref<8x128xf32, #tpu.memory_space<vmem>>) target_semaphore(%arg13 : memref<!tpu.dma_semaphore, #tpu.memory_space<semaphore_mem>>)
    %dma_start3A_207 = arith.constant 4 : i32
    %dma_start3A_208 = arith.constant 1 : i32
    %dma_start3A_209 = arith.constant 0 : i32
    %dma_start3A_210 = arith.constant 32 : i32
    %dma_start3A_211 = arith.constant 128 : i32
    %dma_start3A_212 = tpu.memref_slice %arg7[%dma_start3A_209, %dma_start3A_210, %dma_start3A_211] : memref<2x64x256xf32, #tpu.memory_space<vmem>> -> memref<1x8x128xf32, #tpu.memory_space<vmem>>
    %dma_start3A_213 = tpu.memref_squeeze %dma_start3A_212 : memref<1x8x128xf32, #tpu.memory_space<vmem>> -> memref<8x128xf32, #tpu.memory_space<vmem>>
    %dma_start3A_214 = arith.constant 0 : i32
    %dma_start3A_215 = arith.constant 0 : i32
    %dma_start3A_216 = tpu.memref_slice %arg2[%add3A, %dma_start3A_207, %dma_start3A_208, %dma_start3A_214, %dma_start3A_215] : memref<32x8x32x8x128xf32, #tpu.memory_space<hbm>> -> memref<1x1x1x8x128xf32, #tpu.memory_space<hbm>>
    %dma_start3A_217 = tpu.memref_squeeze %dma_start3A_216 : memref<1x1x1x8x128xf32, #tpu.memory_space<hbm>> -> memref<8x128xf32, #tpu.memory_space<hbm>>
    %dma_start3A_218 = arith.constant 32 : i32
    %dma_start3A_219 = arith.constant 128 : i32
    %dma_start3A_220 = tpu.memref_slice %arg7[%dma_start3A_209, %dma_start3A_218, %dma_start3A_219] : memref<2x64x256xf32, #tpu.memory_space<vmem>> -> memref<1x8x128xf32, #tpu.memory_space<vmem>>
    %dma_start3A_221 = tpu.memref_squeeze %dma_start3A_220 : memref<1x8x128xf32, #tpu.memory_space<vmem>> -> memref<8x128xf32, #tpu.memory_space<vmem>>
    %dma_start3A_222 = arith.constant 0 : i32
    %dma_start3A_223 = arith.constant 0 : i32
    %dma_start3A_224 = tpu.memref_slice %arg2[%add3A, %dma_start3A_207, %dma_start3A_208, %dma_start3A_222, %dma_start3A_223] : memref<32x8x32x8x128xf32, #tpu.memory_space<hbm>> -> memref<1x1x1x8x128xf32, #tpu.memory_space<hbm>>
    %dma_start3A_225 = tpu.memref_squeeze %dma_start3A_224 : memref<1x1x1x8x128xf32, #tpu.memory_space<hbm>> -> memref<8x128xf32, #tpu.memory_space<hbm>>
    tpu.enqueue_dma source(%dma_start3A_225 : memref<8x128xf32, #tpu.memory_space<hbm>>) target(%dma_start3A_221 : memref<8x128xf32, #tpu.memory_space<vmem>>) target_semaphore(%arg13 : memref<!tpu.dma_semaphore, #tpu.memory_space<semaphore_mem>>)
    %dma_start3A_226 = arith.constant 5 : i32
    %dma_start3A_227 = arith.constant 0 : i32
    %dma_start3A_228 = arith.constant 0 : i32
    %dma_start3A_229 = arith.constant 40 : i32
    %dma_start3A_230 = arith.constant 0 : i32
    %dma_start3A_231 = tpu.memref_slice %arg7[%dma_start3A_228, %dma_start3A_229, %dma_start3A_230] : memref<2x64x256xf32, #tpu.memory_space<vmem>> -> memref<1x8x128xf32, #tpu.memory_space<vmem>>
    %dma_start3A_232 = tpu.memref_squeeze %dma_start3A_231 : memref<1x8x128xf32, #tpu.memory_space<vmem>> -> memref<8x128xf32, #tpu.memory_space<vmem>>
    %dma_start3A_233 = arith.constant 0 : i32
    %dma_start3A_234 = arith.constant 0 : i32
    %dma_start3A_235 = tpu.memref_slice %arg2[%add3A, %dma_start3A_226, %dma_start3A_227, %dma_start3A_233, %dma_start3A_234] : memref<32x8x32x8x128xf32, #tpu.memory_space<hbm>> -> memref<1x1x1x8x128xf32, #tpu.memory_space<hbm>>
    %dma_start3A_236 = tpu.memref_squeeze %dma_start3A_235 : memref<1x1x1x8x128xf32, #tpu.memory_space<hbm>> -> memref<8x128xf32, #tpu.memory_space<hbm>>
    %dma_start3A_237 = arith.constant 40 : i32
    %dma_start3A_238 = arith.constant 0 : i32
    %dma_start3A_239 = tpu.memref_slice %arg7[%dma_start3A_228, %dma_start3A_237, %dma_start3A_238] : memref<2x64x256xf32, #tpu.memory_space<vmem>> -> memref<1x8x128xf32, #tpu.memory_space<vmem>>
    %dma_start3A_240 = tpu.memref_squeeze %dma_start3A_239 : memref<1x8x128xf32, #tpu.memory_space<vmem>> -> memref<8x128xf32, #tpu.memory_space<vmem>>
    %dma_start3A_241 = arith.constant 0 : i32
    %dma_start3A_242 = arith.constant 0 : i32
    %dma_start3A_243 = tpu.memref_slice %arg2[%add3A, %dma_start3A_226, %dma_start3A_227, %dma_start3A_241, %dma_start3A_242] : memref<32x8x32x8x128xf32, #tpu.memory_space<hbm>> -> memref<1x1x1x8x128xf32, #tpu.memory_space<hbm>>
    %dma_start3A_244 = tpu.memref_squeeze %dma_start3A_243 : memref<1x1x1x8x128xf32, #tpu.memory_space<hbm>> -> memref<8x128xf32, #tpu.memory_space<hbm>>
    tpu.enqueue_dma source(%dma_start3A_244 : memref<8x128xf32, #tpu.memory_space<hbm>>) target(%dma_start3A_240 : memref<8x128xf32, #tpu.memory_space<vmem>>) target_semaphore(%arg13 : memref<!tpu.dma_semaphore, #tpu.memory_space<semaphore_mem>>)
    %dma_start3A_245 = arith.constant 5 : i32
    %dma_start3A_246 = arith.constant 1 : i32
    %dma_start3A_247 = arith.constant 0 : i32
    %dma_start3A_248 = arith.constant 40 : i32
    %dma_start3A_249 = arith.constant 128 : i32
    %dma_start3A_250 = tpu.memref_slice %arg7[%dma_start3A_247, %dma_start3A_248, %dma_start3A_249] : memref<2x64x256xf32, #tpu.memory_space<vmem>> -> memref<1x8x128xf32, #tpu.memory_space<vmem>>
    %dma_start3A_251 = tpu.memref_squeeze %dma_start3A_250 : memref<1x8x128xf32, #tpu.memory_space<vmem>> -> memref<8x128xf32, #tpu.memory_space<vmem>>
    %dma_start3A_252 = arith.constant 0 : i32
    %dma_start3A_253 = arith.constant 0 : i32
    %dma_start3A_254 = tpu.memref_slice %arg2[%add3A, %dma_start3A_245, %dma_start3A_246, %dma_start3A_252, %dma_start3A_253] : memref<32x8x32x8x128xf32, #tpu.memory_space<hbm>> -> memref<1x1x1x8x128xf32, #tpu.memory_space<hbm>>
    %dma_start3A_255 = tpu.memref_squeeze %dma_start3A_254 : memref<1x1x1x8x128xf32, #tpu.memory_space<hbm>> -> memref<8x128xf32, #tpu.memory_space<hbm>>
    %dma_start3A_256 = arith.constant 40 : i32
    %dma_start3A_257 = arith.constant 128 : i32
    %dma_start3A_258 = tpu.memref_slice %arg7[%dma_start3A_247, %dma_start3A_256, %dma_start3A_257] : memref<2x64x256xf32, #tpu.memory_space<vmem>> -> memref<1x8x128xf32, #tpu.memory_space<vmem>>
    %dma_start3A_259 = tpu.memref_squeeze %dma_start3A_258 : memref<1x8x128xf32, #tpu.memory_space<vmem>> -> memref<8x128xf32, #tpu.memory_space<vmem>>
    %dma_start3A_260 = arith.constant 0 : i32
    %dma_start3A_261 = arith.constant 0 : i32
    %dma_start3A_262 = tpu.memref_slice %arg2[%add3A, %dma_start3A_245, %dma_start3A_246, %dma_start3A_260, %dma_start3A_261] : memref<32x8x32x8x128xf32, #tpu.memory_space<hbm>> -> memref<1x1x1x8x128xf32, #tpu.memory_space<hbm>>
    %dma_start3A_263 = tpu.memref_squeeze %dma_start3A_262 : memref<1x1x1x8x128xf32, #tpu.memory_space<hbm>> -> memref<8x128xf32, #tpu.memory_space<hbm>>
    tpu.enqueue_dma source(%dma_start3A_263 : memref<8x128xf32, #tpu.memory_space<hbm>>) target(%dma_start3A_259 : memref<8x128xf32, #tpu.memory_space<vmem>>) target_semaphore(%arg13 : memref<!tpu.dma_semaphore, #tpu.memory_space<semaphore_mem>>)
    %dma_start3A_264 = arith.constant 6 : i32
    %dma_start3A_265 = arith.constant 0 : i32
    %dma_start3A_266 = arith.constant 0 : i32
    %dma_start3A_267 = arith.constant 48 : i32
    %dma_start3A_268 = arith.constant 0 : i32
    %dma_start3A_269 = tpu.memref_slice %arg7[%dma_start3A_266, %dma_start3A_267, %dma_start3A_268] : memref<2x64x256xf32, #tpu.memory_space<vmem>> -> memref<1x8x128xf32, #tpu.memory_space<vmem>>
    %dma_start3A_270 = tpu.memref_squeeze %dma_start3A_269 : memref<1x8x128xf32, #tpu.memory_space<vmem>> -> memref<8x128xf32, #tpu.memory_space<vmem>>
    %dma_start3A_271 = arith.constant 0 : i32
    %dma_start3A_272 = arith.constant 0 : i32
    %dma_start3A_273 = tpu.memref_slice %arg2[%add3A, %dma_start3A_264, %dma_start3A_265, %dma_start3A_271, %dma_start3A_272] : memref<32x8x32x8x128xf32, #tpu.memory_space<hbm>> -> memref<1x1x1x8x128xf32, #tpu.memory_space<hbm>>
    %dma_start3A_274 = tpu.memref_squeeze %dma_start3A_273 : memref<1x1x1x8x128xf32, #tpu.memory_space<hbm>> -> memref<8x128xf32, #tpu.memory_space<hbm>>
    %dma_start3A_275 = arith.constant 48 : i32
    %dma_start3A_276 = arith.constant 0 : i32
    %dma_start3A_277 = tpu.memref_slice %arg7[%dma_start3A_266, %dma_start3A_275, %dma_start3A_276] : memref<2x64x256xf32, #tpu.memory_space<vmem>> -> memref<1x8x128xf32, #tpu.memory_space<vmem>>
    %dma_start3A_278 = tpu.memref_squeeze %dma_start3A_277 : memref<1x8x128xf32, #tpu.memory_space<vmem>> -> memref<8x128xf32, #tpu.memory_space<vmem>>
    %dma_start3A_279 = arith.constant 0 : i32
    %dma_start3A_280 = arith.constant 0 : i32
    %dma_start3A_281 = tpu.memref_slice %arg2[%add3A, %dma_start3A_264, %dma_start3A_265, %dma_start3A_279, %dma_start3A_280] : memref<32x8x32x8x128xf32, #tpu.memory_space<hbm>> -> memref<1x1x1x8x128xf32, #tpu.memory_space<hbm>>
    %dma_start3A_282 = tpu.memref_squeeze %dma_start3A_281 : memref<1x1x1x8x128xf32, #tpu.memory_space<hbm>> -> memref<8x128xf32, #tpu.memory_space<hbm>>
    tpu.enqueue_dma source(%dma_start3A_282 : memref<8x128xf32, #tpu.memory_space<hbm>>) target(%dma_start3A_278 : memref<8x128xf32, #tpu.memory_space<vmem>>) target_semaphore(%arg13 : memref<!tpu.dma_semaphore, #tpu.memory_space<semaphore_mem>>)
    %dma_start3A_283 = arith.constant 6 : i32
    %dma_start3A_284 = arith.constant 1 : i32
    %dma_start3A_285 = arith.constant 0 : i32
    %dma_start3A_286 = arith.constant 48 : i32
    %dma_start3A_287 = arith.constant 128 : i32
    %dma_start3A_288 = tpu.memref_slice %arg7[%dma_start3A_285, %dma_start3A_286, %dma_start3A_287] : memref<2x64x256xf32, #tpu.memory_space<vmem>> -> memref<1x8x128xf32, #tpu.memory_space<vmem>>
    %dma_start3A_289 = tpu.memref_squeeze %dma_start3A_288 : memref<1x8x128xf32, #tpu.memory_space<vmem>> -> memref<8x128xf32, #tpu.memory_space<vmem>>
    %dma_start3A_290 = arith.constant 0 : i32
    %dma_start3A_291 = arith.constant 0 : i32
    %dma_start3A_292 = tpu.memref_slice %arg2[%add3A, %dma_start3A_283, %dma_start3A_284, %dma_start3A_290, %dma_start3A_291] : memref<32x8x32x8x128xf32, #tpu.memory_space<hbm>> -> memref<1x1x1x8x128xf32, #tpu.memory_space<hbm>>
    %dma_start3A_293 = tpu.memref_squeeze %dma_start3A_292 : memref<1x1x1x8x128xf32, #tpu.memory_space<hbm>> -> memref<8x128xf32, #tpu.memory_space<hbm>>
    %dma_start3A_294 = arith.constant 48 : i32
    %dma_start3A_295 = arith.constant 128 : i32
    %dma_start3A_296 = tpu.memref_slice %arg7[%dma_start3A_285, %dma_start3A_294, %dma_start3A_295] : memref<2x64x256xf32, #tpu.memory_space<vmem>> -> memref<1x8x128xf32, #tpu.memory_space<vmem>>
    %dma_start3A_297 = tpu.memref_squeeze %dma_start3A_296 : memref<1x8x128xf32, #tpu.memory_space<vmem>> -> memref<8x128xf32, #tpu.memory_space<vmem>>
    %dma_start3A_298 = arith.constant 0 : i32
    %dma_start3A_299 = arith.constant 0 : i32
    %dma_start3A_300 = tpu.memref_slice %arg2[%add3A, %dma_start3A_283, %dma_start3A_284, %dma_start3A_298, %dma_start3A_299] : memref<32x8x32x8x128xf32, #tpu.memory_space<hbm>> -> memref<1x1x1x8x128xf32, #tpu.memory_space<hbm>>
    %dma_start3A_301 = tpu.memref_squeeze %dma_start3A_300 : memref<1x1x1x8x128xf32, #tpu.memory_space<hbm>> -> memref<8x128xf32, #tpu.memory_space<hbm>>
    tpu.enqueue_dma source(%dma_start3A_301 : memref<8x128xf32, #tpu.memory_space<hbm>>) target(%dma_start3A_297 : memref<8x128xf32, #tpu.memory_space<vmem>>) target_semaphore(%arg13 : memref<!tpu.dma_semaphore, #tpu.memory_space<semaphore_mem>>)
    %dma_start3A_302 = arith.constant 7 : i32
    %dma_start3A_303 = arith.constant 0 : i32
    %dma_start3A_304 = arith.constant 0 : i32
    %dma_start3A_305 = arith.constant 56 : i32
    %dma_start3A_306 = arith.constant 0 : i32
    %dma_start3A_307 = tpu.memref_slice %arg7[%dma_start3A_304, %dma_start3A_305, %dma_start3A_306] : memref<2x64x256xf32, #tpu.memory_space<vmem>> -> memref<1x8x128xf32, #tpu.memory_space<vmem>>
    %dma_start3A_308 = tpu.memref_squeeze %dma_start3A_307 : memref<1x8x128xf32, #tpu.memory_space<vmem>> -> memref<8x128xf32, #tpu.memory_space<vmem>>
    %dma_start3A_309 = arith.constant 0 : i32
    %dma_start3A_310 = arith.constant 0 : i32
    %dma_start3A_311 = tpu.memref_slice %arg2[%add3A, %dma_start3A_302, %dma_start3A_303, %dma_start3A_309, %dma_start3A_310] : memref<32x8x32x8x128xf32, #tpu.memory_space<hbm>> -> memref<1x1x1x8x128xf32, #tpu.memory_space<hbm>>
    %dma_start3A_312 = tpu.memref_squeeze %dma_start3A_311 : memref<1x1x1x8x128xf32, #tpu.memory_space<hbm>> -> memref<8x128xf32, #tpu.memory_space<hbm>>
    %dma_start3A_313 = arith.constant 56 : i32
    %dma_start3A_314 = arith.constant 0 : i32
    %dma_start3A_315 = tpu.memref_slice %arg7[%dma_start3A_304, %dma_start3A_313, %dma_start3A_314] : memref<2x64x256xf32, #tpu.memory_space<vmem>> -> memref<1x8x128xf32, #tpu.memory_space<vmem>>
    %dma_start3A_316 = tpu.memref_squeeze %dma_start3A_315 : memref<1x8x128xf32, #tpu.memory_space<vmem>> -> memref<8x128xf32, #tpu.memory_space<vmem>>
    %dma_start3A_317 = arith.constant 0 : i32
    %dma_start3A_318 = arith.constant 0 : i32
    %dma_start3A_319 = tpu.memref_slice %arg2[%add3A, %dma_start3A_302, %dma_start3A_303, %dma_start3A_317, %dma_start3A_318] : memref<32x8x32x8x128xf32, #tpu.memory_space<hbm>> -> memref<1x1x1x8x128xf32, #tpu.memory_space<hbm>>
    %dma_start3A_320 = tpu.memref_squeeze %dma_start3A_319 : memref<1x1x1x8x128xf32, #tpu.memory_space<hbm>> -> memref<8x128xf32, #tpu.memory_space<hbm>>
    tpu.enqueue_dma source(%dma_start3A_320 : memref<8x128xf32, #tpu.memory_space<hbm>>) target(%dma_start3A_316 : memref<8x128xf32, #tpu.memory_space<vmem>>) target_semaphore(%arg13 : memref<!tpu.dma_semaphore, #tpu.memory_space<semaphore_mem>>)
    %dma_start3A_321 = arith.constant 7 : i32
    %dma_start3A_322 = arith.constant 1 : i32
    %dma_start3A_323 = arith.constant 0 : i32
    %dma_start3A_324 = arith.constant 56 : i32
    %dma_start3A_325 = arith.constant 128 : i32
    %dma_start3A_326 = tpu.memref_slice %arg7[%dma_start3A_323, %dma_start3A_324, %dma_start3A_325] : memref<2x64x256xf32, #tpu.memory_space<vmem>> -> memref<1x8x128xf32, #tpu.memory_space<vmem>>
    %dma_start3A_327 = tpu.memref_squeeze %dma_start3A_326 : memref<1x8x128xf32, #tpu.memory_space<vmem>> -> memref<8x128xf32, #tpu.memory_space<vmem>>
    %dma_start3A_328 = arith.constant 0 : i32
    %dma_start3A_329 = arith.constant 0 : i32
    %dma_start3A_330 = tpu.memref_slice %arg2[%add3A, %dma_start3A_321, %dma_start3A_322, %dma_start3A_328, %dma_start3A_329] : memref<32x8x32x8x128xf32, #tpu.memory_space<hbm>> -> memref<1x1x1x8x128xf32, #tpu.memory_space<hbm>>
    %dma_start3A_331 = tpu.memref_squeeze %dma_start3A_330 : memref<1x1x1x8x128xf32, #tpu.memory_space<hbm>> -> memref<8x128xf32, #tpu.memory_space<hbm>>
    %dma_start3A_332 = arith.constant 56 : i32
    %dma_start3A_333 = arith.constant 128 : i32
    %dma_start3A_334 = tpu.memref_slice %arg7[%dma_start3A_323, %dma_start3A_332, %dma_start3A_333] : memref<2x64x256xf32, #tpu.memory_space<vmem>> -> memref<1x8x128xf32, #tpu.memory_space<vmem>>
    %dma_start3A_335 = tpu.memref_squeeze %dma_start3A_334 : memref<1x8x128xf32, #tpu.memory_space<vmem>> -> memref<8x128xf32, #tpu.memory_space<vmem>>
    %dma_start3A_336 = arith.constant 0 : i32
    %dma_start3A_337 = arith.constant 0 : i32
    %dma_start3A_338 = tpu.memref_slice %arg2[%add3A, %dma_start3A_321, %dma_start3A_322, %dma_start3A_336, %dma_start3A_337] : memref<32x8x32x8x128xf32, #tpu.memory_space<hbm>> -> memref<1x1x1x8x128xf32, #tpu.memory_space<hbm>>
    %dma_start3A_339 = tpu.memref_squeeze %dma_start3A_338 : memref<1x1x1x8x128xf32, #tpu.memory_space<hbm>> -> memref<8x128xf32, #tpu.memory_space<hbm>>
    tpu.enqueue_dma source(%dma_start3A_339 : memref<8x128xf32, #tpu.memory_space<hbm>>) target(%dma_start3A_335 : memref<8x128xf32, #tpu.memory_space<vmem>>) target_semaphore(%arg13 : memref<!tpu.dma_semaphore, #tpu.memory_space<semaphore_mem>>)
    %dma_start3A_340 = arith.constant 0 : i32
    %dma_start3A_341 = arith.constant 0 : i32
    %dma_start3A_342 = arith.constant 0 : i32
    %dma_start3A_343 = arith.constant 0 : i32
    %dma_start3A_344 = tpu.memref_slice %arg8[%dma_start3A_341, %dma_start3A_342, %dma_start3A_343] : memref<2x256x64xf32, #tpu.memory_space<vmem>> -> memref<1x128x64xf32, #tpu.memory_space<vmem>>
    %dma_start3A_345 = tpu.memref_squeeze %dma_start3A_344 : memref<1x128x64xf32, #tpu.memory_space<vmem>> -> memref<128x64xf32, #tpu.memory_space<vmem>>
    %dma_start3A_346 = arith.constant 0 : i32
    %dma_start3A_347 = tpu.memref_slice %arg10[%dma_start3A_340, %dma_start3A_346] : memref<32x128xi32, #tpu.memory_space<vmem>> -> memref<1x128xi32, #tpu.memory_space<vmem>>
    %dma_start3A_348 = tpu.memref_squeeze %dma_start3A_347 : memref<1x128xi32, #tpu.memory_space<vmem>> -> memref<128xi32, #tpu.memory_space<vmem>>
    %dma_start3A_349 = arith.constant 0 : i32
    %dma_start3A_350 = arith.constant 0 : i32
    %dma_start3A_351 = tpu.memref_slice %arg5[%dma_start3A_349, %dma_start3A_350] : memref<8192x64xf32, #tpu.memory_space<hbm>> -> memref<8192x64xf32, #tpu.memory_space<hbm>>
    tpu.enqueue_indirect_dma source(%dma_start3A_351 : memref<8192x64xf32, #tpu.memory_space<hbm>>) target(%dma_start3A_345 : memref<128x64xf32, #tpu.memory_space<vmem>>) offsets(%dma_start3A_348 : memref<128xi32, #tpu.memory_space<vmem>>) semaphore(%arg13 : memref<!tpu.dma_semaphore, #tpu.memory_space<semaphore_mem>>)
    %dma_start3A_352 = arith.constant 0 : i32
    %dma_start3A_353 = arith.constant 0 : i32
    %dma_start3A_354 = arith.constant 0 : i32
    %dma_start3A_355 = arith.constant 0 : i32
    %dma_start3A_356 = tpu.memref_slice %arg9[%dma_start3A_353, %dma_start3A_354, %dma_start3A_355] : memref<2x256x64xf32, #tpu.memory_space<vmem>> -> memref<1x128x64xf32, #tpu.memory_space<vmem>>
    %dma_start3A_357 = tpu.memref_squeeze %dma_start3A_356 : memref<1x128x64xf32, #tpu.memory_space<vmem>> -> memref<128x64xf32, #tpu.memory_space<vmem>>
    %dma_start3A_358 = arith.constant 0 : i32
    %dma_start3A_359 = tpu.memref_slice %arg11[%dma_start3A_352, %dma_start3A_358] : memref<32x128xi32, #tpu.memory_space<vmem>> -> memref<1x128xi32, #tpu.memory_space<vmem>>
    %dma_start3A_360 = tpu.memref_squeeze %dma_start3A_359 : memref<1x128xi32, #tpu.memory_space<vmem>> -> memref<128xi32, #tpu.memory_space<vmem>>
    %dma_start3A_361 = arith.constant 0 : i32
    %dma_start3A_362 = arith.constant 0 : i32
    %dma_start3A_363 = tpu.memref_slice %arg5[%dma_start3A_361, %dma_start3A_362] : memref<8192x64xf32, #tpu.memory_space<hbm>> -> memref<8192x64xf32, #tpu.memory_space<hbm>>
    tpu.enqueue_indirect_dma source(%dma_start3A_363 : memref<8192x64xf32, #tpu.memory_space<hbm>>) target(%dma_start3A_357 : memref<128x64xf32, #tpu.memory_space<vmem>>) offsets(%dma_start3A_360 : memref<128xi32, #tpu.memory_space<vmem>>) semaphore(%arg13 : memref<!tpu.dma_semaphore, #tpu.memory_space<semaphore_mem>>)
    %dma_start3A_364 = arith.constant 1 : i32
    %dma_start3A_365 = arith.constant 0 : i32
    %dma_start3A_366 = arith.constant 128 : i32
    %dma_start3A_367 = arith.constant 0 : i32
    %dma_start3A_368 = tpu.memref_slice %arg8[%dma_start3A_365, %dma_start3A_366, %dma_start3A_367] : memref<2x256x64xf32, #tpu.memory_space<vmem>> -> memref<1x128x64xf32, #tpu.memory_space<vmem>>
    %dma_start3A_369 = tpu.memref_squeeze %dma_start3A_368 : memref<1x128x64xf32, #tpu.memory_space<vmem>> -> memref<128x64xf32, #tpu.memory_space<vmem>>
    %dma_start3A_370 = arith.constant 0 : i32
    %dma_start3A_371 = tpu.memref_slice %arg10[%dma_start3A_364, %dma_start3A_370] : memref<32x128xi32, #tpu.memory_space<vmem>> -> memref<1x128xi32, #tpu.memory_space<vmem>>
    %dma_start3A_372 = tpu.memref_squeeze %dma_start3A_371 : memref<1x128xi32, #tpu.memory_space<vmem>> -> memref<128xi32, #tpu.memory_space<vmem>>
    %dma_start3A_373 = arith.constant 0 : i32
    %dma_start3A_374 = arith.constant 0 : i32
    %dma_start3A_375 = tpu.memref_slice %arg5[%dma_start3A_373, %dma_start3A_374] : memref<8192x64xf32, #tpu.memory_space<hbm>> -> memref<8192x64xf32, #tpu.memory_space<hbm>>
    tpu.enqueue_indirect_dma source(%dma_start3A_375 : memref<8192x64xf32, #tpu.memory_space<hbm>>) target(%dma_start3A_369 : memref<128x64xf32, #tpu.memory_space<vmem>>) offsets(%dma_start3A_372 : memref<128xi32, #tpu.memory_space<vmem>>) semaphore(%arg13 : memref<!tpu.dma_semaphore, #tpu.memory_space<semaphore_mem>>)
    %dma_start3A_376 = arith.constant 1 : i32
    %dma_start3A_377 = arith.constant 0 : i32
    %dma_start3A_378 = arith.constant 128 : i32
    %dma_start3A_379 = arith.constant 0 : i32
    %dma_start3A_380 = tpu.memref_slice %arg9[%dma_start3A_377, %dma_start3A_378, %dma_start3A_379] : memref<2x256x64xf32, #tpu.memory_space<vmem>> -> memref<1x128x64xf32, #tpu.memory_space<vmem>>
    %dma_start3A_381 = tpu.memref_squeeze %dma_start3A_380 : memref<1x128x64xf32, #tpu.memory_space<vmem>> -> memref<128x64xf32, #tpu.memory_space<vmem>>
    %dma_start3A_382 = arith.constant 0 : i32
    %dma_start3A_383 = tpu.memref_slice %arg11[%dma_start3A_376, %dma_start3A_382] : memref<32x128xi32, #tpu.memory_space<vmem>> -> memref<1x128xi32, #tpu.memory_space<vmem>>
    %dma_start3A_384 = tpu.memref_squeeze %dma_start3A_383 : memref<1x128xi32, #tpu.memory_space<vmem>> -> memref<128xi32, #tpu.memory_space<vmem>>
    %dma_start3A_385 = arith.constant 0 : i32
    %dma_start3A_386 = arith.constant 0 : i32
    %dma_start3A_387 = tpu.memref_slice %arg5[%dma_start3A_385, %dma_start3A_386] : memref<8192x64xf32, #tpu.memory_space<hbm>> -> memref<8192x64xf32, #tpu.memory_space<hbm>>
    tpu.enqueue_indirect_dma source(%dma_start3A_387 : memref<8192x64xf32, #tpu.memory_space<hbm>>) target(%dma_start3A_381 : memref<128x64xf32, #tpu.memory_space<vmem>>) offsets(%dma_start3A_384 : memref<128xi32, #tpu.memory_space<vmem>>) semaphore(%arg13 : memref<!tpu.dma_semaphore, #tpu.memory_space<semaphore_mem>>)
    %broadcast_in_dim3A = arith.constant 0.000000e+00 : f32
    %broadcast_in_dim3A_388 = vector.broadcast %broadcast_in_dim3A : f32 to vector<16xf32>
    %scan3A_389 = arith.constant 0 : i32
    %scan3A_390 = arith.constant 8 : i32
    %scan3A_391 = arith.addi %scan3A_389, %scan3A_390 : i32
    %scan3A_392 = arith.constant 1 : i32
    %scan3A_393:3 = scf.for %scan3A_412 = %scan3A_389 to %scan3A_391 step %scan3A_392 iter_args(%scan3A_413 = %broadcast_in_dim3A_388, %scan3A_414 = %broadcast_in_dim3A_388, %scan3A_415 = %broadcast_in_dim3A_388) -> (vector<16xf32>, vector<16xf32>, vector<16xf32>)  : i32 {
      %mul3A_416 = arith.constant 2 : i32
      %mul3A_417 = arith.muli %mul3A_416, %scan3A_412 : i32
      %add3A_418 = arith.constant 1 : i32
      %add3A_419 = arith.addi %mul3A_417, %add3A_418 : i32
      %lt3A_420 = arith.constant 16 : i32
      %lt3A_421 = arith.cmpi slt, %add3A_419, %lt3A_420 : i32
      %convert_element_type3A = arith.extui %lt3A_421 : i1 to i32
      %cond3A = arith.constant 0 : i32
      %cond3A_422 = arith.cmpi ne, %convert_element_type3A, %cond3A : i32
      scf.if %cond3A_422 {
        %add3A_1183 = arith.constant 1 : i32
        %add3A_1184 = arith.addi %mul3A_417, %add3A_1183 : i32
        %mul3A_1185 = arith.constant 2 : i32
        %mul3A_1186 = arith.muli %add3A_1184, %mul3A_1185 : i32
        %add3A_1187 = arith.constant 0 : i32
        %add3A_1188 = arith.addi %mul3A_1186, %add3A_1187 : i32
        %dma_start3A_1189 = arith.constant 0 : i32
        %dma_start3A_1190 = arith.constant 1 : i32
        %dma_start3A_1191 = arith.constant 0 : i32
        %dma_start3A_1192 = arith.constant 0 : i32
        %dma_start3A_1193 = tpu.memref_slice %arg7[%dma_start3A_1190, %dma_start3A_1191, %dma_start3A_1192] : memref<2x64x256xf32, #tpu.memory_space<vmem>> -> memref<1x8x128xf32, #tpu.memory_space<vmem>>
        %dma_start3A_1194 = tpu.memref_squeeze %dma_start3A_1193 : memref<1x8x128xf32, #tpu.memory_space<vmem>> -> memref<8x128xf32, #tpu.memory_space<vmem>>
        %dma_start3A_1195 = arith.constant 0 : i32
        %dma_start3A_1196 = arith.constant 0 : i32
        %dma_start3A_1197 = tpu.memref_slice %arg2[%add3A, %dma_start3A_1189, %add3A_1188, %dma_start3A_1195, %dma_start3A_1196] : memref<32x8x32x8x128xf32, #tpu.memory_space<hbm>> -> memref<1x1x1x8x128xf32, #tpu.memory_space<hbm>>
        %dma_start3A_1198 = tpu.memref_squeeze %dma_start3A_1197 : memref<1x1x1x8x128xf32, #tpu.memory_space<hbm>> -> memref<8x128xf32, #tpu.memory_space<hbm>>
        %dma_start3A_1199 = arith.constant 0 : i32
        %dma_start3A_1200 = arith.constant 0 : i32
        %dma_start3A_1201 = tpu.memref_slice %arg7[%dma_start3A_1190, %dma_start3A_1199, %dma_start3A_1200] : memref<2x64x256xf32, #tpu.memory_space<vmem>> -> memref<1x8x128xf32, #tpu.memory_space<vmem>>
        %dma_start3A_1202 = tpu.memref_squeeze %dma_start3A_1201 : memref<1x8x128xf32, #tpu.memory_space<vmem>> -> memref<8x128xf32, #tpu.memory_space<vmem>>
        %dma_start3A_1203 = arith.constant 0 : i32
        %dma_start3A_1204 = arith.constant 0 : i32
        %dma_start3A_1205 = tpu.memref_slice %arg2[%add3A, %dma_start3A_1189, %add3A_1188, %dma_start3A_1203, %dma_start3A_1204] : memref<32x8x32x8x128xf32, #tpu.memory_space<hbm>> -> memref<1x1x1x8x128xf32, #tpu.memory_space<hbm>>
        %dma_start3A_1206 = tpu.memref_squeeze %dma_start3A_1205 : memref<1x1x1x8x128xf32, #tpu.memory_space<hbm>> -> memref<8x128xf32, #tpu.memory_space<hbm>>
        tpu.enqueue_dma source(%dma_start3A_1206 : memref<8x128xf32, #tpu.memory_space<hbm>>) target(%dma_start3A_1202 : memref<8x128xf32, #tpu.memory_space<vmem>>) target_semaphore(%arg14 : memref<!tpu.dma_semaphore, #tpu.memory_space<semaphore_mem>>)
        %add3A_1207 = arith.constant 1 : i32
        %add3A_1208 = arith.addi %mul3A_1186, %add3A_1207 : i32
        %dma_start3A_1209 = arith.constant 0 : i32
        %dma_start3A_1210 = arith.constant 1 : i32
        %dma_start3A_1211 = arith.constant 0 : i32
        %dma_start3A_1212 = arith.constant 128 : i32
        %dma_start3A_1213 = tpu.memref_slice %arg7[%dma_start3A_1210, %dma_start3A_1211, %dma_start3A_1212] : memref<2x64x256xf32, #tpu.memory_space<vmem>> -> memref<1x8x128xf32, #tpu.memory_space<vmem>>
        %dma_start3A_1214 = tpu.memref_squeeze %dma_start3A_1213 : memref<1x8x128xf32, #tpu.memory_space<vmem>> -> memref<8x128xf32, #tpu.memory_space<vmem>>
        %dma_start3A_1215 = arith.constant 0 : i32
        %dma_start3A_1216 = arith.constant 0 : i32
        %dma_start3A_1217 = tpu.memref_slice %arg2[%add3A, %dma_start3A_1209, %add3A_1208, %dma_start3A_1215, %dma_start3A_1216] : memref<32x8x32x8x128xf32, #tpu.memory_space<hbm>> -> memref<1x1x1x8x128xf32, #tpu.memory_space<hbm>>
        %dma_start3A_1218 = tpu.memref_squeeze %dma_start3A_1217 : memref<1x1x1x8x128xf32, #tpu.memory_space<hbm>> -> memref<8x128xf32, #tpu.memory_space<hbm>>
        %dma_start3A_1219 = arith.constant 0 : i32
        %dma_start3A_1220 = arith.constant 128 : i32
        %dma_start3A_1221 = tpu.memref_slice %arg7[%dma_start3A_1210, %dma_start3A_1219, %dma_start3A_1220] : memref<2x64x256xf32, #tpu.memory_space<vmem>> -> memref<1x8x128xf32, #tpu.memory_space<vmem>>
        %dma_start3A_1222 = tpu.memref_squeeze %dma_start3A_1221 : memref<1x8x128xf32, #tpu.memory_space<vmem>> -> memref<8x128xf32, #tpu.memory_space<vmem>>
        %dma_start3A_1223 = arith.constant 0 : i32
        %dma_start3A_1224 = arith.constant 0 : i32
        %dma_start3A_1225 = tpu.memref_slice %arg2[%add3A, %dma_start3A_1209, %add3A_1208, %dma_start3A_1223, %dma_start3A_1224] : memref<32x8x32x8x128xf32, #tpu.memory_space<hbm>> -> memref<1x1x1x8x128xf32, #tpu.memory_space<hbm>>
        %dma_start3A_1226 = tpu.memref_squeeze %dma_start3A_1225 : memref<1x1x1x8x128xf32, #tpu.memory_space<hbm>> -> memref<8x128xf32, #tpu.memory_space<hbm>>
        tpu.enqueue_dma source(%dma_start3A_1226 : memref<8x128xf32, #tpu.memory_space<hbm>>) target(%dma_start3A_1222 : memref<8x128xf32, #tpu.memory_space<vmem>>) target_semaphore(%arg14 : memref<!tpu.dma_semaphore, #tpu.memory_space<semaphore_mem>>)
        %add3A_1227 = arith.constant 0 : i32
        %add3A_1228 = arith.addi %mul3A_1186, %add3A_1227 : i32
        %dma_start3A_1229 = arith.constant 1 : i32
        %dma_start3A_1230 = arith.constant 1 : i32
        %dma_start3A_1231 = arith.constant 8 : i32
        %dma_start3A_1232 = arith.constant 0 : i32
        %dma_start3A_1233 = tpu.memref_slice %arg7[%dma_start3A_1230, %dma_start3A_1231, %dma_start3A_1232] : memref<2x64x256xf32, #tpu.memory_space<vmem>> -> memref<1x8x128xf32, #tpu.memory_space<vmem>>
        %dma_start3A_1234 = tpu.memref_squeeze %dma_start3A_1233 : memref<1x8x128xf32, #tpu.memory_space<vmem>> -> memref<8x128xf32, #tpu.memory_space<vmem>>
        %dma_start3A_1235 = arith.constant 0 : i32
        %dma_start3A_1236 = arith.constant 0 : i32
        %dma_start3A_1237 = tpu.memref_slice %arg2[%add3A, %dma_start3A_1229, %add3A_1228, %dma_start3A_1235, %dma_start3A_1236] : memref<32x8x32x8x128xf32, #tpu.memory_space<hbm>> -> memref<1x1x1x8x128xf32, #tpu.memory_space<hbm>>
        %dma_start3A_1238 = tpu.memref_squeeze %dma_start3A_1237 : memref<1x1x1x8x128xf32, #tpu.memory_space<hbm>> -> memref<8x128xf32, #tpu.memory_space<hbm>>
        %dma_start3A_1239 = arith.constant 8 : i32
        %dma_start3A_1240 = arith.constant 0 : i32
        %dma_start3A_1241 = tpu.memref_slice %arg7[%dma_start3A_1230, %dma_start3A_1239, %dma_start3A_1240] : memref<2x64x256xf32, #tpu.memory_space<vmem>> -> memref<1x8x128xf32, #tpu.memory_space<vmem>>
        %dma_start3A_1242 = tpu.memref_squeeze %dma_start3A_1241 : memref<1x8x128xf32, #tpu.memory_space<vmem>> -> memref<8x128xf32, #tpu.memory_space<vmem>>
        %dma_start3A_1243 = arith.constant 0 : i32
        %dma_start3A_1244 = arith.constant 0 : i32
        %dma_start3A_1245 = tpu.memref_slice %arg2[%add3A, %dma_start3A_1229, %add3A_1228, %dma_start3A_1243, %dma_start3A_1244] : memref<32x8x32x8x128xf32, #tpu.memory_space<hbm>> -> memref<1x1x1x8x128xf32, #tpu.memory_space<hbm>>
        %dma_start3A_1246 = tpu.memref_squeeze %dma_start3A_1245 : memref<1x1x1x8x128xf32, #tpu.memory_space<hbm>> -> memref<8x128xf32, #tpu.memory_space<hbm>>
        tpu.enqueue_dma source(%dma_start3A_1246 : memref<8x128xf32, #tpu.memory_space<hbm>>) target(%dma_start3A_1242 : memref<8x128xf32, #tpu.memory_space<vmem>>) target_semaphore(%arg14 : memref<!tpu.dma_semaphore, #tpu.memory_space<semaphore_mem>>)
        %add3A_1247 = arith.constant 1 : i32
        %add3A_1248 = arith.addi %mul3A_1186, %add3A_1247 : i32
        %dma_start3A_1249 = arith.constant 1 : i32
        %dma_start3A_1250 = arith.constant 1 : i32
        %dma_start3A_1251 = arith.constant 8 : i32
        %dma_start3A_1252 = arith.constant 128 : i32
        %dma_start3A_1253 = tpu.memref_slice %arg7[%dma_start3A_1250, %dma_start3A_1251, %dma_start3A_1252] : memref<2x64x256xf32, #tpu.memory_space<vmem>> -> memref<1x8x128xf32, #tpu.memory_space<vmem>>
        %dma_start3A_1254 = tpu.memref_squeeze %dma_start3A_1253 : memref<1x8x128xf32, #tpu.memory_space<vmem>> -> memref<8x128xf32, #tpu.memory_space<vmem>>
        %dma_start3A_1255 = arith.constant 0 : i32
        %dma_start3A_1256 = arith.constant 0 : i32
        %dma_start3A_1257 = tpu.memref_slice %arg2[%add3A, %dma_start3A_1249, %add3A_1248, %dma_start3A_1255, %dma_start3A_1256] : memref<32x8x32x8x128xf32, #tpu.memory_space<hbm>> -> memref<1x1x1x8x128xf32, #tpu.memory_space<hbm>>
        %dma_start3A_1258 = tpu.memref_squeeze %dma_start3A_1257 : memref<1x1x1x8x128xf32, #tpu.memory_space<hbm>> -> memref<8x128xf32, #tpu.memory_space<hbm>>
        %dma_start3A_1259 = arith.constant 8 : i32
        %dma_start3A_1260 = arith.constant 128 : i32
        %dma_start3A_1261 = tpu.memref_slice %arg7[%dma_start3A_1250, %dma_start3A_1259, %dma_start3A_1260] : memref<2x64x256xf32, #tpu.memory_space<vmem>> -> memref<1x8x128xf32, #tpu.memory_space<vmem>>
        %dma_start3A_1262 = tpu.memref_squeeze %dma_start3A_1261 : memref<1x8x128xf32, #tpu.memory_space<vmem>> -> memref<8x128xf32, #tpu.memory_space<vmem>>
        %dma_start3A_1263 = arith.constant 0 : i32
        %dma_start3A_1264 = arith.constant 0 : i32
        %dma_start3A_1265 = tpu.memref_slice %arg2[%add3A, %dma_start3A_1249, %add3A_1248, %dma_start3A_1263, %dma_start3A_1264] : memref<32x8x32x8x128xf32, #tpu.memory_space<hbm>> -> memref<1x1x1x8x128xf32, #tpu.memory_space<hbm>>
        %dma_start3A_1266 = tpu.memref_squeeze %dma_start3A_1265 : memref<1x1x1x8x128xf32, #tpu.memory_space<hbm>> -> memref<8x128xf32, #tpu.memory_space<hbm>>
        tpu.enqueue_dma source(%dma_start3A_1266 : memref<8x128xf32, #tpu.memory_space<hbm>>) target(%dma_start3A_1262 : memref<8x128xf32, #tpu.memory_space<vmem>>) target_semaphore(%arg14 : memref<!tpu.dma_semaphore, #tpu.memory_space<semaphore_mem>>)
        %add3A_1267 = arith.constant 0 : i32
        %add3A_1268 = arith.addi %mul3A_1186, %add3A_1267 : i32
        %dma_start3A_1269 = arith.constant 2 : i32
        %dma_start3A_1270 = arith.constant 1 : i32
        %dma_start3A_1271 = arith.constant 16 : i32
        %dma_start3A_1272 = arith.constant 0 : i32
        %dma_start3A_1273 = tpu.memref_slice %arg7[%dma_start3A_1270, %dma_start3A_1271, %dma_start3A_1272] : memref<2x64x256xf32, #tpu.memory_space<vmem>> -> memref<1x8x128xf32, #tpu.memory_space<vmem>>
        %dma_start3A_1274 = tpu.memref_squeeze %dma_start3A_1273 : memref<1x8x128xf32, #tpu.memory_space<vmem>> -> memref<8x128xf32, #tpu.memory_space<vmem>>
        %dma_start3A_1275 = arith.constant 0 : i32
        %dma_start3A_1276 = arith.constant 0 : i32
        %dma_start3A_1277 = tpu.memref_slice %arg2[%add3A, %dma_start3A_1269, %add3A_1268, %dma_start3A_1275, %dma_start3A_1276] : memref<32x8x32x8x128xf32, #tpu.memory_space<hbm>> -> memref<1x1x1x8x128xf32, #tpu.memory_space<hbm>>
        %dma_start3A_1278 = tpu.memref_squeeze %dma_start3A_1277 : memref<1x1x1x8x128xf32, #tpu.memory_space<hbm>> -> memref<8x128xf32, #tpu.memory_space<hbm>>
        %dma_start3A_1279 = arith.constant 16 : i32
        %dma_start3A_1280 = arith.constant 0 : i32
        %dma_start3A_1281 = tpu.memref_slice %arg7[%dma_start3A_1270, %dma_start3A_1279, %dma_start3A_1280] : memref<2x64x256xf32, #tpu.memory_space<vmem>> -> memref<1x8x128xf32, #tpu.memory_space<vmem>>
        %dma_start3A_1282 = tpu.memref_squeeze %dma_start3A_1281 : memref<1x8x128xf32, #tpu.memory_space<vmem>> -> memref<8x128xf32, #tpu.memory_space<vmem>>
        %dma_start3A_1283 = arith.constant 0 : i32
        %dma_start3A_1284 = arith.constant 0 : i32
        %dma_start3A_1285 = tpu.memref_slice %arg2[%add3A, %dma_start3A_1269, %add3A_1268, %dma_start3A_1283, %dma_start3A_1284] : memref<32x8x32x8x128xf32, #tpu.memory_space<hbm>> -> memref<1x1x1x8x128xf32, #tpu.memory_space<hbm>>
        %dma_start3A_1286 = tpu.memref_squeeze %dma_start3A_1285 : memref<1x1x1x8x128xf32, #tpu.memory_space<hbm>> -> memref<8x128xf32, #tpu.memory_space<hbm>>
        tpu.enqueue_dma source(%dma_start3A_1286 : memref<8x128xf32, #tpu.memory_space<hbm>>) target(%dma_start3A_1282 : memref<8x128xf32, #tpu.memory_space<vmem>>) target_semaphore(%arg14 : memref<!tpu.dma_semaphore, #tpu.memory_space<semaphore_mem>>)
        %add3A_1287 = arith.constant 1 : i32
        %add3A_1288 = arith.addi %mul3A_1186, %add3A_1287 : i32
        %dma_start3A_1289 = arith.constant 2 : i32
        %dma_start3A_1290 = arith.constant 1 : i32
        %dma_start3A_1291 = arith.constant 16 : i32
        %dma_start3A_1292 = arith.constant 128 : i32
        %dma_start3A_1293 = tpu.memref_slice %arg7[%dma_start3A_1290, %dma_start3A_1291, %dma_start3A_1292] : memref<2x64x256xf32, #tpu.memory_space<vmem>> -> memref<1x8x128xf32, #tpu.memory_space<vmem>>
        %dma_start3A_1294 = tpu.memref_squeeze %dma_start3A_1293 : memref<1x8x128xf32, #tpu.memory_space<vmem>> -> memref<8x128xf32, #tpu.memory_space<vmem>>
        %dma_start3A_1295 = arith.constant 0 : i32
        %dma_start3A_1296 = arith.constant 0 : i32
        %dma_start3A_1297 = tpu.memref_slice %arg2[%add3A, %dma_start3A_1289, %add3A_1288, %dma_start3A_1295, %dma_start3A_1296] : memref<32x8x32x8x128xf32, #tpu.memory_space<hbm>> -> memref<1x1x1x8x128xf32, #tpu.memory_space<hbm>>
        %dma_start3A_1298 = tpu.memref_squeeze %dma_start3A_1297 : memref<1x1x1x8x128xf32, #tpu.memory_space<hbm>> -> memref<8x128xf32, #tpu.memory_space<hbm>>
        %dma_start3A_1299 = arith.constant 16 : i32
        %dma_start3A_1300 = arith.constant 128 : i32
        %dma_start3A_1301 = tpu.memref_slice %arg7[%dma_start3A_1290, %dma_start3A_1299, %dma_start3A_1300] : memref<2x64x256xf32, #tpu.memory_space<vmem>> -> memref<1x8x128xf32, #tpu.memory_space<vmem>>
        %dma_start3A_1302 = tpu.memref_squeeze %dma_start3A_1301 : memref<1x8x128xf32, #tpu.memory_space<vmem>> -> memref<8x128xf32, #tpu.memory_space<vmem>>
        %dma_start3A_1303 = arith.constant 0 : i32
        %dma_start3A_1304 = arith.constant 0 : i32
        %dma_start3A_1305 = tpu.memref_slice %arg2[%add3A, %dma_start3A_1289, %add3A_1288, %dma_start3A_1303, %dma_start3A_1304] : memref<32x8x32x8x128xf32, #tpu.memory_space<hbm>> -> memref<1x1x1x8x128xf32, #tpu.memory_space<hbm>>
        %dma_start3A_1306 = tpu.memref_squeeze %dma_start3A_1305 : memref<1x1x1x8x128xf32, #tpu.memory_space<hbm>> -> memref<8x128xf32, #tpu.memory_space<hbm>>
        tpu.enqueue_dma source(%dma_start3A_1306 : memref<8x128xf32, #tpu.memory_space<hbm>>) target(%dma_start3A_1302 : memref<8x128xf32, #tpu.memory_space<vmem>>) target_semaphore(%arg14 : memref<!tpu.dma_semaphore, #tpu.memory_space<semaphore_mem>>)
        %add3A_1307 = arith.constant 0 : i32
        %add3A_1308 = arith.addi %mul3A_1186, %add3A_1307 : i32
        %dma_start3A_1309 = arith.constant 3 : i32
        %dma_start3A_1310 = arith.constant 1 : i32
        %dma_start3A_1311 = arith.constant 24 : i32
        %dma_start3A_1312 = arith.constant 0 : i32
        %dma_start3A_1313 = tpu.memref_slice %arg7[%dma_start3A_1310, %dma_start3A_1311, %dma_start3A_1312] : memref<2x64x256xf32, #tpu.memory_space<vmem>> -> memref<1x8x128xf32, #tpu.memory_space<vmem>>
        %dma_start3A_1314 = tpu.memref_squeeze %dma_start3A_1313 : memref<1x8x128xf32, #tpu.memory_space<vmem>> -> memref<8x128xf32, #tpu.memory_space<vmem>>
        %dma_start3A_1315 = arith.constant 0 : i32
        %dma_start3A_1316 = arith.constant 0 : i32
        %dma_start3A_1317 = tpu.memref_slice %arg2[%add3A, %dma_start3A_1309, %add3A_1308, %dma_start3A_1315, %dma_start3A_1316] : memref<32x8x32x8x128xf32, #tpu.memory_space<hbm>> -> memref<1x1x1x8x128xf32, #tpu.memory_space<hbm>>
        %dma_start3A_1318 = tpu.memref_squeeze %dma_start3A_1317 : memref<1x1x1x8x128xf32, #tpu.memory_space<hbm>> -> memref<8x128xf32, #tpu.memory_space<hbm>>
        %dma_start3A_1319 = arith.constant 24 : i32
        %dma_start3A_1320 = arith.constant 0 : i32
        %dma_start3A_1321 = tpu.memref_slice %arg7[%dma_start3A_1310, %dma_start3A_1319, %dma_start3A_1320] : memref<2x64x256xf32, #tpu.memory_space<vmem>> -> memref<1x8x128xf32, #tpu.memory_space<vmem>>
        %dma_start3A_1322 = tpu.memref_squeeze %dma_start3A_1321 : memref<1x8x128xf32, #tpu.memory_space<vmem>> -> memref<8x128xf32, #tpu.memory_space<vmem>>
        %dma_start3A_1323 = arith.constant 0 : i32
        %dma_start3A_1324 = arith.constant 0 : i32
        %dma_start3A_1325 = tpu.memref_slice %arg2[%add3A, %dma_start3A_1309, %add3A_1308, %dma_start3A_1323, %dma_start3A_1324] : memref<32x8x32x8x128xf32, #tpu.memory_space<hbm>> -> memref<1x1x1x8x128xf32, #tpu.memory_space<hbm>>
        %dma_start3A_1326 = tpu.memref_squeeze %dma_start3A_1325 : memref<1x1x1x8x128xf32, #tpu.memory_space<hbm>> -> memref<8x128xf32, #tpu.memory_space<hbm>>
        tpu.enqueue_dma source(%dma_start3A_1326 : memref<8x128xf32, #tpu.memory_space<hbm>>) target(%dma_start3A_1322 : memref<8x128xf32, #tpu.memory_space<vmem>>) target_semaphore(%arg14 : memref<!tpu.dma_semaphore, #tpu.memory_space<semaphore_mem>>)
        %add3A_1327 = arith.constant 1 : i32
        %add3A_1328 = arith.addi %mul3A_1186, %add3A_1327 : i32
        %dma_start3A_1329 = arith.constant 3 : i32
        %dma_start3A_1330 = arith.constant 1 : i32
        %dma_start3A_1331 = arith.constant 24 : i32
        %dma_start3A_1332 = arith.constant 128 : i32
        %dma_start3A_1333 = tpu.memref_slice %arg7[%dma_start3A_1330, %dma_start3A_1331, %dma_start3A_1332] : memref<2x64x256xf32, #tpu.memory_space<vmem>> -> memref<1x8x128xf32, #tpu.memory_space<vmem>>
        %dma_start3A_1334 = tpu.memref_squeeze %dma_start3A_1333 : memref<1x8x128xf32, #tpu.memory_space<vmem>> -> memref<8x128xf32, #tpu.memory_space<vmem>>
        %dma_start3A_1335 = arith.constant 0 : i32
        %dma_start3A_1336 = arith.constant 0 : i32
        %dma_start3A_1337 = tpu.memref_slice %arg2[%add3A, %dma_start3A_1329, %add3A_1328, %dma_start3A_1335, %dma_start3A_1336] : memref<32x8x32x8x128xf32, #tpu.memory_space<hbm>> -> memref<1x1x1x8x128xf32, #tpu.memory_space<hbm>>
        %dma_start3A_1338 = tpu.memref_squeeze %dma_start3A_1337 : memref<1x1x1x8x128xf32, #tpu.memory_space<hbm>> -> memref<8x128xf32, #tpu.memory_space<hbm>>
        %dma_start3A_1339 = arith.constant 24 : i32
        %dma_start3A_1340 = arith.constant 128 : i32
        %dma_start3A_1341 = tpu.memref_slice %arg7[%dma_start3A_1330, %dma_start3A_1339, %dma_start3A_1340] : memref<2x64x256xf32, #tpu.memory_space<vmem>> -> memref<1x8x128xf32, #tpu.memory_space<vmem>>
        %dma_start3A_1342 = tpu.memref_squeeze %dma_start3A_1341 : memref<1x8x128xf32, #tpu.memory_space<vmem>> -> memref<8x128xf32, #tpu.memory_space<vmem>>
        %dma_start3A_1343 = arith.constant 0 : i32
        %dma_start3A_1344 = arith.constant 0 : i32
        %dma_start3A_1345 = tpu.memref_slice %arg2[%add3A, %dma_start3A_1329, %add3A_1328, %dma_start3A_1343, %dma_start3A_1344] : memref<32x8x32x8x128xf32, #tpu.memory_space<hbm>> -> memref<1x1x1x8x128xf32, #tpu.memory_space<hbm>>
        %dma_start3A_1346 = tpu.memref_squeeze %dma_start3A_1345 : memref<1x1x1x8x128xf32, #tpu.memory_space<hbm>> -> memref<8x128xf32, #tpu.memory_space<hbm>>
        tpu.enqueue_dma source(%dma_start3A_1346 : memref<8x128xf32, #tpu.memory_space<hbm>>) target(%dma_start3A_1342 : memref<8x128xf32, #tpu.memory_space<vmem>>) target_semaphore(%arg14 : memref<!tpu.dma_semaphore, #tpu.memory_space<semaphore_mem>>)
        %add3A_1347 = arith.constant 0 : i32
        %add3A_1348 = arith.addi %mul3A_1186, %add3A_1347 : i32
        %dma_start3A_1349 = arith.constant 4 : i32
        %dma_start3A_1350 = arith.constant 1 : i32
        %dma_start3A_1351 = arith.constant 32 : i32
        %dma_start3A_1352 = arith.constant 0 : i32
        %dma_start3A_1353 = tpu.memref_slice %arg7[%dma_start3A_1350, %dma_start3A_1351, %dma_start3A_1352] : memref<2x64x256xf32, #tpu.memory_space<vmem>> -> memref<1x8x128xf32, #tpu.memory_space<vmem>>
        %dma_start3A_1354 = tpu.memref_squeeze %dma_start3A_1353 : memref<1x8x128xf32, #tpu.memory_space<vmem>> -> memref<8x128xf32, #tpu.memory_space<vmem>>
        %dma_start3A_1355 = arith.constant 0 : i32
        %dma_start3A_1356 = arith.constant 0 : i32
        %dma_start3A_1357 = tpu.memref_slice %arg2[%add3A, %dma_start3A_1349, %add3A_1348, %dma_start3A_1355, %dma_start3A_1356] : memref<32x8x32x8x128xf32, #tpu.memory_space<hbm>> -> memref<1x1x1x8x128xf32, #tpu.memory_space<hbm>>
        %dma_start3A_1358 = tpu.memref_squeeze %dma_start3A_1357 : memref<1x1x1x8x128xf32, #tpu.memory_space<hbm>> -> memref<8x128xf32, #tpu.memory_space<hbm>>
        %dma_start3A_1359 = arith.constant 32 : i32
        %dma_start3A_1360 = arith.constant 0 : i32
        %dma_start3A_1361 = tpu.memref_slice %arg7[%dma_start3A_1350, %dma_start3A_1359, %dma_start3A_1360] : memref<2x64x256xf32, #tpu.memory_space<vmem>> -> memref<1x8x128xf32, #tpu.memory_space<vmem>>
        %dma_start3A_1362 = tpu.memref_squeeze %dma_start3A_1361 : memref<1x8x128xf32, #tpu.memory_space<vmem>> -> memref<8x128xf32, #tpu.memory_space<vmem>>
        %dma_start3A_1363 = arith.constant 0 : i32
        %dma_start3A_1364 = arith.constant 0 : i32
        %dma_start3A_1365 = tpu.memref_slice %arg2[%add3A, %dma_start3A_1349, %add3A_1348, %dma_start3A_1363, %dma_start3A_1364] : memref<32x8x32x8x128xf32, #tpu.memory_space<hbm>> -> memref<1x1x1x8x128xf32, #tpu.memory_space<hbm>>
        %dma_start3A_1366 = tpu.memref_squeeze %dma_start3A_1365 : memref<1x1x1x8x128xf32, #tpu.memory_space<hbm>> -> memref<8x128xf32, #tpu.memory_space<hbm>>
        tpu.enqueue_dma source(%dma_start3A_1366 : memref<8x128xf32, #tpu.memory_space<hbm>>) target(%dma_start3A_1362 : memref<8x128xf32, #tpu.memory_space<vmem>>) target_semaphore(%arg14 : memref<!tpu.dma_semaphore, #tpu.memory_space<semaphore_mem>>)
        %add3A_1367 = arith.constant 1 : i32
        %add3A_1368 = arith.addi %mul3A_1186, %add3A_1367 : i32
        %dma_start3A_1369 = arith.constant 4 : i32
        %dma_start3A_1370 = arith.constant 1 : i32
        %dma_start3A_1371 = arith.constant 32 : i32
        %dma_start3A_1372 = arith.constant 128 : i32
        %dma_start3A_1373 = tpu.memref_slice %arg7[%dma_start3A_1370, %dma_start3A_1371, %dma_start3A_1372] : memref<2x64x256xf32, #tpu.memory_space<vmem>> -> memref<1x8x128xf32, #tpu.memory_space<vmem>>
        %dma_start3A_1374 = tpu.memref_squeeze %dma_start3A_1373 : memref<1x8x128xf32, #tpu.memory_space<vmem>> -> memref<8x128xf32, #tpu.memory_space<vmem>>
        %dma_start3A_1375 = arith.constant 0 : i32
        %dma_start3A_1376 = arith.constant 0 : i32
        %dma_start3A_1377 = tpu.memref_slice %arg2[%add3A, %dma_start3A_1369, %add3A_1368, %dma_start3A_1375, %dma_start3A_1376] : memref<32x8x32x8x128xf32, #tpu.memory_space<hbm>> -> memref<1x1x1x8x128xf32, #tpu.memory_space<hbm>>
        %dma_start3A_1378 = tpu.memref_squeeze %dma_start3A_1377 : memref<1x1x1x8x128xf32, #tpu.memory_space<hbm>> -> memref<8x128xf32, #tpu.memory_space<hbm>>
        %dma_start3A_1379 = arith.constant 32 : i32
        %dma_start3A_1380 = arith.constant 128 : i32
        %dma_start3A_1381 = tpu.memref_slice %arg7[%dma_start3A_1370, %dma_start3A_1379, %dma_start3A_1380] : memref<2x64x256xf32, #tpu.memory_space<vmem>> -> memref<1x8x128xf32, #tpu.memory_space<vmem>>
        %dma_start3A_1382 = tpu.memref_squeeze %dma_start3A_1381 : memref<1x8x128xf32, #tpu.memory_space<vmem>> -> memref<8x128xf32, #tpu.memory_space<vmem>>
        %dma_start3A_1383 = arith.constant 0 : i32
        %dma_start3A_1384 = arith.constant 0 : i32
        %dma_start3A_1385 = tpu.memref_slice %arg2[%add3A, %dma_start3A_1369, %add3A_1368, %dma_start3A_1383, %dma_start3A_1384] : memref<32x8x32x8x128xf32, #tpu.memory_space<hbm>> -> memref<1x1x1x8x128xf32, #tpu.memory_space<hbm>>
        %dma_start3A_1386 = tpu.memref_squeeze %dma_start3A_1385 : memref<1x1x1x8x128xf32, #tpu.memory_space<hbm>> -> memref<8x128xf32, #tpu.memory_space<hbm>>
        tpu.enqueue_dma source(%dma_start3A_1386 : memref<8x128xf32, #tpu.memory_space<hbm>>) target(%dma_start3A_1382 : memref<8x128xf32, #tpu.memory_space<vmem>>) target_semaphore(%arg14 : memref<!tpu.dma_semaphore, #tpu.memory_space<semaphore_mem>>)
        %add3A_1387 = arith.constant 0 : i32
        %add3A_1388 = arith.addi %mul3A_1186, %add3A_1387 : i32
        %dma_start3A_1389 = arith.constant 5 : i32
        %dma_start3A_1390 = arith.constant 1 : i32
        %dma_start3A_1391 = arith.constant 40 : i32
        %dma_start3A_1392 = arith.constant 0 : i32
        %dma_start3A_1393 = tpu.memref_slice %arg7[%dma_start3A_1390, %dma_start3A_1391, %dma_start3A_1392] : memref<2x64x256xf32, #tpu.memory_space<vmem>> -> memref<1x8x128xf32, #tpu.memory_space<vmem>>
        %dma_start3A_1394 = tpu.memref_squeeze %dma_start3A_1393 : memref<1x8x128xf32, #tpu.memory_space<vmem>> -> memref<8x128xf32, #tpu.memory_space<vmem>>
        %dma_start3A_1395 = arith.constant 0 : i32
        %dma_start3A_1396 = arith.constant 0 : i32
        %dma_start3A_1397 = tpu.memref_slice %arg2[%add3A, %dma_start3A_1389, %add3A_1388, %dma_start3A_1395, %dma_start3A_1396] : memref<32x8x32x8x128xf32, #tpu.memory_space<hbm>> -> memref<1x1x1x8x128xf32, #tpu.memory_space<hbm>>
        %dma_start3A_1398 = tpu.memref_squeeze %dma_start3A_1397 : memref<1x1x1x8x128xf32, #tpu.memory_space<hbm>> -> memref<8x128xf32, #tpu.memory_space<hbm>>
        %dma_start3A_1399 = arith.constant 40 : i32
        %dma_start3A_1400 = arith.constant 0 : i32
        %dma_start3A_1401 = tpu.memref_slice %arg7[%dma_start3A_1390, %dma_start3A_1399, %dma_start3A_1400] : memref<2x64x256xf32, #tpu.memory_space<vmem>> -> memref<1x8x128xf32, #tpu.memory_space<vmem>>
        %dma_start3A_1402 = tpu.memref_squeeze %dma_start3A_1401 : memref<1x8x128xf32, #tpu.memory_space<vmem>> -> memref<8x128xf32, #tpu.memory_space<vmem>>
        %dma_start3A_1403 = arith.constant 0 : i32
        %dma_start3A_1404 = arith.constant 0 : i32
        %dma_start3A_1405 = tpu.memref_slice %arg2[%add3A, %dma_start3A_1389, %add3A_1388, %dma_start3A_1403, %dma_start3A_1404] : memref<32x8x32x8x128xf32, #tpu.memory_space<hbm>> -> memref<1x1x1x8x128xf32, #tpu.memory_space<hbm>>
        %dma_start3A_1406 = tpu.memref_squeeze %dma_start3A_1405 : memref<1x1x1x8x128xf32, #tpu.memory_space<hbm>> -> memref<8x128xf32, #tpu.memory_space<hbm>>
        tpu.enqueue_dma source(%dma_start3A_1406 : memref<8x128xf32, #tpu.memory_space<hbm>>) target(%dma_start3A_1402 : memref<8x128xf32, #tpu.memory_space<vmem>>) target_semaphore(%arg14 : memref<!tpu.dma_semaphore, #tpu.memory_space<semaphore_mem>>)
        %add3A_1407 = arith.constant 1 : i32
        %add3A_1408 = arith.addi %mul3A_1186, %add3A_1407 : i32
        %dma_start3A_1409 = arith.constant 5 : i32
        %dma_start3A_1410 = arith.constant 1 : i32
        %dma_start3A_1411 = arith.constant 40 : i32
        %dma_start3A_1412 = arith.constant 128 : i32
        %dma_start3A_1413 = tpu.memref_slice %arg7[%dma_start3A_1410, %dma_start3A_1411, %dma_start3A_1412] : memref<2x64x256xf32, #tpu.memory_space<vmem>> -> memref<1x8x128xf32, #tpu.memory_space<vmem>>
        %dma_start3A_1414 = tpu.memref_squeeze %dma_start3A_1413 : memref<1x8x128xf32, #tpu.memory_space<vmem>> -> memref<8x128xf32, #tpu.memory_space<vmem>>
        %dma_start3A_1415 = arith.constant 0 : i32
        %dma_start3A_1416 = arith.constant 0 : i32
        %dma_start3A_1417 = tpu.memref_slice %arg2[%add3A, %dma_start3A_1409, %add3A_1408, %dma_start3A_1415, %dma_start3A_1416] : memref<32x8x32x8x128xf32, #tpu.memory_space<hbm>> -> memref<1x1x1x8x128xf32, #tpu.memory_space<hbm>>
        %dma_start3A_1418 = tpu.memref_squeeze %dma_start3A_1417 : memref<1x1x1x8x128xf32, #tpu.memory_space<hbm>> -> memref<8x128xf32, #tpu.memory_space<hbm>>
        %dma_start3A_1419 = arith.constant 40 : i32
        %dma_start3A_1420 = arith.constant 128 : i32
        %dma_start3A_1421 = tpu.memref_slice %arg7[%dma_start3A_1410, %dma_start3A_1419, %dma_start3A_1420] : memref<2x64x256xf32, #tpu.memory_space<vmem>> -> memref<1x8x128xf32, #tpu.memory_space<vmem>>
        %dma_start3A_1422 = tpu.memref_squeeze %dma_start3A_1421 : memref<1x8x128xf32, #tpu.memory_space<vmem>> -> memref<8x128xf32, #tpu.memory_space<vmem>>
        %dma_start3A_1423 = arith.constant 0 : i32
        %dma_start3A_1424 = arith.constant 0 : i32
        %dma_start3A_1425 = tpu.memref_slice %arg2[%add3A, %dma_start3A_1409, %add3A_1408, %dma_start3A_1423, %dma_start3A_1424] : memref<32x8x32x8x128xf32, #tpu.memory_space<hbm>> -> memref<1x1x1x8x128xf32, #tpu.memory_space<hbm>>
        %dma_start3A_1426 = tpu.memref_squeeze %dma_start3A_1425 : memref<1x1x1x8x128xf32, #tpu.memory_space<hbm>> -> memref<8x128xf32, #tpu.memory_space<hbm>>
        tpu.enqueue_dma source(%dma_start3A_1426 : memref<8x128xf32, #tpu.memory_space<hbm>>) target(%dma_start3A_1422 : memref<8x128xf32, #tpu.memory_space<vmem>>) target_semaphore(%arg14 : memref<!tpu.dma_semaphore, #tpu.memory_space<semaphore_mem>>)
        %add3A_1427 = arith.constant 0 : i32
        %add3A_1428 = arith.addi %mul3A_1186, %add3A_1427 : i32
        %dma_start3A_1429 = arith.constant 6 : i32
        %dma_start3A_1430 = arith.constant 1 : i32
        %dma_start3A_1431 = arith.constant 48 : i32
        %dma_start3A_1432 = arith.constant 0 : i32
        %dma_start3A_1433 = tpu.memref_slice %arg7[%dma_start3A_1430, %dma_start3A_1431, %dma_start3A_1432] : memref<2x64x256xf32, #tpu.memory_space<vmem>> -> memref<1x8x128xf32, #tpu.memory_space<vmem>>
        %dma_start3A_1434 = tpu.memref_squeeze %dma_start3A_1433 : memref<1x8x128xf32, #tpu.memory_space<vmem>> -> memref<8x128xf32, #tpu.memory_space<vmem>>
        %dma_start3A_1435 = arith.constant 0 : i32
        %dma_start3A_1436 = arith.constant 0 : i32
        %dma_start3A_1437 = tpu.memref_slice %arg2[%add3A, %dma_start3A_1429, %add3A_1428, %dma_start3A_1435, %dma_start3A_1436] : memref<32x8x32x8x128xf32, #tpu.memory_space<hbm>> -> memref<1x1x1x8x128xf32, #tpu.memory_space<hbm>>
        %dma_start3A_1438 = tpu.memref_squeeze %dma_start3A_1437 : memref<1x1x1x8x128xf32, #tpu.memory_space<hbm>> -> memref<8x128xf32, #tpu.memory_space<hbm>>
        %dma_start3A_1439 = arith.constant 48 : i32
        %dma_start3A_1440 = arith.constant 0 : i32
        %dma_start3A_1441 = tpu.memref_slice %arg7[%dma_start3A_1430, %dma_start3A_1439, %dma_start3A_1440] : memref<2x64x256xf32, #tpu.memory_space<vmem>> -> memref<1x8x128xf32, #tpu.memory_space<vmem>>
        %dma_start3A_1442 = tpu.memref_squeeze %dma_start3A_1441 : memref<1x8x128xf32, #tpu.memory_space<vmem>> -> memref<8x128xf32, #tpu.memory_space<vmem>>
        %dma_start3A_1443 = arith.constant 0 : i32
        %dma_start3A_1444 = arith.constant 0 : i32
        %dma_start3A_1445 = tpu.memref_slice %arg2[%add3A, %dma_start3A_1429, %add3A_1428, %dma_start3A_1443, %dma_start3A_1444] : memref<32x8x32x8x128xf32, #tpu.memory_space<hbm>> -> memref<1x1x1x8x128xf32, #tpu.memory_space<hbm>>
        %dma_start3A_1446 = tpu.memref_squeeze %dma_start3A_1445 : memref<1x1x1x8x128xf32, #tpu.memory_space<hbm>> -> memref<8x128xf32, #tpu.memory_space<hbm>>
        tpu.enqueue_dma source(%dma_start3A_1446 : memref<8x128xf32, #tpu.memory_space<hbm>>) target(%dma_start3A_1442 : memref<8x128xf32, #tpu.memory_space<vmem>>) target_semaphore(%arg14 : memref<!tpu.dma_semaphore, #tpu.memory_space<semaphore_mem>>)
        %add3A_1447 = arith.constant 1 : i32
        %add3A_1448 = arith.addi %mul3A_1186, %add3A_1447 : i32
        %dma_start3A_1449 = arith.constant 6 : i32
        %dma_start3A_1450 = arith.constant 1 : i32
        %dma_start3A_1451 = arith.constant 48 : i32
        %dma_start3A_1452 = arith.constant 128 : i32
        %dma_start3A_1453 = tpu.memref_slice %arg7[%dma_start3A_1450, %dma_start3A_1451, %dma_start3A_1452] : memref<2x64x256xf32, #tpu.memory_space<vmem>> -> memref<1x8x128xf32, #tpu.memory_space<vmem>>
        %dma_start3A_1454 = tpu.memref_squeeze %dma_start3A_1453 : memref<1x8x128xf32, #tpu.memory_space<vmem>> -> memref<8x128xf32, #tpu.memory_space<vmem>>
        %dma_start3A_1455 = arith.constant 0 : i32
        %dma_start3A_1456 = arith.constant 0 : i32
        %dma_start3A_1457 = tpu.memref_slice %arg2[%add3A, %dma_start3A_1449, %add3A_1448, %dma_start3A_1455, %dma_start3A_1456] : memref<32x8x32x8x128xf32, #tpu.memory_space<hbm>> -> memref<1x1x1x8x128xf32, #tpu.memory_space<hbm>>
        %dma_start3A_1458 = tpu.memref_squeeze %dma_start3A_1457 : memref<1x1x1x8x128xf32, #tpu.memory_space<hbm>> -> memref<8x128xf32, #tpu.memory_space<hbm>>
        %dma_start3A_1459 = arith.constant 48 : i32
        %dma_start3A_1460 = arith.constant 128 : i32
        %dma_start3A_1461 = tpu.memref_slice %arg7[%dma_start3A_1450, %dma_start3A_1459, %dma_start3A_1460] : memref<2x64x256xf32, #tpu.memory_space<vmem>> -> memref<1x8x128xf32, #tpu.memory_space<vmem>>
        %dma_start3A_1462 = tpu.memref_squeeze %dma_start3A_1461 : memref<1x8x128xf32, #tpu.memory_space<vmem>> -> memref<8x128xf32, #tpu.memory_space<vmem>>
        %dma_start3A_1463 = arith.constant 0 : i32
        %dma_start3A_1464 = arith.constant 0 : i32
        %dma_start3A_1465 = tpu.memref_slice %arg2[%add3A, %dma_start3A_1449, %add3A_1448, %dma_start3A_1463, %dma_start3A_1464] : memref<32x8x32x8x128xf32, #tpu.memory_space<hbm>> -> memref<1x1x1x8x128xf32, #tpu.memory_space<hbm>>
        %dma_start3A_1466 = tpu.memref_squeeze %dma_start3A_1465 : memref<1x1x1x8x128xf32, #tpu.memory_space<hbm>> -> memref<8x128xf32, #tpu.memory_space<hbm>>
        tpu.enqueue_dma source(%dma_start3A_1466 : memref<8x128xf32, #tpu.memory_space<hbm>>) target(%dma_start3A_1462 : memref<8x128xf32, #tpu.memory_space<vmem>>) target_semaphore(%arg14 : memref<!tpu.dma_semaphore, #tpu.memory_space<semaphore_mem>>)
        %add3A_1467 = arith.constant 0 : i32
        %add3A_1468 = arith.addi %mul3A_1186, %add3A_1467 : i32
        %dma_start3A_1469 = arith.constant 7 : i32
        %dma_start3A_1470 = arith.constant 1 : i32
        %dma_start3A_1471 = arith.constant 56 : i32
        %dma_start3A_1472 = arith.constant 0 : i32
        %dma_start3A_1473 = tpu.memref_slice %arg7[%dma_start3A_1470, %dma_start3A_1471, %dma_start3A_1472] : memref<2x64x256xf32, #tpu.memory_space<vmem>> -> memref<1x8x128xf32, #tpu.memory_space<vmem>>
        %dma_start3A_1474 = tpu.memref_squeeze %dma_start3A_1473 : memref<1x8x128xf32, #tpu.memory_space<vmem>> -> memref<8x128xf32, #tpu.memory_space<vmem>>
        %dma_start3A_1475 = arith.constant 0 : i32
        %dma_start3A_1476 = arith.constant 0 : i32
        %dma_start3A_1477 = tpu.memref_slice %arg2[%add3A, %dma_start3A_1469, %add3A_1468, %dma_start3A_1475, %dma_start3A_1476] : memref<32x8x32x8x128xf32, #tpu.memory_space<hbm>> -> memref<1x1x1x8x128xf32, #tpu.memory_space<hbm>>
        %dma_start3A_1478 = tpu.memref_squeeze %dma_start3A_1477 : memref<1x1x1x8x128xf32, #tpu.memory_space<hbm>> -> memref<8x128xf32, #tpu.memory_space<hbm>>
        %dma_start3A_1479 = arith.constant 56 : i32
        %dma_start3A_1480 = arith.constant 0 : i32
        %dma_start3A_1481 = tpu.memref_slice %arg7[%dma_start3A_1470, %dma_start3A_1479, %dma_start3A_1480] : memref<2x64x256xf32, #tpu.memory_space<vmem>> -> memref<1x8x128xf32, #tpu.memory_space<vmem>>
        %dma_start3A_1482 = tpu.memref_squeeze %dma_start3A_1481 : memref<1x8x128xf32, #tpu.memory_space<vmem>> -> memref<8x128xf32, #tpu.memory_space<vmem>>
        %dma_start3A_1483 = arith.constant 0 : i32
        %dma_start3A_1484 = arith.constant 0 : i32
        %dma_start3A_1485 = tpu.memref_slice %arg2[%add3A, %dma_start3A_1469, %add3A_1468, %dma_start3A_1483, %dma_start3A_1484] : memref<32x8x32x8x128xf32, #tpu.memory_space<hbm>> -> memref<1x1x1x8x128xf32, #tpu.memory_space<hbm>>
        %dma_start3A_1486 = tpu.memref_squeeze %dma_start3A_1485 : memref<1x1x1x8x128xf32, #tpu.memory_space<hbm>> -> memref<8x128xf32, #tpu.memory_space<hbm>>
        tpu.enqueue_dma source(%dma_start3A_1486 : memref<8x128xf32, #tpu.memory_space<hbm>>) target(%dma_start3A_1482 : memref<8x128xf32, #tpu.memory_space<vmem>>) target_semaphore(%arg14 : memref<!tpu.dma_semaphore, #tpu.memory_space<semaphore_mem>>)
        %add3A_1487 = arith.constant 1 : i32
        %add3A_1488 = arith.addi %mul3A_1186, %add3A_1487 : i32
        %dma_start3A_1489 = arith.constant 7 : i32
        %dma_start3A_1490 = arith.constant 1 : i32
        %dma_start3A_1491 = arith.constant 56 : i32
        %dma_start3A_1492 = arith.constant 128 : i32
        %dma_start3A_1493 = tpu.memref_slice %arg7[%dma_start3A_1490, %dma_start3A_1491, %dma_start3A_1492] : memref<2x64x256xf32, #tpu.memory_space<vmem>> -> memref<1x8x128xf32, #tpu.memory_space<vmem>>
        %dma_start3A_1494 = tpu.memref_squeeze %dma_start3A_1493 : memref<1x8x128xf32, #tpu.memory_space<vmem>> -> memref<8x128xf32, #tpu.memory_space<vmem>>
        %dma_start3A_1495 = arith.constant 0 : i32
        %dma_start3A_1496 = arith.constant 0 : i32
        %dma_start3A_1497 = tpu.memref_slice %arg2[%add3A, %dma_start3A_1489, %add3A_1488, %dma_start3A_1495, %dma_start3A_1496] : memref<32x8x32x8x128xf32, #tpu.memory_space<hbm>> -> memref<1x1x1x8x128xf32, #tpu.memory_space<hbm>>
        %dma_start3A_1498 = tpu.memref_squeeze %dma_start3A_1497 : memref<1x1x1x8x128xf32, #tpu.memory_space<hbm>> -> memref<8x128xf32, #tpu.memory_space<hbm>>
        %dma_start3A_1499 = arith.constant 56 : i32
        %dma_start3A_1500 = arith.constant 128 : i32
        %dma_start3A_1501 = tpu.memref_slice %arg7[%dma_start3A_1490, %dma_start3A_1499, %dma_start3A_1500] : memref<2x64x256xf32, #tpu.memory_space<vmem>> -> memref<1x8x128xf32, #tpu.memory_space<vmem>>
        %dma_start3A_1502 = tpu.memref_squeeze %dma_start3A_1501 : memref<1x8x128xf32, #tpu.memory_space<vmem>> -> memref<8x128xf32, #tpu.memory_space<vmem>>
        %dma_start3A_1503 = arith.constant 0 : i32
        %dma_start3A_1504 = arith.constant 0 : i32
        %dma_start3A_1505 = tpu.memref_slice %arg2[%add3A, %dma_start3A_1489, %add3A_1488, %dma_start3A_1503, %dma_start3A_1504] : memref<32x8x32x8x128xf32, #tpu.memory_space<hbm>> -> memref<1x1x1x8x128xf32, #tpu.memory_space<hbm>>
        %dma_start3A_1506 = tpu.memref_squeeze %dma_start3A_1505 : memref<1x1x1x8x128xf32, #tpu.memory_space<hbm>> -> memref<8x128xf32, #tpu.memory_space<hbm>>
        tpu.enqueue_dma source(%dma_start3A_1506 : memref<8x128xf32, #tpu.memory_space<hbm>>) target(%dma_start3A_1502 : memref<8x128xf32, #tpu.memory_space<vmem>>) target_semaphore(%arg14 : memref<!tpu.dma_semaphore, #tpu.memory_space<semaphore_mem>>)
        %add3A_1507 = arith.constant 0 : i32
        %add3A_1508 = arith.addi %mul3A_1186, %add3A_1507 : i32
        %dma_start3A_1509 = arith.constant 1 : i32
        %dma_start3A_1510 = arith.constant 0 : i32
        %dma_start3A_1511 = arith.constant 0 : i32
        %dma_start3A_1512 = tpu.memref_slice %arg8[%dma_start3A_1509, %dma_start3A_1510, %dma_start3A_1511] : memref<2x256x64xf32, #tpu.memory_space<vmem>> -> memref<1x128x64xf32, #tpu.memory_space<vmem>>
        %dma_start3A_1513 = tpu.memref_squeeze %dma_start3A_1512 : memref<1x128x64xf32, #tpu.memory_space<vmem>> -> memref<128x64xf32, #tpu.memory_space<vmem>>
        %dma_start3A_1514 = arith.constant 0 : i32
        %dma_start3A_1515 = tpu.memref_slice %arg10[%add3A_1508, %dma_start3A_1514] : memref<32x128xi32, #tpu.memory_space<vmem>> -> memref<1x128xi32, #tpu.memory_space<vmem>>
        %dma_start3A_1516 = tpu.memref_squeeze %dma_start3A_1515 : memref<1x128xi32, #tpu.memory_space<vmem>> -> memref<128xi32, #tpu.memory_space<vmem>>
        %dma_start3A_1517 = arith.constant 0 : i32
        %dma_start3A_1518 = arith.constant 0 : i32
        %dma_start3A_1519 = tpu.memref_slice %arg5[%dma_start3A_1517, %dma_start3A_1518] : memref<8192x64xf32, #tpu.memory_space<hbm>> -> memref<8192x64xf32, #tpu.memory_space<hbm>>
        tpu.enqueue_indirect_dma source(%dma_start3A_1519 : memref<8192x64xf32, #tpu.memory_space<hbm>>) target(%dma_start3A_1513 : memref<128x64xf32, #tpu.memory_space<vmem>>) offsets(%dma_start3A_1516 : memref<128xi32, #tpu.memory_space<vmem>>) semaphore(%arg14 : memref<!tpu.dma_semaphore, #tpu.memory_space<semaphore_mem>>)
        %add3A_1520 = arith.constant 0 : i32
        %add3A_1521 = arith.addi %mul3A_1186, %add3A_1520 : i32
        %dma_start3A_1522 = arith.constant 1 : i32
        %dma_start3A_1523 = arith.constant 0 : i32
        %dma_start3A_1524 = arith.constant 0 : i32
        %dma_start3A_1525 = tpu.memref_slice %arg9[%dma_start3A_1522, %dma_start3A_1523, %dma_start3A_1524] : memref<2x256x64xf32, #tpu.memory_space<vmem>> -> memref<1x128x64xf32, #tpu.memory_space<vmem>>
        %dma_start3A_1526 = tpu.memref_squeeze %dma_start3A_1525 : memref<1x128x64xf32, #tpu.memory_space<vmem>> -> memref<128x64xf32, #tpu.memory_space<vmem>>
        %dma_start3A_1527 = arith.constant 0 : i32
        %dma_start3A_1528 = tpu.memref_slice %arg11[%add3A_1521, %dma_start3A_1527] : memref<32x128xi32, #tpu.memory_space<vmem>> -> memref<1x128xi32, #tpu.memory_space<vmem>>
        %dma_start3A_1529 = tpu.memref_squeeze %dma_start3A_1528 : memref<1x128xi32, #tpu.memory_space<vmem>> -> memref<128xi32, #tpu.memory_space<vmem>>
        %dma_start3A_1530 = arith.constant 0 : i32
        %dma_start3A_1531 = arith.constant 0 : i32
        %dma_start3A_1532 = tpu.memref_slice %arg5[%dma_start3A_1530, %dma_start3A_1531] : memref<8192x64xf32, #tpu.memory_space<hbm>> -> memref<8192x64xf32, #tpu.memory_space<hbm>>
        tpu.enqueue_indirect_dma source(%dma_start3A_1532 : memref<8192x64xf32, #tpu.memory_space<hbm>>) target(%dma_start3A_1526 : memref<128x64xf32, #tpu.memory_space<vmem>>) offsets(%dma_start3A_1529 : memref<128xi32, #tpu.memory_space<vmem>>) semaphore(%arg14 : memref<!tpu.dma_semaphore, #tpu.memory_space<semaphore_mem>>)
        %add3A_1533 = arith.constant 1 : i32
        %add3A_1534 = arith.addi %mul3A_1186, %add3A_1533 : i32
        %dma_start3A_1535 = arith.constant 1 : i32
        %dma_start3A_1536 = arith.constant 128 : i32
        %dma_start3A_1537 = arith.constant 0 : i32
        %dma_start3A_1538 = tpu.memref_slice %arg8[%dma_start3A_1535, %dma_start3A_1536, %dma_start3A_1537] : memref<2x256x64xf32, #tpu.memory_space<vmem>> -> memref<1x128x64xf32, #tpu.memory_space<vmem>>
        %dma_start3A_1539 = tpu.memref_squeeze %dma_start3A_1538 : memref<1x128x64xf32, #tpu.memory_space<vmem>> -> memref<128x64xf32, #tpu.memory_space<vmem>>
        %dma_start3A_1540 = arith.constant 0 : i32
        %dma_start3A_1541 = tpu.memref_slice %arg10[%add3A_1534, %dma_start3A_1540] : memref<32x128xi32, #tpu.memory_space<vmem>> -> memref<1x128xi32, #tpu.memory_space<vmem>>
        %dma_start3A_1542 = tpu.memref_squeeze %dma_start3A_1541 : memref<1x128xi32, #tpu.memory_space<vmem>> -> memref<128xi32, #tpu.memory_space<vmem>>
        %dma_start3A_1543 = arith.constant 0 : i32
        %dma_start3A_1544 = arith.constant 0 : i32
        %dma_start3A_1545 = tpu.memref_slice %arg5[%dma_start3A_1543, %dma_start3A_1544] : memref<8192x64xf32, #tpu.memory_space<hbm>> -> memref<8192x64xf32, #tpu.memory_space<hbm>>
        tpu.enqueue_indirect_dma source(%dma_start3A_1545 : memref<8192x64xf32, #tpu.memory_space<hbm>>) target(%dma_start3A_1539 : memref<128x64xf32, #tpu.memory_space<vmem>>) offsets(%dma_start3A_1542 : memref<128xi32, #tpu.memory_space<vmem>>) semaphore(%arg14 : memref<!tpu.dma_semaphore, #tpu.memory_space<semaphore_mem>>)
        %add3A_1546 = arith.constant 1 : i32
        %add3A_1547 = arith.addi %mul3A_1186, %add3A_1546 : i32
        %dma_start3A_1548 = arith.constant 1 : i32
        %dma_start3A_1549 = arith.constant 128 : i32
        %dma_start3A_1550 = arith.constant 0 : i32
        %dma_start3A_1551 = tpu.memref_slice %arg9[%dma_start3A_1548, %dma_start3A_1549, %dma_start3A_1550] : memref<2x256x64xf32, #tpu.memory_space<vmem>> -> memref<1x128x64xf32, #tpu.memory_space<vmem>>
        %dma_start3A_1552 = tpu.memref_squeeze %dma_start3A_1551 : memref<1x128x64xf32, #tpu.memory_space<vmem>> -> memref<128x64xf32, #tpu.memory_space<vmem>>
        %dma_start3A_1553 = arith.constant 0 : i32
        %dma_start3A_1554 = tpu.memref_slice %arg11[%add3A_1547, %dma_start3A_1553] : memref<32x128xi32, #tpu.memory_space<vmem>> -> memref<1x128xi32, #tpu.memory_space<vmem>>
        %dma_start3A_1555 = tpu.memref_squeeze %dma_start3A_1554 : memref<1x128xi32, #tpu.memory_space<vmem>> -> memref<128xi32, #tpu.memory_space<vmem>>
        %dma_start3A_1556 = arith.constant 0 : i32
        %dma_start3A_1557 = arith.constant 0 : i32
        %dma_start3A_1558 = tpu.memref_slice %arg5[%dma_start3A_1556, %dma_start3A_1557] : memref<8192x64xf32, #tpu.memory_space<hbm>> -> memref<8192x64xf32, #tpu.memory_space<hbm>>
        tpu.enqueue_indirect_dma source(%dma_start3A_1558 : memref<8192x64xf32, #tpu.memory_space<hbm>>) target(%dma_start3A_1552 : memref<128x64xf32, #tpu.memory_space<vmem>>) offsets(%dma_start3A_1555 : memref<128xi32, #tpu.memory_space<vmem>>) semaphore(%arg14 : memref<!tpu.dma_semaphore, #tpu.memory_space<semaphore_mem>>)
      } else {
      }
      %dma_wait3A = arith.constant 0 : i32
      %dma_wait3A_423 = arith.constant 0 : i32
      %dma_wait3A_424 = arith.constant 0 : i32
      %dma_wait3A_425 = arith.constant 0 : i32
      %dma_wait3A_426 = arith.constant 0 : i32
      %dma_wait3A_427 = arith.constant 0 : i32
      %dma_wait3A_428 = tpu.memref_slice %arg7[%dma_wait3A_425, %dma_wait3A_426, %dma_wait3A_427] : memref<2x64x256xf32, #tpu.memory_space<vmem>> -> memref<1x8x128xf32, #tpu.memory_space<vmem>>
      %dma_wait3A_429 = tpu.memref_squeeze %dma_wait3A_428 : memref<1x8x128xf32, #tpu.memory_space<vmem>> -> memref<8x128xf32, #tpu.memory_space<vmem>>
      %dma_wait3A_430 = arith.constant 0 : i32
      %dma_wait3A_431 = arith.constant 0 : i32
      %dma_wait3A_432 = tpu.memref_slice %arg2[%dma_wait3A, %dma_wait3A_423, %dma_wait3A_424, %dma_wait3A_430, %dma_wait3A_431] : memref<32x8x32x8x128xf32, #tpu.memory_space<hbm>> -> memref<1x1x1x8x128xf32, #tpu.memory_space<hbm>>
      %dma_wait3A_433 = tpu.memref_squeeze %dma_wait3A_432 : memref<1x1x1x8x128xf32, #tpu.memory_space<hbm>> -> memref<8x128xf32, #tpu.memory_space<hbm>>
      %dma_wait3A_434 = arith.constant 0 : i32
      %dma_wait3A_435 = arith.constant 0 : i32
      %dma_wait3A_436 = tpu.memref_slice %arg7[%dma_wait3A_425, %dma_wait3A_434, %dma_wait3A_435] : memref<2x64x256xf32, #tpu.memory_space<vmem>> -> memref<1x8x128xf32, #tpu.memory_space<vmem>>
      %dma_wait3A_437 = tpu.memref_squeeze %dma_wait3A_436 : memref<1x8x128xf32, #tpu.memory_space<vmem>> -> memref<8x128xf32, #tpu.memory_space<vmem>>
      %dma_wait3A_438 = arith.constant 0 : i32
      %dma_wait3A_439 = arith.constant 0 : i32
      %dma_wait3A_440 = tpu.memref_slice %arg2[%dma_wait3A, %dma_wait3A_423, %dma_wait3A_424, %dma_wait3A_438, %dma_wait3A_439] : memref<32x8x32x8x128xf32, #tpu.memory_space<hbm>> -> memref<1x1x1x8x128xf32, #tpu.memory_space<hbm>>
      %dma_wait3A_441 = tpu.memref_squeeze %dma_wait3A_440 : memref<1x1x1x8x128xf32, #tpu.memory_space<hbm>> -> memref<8x128xf32, #tpu.memory_space<hbm>>
      tpu.wait_dma2 semaphore(%arg13 : memref<!tpu.dma_semaphore, #tpu.memory_space<semaphore_mem>>) src(%dma_wait3A_441 : memref<8x128xf32, #tpu.memory_space<hbm>>) dst(%dma_wait3A_437 : memref<8x128xf32, #tpu.memory_space<vmem>>)
      %dma_wait3A_442 = arith.constant 0 : i32
      %dma_wait3A_443 = arith.constant 0 : i32
      %dma_wait3A_444 = arith.constant 1 : i32
      %dma_wait3A_445 = arith.constant 0 : i32
      %dma_wait3A_446 = arith.constant 0 : i32
      %dma_wait3A_447 = arith.constant 128 : i32
      %dma_wait3A_448 = tpu.memref_slice %arg7[%dma_wait3A_445, %dma_wait3A_446, %dma_wait3A_447] : memref<2x64x256xf32, #tpu.memory_space<vmem>> -> memref<1x8x128xf32, #tpu.memory_space<vmem>>
      %dma_wait3A_449 = tpu.memref_squeeze %dma_wait3A_448 : memref<1x8x128xf32, #tpu.memory_space<vmem>> -> memref<8x128xf32, #tpu.memory_space<vmem>>
      %dma_wait3A_450 = arith.constant 0 : i32
      %dma_wait3A_451 = arith.constant 0 : i32
      %dma_wait3A_452 = tpu.memref_slice %arg2[%dma_wait3A_442, %dma_wait3A_443, %dma_wait3A_444, %dma_wait3A_450, %dma_wait3A_451] : memref<32x8x32x8x128xf32, #tpu.memory_space<hbm>> -> memref<1x1x1x8x128xf32, #tpu.memory_space<hbm>>
      %dma_wait3A_453 = tpu.memref_squeeze %dma_wait3A_452 : memref<1x1x1x8x128xf32, #tpu.memory_space<hbm>> -> memref<8x128xf32, #tpu.memory_space<hbm>>
      %dma_wait3A_454 = arith.constant 0 : i32
      %dma_wait3A_455 = arith.constant 128 : i32
      %dma_wait3A_456 = tpu.memref_slice %arg7[%dma_wait3A_445, %dma_wait3A_454, %dma_wait3A_455] : memref<2x64x256xf32, #tpu.memory_space<vmem>> -> memref<1x8x128xf32, #tpu.memory_space<vmem>>
      %dma_wait3A_457 = tpu.memref_squeeze %dma_wait3A_456 : memref<1x8x128xf32, #tpu.memory_space<vmem>> -> memref<8x128xf32, #tpu.memory_space<vmem>>
      %dma_wait3A_458 = arith.constant 0 : i32
      %dma_wait3A_459 = arith.constant 0 : i32
      %dma_wait3A_460 = tpu.memref_slice %arg2[%dma_wait3A_442, %dma_wait3A_443, %dma_wait3A_444, %dma_wait3A_458, %dma_wait3A_459] : memref<32x8x32x8x128xf32, #tpu.memory_space<hbm>> -> memref<1x1x1x8x128xf32, #tpu.memory_space<hbm>>
      %dma_wait3A_461 = tpu.memref_squeeze %dma_wait3A_460 : memref<1x1x1x8x128xf32, #tpu.memory_space<hbm>> -> memref<8x128xf32, #tpu.memory_space<hbm>>
      tpu.wait_dma2 semaphore(%arg13 : memref<!tpu.dma_semaphore, #tpu.memory_space<semaphore_mem>>) src(%dma_wait3A_461 : memref<8x128xf32, #tpu.memory_space<hbm>>) dst(%dma_wait3A_457 : memref<8x128xf32, #tpu.memory_space<vmem>>)
      %dma_wait3A_462 = arith.constant 0 : i32
      %dma_wait3A_463 = arith.constant 1 : i32
      %dma_wait3A_464 = arith.constant 0 : i32
      %dma_wait3A_465 = arith.constant 0 : i32
      %dma_wait3A_466 = arith.constant 8 : i32
      %dma_wait3A_467 = arith.constant 0 : i32
      %dma_wait3A_468 = tpu.memref_slice %arg7[%dma_wait3A_465, %dma_wait3A_466, %dma_wait3A_467] : memref<2x64x256xf32, #tpu.memory_space<vmem>> -> memref<1x8x128xf32, #tpu.memory_space<vmem>>
      %dma_wait3A_469 = tpu.memref_squeeze %dma_wait3A_468 : memref<1x8x128xf32, #tpu.memory_space<vmem>> -> memref<8x128xf32, #tpu.memory_space<vmem>>
      %dma_wait3A_470 = arith.constant 0 : i32
      %dma_wait3A_471 = arith.constant 0 : i32
      %dma_wait3A_472 = tpu.memref_slice %arg2[%dma_wait3A_462, %dma_wait3A_463, %dma_wait3A_464, %dma_wait3A_470, %dma_wait3A_471] : memref<32x8x32x8x128xf32, #tpu.memory_space<hbm>> -> memref<1x1x1x8x128xf32, #tpu.memory_space<hbm>>
      %dma_wait3A_473 = tpu.memref_squeeze %dma_wait3A_472 : memref<1x1x1x8x128xf32, #tpu.memory_space<hbm>> -> memref<8x128xf32, #tpu.memory_space<hbm>>
      %dma_wait3A_474 = arith.constant 8 : i32
      %dma_wait3A_475 = arith.constant 0 : i32
      %dma_wait3A_476 = tpu.memref_slice %arg7[%dma_wait3A_465, %dma_wait3A_474, %dma_wait3A_475] : memref<2x64x256xf32, #tpu.memory_space<vmem>> -> memref<1x8x128xf32, #tpu.memory_space<vmem>>
      %dma_wait3A_477 = tpu.memref_squeeze %dma_wait3A_476 : memref<1x8x128xf32, #tpu.memory_space<vmem>> -> memref<8x128xf32, #tpu.memory_space<vmem>>
      %dma_wait3A_478 = arith.constant 0 : i32
      %dma_wait3A_479 = arith.constant 0 : i32
      %dma_wait3A_480 = tpu.memref_slice %arg2[%dma_wait3A_462, %dma_wait3A_463, %dma_wait3A_464, %dma_wait3A_478, %dma_wait3A_479] : memref<32x8x32x8x128xf32, #tpu.memory_space<hbm>> -> memref<1x1x1x8x128xf32, #tpu.memory_space<hbm>>
      %dma_wait3A_481 = tpu.memref_squeeze %dma_wait3A_480 : memref<1x1x1x8x128xf32, #tpu.memory_space<hbm>> -> memref<8x128xf32, #tpu.memory_space<hbm>>
      tpu.wait_dma2 semaphore(%arg13 : memref<!tpu.dma_semaphore, #tpu.memory_space<semaphore_mem>>) src(%dma_wait3A_481 : memref<8x128xf32, #tpu.memory_space<hbm>>) dst(%dma_wait3A_477 : memref<8x128xf32, #tpu.memory_space<vmem>>)
      %dma_wait3A_482 = arith.constant 0 : i32
      %dma_wait3A_483 = arith.constant 1 : i32
      %dma_wait3A_484 = arith.constant 1 : i32
      %dma_wait3A_485 = arith.constant 0 : i32
      %dma_wait3A_486 = arith.constant 8 : i32
      %dma_wait3A_487 = arith.constant 128 : i32
      %dma_wait3A_488 = tpu.memref_slice %arg7[%dma_wait3A_485, %dma_wait3A_486, %dma_wait3A_487] : memref<2x64x256xf32, #tpu.memory_space<vmem>> -> memref<1x8x128xf32, #tpu.memory_space<vmem>>
      %dma_wait3A_489 = tpu.memref_squeeze %dma_wait3A_488 : memref<1x8x128xf32, #tpu.memory_space<vmem>> -> memref<8x128xf32, #tpu.memory_space<vmem>>
      %dma_wait3A_490 = arith.constant 0 : i32
      %dma_wait3A_491 = arith.constant 0 : i32
      %dma_wait3A_492 = tpu.memref_slice %arg2[%dma_wait3A_482, %dma_wait3A_483, %dma_wait3A_484, %dma_wait3A_490, %dma_wait3A_491] : memref<32x8x32x8x128xf32, #tpu.memory_space<hbm>> -> memref<1x1x1x8x128xf32, #tpu.memory_space<hbm>>
      %dma_wait3A_493 = tpu.memref_squeeze %dma_wait3A_492 : memref<1x1x1x8x128xf32, #tpu.memory_space<hbm>> -> memref<8x128xf32, #tpu.memory_space<hbm>>
      %dma_wait3A_494 = arith.constant 8 : i32
      %dma_wait3A_495 = arith.constant 128 : i32
      %dma_wait3A_496 = tpu.memref_slice %arg7[%dma_wait3A_485, %dma_wait3A_494, %dma_wait3A_495] : memref<2x64x256xf32, #tpu.memory_space<vmem>> -> memref<1x8x128xf32, #tpu.memory_space<vmem>>
      %dma_wait3A_497 = tpu.memref_squeeze %dma_wait3A_496 : memref<1x8x128xf32, #tpu.memory_space<vmem>> -> memref<8x128xf32, #tpu.memory_space<vmem>>
      %dma_wait3A_498 = arith.constant 0 : i32
      %dma_wait3A_499 = arith.constant 0 : i32
      %dma_wait3A_500 = tpu.memref_slice %arg2[%dma_wait3A_482, %dma_wait3A_483, %dma_wait3A_484, %dma_wait3A_498, %dma_wait3A_499] : memref<32x8x32x8x128xf32, #tpu.memory_space<hbm>> -> memref<1x1x1x8x128xf32, #tpu.memory_space<hbm>>
      %dma_wait3A_501 = tpu.memref_squeeze %dma_wait3A_500 : memref<1x1x1x8x128xf32, #tpu.memory_space<hbm>> -> memref<8x128xf32, #tpu.memory_space<hbm>>
      tpu.wait_dma2 semaphore(%arg13 : memref<!tpu.dma_semaphore, #tpu.memory_space<semaphore_mem>>) src(%dma_wait3A_501 : memref<8x128xf32, #tpu.memory_space<hbm>>) dst(%dma_wait3A_497 : memref<8x128xf32, #tpu.memory_space<vmem>>)
      %dma_wait3A_502 = arith.constant 0 : i32
      %dma_wait3A_503 = arith.constant 2 : i32
      %dma_wait3A_504 = arith.constant 0 : i32
      %dma_wait3A_505 = arith.constant 0 : i32
      %dma_wait3A_506 = arith.constant 16 : i32
      %dma_wait3A_507 = arith.constant 0 : i32
      %dma_wait3A_508 = tpu.memref_slice %arg7[%dma_wait3A_505, %dma_wait3A_506, %dma_wait3A_507] : memref<2x64x256xf32, #tpu.memory_space<vmem>> -> memref<1x8x128xf32, #tpu.memory_space<vmem>>
      %dma_wait3A_509 = tpu.memref_squeeze %dma_wait3A_508 : memref<1x8x128xf32, #tpu.memory_space<vmem>> -> memref<8x128xf32, #tpu.memory_space<vmem>>
      %dma_wait3A_510 = arith.constant 0 : i32
      %dma_wait3A_511 = arith.constant 0 : i32
      %dma_wait3A_512 = tpu.memref_slice %arg2[%dma_wait3A_502, %dma_wait3A_503, %dma_wait3A_504, %dma_wait3A_510, %dma_wait3A_511] : memref<32x8x32x8x128xf32, #tpu.memory_space<hbm>> -> memref<1x1x1x8x128xf32, #tpu.memory_space<hbm>>
      %dma_wait3A_513 = tpu.memref_squeeze %dma_wait3A_512 : memref<1x1x1x8x128xf32, #tpu.memory_space<hbm>> -> memref<8x128xf32, #tpu.memory_space<hbm>>
      %dma_wait3A_514 = arith.constant 16 : i32
      %dma_wait3A_515 = arith.constant 0 : i32
      %dma_wait3A_516 = tpu.memref_slice %arg7[%dma_wait3A_505, %dma_wait3A_514, %dma_wait3A_515] : memref<2x64x256xf32, #tpu.memory_space<vmem>> -> memref<1x8x128xf32, #tpu.memory_space<vmem>>
      %dma_wait3A_517 = tpu.memref_squeeze %dma_wait3A_516 : memref<1x8x128xf32, #tpu.memory_space<vmem>> -> memref<8x128xf32, #tpu.memory_space<vmem>>
      %dma_wait3A_518 = arith.constant 0 : i32
      %dma_wait3A_519 = arith.constant 0 : i32
      %dma_wait3A_520 = tpu.memref_slice %arg2[%dma_wait3A_502, %dma_wait3A_503, %dma_wait3A_504, %dma_wait3A_518, %dma_wait3A_519] : memref<32x8x32x8x128xf32, #tpu.memory_space<hbm>> -> memref<1x1x1x8x128xf32, #tpu.memory_space<hbm>>
      %dma_wait3A_521 = tpu.memref_squeeze %dma_wait3A_520 : memref<1x1x1x8x128xf32, #tpu.memory_space<hbm>> -> memref<8x128xf32, #tpu.memory_space<hbm>>
      tpu.wait_dma2 semaphore(%arg13 : memref<!tpu.dma_semaphore, #tpu.memory_space<semaphore_mem>>) src(%dma_wait3A_521 : memref<8x128xf32, #tpu.memory_space<hbm>>) dst(%dma_wait3A_517 : memref<8x128xf32, #tpu.memory_space<vmem>>)
      %dma_wait3A_522 = arith.constant 0 : i32
      %dma_wait3A_523 = arith.constant 2 : i32
      %dma_wait3A_524 = arith.constant 1 : i32
      %dma_wait3A_525 = arith.constant 0 : i32
      %dma_wait3A_526 = arith.constant 16 : i32
      %dma_wait3A_527 = arith.constant 128 : i32
      %dma_wait3A_528 = tpu.memref_slice %arg7[%dma_wait3A_525, %dma_wait3A_526, %dma_wait3A_527] : memref<2x64x256xf32, #tpu.memory_space<vmem>> -> memref<1x8x128xf32, #tpu.memory_space<vmem>>
      %dma_wait3A_529 = tpu.memref_squeeze %dma_wait3A_528 : memref<1x8x128xf32, #tpu.memory_space<vmem>> -> memref<8x128xf32, #tpu.memory_space<vmem>>
      %dma_wait3A_530 = arith.constant 0 : i32
      %dma_wait3A_531 = arith.constant 0 : i32
      %dma_wait3A_532 = tpu.memref_slice %arg2[%dma_wait3A_522, %dma_wait3A_523, %dma_wait3A_524, %dma_wait3A_530, %dma_wait3A_531] : memref<32x8x32x8x128xf32, #tpu.memory_space<hbm>> -> memref<1x1x1x8x128xf32, #tpu.memory_space<hbm>>
      %dma_wait3A_533 = tpu.memref_squeeze %dma_wait3A_532 : memref<1x1x1x8x128xf32, #tpu.memory_space<hbm>> -> memref<8x128xf32, #tpu.memory_space<hbm>>
      %dma_wait3A_534 = arith.constant 16 : i32
      %dma_wait3A_535 = arith.constant 128 : i32
      %dma_wait3A_536 = tpu.memref_slice %arg7[%dma_wait3A_525, %dma_wait3A_534, %dma_wait3A_535] : memref<2x64x256xf32, #tpu.memory_space<vmem>> -> memref<1x8x128xf32, #tpu.memory_space<vmem>>
      %dma_wait3A_537 = tpu.memref_squeeze %dma_wait3A_536 : memref<1x8x128xf32, #tpu.memory_space<vmem>> -> memref<8x128xf32, #tpu.memory_space<vmem>>
      %dma_wait3A_538 = arith.constant 0 : i32
      %dma_wait3A_539 = arith.constant 0 : i32
      %dma_wait3A_540 = tpu.memref_slice %arg2[%dma_wait3A_522, %dma_wait3A_523, %dma_wait3A_524, %dma_wait3A_538, %dma_wait3A_539] : memref<32x8x32x8x128xf32, #tpu.memory_space<hbm>> -> memref<1x1x1x8x128xf32, #tpu.memory_space<hbm>>
      %dma_wait3A_541 = tpu.memref_squeeze %dma_wait3A_540 : memref<1x1x1x8x128xf32, #tpu.memory_space<hbm>> -> memref<8x128xf32, #tpu.memory_space<hbm>>
      tpu.wait_dma2 semaphore(%arg13 : memref<!tpu.dma_semaphore, #tpu.memory_space<semaphore_mem>>) src(%dma_wait3A_541 : memref<8x128xf32, #tpu.memory_space<hbm>>) dst(%dma_wait3A_537 : memref<8x128xf32, #tpu.memory_space<vmem>>)
      %dma_wait3A_542 = arith.constant 0 : i32
      %dma_wait3A_543 = arith.constant 3 : i32
      %dma_wait3A_544 = arith.constant 0 : i32
      %dma_wait3A_545 = arith.constant 0 : i32
      %dma_wait3A_546 = arith.constant 24 : i32
      %dma_wait3A_547 = arith.constant 0 : i32
      %dma_wait3A_548 = tpu.memref_slice %arg7[%dma_wait3A_545, %dma_wait3A_546, %dma_wait3A_547] : memref<2x64x256xf32, #tpu.memory_space<vmem>> -> memref<1x8x128xf32, #tpu.memory_space<vmem>>
      %dma_wait3A_549 = tpu.memref_squeeze %dma_wait3A_548 : memref<1x8x128xf32, #tpu.memory_space<vmem>> -> memref<8x128xf32, #tpu.memory_space<vmem>>
      %dma_wait3A_550 = arith.constant 0 : i32
      %dma_wait3A_551 = arith.constant 0 : i32
      %dma_wait3A_552 = tpu.memref_slice %arg2[%dma_wait3A_542, %dma_wait3A_543, %dma_wait3A_544, %dma_wait3A_550, %dma_wait3A_551] : memref<32x8x32x8x128xf32, #tpu.memory_space<hbm>> -> memref<1x1x1x8x128xf32, #tpu.memory_space<hbm>>
      %dma_wait3A_553 = tpu.memref_squeeze %dma_wait3A_552 : memref<1x1x1x8x128xf32, #tpu.memory_space<hbm>> -> memref<8x128xf32, #tpu.memory_space<hbm>>
      %dma_wait3A_554 = arith.constant 24 : i32
      %dma_wait3A_555 = arith.constant 0 : i32
      %dma_wait3A_556 = tpu.memref_slice %arg7[%dma_wait3A_545, %dma_wait3A_554, %dma_wait3A_555] : memref<2x64x256xf32, #tpu.memory_space<vmem>> -> memref<1x8x128xf32, #tpu.memory_space<vmem>>
      %dma_wait3A_557 = tpu.memref_squeeze %dma_wait3A_556 : memref<1x8x128xf32, #tpu.memory_space<vmem>> -> memref<8x128xf32, #tpu.memory_space<vmem>>
      %dma_wait3A_558 = arith.constant 0 : i32
      %dma_wait3A_559 = arith.constant 0 : i32
      %dma_wait3A_560 = tpu.memref_slice %arg2[%dma_wait3A_542, %dma_wait3A_543, %dma_wait3A_544, %dma_wait3A_558, %dma_wait3A_559] : memref<32x8x32x8x128xf32, #tpu.memory_space<hbm>> -> memref<1x1x1x8x128xf32, #tpu.memory_space<hbm>>
      %dma_wait3A_561 = tpu.memref_squeeze %dma_wait3A_560 : memref<1x1x1x8x128xf32, #tpu.memory_space<hbm>> -> memref<8x128xf32, #tpu.memory_space<hbm>>
      tpu.wait_dma2 semaphore(%arg13 : memref<!tpu.dma_semaphore, #tpu.memory_space<semaphore_mem>>) src(%dma_wait3A_561 : memref<8x128xf32, #tpu.memory_space<hbm>>) dst(%dma_wait3A_557 : memref<8x128xf32, #tpu.memory_space<vmem>>)
      %dma_wait3A_562 = arith.constant 0 : i32
      %dma_wait3A_563 = arith.constant 3 : i32
      %dma_wait3A_564 = arith.constant 1 : i32
      %dma_wait3A_565 = arith.constant 0 : i32
      %dma_wait3A_566 = arith.constant 24 : i32
      %dma_wait3A_567 = arith.constant 128 : i32
      %dma_wait3A_568 = tpu.memref_slice %arg7[%dma_wait3A_565, %dma_wait3A_566, %dma_wait3A_567] : memref<2x64x256xf32, #tpu.memory_space<vmem>> -> memref<1x8x128xf32, #tpu.memory_space<vmem>>
      %dma_wait3A_569 = tpu.memref_squeeze %dma_wait3A_568 : memref<1x8x128xf32, #tpu.memory_space<vmem>> -> memref<8x128xf32, #tpu.memory_space<vmem>>
      %dma_wait3A_570 = arith.constant 0 : i32
      %dma_wait3A_571 = arith.constant 0 : i32
      %dma_wait3A_572 = tpu.memref_slice %arg2[%dma_wait3A_562, %dma_wait3A_563, %dma_wait3A_564, %dma_wait3A_570, %dma_wait3A_571] : memref<32x8x32x8x128xf32, #tpu.memory_space<hbm>> -> memref<1x1x1x8x128xf32, #tpu.memory_space<hbm>>
      %dma_wait3A_573 = tpu.memref_squeeze %dma_wait3A_572 : memref<1x1x1x8x128xf32, #tpu.memory_space<hbm>> -> memref<8x128xf32, #tpu.memory_space<hbm>>
      %dma_wait3A_574 = arith.constant 24 : i32
      %dma_wait3A_575 = arith.constant 128 : i32
      %dma_wait3A_576 = tpu.memref_slice %arg7[%dma_wait3A_565, %dma_wait3A_574, %dma_wait3A_575] : memref<2x64x256xf32, #tpu.memory_space<vmem>> -> memref<1x8x128xf32, #tpu.memory_space<vmem>>
      %dma_wait3A_577 = tpu.memref_squeeze %dma_wait3A_576 : memref<1x8x128xf32, #tpu.memory_space<vmem>> -> memref<8x128xf32, #tpu.memory_space<vmem>>
      %dma_wait3A_578 = arith.constant 0 : i32
      %dma_wait3A_579 = arith.constant 0 : i32
      %dma_wait3A_580 = tpu.memref_slice %arg2[%dma_wait3A_562, %dma_wait3A_563, %dma_wait3A_564, %dma_wait3A_578, %dma_wait3A_579] : memref<32x8x32x8x128xf32, #tpu.memory_space<hbm>> -> memref<1x1x1x8x128xf32, #tpu.memory_space<hbm>>
      %dma_wait3A_581 = tpu.memref_squeeze %dma_wait3A_580 : memref<1x1x1x8x128xf32, #tpu.memory_space<hbm>> -> memref<8x128xf32, #tpu.memory_space<hbm>>
      tpu.wait_dma2 semaphore(%arg13 : memref<!tpu.dma_semaphore, #tpu.memory_space<semaphore_mem>>) src(%dma_wait3A_581 : memref<8x128xf32, #tpu.memory_space<hbm>>) dst(%dma_wait3A_577 : memref<8x128xf32, #tpu.memory_space<vmem>>)
      %dma_wait3A_582 = arith.constant 0 : i32
      %dma_wait3A_583 = arith.constant 4 : i32
      %dma_wait3A_584 = arith.constant 0 : i32
      %dma_wait3A_585 = arith.constant 0 : i32
      %dma_wait3A_586 = arith.constant 32 : i32
      %dma_wait3A_587 = arith.constant 0 : i32
      %dma_wait3A_588 = tpu.memref_slice %arg7[%dma_wait3A_585, %dma_wait3A_586, %dma_wait3A_587] : memref<2x64x256xf32, #tpu.memory_space<vmem>> -> memref<1x8x128xf32, #tpu.memory_space<vmem>>
      %dma_wait3A_589 = tpu.memref_squeeze %dma_wait3A_588 : memref<1x8x128xf32, #tpu.memory_space<vmem>> -> memref<8x128xf32, #tpu.memory_space<vmem>>
      %dma_wait3A_590 = arith.constant 0 : i32
      %dma_wait3A_591 = arith.constant 0 : i32
      %dma_wait3A_592 = tpu.memref_slice %arg2[%dma_wait3A_582, %dma_wait3A_583, %dma_wait3A_584, %dma_wait3A_590, %dma_wait3A_591] : memref<32x8x32x8x128xf32, #tpu.memory_space<hbm>> -> memref<1x1x1x8x128xf32, #tpu.memory_space<hbm>>
      %dma_wait3A_593 = tpu.memref_squeeze %dma_wait3A_592 : memref<1x1x1x8x128xf32, #tpu.memory_space<hbm>> -> memref<8x128xf32, #tpu.memory_space<hbm>>
      %dma_wait3A_594 = arith.constant 32 : i32
      %dma_wait3A_595 = arith.constant 0 : i32
      %dma_wait3A_596 = tpu.memref_slice %arg7[%dma_wait3A_585, %dma_wait3A_594, %dma_wait3A_595] : memref<2x64x256xf32, #tpu.memory_space<vmem>> -> memref<1x8x128xf32, #tpu.memory_space<vmem>>
      %dma_wait3A_597 = tpu.memref_squeeze %dma_wait3A_596 : memref<1x8x128xf32, #tpu.memory_space<vmem>> -> memref<8x128xf32, #tpu.memory_space<vmem>>
      %dma_wait3A_598 = arith.constant 0 : i32
      %dma_wait3A_599 = arith.constant 0 : i32
      %dma_wait3A_600 = tpu.memref_slice %arg2[%dma_wait3A_582, %dma_wait3A_583, %dma_wait3A_584, %dma_wait3A_598, %dma_wait3A_599] : memref<32x8x32x8x128xf32, #tpu.memory_space<hbm>> -> memref<1x1x1x8x128xf32, #tpu.memory_space<hbm>>
      %dma_wait3A_601 = tpu.memref_squeeze %dma_wait3A_600 : memref<1x1x1x8x128xf32, #tpu.memory_space<hbm>> -> memref<8x128xf32, #tpu.memory_space<hbm>>
      tpu.wait_dma2 semaphore(%arg13 : memref<!tpu.dma_semaphore, #tpu.memory_space<semaphore_mem>>) src(%dma_wait3A_601 : memref<8x128xf32, #tpu.memory_space<hbm>>) dst(%dma_wait3A_597 : memref<8x128xf32, #tpu.memory_space<vmem>>)
      %dma_wait3A_602 = arith.constant 0 : i32
      %dma_wait3A_603 = arith.constant 4 : i32
      %dma_wait3A_604 = arith.constant 1 : i32
      %dma_wait3A_605 = arith.constant 0 : i32
      %dma_wait3A_606 = arith.constant 32 : i32
      %dma_wait3A_607 = arith.constant 128 : i32
      %dma_wait3A_608 = tpu.memref_slice %arg7[%dma_wait3A_605, %dma_wait3A_606, %dma_wait3A_607] : memref<2x64x256xf32, #tpu.memory_space<vmem>> -> memref<1x8x128xf32, #tpu.memory_space<vmem>>
      %dma_wait3A_609 = tpu.memref_squeeze %dma_wait3A_608 : memref<1x8x128xf32, #tpu.memory_space<vmem>> -> memref<8x128xf32, #tpu.memory_space<vmem>>
      %dma_wait3A_610 = arith.constant 0 : i32
      %dma_wait3A_611 = arith.constant 0 : i32
      %dma_wait3A_612 = tpu.memref_slice %arg2[%dma_wait3A_602, %dma_wait3A_603, %dma_wait3A_604, %dma_wait3A_610, %dma_wait3A_611] : memref<32x8x32x8x128xf32, #tpu.memory_space<hbm>> -> memref<1x1x1x8x128xf32, #tpu.memory_space<hbm>>
      %dma_wait3A_613 = tpu.memref_squeeze %dma_wait3A_612 : memref<1x1x1x8x128xf32, #tpu.memory_space<hbm>> -> memref<8x128xf32, #tpu.memory_space<hbm>>
      %dma_wait3A_614 = arith.constant 32 : i32
      %dma_wait3A_615 = arith.constant 128 : i32
      %dma_wait3A_616 = tpu.memref_slice %arg7[%dma_wait3A_605, %dma_wait3A_614, %dma_wait3A_615] : memref<2x64x256xf32, #tpu.memory_space<vmem>> -> memref<1x8x128xf32, #tpu.memory_space<vmem>>
      %dma_wait3A_617 = tpu.memref_squeeze %dma_wait3A_616 : memref<1x8x128xf32, #tpu.memory_space<vmem>> -> memref<8x128xf32, #tpu.memory_space<vmem>>
      %dma_wait3A_618 = arith.constant 0 : i32
      %dma_wait3A_619 = arith.constant 0 : i32
      %dma_wait3A_620 = tpu.memref_slice %arg2[%dma_wait3A_602, %dma_wait3A_603, %dma_wait3A_604, %dma_wait3A_618, %dma_wait3A_619] : memref<32x8x32x8x128xf32, #tpu.memory_space<hbm>> -> memref<1x1x1x8x128xf32, #tpu.memory_space<hbm>>
      %dma_wait3A_621 = tpu.memref_squeeze %dma_wait3A_620 : memref<1x1x1x8x128xf32, #tpu.memory_space<hbm>> -> memref<8x128xf32, #tpu.memory_space<hbm>>
      tpu.wait_dma2 semaphore(%arg13 : memref<!tpu.dma_semaphore, #tpu.memory_space<semaphore_mem>>) src(%dma_wait3A_621 : memref<8x128xf32, #tpu.memory_space<hbm>>) dst(%dma_wait3A_617 : memref<8x128xf32, #tpu.memory_space<vmem>>)
      %dma_wait3A_622 = arith.constant 0 : i32
      %dma_wait3A_623 = arith.constant 5 : i32
      %dma_wait3A_624 = arith.constant 0 : i32
      %dma_wait3A_625 = arith.constant 0 : i32
      %dma_wait3A_626 = arith.constant 40 : i32
      %dma_wait3A_627 = arith.constant 0 : i32
      %dma_wait3A_628 = tpu.memref_slice %arg7[%dma_wait3A_625, %dma_wait3A_626, %dma_wait3A_627] : memref<2x64x256xf32, #tpu.memory_space<vmem>> -> memref<1x8x128xf32, #tpu.memory_space<vmem>>
      %dma_wait3A_629 = tpu.memref_squeeze %dma_wait3A_628 : memref<1x8x128xf32, #tpu.memory_space<vmem>> -> memref<8x128xf32, #tpu.memory_space<vmem>>
      %dma_wait3A_630 = arith.constant 0 : i32
      %dma_wait3A_631 = arith.constant 0 : i32
      %dma_wait3A_632 = tpu.memref_slice %arg2[%dma_wait3A_622, %dma_wait3A_623, %dma_wait3A_624, %dma_wait3A_630, %dma_wait3A_631] : memref<32x8x32x8x128xf32, #tpu.memory_space<hbm>> -> memref<1x1x1x8x128xf32, #tpu.memory_space<hbm>>
      %dma_wait3A_633 = tpu.memref_squeeze %dma_wait3A_632 : memref<1x1x1x8x128xf32, #tpu.memory_space<hbm>> -> memref<8x128xf32, #tpu.memory_space<hbm>>
      %dma_wait3A_634 = arith.constant 40 : i32
      %dma_wait3A_635 = arith.constant 0 : i32
      %dma_wait3A_636 = tpu.memref_slice %arg7[%dma_wait3A_625, %dma_wait3A_634, %dma_wait3A_635] : memref<2x64x256xf32, #tpu.memory_space<vmem>> -> memref<1x8x128xf32, #tpu.memory_space<vmem>>
      %dma_wait3A_637 = tpu.memref_squeeze %dma_wait3A_636 : memref<1x8x128xf32, #tpu.memory_space<vmem>> -> memref<8x128xf32, #tpu.memory_space<vmem>>
      %dma_wait3A_638 = arith.constant 0 : i32
      %dma_wait3A_639 = arith.constant 0 : i32
      %dma_wait3A_640 = tpu.memref_slice %arg2[%dma_wait3A_622, %dma_wait3A_623, %dma_wait3A_624, %dma_wait3A_638, %dma_wait3A_639] : memref<32x8x32x8x128xf32, #tpu.memory_space<hbm>> -> memref<1x1x1x8x128xf32, #tpu.memory_space<hbm>>
      %dma_wait3A_641 = tpu.memref_squeeze %dma_wait3A_640 : memref<1x1x1x8x128xf32, #tpu.memory_space<hbm>> -> memref<8x128xf32, #tpu.memory_space<hbm>>
      tpu.wait_dma2 semaphore(%arg13 : memref<!tpu.dma_semaphore, #tpu.memory_space<semaphore_mem>>) src(%dma_wait3A_641 : memref<8x128xf32, #tpu.memory_space<hbm>>) dst(%dma_wait3A_637 : memref<8x128xf32, #tpu.memory_space<vmem>>)
      %dma_wait3A_642 = arith.constant 0 : i32
      %dma_wait3A_643 = arith.constant 5 : i32
      %dma_wait3A_644 = arith.constant 1 : i32
      %dma_wait3A_645 = arith.constant 0 : i32
      %dma_wait3A_646 = arith.constant 40 : i32
      %dma_wait3A_647 = arith.constant 128 : i32
      %dma_wait3A_648 = tpu.memref_slice %arg7[%dma_wait3A_645, %dma_wait3A_646, %dma_wait3A_647] : memref<2x64x256xf32, #tpu.memory_space<vmem>> -> memref<1x8x128xf32, #tpu.memory_space<vmem>>
      %dma_wait3A_649 = tpu.memref_squeeze %dma_wait3A_648 : memref<1x8x128xf32, #tpu.memory_space<vmem>> -> memref<8x128xf32, #tpu.memory_space<vmem>>
      %dma_wait3A_650 = arith.constant 0 : i32
      %dma_wait3A_651 = arith.constant 0 : i32
      %dma_wait3A_652 = tpu.memref_slice %arg2[%dma_wait3A_642, %dma_wait3A_643, %dma_wait3A_644, %dma_wait3A_650, %dma_wait3A_651] : memref<32x8x32x8x128xf32, #tpu.memory_space<hbm>> -> memref<1x1x1x8x128xf32, #tpu.memory_space<hbm>>
      %dma_wait3A_653 = tpu.memref_squeeze %dma_wait3A_652 : memref<1x1x1x8x128xf32, #tpu.memory_space<hbm>> -> memref<8x128xf32, #tpu.memory_space<hbm>>
      %dma_wait3A_654 = arith.constant 40 : i32
      %dma_wait3A_655 = arith.constant 128 : i32
      %dma_wait3A_656 = tpu.memref_slice %arg7[%dma_wait3A_645, %dma_wait3A_654, %dma_wait3A_655] : memref<2x64x256xf32, #tpu.memory_space<vmem>> -> memref<1x8x128xf32, #tpu.memory_space<vmem>>
      %dma_wait3A_657 = tpu.memref_squeeze %dma_wait3A_656 : memref<1x8x128xf32, #tpu.memory_space<vmem>> -> memref<8x128xf32, #tpu.memory_space<vmem>>
      %dma_wait3A_658 = arith.constant 0 : i32
      %dma_wait3A_659 = arith.constant 0 : i32
      %dma_wait3A_660 = tpu.memref_slice %arg2[%dma_wait3A_642, %dma_wait3A_643, %dma_wait3A_644, %dma_wait3A_658, %dma_wait3A_659] : memref<32x8x32x8x128xf32, #tpu.memory_space<hbm>> -> memref<1x1x1x8x128xf32, #tpu.memory_space<hbm>>
      %dma_wait3A_661 = tpu.memref_squeeze %dma_wait3A_660 : memref<1x1x1x8x128xf32, #tpu.memory_space<hbm>> -> memref<8x128xf32, #tpu.memory_space<hbm>>
      tpu.wait_dma2 semaphore(%arg13 : memref<!tpu.dma_semaphore, #tpu.memory_space<semaphore_mem>>) src(%dma_wait3A_661 : memref<8x128xf32, #tpu.memory_space<hbm>>) dst(%dma_wait3A_657 : memref<8x128xf32, #tpu.memory_space<vmem>>)
      %dma_wait3A_662 = arith.constant 0 : i32
      %dma_wait3A_663 = arith.constant 6 : i32
      %dma_wait3A_664 = arith.constant 0 : i32
      %dma_wait3A_665 = arith.constant 0 : i32
      %dma_wait3A_666 = arith.constant 48 : i32
      %dma_wait3A_667 = arith.constant 0 : i32
      %dma_wait3A_668 = tpu.memref_slice %arg7[%dma_wait3A_665, %dma_wait3A_666, %dma_wait3A_667] : memref<2x64x256xf32, #tpu.memory_space<vmem>> -> memref<1x8x128xf32, #tpu.memory_space<vmem>>
      %dma_wait3A_669 = tpu.memref_squeeze %dma_wait3A_668 : memref<1x8x128xf32, #tpu.memory_space<vmem>> -> memref<8x128xf32, #tpu.memory_space<vmem>>
      %dma_wait3A_670 = arith.constant 0 : i32
      %dma_wait3A_671 = arith.constant 0 : i32
      %dma_wait3A_672 = tpu.memref_slice %arg2[%dma_wait3A_662, %dma_wait3A_663, %dma_wait3A_664, %dma_wait3A_670, %dma_wait3A_671] : memref<32x8x32x8x128xf32, #tpu.memory_space<hbm>> -> memref<1x1x1x8x128xf32, #tpu.memory_space<hbm>>
      %dma_wait3A_673 = tpu.memref_squeeze %dma_wait3A_672 : memref<1x1x1x8x128xf32, #tpu.memory_space<hbm>> -> memref<8x128xf32, #tpu.memory_space<hbm>>
      %dma_wait3A_674 = arith.constant 48 : i32
      %dma_wait3A_675 = arith.constant 0 : i32
      %dma_wait3A_676 = tpu.memref_slice %arg7[%dma_wait3A_665, %dma_wait3A_674, %dma_wait3A_675] : memref<2x64x256xf32, #tpu.memory_space<vmem>> -> memref<1x8x128xf32, #tpu.memory_space<vmem>>
      %dma_wait3A_677 = tpu.memref_squeeze %dma_wait3A_676 : memref<1x8x128xf32, #tpu.memory_space<vmem>> -> memref<8x128xf32, #tpu.memory_space<vmem>>
      %dma_wait3A_678 = arith.constant 0 : i32
      %dma_wait3A_679 = arith.constant 0 : i32
      %dma_wait3A_680 = tpu.memref_slice %arg2[%dma_wait3A_662, %dma_wait3A_663, %dma_wait3A_664, %dma_wait3A_678, %dma_wait3A_679] : memref<32x8x32x8x128xf32, #tpu.memory_space<hbm>> -> memref<1x1x1x8x128xf32, #tpu.memory_space<hbm>>
      %dma_wait3A_681 = tpu.memref_squeeze %dma_wait3A_680 : memref<1x1x1x8x128xf32, #tpu.memory_space<hbm>> -> memref<8x128xf32, #tpu.memory_space<hbm>>
      tpu.wait_dma2 semaphore(%arg13 : memref<!tpu.dma_semaphore, #tpu.memory_space<semaphore_mem>>) src(%dma_wait3A_681 : memref<8x128xf32, #tpu.memory_space<hbm>>) dst(%dma_wait3A_677 : memref<8x128xf32, #tpu.memory_space<vmem>>)
      %dma_wait3A_682 = arith.constant 0 : i32
      %dma_wait3A_683 = arith.constant 6 : i32
      %dma_wait3A_684 = arith.constant 1 : i32
      %dma_wait3A_685 = arith.constant 0 : i32
      %dma_wait3A_686 = arith.constant 48 : i32
      %dma_wait3A_687 = arith.constant 128 : i32
      %dma_wait3A_688 = tpu.memref_slice %arg7[%dma_wait3A_685, %dma_wait3A_686, %dma_wait3A_687] : memref<2x64x256xf32, #tpu.memory_space<vmem>> -> memref<1x8x128xf32, #tpu.memory_space<vmem>>
      %dma_wait3A_689 = tpu.memref_squeeze %dma_wait3A_688 : memref<1x8x128xf32, #tpu.memory_space<vmem>> -> memref<8x128xf32, #tpu.memory_space<vmem>>
      %dma_wait3A_690 = arith.constant 0 : i32
      %dma_wait3A_691 = arith.constant 0 : i32
      %dma_wait3A_692 = tpu.memref_slice %arg2[%dma_wait3A_682, %dma_wait3A_683, %dma_wait3A_684, %dma_wait3A_690, %dma_wait3A_691] : memref<32x8x32x8x128xf32, #tpu.memory_space<hbm>> -> memref<1x1x1x8x128xf32, #tpu.memory_space<hbm>>
      %dma_wait3A_693 = tpu.memref_squeeze %dma_wait3A_692 : memref<1x1x1x8x128xf32, #tpu.memory_space<hbm>> -> memref<8x128xf32, #tpu.memory_space<hbm>>
      %dma_wait3A_694 = arith.constant 48 : i32
      %dma_wait3A_695 = arith.constant 128 : i32
      %dma_wait3A_696 = tpu.memref_slice %arg7[%dma_wait3A_685, %dma_wait3A_694, %dma_wait3A_695] : memref<2x64x256xf32, #tpu.memory_space<vmem>> -> memref<1x8x128xf32, #tpu.memory_space<vmem>>
      %dma_wait3A_697 = tpu.memref_squeeze %dma_wait3A_696 : memref<1x8x128xf32, #tpu.memory_space<vmem>> -> memref<8x128xf32, #tpu.memory_space<vmem>>
      %dma_wait3A_698 = arith.constant 0 : i32
      %dma_wait3A_699 = arith.constant 0 : i32
      %dma_wait3A_700 = tpu.memref_slice %arg2[%dma_wait3A_682, %dma_wait3A_683, %dma_wait3A_684, %dma_wait3A_698, %dma_wait3A_699] : memref<32x8x32x8x128xf32, #tpu.memory_space<hbm>> -> memref<1x1x1x8x128xf32, #tpu.memory_space<hbm>>
      %dma_wait3A_701 = tpu.memref_squeeze %dma_wait3A_700 : memref<1x1x1x8x128xf32, #tpu.memory_space<hbm>> -> memref<8x128xf32, #tpu.memory_space<hbm>>
      tpu.wait_dma2 semaphore(%arg13 : memref<!tpu.dma_semaphore, #tpu.memory_space<semaphore_mem>>) src(%dma_wait3A_701 : memref<8x128xf32, #tpu.memory_space<hbm>>) dst(%dma_wait3A_697 : memref<8x128xf32, #tpu.memory_space<vmem>>)
      %dma_wait3A_702 = arith.constant 0 : i32
      %dma_wait3A_703 = arith.constant 7 : i32
      %dma_wait3A_704 = arith.constant 0 : i32
      %dma_wait3A_705 = arith.constant 0 : i32
      %dma_wait3A_706 = arith.constant 56 : i32
      %dma_wait3A_707 = arith.constant 0 : i32
      %dma_wait3A_708 = tpu.memref_slice %arg7[%dma_wait3A_705, %dma_wait3A_706, %dma_wait3A_707] : memref<2x64x256xf32, #tpu.memory_space<vmem>> -> memref<1x8x128xf32, #tpu.memory_space<vmem>>
      %dma_wait3A_709 = tpu.memref_squeeze %dma_wait3A_708 : memref<1x8x128xf32, #tpu.memory_space<vmem>> -> memref<8x128xf32, #tpu.memory_space<vmem>>
      %dma_wait3A_710 = arith.constant 0 : i32
      %dma_wait3A_711 = arith.constant 0 : i32
      %dma_wait3A_712 = tpu.memref_slice %arg2[%dma_wait3A_702, %dma_wait3A_703, %dma_wait3A_704, %dma_wait3A_710, %dma_wait3A_711] : memref<32x8x32x8x128xf32, #tpu.memory_space<hbm>> -> memref<1x1x1x8x128xf32, #tpu.memory_space<hbm>>
      %dma_wait3A_713 = tpu.memref_squeeze %dma_wait3A_712 : memref<1x1x1x8x128xf32, #tpu.memory_space<hbm>> -> memref<8x128xf32, #tpu.memory_space<hbm>>
      %dma_wait3A_714 = arith.constant 56 : i32
      %dma_wait3A_715 = arith.constant 0 : i32
      %dma_wait3A_716 = tpu.memref_slice %arg7[%dma_wait3A_705, %dma_wait3A_714, %dma_wait3A_715] : memref<2x64x256xf32, #tpu.memory_space<vmem>> -> memref<1x8x128xf32, #tpu.memory_space<vmem>>
      %dma_wait3A_717 = tpu.memref_squeeze %dma_wait3A_716 : memref<1x8x128xf32, #tpu.memory_space<vmem>> -> memref<8x128xf32, #tpu.memory_space<vmem>>
      %dma_wait3A_718 = arith.constant 0 : i32
      %dma_wait3A_719 = arith.constant 0 : i32
      %dma_wait3A_720 = tpu.memref_slice %arg2[%dma_wait3A_702, %dma_wait3A_703, %dma_wait3A_704, %dma_wait3A_718, %dma_wait3A_719] : memref<32x8x32x8x128xf32, #tpu.memory_space<hbm>> -> memref<1x1x1x8x128xf32, #tpu.memory_space<hbm>>
      %dma_wait3A_721 = tpu.memref_squeeze %dma_wait3A_720 : memref<1x1x1x8x128xf32, #tpu.memory_space<hbm>> -> memref<8x128xf32, #tpu.memory_space<hbm>>
      tpu.wait_dma2 semaphore(%arg13 : memref<!tpu.dma_semaphore, #tpu.memory_space<semaphore_mem>>) src(%dma_wait3A_721 : memref<8x128xf32, #tpu.memory_space<hbm>>) dst(%dma_wait3A_717 : memref<8x128xf32, #tpu.memory_space<vmem>>)
      %dma_wait3A_722 = arith.constant 0 : i32
      %dma_wait3A_723 = arith.constant 7 : i32
      %dma_wait3A_724 = arith.constant 1 : i32
      %dma_wait3A_725 = arith.constant 0 : i32
      %dma_wait3A_726 = arith.constant 56 : i32
      %dma_wait3A_727 = arith.constant 128 : i32
      %dma_wait3A_728 = tpu.memref_slice %arg7[%dma_wait3A_725, %dma_wait3A_726, %dma_wait3A_727] : memref<2x64x256xf32, #tpu.memory_space<vmem>> -> memref<1x8x128xf32, #tpu.memory_space<vmem>>
      %dma_wait3A_729 = tpu.memref_squeeze %dma_wait3A_728 : memref<1x8x128xf32, #tpu.memory_space<vmem>> -> memref<8x128xf32, #tpu.memory_space<vmem>>
      %dma_wait3A_730 = arith.constant 0 : i32
      %dma_wait3A_731 = arith.constant 0 : i32
      %dma_wait3A_732 = tpu.memref_slice %arg2[%dma_wait3A_722, %dma_wait3A_723, %dma_wait3A_724, %dma_wait3A_730, %dma_wait3A_731] : memref<32x8x32x8x128xf32, #tpu.memory_space<hbm>> -> memref<1x1x1x8x128xf32, #tpu.memory_space<hbm>>
      %dma_wait3A_733 = tpu.memref_squeeze %dma_wait3A_732 : memref<1x1x1x8x128xf32, #tpu.memory_space<hbm>> -> memref<8x128xf32, #tpu.memory_space<hbm>>
      %dma_wait3A_734 = arith.constant 56 : i32
      %dma_wait3A_735 = arith.constant 128 : i32
      %dma_wait3A_736 = tpu.memref_slice %arg7[%dma_wait3A_725, %dma_wait3A_734, %dma_wait3A_735] : memref<2x64x256xf32, #tpu.memory_space<vmem>> -> memref<1x8x128xf32, #tpu.memory_space<vmem>>
      %dma_wait3A_737 = tpu.memref_squeeze %dma_wait3A_736 : memref<1x8x128xf32, #tpu.memory_space<vmem>> -> memref<8x128xf32, #tpu.memory_space<vmem>>
      %dma_wait3A_738 = arith.constant 0 : i32
      %dma_wait3A_739 = arith.constant 0 : i32
      %dma_wait3A_740 = tpu.memref_slice %arg2[%dma_wait3A_722, %dma_wait3A_723, %dma_wait3A_724, %dma_wait3A_738, %dma_wait3A_739] : memref<32x8x32x8x128xf32, #tpu.memory_space<hbm>> -> memref<1x1x1x8x128xf32, #tpu.memory_space<hbm>>
      %dma_wait3A_741 = tpu.memref_squeeze %dma_wait3A_740 : memref<1x1x1x8x128xf32, #tpu.memory_space<hbm>> -> memref<8x128xf32, #tpu.memory_space<hbm>>
      tpu.wait_dma2 semaphore(%arg13 : memref<!tpu.dma_semaphore, #tpu.memory_space<semaphore_mem>>) src(%dma_wait3A_741 : memref<8x128xf32, #tpu.memory_space<hbm>>) dst(%dma_wait3A_737 : memref<8x128xf32, #tpu.memory_space<vmem>>)
      %dma_wait3A_742 = arith.constant 0 : i32
      %dma_wait3A_743 = arith.constant 0 : i32
      %dma_wait3A_744 = arith.constant 0 : i32
      %dma_wait3A_745 = arith.constant 0 : i32
      %dma_wait3A_746 = tpu.memref_slice %arg8[%dma_wait3A_743, %dma_wait3A_744, %dma_wait3A_745] : memref<2x256x64xf32, #tpu.memory_space<vmem>> -> memref<1x128x64xf32, #tpu.memory_space<vmem>>
      %dma_wait3A_747 = tpu.memref_squeeze %dma_wait3A_746 : memref<1x128x64xf32, #tpu.memory_space<vmem>> -> memref<128x64xf32, #tpu.memory_space<vmem>>
      %dma_wait3A_748 = arith.constant 0 : i32
      %dma_wait3A_749 = tpu.memref_slice %arg10[%dma_wait3A_742, %dma_wait3A_748] : memref<32x128xi32, #tpu.memory_space<vmem>> -> memref<1x128xi32, #tpu.memory_space<vmem>>
      %dma_wait3A_750 = tpu.memref_squeeze %dma_wait3A_749 : memref<1x128xi32, #tpu.memory_space<vmem>> -> memref<128xi32, #tpu.memory_space<vmem>>
      %dma_wait3A_751 = arith.constant 0 : i32
      %dma_wait3A_752 = arith.constant 0 : i32
      %dma_wait3A_753 = tpu.memref_slice %arg5[%dma_wait3A_751, %dma_wait3A_752] : memref<8192x64xf32, #tpu.memory_space<hbm>> -> memref<8192x64xf32, #tpu.memory_space<hbm>>
      tpu.wait_indirect_dma semaphore(%arg13 : memref<!tpu.dma_semaphore, #tpu.memory_space<semaphore_mem>>) src(%dma_wait3A_753 : memref<8192x64xf32, #tpu.memory_space<hbm>>) dst(%dma_wait3A_747 : memref<128x64xf32, #tpu.memory_space<vmem>>)
      %dma_wait3A_754 = arith.constant 0 : i32
      %dma_wait3A_755 = arith.constant 0 : i32
      %dma_wait3A_756 = arith.constant 0 : i32
      %dma_wait3A_757 = arith.constant 0 : i32
      %dma_wait3A_758 = tpu.memref_slice %arg9[%dma_wait3A_755, %dma_wait3A_756, %dma_wait3A_757] : memref<2x256x64xf32, #tpu.memory_space<vmem>> -> memref<1x128x64xf32, #tpu.memory_space<vmem>>
      %dma_wait3A_759 = tpu.memref_squeeze %dma_wait3A_758 : memref<1x128x64xf32, #tpu.memory_space<vmem>> -> memref<128x64xf32, #tpu.memory_space<vmem>>
      %dma_wait3A_760 = arith.constant 0 : i32
      %dma_wait3A_761 = tpu.memref_slice %arg11[%dma_wait3A_754, %dma_wait3A_760] : memref<32x128xi32, #tpu.memory_space<vmem>> -> memref<1x128xi32, #tpu.memory_space<vmem>>
      %dma_wait3A_762 = tpu.memref_squeeze %dma_wait3A_761 : memref<1x128xi32, #tpu.memory_space<vmem>> -> memref<128xi32, #tpu.memory_space<vmem>>
      %dma_wait3A_763 = arith.constant 0 : i32
      %dma_wait3A_764 = arith.constant 0 : i32
      %dma_wait3A_765 = tpu.memref_slice %arg5[%dma_wait3A_763, %dma_wait3A_764] : memref<8192x64xf32, #tpu.memory_space<hbm>> -> memref<8192x64xf32, #tpu.memory_space<hbm>>
      tpu.wait_indirect_dma semaphore(%arg13 : memref<!tpu.dma_semaphore, #tpu.memory_space<semaphore_mem>>) src(%dma_wait3A_765 : memref<8192x64xf32, #tpu.memory_space<hbm>>) dst(%dma_wait3A_759 : memref<128x64xf32, #tpu.memory_space<vmem>>)
      %dma_wait3A_766 = arith.constant 1 : i32
      %dma_wait3A_767 = arith.constant 0 : i32
      %dma_wait3A_768 = arith.constant 128 : i32
      %dma_wait3A_769 = arith.constant 0 : i32
      %dma_wait3A_770 = tpu.memref_slice %arg8[%dma_wait3A_767, %dma_wait3A_768, %dma_wait3A_769] : memref<2x256x64xf32, #tpu.memory_space<vmem>> -> memref<1x128x64xf32, #tpu.memory_space<vmem>>
      %dma_wait3A_771 = tpu.memref_squeeze %dma_wait3A_770 : memref<1x128x64xf32, #tpu.memory_space<vmem>> -> memref<128x64xf32, #tpu.memory_space<vmem>>
      %dma_wait3A_772 = arith.constant 0 : i32
      %dma_wait3A_773 = tpu.memref_slice %arg10[%dma_wait3A_766, %dma_wait3A_772] : memref<32x128xi32, #tpu.memory_space<vmem>> -> memref<1x128xi32, #tpu.memory_space<vmem>>
      %dma_wait3A_774 = tpu.memref_squeeze %dma_wait3A_773 : memref<1x128xi32, #tpu.memory_space<vmem>> -> memref<128xi32, #tpu.memory_space<vmem>>
      %dma_wait3A_775 = arith.constant 0 : i32
      %dma_wait3A_776 = arith.constant 0 : i32
      %dma_wait3A_777 = tpu.memref_slice %arg5[%dma_wait3A_775, %dma_wait3A_776] : memref<8192x64xf32, #tpu.memory_space<hbm>> -> memref<8192x64xf32, #tpu.memory_space<hbm>>
      tpu.wait_indirect_dma semaphore(%arg13 : memref<!tpu.dma_semaphore, #tpu.memory_space<semaphore_mem>>) src(%dma_wait3A_777 : memref<8192x64xf32, #tpu.memory_space<hbm>>) dst(%dma_wait3A_771 : memref<128x64xf32, #tpu.memory_space<vmem>>)
      %dma_wait3A_778 = arith.constant 1 : i32
      %dma_wait3A_779 = arith.constant 0 : i32
      %dma_wait3A_780 = arith.constant 128 : i32
      %dma_wait3A_781 = arith.constant 0 : i32
      %dma_wait3A_782 = tpu.memref_slice %arg9[%dma_wait3A_779, %dma_wait3A_780, %dma_wait3A_781] : memref<2x256x64xf32, #tpu.memory_space<vmem>> -> memref<1x128x64xf32, #tpu.memory_space<vmem>>
      %dma_wait3A_783 = tpu.memref_squeeze %dma_wait3A_782 : memref<1x128x64xf32, #tpu.memory_space<vmem>> -> memref<128x64xf32, #tpu.memory_space<vmem>>
      %dma_wait3A_784 = arith.constant 0 : i32
      %dma_wait3A_785 = tpu.memref_slice %arg11[%dma_wait3A_778, %dma_wait3A_784] : memref<32x128xi32, #tpu.memory_space<vmem>> -> memref<1x128xi32, #tpu.memory_space<vmem>>
      %dma_wait3A_786 = tpu.memref_squeeze %dma_wait3A_785 : memref<1x128xi32, #tpu.memory_space<vmem>> -> memref<128xi32, #tpu.memory_space<vmem>>
      %dma_wait3A_787 = arith.constant 0 : i32
      %dma_wait3A_788 = arith.constant 0 : i32
      %dma_wait3A_789 = tpu.memref_slice %arg5[%dma_wait3A_787, %dma_wait3A_788] : memref<8192x64xf32, #tpu.memory_space<hbm>> -> memref<8192x64xf32, #tpu.memory_space<hbm>>
      tpu.wait_indirect_dma semaphore(%arg13 : memref<!tpu.dma_semaphore, #tpu.memory_space<semaphore_mem>>) src(%dma_wait3A_789 : memref<8192x64xf32, #tpu.memory_space<hbm>>) dst(%dma_wait3A_783 : memref<128x64xf32, #tpu.memory_space<vmem>>)
      %scan3A_790 = arith.constant 0 : i32
      %scan3A_791 = arith.constant 0 : i32
      %scan3A_792 = arith.constant 0 : i32
      %scan3A_793 = arith.constant 0 : i32
      %scan3A_794 = arith.constant 16 : i32
      %scan3A_795 = arith.addi %scan3A_793, %scan3A_794 : i32
      %scan3A_796 = arith.constant 1 : i32
      %scan3A_797:3 = scf.for %scan3A_1183 = %scan3A_793 to %scan3A_795 step %scan3A_796 iter_args(%scan3A_1184 = %scan3A_413, %scan3A_1185 = %scan3A_414, %scan3A_1186 = %scan3A_415) -> (vector<16xf32>, vector<16xf32>, vector<16xf32>)  : i32 {
        %mul3A_1187 = arith.constant 16 : i32
        %mul3A_1188 = arith.muli %scan3A_1183, %mul3A_1187 : i32
        %iota3A = tpu.iota {dimensions = array<i32: 0>} : vector<16xi32>
        %add3A_1189 = vector.broadcast %mul3A_1188 : i32 to vector<16xi32>
        %add3A_1190 = arith.addi %add3A_1189, %iota3A : vector<16xi32>
        %broadcast_in_dim3A_1191 = arith.constant 0.000000e+00 : f32
        %broadcast_in_dim3A_1192 = vector.broadcast %broadcast_in_dim3A_1191 : f32 to vector<16xf32>
        %broadcast_in_dim3A_1193 = arith.constant 0.000000e+00 : f32
        %broadcast_in_dim3A_1194 = vector.broadcast %broadcast_in_dim3A_1193 : f32 to vector<16xf32>
        %broadcast_in_dim3A_1195 = arith.constant 0.000000e+00 : f32
        %broadcast_in_dim3A_1196 = vector.broadcast %broadcast_in_dim3A_1195 : f32 to vector<16xf32>
        %broadcast_in_dim3A_1197 = arith.constant 0.000000e+00 : f32
        %broadcast_in_dim3A_1198 = vector.broadcast %broadcast_in_dim3A_1197 : f32 to vector<16xf32>
        %scan3A_1199 = arith.constant 0 : i32
        %scan3A_1200 = arith.constant 8 : i32
        %scan3A_1201 = arith.addi %scan3A_1199, %scan3A_1200 : i32
        %scan3A_1202 = arith.constant 1 : i32
        %scan3A_1203:4 = scf.for %scan3A_1304 = %scan3A_1199 to %scan3A_1201 step %scan3A_1202 iter_args(%scan3A_1305 = %broadcast_in_dim3A_1192, %scan3A_1306 = %broadcast_in_dim3A_1194, %scan3A_1307 = %broadcast_in_dim3A_1196, %scan3A_1308 = %broadcast_in_dim3A_1198) -> (vector<16xf32>, vector<16xf32>, vector<16xf32>, vector<16xf32>)  : i32 {
          %mul3A_1309 = arith.constant 8 : i32
          %mul3A_1310 = arith.muli %scan3A_1304, %mul3A_1309 : i32
          %broadcast_in_dim3A_1311 = arith.constant 0 : i32
          %broadcast_in_dim3A_1312 = vector.broadcast %broadcast_in_dim3A_1311 : i32 to vector<16xi32>
          %add3A_1313 = arith.constant 0 : i32
          %add3A_1314 = arith.addi %mul3A_1310, %add3A_1313 : i32
          %add3A_1315 = vector.broadcast %add3A_1314 : i32 to vector<16xi32>
          %add3A_1316 = arith.addi %broadcast_in_dim3A_1312, %add3A_1315 : vector<16xi32>
          %xor3A = arith.xori %add3A_1316, %iota3A : vector<16xi32>
          %gather3A = arith.constant 0 : i32
          %gather3A_1317 = arith.constant 0 : i32
          %gather3A_1318 = tpu.memref_slice %arg7[%scan3A_790, %gather3A, %gather3A_1317] : memref<2x64x256xf32, #tpu.memory_space<vmem>> -> memref<1x64x256xf32, #tpu.memory_space<vmem>>
          %gather3A_1319 = tpu.memref_squeeze %gather3A_1318 : memref<1x64x256xf32, #tpu.memory_space<vmem>> -> memref<64x256xf32, #tpu.memory_space<vmem>>
          %gather3A_1320 = tpu.vector_load_idx %gather3A_1319[%xor3A, %add3A_1190] : memref<64x256xf32, #tpu.memory_space<vmem>>[vector<16xi32>, vector<16xi32>], vector<16xf32>,
          %gather3A_1321 = arith.constant 0 : i32
          %gather3A_1322 = arith.constant 0 : i32
          %gather3A_1323 = tpu.memref_slice %arg8[%scan3A_791, %gather3A_1321, %gather3A_1322] : memref<2x256x64xf32, #tpu.memory_space<vmem>> -> memref<1x256x64xf32, #tpu.memory_space<vmem>>
          %gather3A_1324 = tpu.memref_squeeze %gather3A_1323 : memref<1x256x64xf32, #tpu.memory_space<vmem>> -> memref<256x64xf32, #tpu.memory_space<vmem>>
          %gather3A_1325 = tpu.vector_load_idx %gather3A_1324[%add3A_1190, %xor3A] : memref<256x64xf32, #tpu.memory_space<vmem>>[vector<16xi32>, vector<16xi32>], vector<16xf32>,
          %gather3A_1326 = arith.constant 0 : i32
          %gather3A_1327 = arith.constant 0 : i32
          %gather3A_1328 = tpu.memref_slice %arg9[%scan3A_792, %gather3A_1326, %gather3A_1327] : memref<2x256x64xf32, #tpu.memory_space<vmem>> -> memref<1x256x64xf32, #tpu.memory_space<vmem>>
          %gather3A_1329 = tpu.memref_squeeze %gather3A_1328 : memref<1x256x64xf32, #tpu.memory_space<vmem>> -> memref<256x64xf32, #tpu.memory_space<vmem>>
          %gather3A_1330 = tpu.vector_load_idx %gather3A_1329[%add3A_1190, %xor3A] : memref<256x64xf32, #tpu.memory_space<vmem>>[vector<16xi32>, vector<16xi32>], vector<16xf32>,
          %sub3A_1331 = arith.subf %gather3A_1320, %gather3A_1325 : vector<16xf32>
          %sub3A_1332 = arith.subf %gather3A_1320, %gather3A_1330 : vector<16xf32>
          %mul3A_1333 = arith.mulf %sub3A_1331, %sub3A_1331 : vector<16xf32>
          %add3A_1334 = arith.addf %scan3A_1305, %mul3A_1333 : vector<16xf32>
          %mul3A_1335 = arith.mulf %sub3A_1332, %sub3A_1332 : vector<16xf32>
          %add3A_1336 = arith.addf %scan3A_1307, %mul3A_1335 : vector<16xf32>
          %broadcast_in_dim3A_1337 = arith.constant 0 : i32
          %broadcast_in_dim3A_1338 = vector.broadcast %broadcast_in_dim3A_1337 : i32 to vector<16xi32>
          %add3A_1339 = arith.constant 1 : i32
          %add3A_1340 = arith.addi %mul3A_1310, %add3A_1339 : i32
          %add3A_1341 = vector.broadcast %add3A_1340 : i32 to vector<16xi32>
          %add3A_1342 = arith.addi %broadcast_in_dim3A_1338, %add3A_1341 : vector<16xi32>
          %xor3A_1343 = arith.xori %add3A_1342, %iota3A : vector<16xi32>
          %gather3A_1344 = arith.constant 0 : i32
          %gather3A_1345 = arith.constant 0 : i32
          %gather3A_1346 = tpu.memref_slice %arg7[%scan3A_790, %gather3A_1344, %gather3A_1345] : memref<2x64x256xf32, #tpu.memory_space<vmem>> -> memref<1x64x256xf32, #tpu.memory_space<vmem>>
          %gather3A_1347 = tpu.memref_squeeze %gather3A_1346 : memref<1x64x256xf32, #tpu.memory_space<vmem>> -> memref<64x256xf32, #tpu.memory_space<vmem>>
          %gather3A_1348 = tpu.vector_load_idx %gather3A_1347[%xor3A_1343, %add3A_1190] : memref<64x256xf32, #tpu.memory_space<vmem>>[vector<16xi32>, vector<16xi32>], vector<16xf32>,
          %gather3A_1349 = arith.constant 0 : i32
          %gather3A_1350 = arith.constant 0 : i32
          %gather3A_1351 = tpu.memref_slice %arg8[%scan3A_791, %gather3A_1349, %gather3A_1350] : memref<2x256x64xf32, #tpu.memory_space<vmem>> -> memref<1x256x64xf32, #tpu.memory_space<vmem>>
          %gather3A_1352 = tpu.memref_squeeze %gather3A_1351 : memref<1x256x64xf32, #tpu.memory_space<vmem>> -> memref<256x64xf32, #tpu.memory_space<vmem>>
          %gather3A_1353 = tpu.vector_load_idx %gather3A_1352[%add3A_1190, %xor3A_1343] : memref<256x64xf32, #tpu.memory_space<vmem>>[vector<16xi32>, vector<16xi32>], vector<16xf32>,
          %gather3A_1354 = arith.constant 0 : i32
          %gather3A_1355 = arith.constant 0 : i32
          %gather3A_1356 = tpu.memref_slice %arg9[%scan3A_792, %gather3A_1354, %gather3A_1355] : memref<2x256x64xf32, #tpu.memory_space<vmem>> -> memref<1x256x64xf32, #tpu.memory_space<vmem>>
          %gather3A_1357 = tpu.memref_squeeze %gather3A_1356 : memref<1x256x64xf32, #tpu.memory_space<vmem>> -> memref<256x64xf32, #tpu.memory_space<vmem>>
          %gather3A_1358 = tpu.vector_load_idx %gather3A_1357[%add3A_1190, %xor3A_1343] : memref<256x64xf32, #tpu.memory_space<vmem>>[vector<16xi32>, vector<16xi32>], vector<16xf32>,
          %sub3A_1359 = arith.subf %gather3A_1348, %gather3A_1353 : vector<16xf32>
          %sub3A_1360 = arith.subf %gather3A_1348, %gather3A_1358 : vector<16xf32>
          %mul3A_1361 = arith.mulf %sub3A_1359, %sub3A_1359 : vector<16xf32>
          %add3A_1362 = arith.addf %scan3A_1306, %mul3A_1361 : vector<16xf32>
          %mul3A_1363 = arith.mulf %sub3A_1360, %sub3A_1360 : vector<16xf32>
          %add3A_1364 = arith.addf %scan3A_1308, %mul3A_1363 : vector<16xf32>
          %broadcast_in_dim3A_1365 = arith.constant 0 : i32
          %broadcast_in_dim3A_1366 = vector.broadcast %broadcast_in_dim3A_1365 : i32 to vector<16xi32>
          %add3A_1367 = arith.constant 2 : i32
          %add3A_1368 = arith.addi %mul3A_1310, %add3A_1367 : i32
          %add3A_1369 = vector.broadcast %add3A_1368 : i32 to vector<16xi32>
          %add3A_1370 = arith.addi %broadcast_in_dim3A_1366, %add3A_1369 : vector<16xi32>
          %xor3A_1371 = arith.xori %add3A_1370, %iota3A : vector<16xi32>
          %gather3A_1372 = arith.constant 0 : i32
          %gather3A_1373 = arith.constant 0 : i32
          %gather3A_1374 = tpu.memref_slice %arg7[%scan3A_790, %gather3A_1372, %gather3A_1373] : memref<2x64x256xf32, #tpu.memory_space<vmem>> -> memref<1x64x256xf32, #tpu.memory_space<vmem>>
          %gather3A_1375 = tpu.memref_squeeze %gather3A_1374 : memref<1x64x256xf32, #tpu.memory_space<vmem>> -> memref<64x256xf32, #tpu.memory_space<vmem>>
          %gather3A_1376 = tpu.vector_load_idx %gather3A_1375[%xor3A_1371, %add3A_1190] : memref<64x256xf32, #tpu.memory_space<vmem>>[vector<16xi32>, vector<16xi32>], vector<16xf32>,
          %gather3A_1377 = arith.constant 0 : i32
          %gather3A_1378 = arith.constant 0 : i32
          %gather3A_1379 = tpu.memref_slice %arg8[%scan3A_791, %gather3A_1377, %gather3A_1378] : memref<2x256x64xf32, #tpu.memory_space<vmem>> -> memref<1x256x64xf32, #tpu.memory_space<vmem>>
          %gather3A_1380 = tpu.memref_squeeze %gather3A_1379 : memref<1x256x64xf32, #tpu.memory_space<vmem>> -> memref<256x64xf32, #tpu.memory_space<vmem>>
          %gather3A_1381 = tpu.vector_load_idx %gather3A_1380[%add3A_1190, %xor3A_1371] : memref<256x64xf32, #tpu.memory_space<vmem>>[vector<16xi32>, vector<16xi32>], vector<16xf32>,
          %gather3A_1382 = arith.constant 0 : i32
          %gather3A_1383 = arith.constant 0 : i32
          %gather3A_1384 = tpu.memref_slice %arg9[%scan3A_792, %gather3A_1382, %gather3A_1383] : memref<2x256x64xf32, #tpu.memory_space<vmem>> -> memref<1x256x64xf32, #tpu.memory_space<vmem>>
          %gather3A_1385 = tpu.memref_squeeze %gather3A_1384 : memref<1x256x64xf32, #tpu.memory_space<vmem>> -> memref<256x64xf32, #tpu.memory_space<vmem>>
          %gather3A_1386 = tpu.vector_load_idx %gather3A_1385[%add3A_1190, %xor3A_1371] : memref<256x64xf32, #tpu.memory_space<vmem>>[vector<16xi32>, vector<16xi32>], vector<16xf32>,
          %sub3A_1387 = arith.subf %gather3A_1376, %gather3A_1381 : vector<16xf32>
          %sub3A_1388 = arith.subf %gather3A_1376, %gather3A_1386 : vector<16xf32>
          %mul3A_1389 = arith.mulf %sub3A_1387, %sub3A_1387 : vector<16xf32>
          %add3A_1390 = arith.addf %add3A_1334, %mul3A_1389 : vector<16xf32>
          %mul3A_1391 = arith.mulf %sub3A_1388, %sub3A_1388 : vector<16xf32>
          %add3A_1392 = arith.addf %add3A_1336, %mul3A_1391 : vector<16xf32>
          %broadcast_in_dim3A_1393 = arith.constant 0 : i32
          %broadcast_in_dim3A_1394 = vector.broadcast %broadcast_in_dim3A_1393 : i32 to vector<16xi32>
          %add3A_1395 = arith.constant 3 : i32
          %add3A_1396 = arith.addi %mul3A_1310, %add3A_1395 : i32
          %add3A_1397 = vector.broadcast %add3A_1396 : i32 to vector<16xi32>
          %add3A_1398 = arith.addi %broadcast_in_dim3A_1394, %add3A_1397 : vector<16xi32>
          %xor3A_1399 = arith.xori %add3A_1398, %iota3A : vector<16xi32>
          %gather3A_1400 = arith.constant 0 : i32
          %gather3A_1401 = arith.constant 0 : i32
          %gather3A_1402 = tpu.memref_slice %arg7[%scan3A_790, %gather3A_1400, %gather3A_1401] : memref<2x64x256xf32, #tpu.memory_space<vmem>> -> memref<1x64x256xf32, #tpu.memory_space<vmem>>
          %gather3A_1403 = tpu.memref_squeeze %gather3A_1402 : memref<1x64x256xf32, #tpu.memory_space<vmem>> -> memref<64x256xf32, #tpu.memory_space<vmem>>
          %gather3A_1404 = tpu.vector_load_idx %gather3A_1403[%xor3A_1399, %add3A_1190] : memref<64x256xf32, #tpu.memory_space<vmem>>[vector<16xi32>, vector<16xi32>], vector<16xf32>,
          %gather3A_1405 = arith.constant 0 : i32
          %gather3A_1406 = arith.constant 0 : i32
          %gather3A_1407 = tpu.memref_slice %arg8[%scan3A_791, %gather3A_1405, %gather3A_1406] : memref<2x256x64xf32, #tpu.memory_space<vmem>> -> memref<1x256x64xf32, #tpu.memory_space<vmem>>
          %gather3A_1408 = tpu.memref_squeeze %gather3A_1407 : memref<1x256x64xf32, #tpu.memory_space<vmem>> -> memref<256x64xf32, #tpu.memory_space<vmem>>
          %gather3A_1409 = tpu.vector_load_idx %gather3A_1408[%add3A_1190, %xor3A_1399] : memref<256x64xf32, #tpu.memory_space<vmem>>[vector<16xi32>, vector<16xi32>], vector<16xf32>,
          %gather3A_1410 = arith.constant 0 : i32
          %gather3A_1411 = arith.constant 0 : i32
          %gather3A_1412 = tpu.memref_slice %arg9[%scan3A_792, %gather3A_1410, %gather3A_1411] : memref<2x256x64xf32, #tpu.memory_space<vmem>> -> memref<1x256x64xf32, #tpu.memory_space<vmem>>
          %gather3A_1413 = tpu.memref_squeeze %gather3A_1412 : memref<1x256x64xf32, #tpu.memory_space<vmem>> -> memref<256x64xf32, #tpu.memory_space<vmem>>
          %gather3A_1414 = tpu.vector_load_idx %gather3A_1413[%add3A_1190, %xor3A_1399] : memref<256x64xf32, #tpu.memory_space<vmem>>[vector<16xi32>, vector<16xi32>], vector<16xf32>,
          %sub3A_1415 = arith.subf %gather3A_1404, %gather3A_1409 : vector<16xf32>
          %sub3A_1416 = arith.subf %gather3A_1404, %gather3A_1414 : vector<16xf32>
          %mul3A_1417 = arith.mulf %sub3A_1415, %sub3A_1415 : vector<16xf32>
          %add3A_1418 = arith.addf %add3A_1362, %mul3A_1417 : vector<16xf32>
          %mul3A_1419 = arith.mulf %sub3A_1416, %sub3A_1416 : vector<16xf32>
          %add3A_1420 = arith.addf %add3A_1364, %mul3A_1419 : vector<16xf32>
          %broadcast_in_dim3A_1421 = arith.constant 0 : i32
          %broadcast_in_dim3A_1422 = vector.broadcast %broadcast_in_dim3A_1421 : i32 to vector<16xi32>
          %add3A_1423 = arith.constant 4 : i32
          %add3A_1424 = arith.addi %mul3A_1310, %add3A_1423 : i32
          %add3A_1425 = vector.broadcast %add3A_1424 : i32 to vector<16xi32>
          %add3A_1426 = arith.addi %broadcast_in_dim3A_1422, %add3A_1425 : vector<16xi32>
          %xor3A_1427 = arith.xori %add3A_1426, %iota3A : vector<16xi32>
          %gather3A_1428 = arith.constant 0 : i32
          %gather3A_1429 = arith.constant 0 : i32
          %gather3A_1430 = tpu.memref_slice %arg7[%scan3A_790, %gather3A_1428, %gather3A_1429] : memref<2x64x256xf32, #tpu.memory_space<vmem>> -> memref<1x64x256xf32, #tpu.memory_space<vmem>>
          %gather3A_1431 = tpu.memref_squeeze %gather3A_1430 : memref<1x64x256xf32, #tpu.memory_space<vmem>> -> memref<64x256xf32, #tpu.memory_space<vmem>>
          %gather3A_1432 = tpu.vector_load_idx %gather3A_1431[%xor3A_1427, %add3A_1190] : memref<64x256xf32, #tpu.memory_space<vmem>>[vector<16xi32>, vector<16xi32>], vector<16xf32>,
          %gather3A_1433 = arith.constant 0 : i32
          %gather3A_1434 = arith.constant 0 : i32
          %gather3A_1435 = tpu.memref_slice %arg8[%scan3A_791, %gather3A_1433, %gather3A_1434] : memref<2x256x64xf32, #tpu.memory_space<vmem>> -> memref<1x256x64xf32, #tpu.memory_space<vmem>>
          %gather3A_1436 = tpu.memref_squeeze %gather3A_1435 : memref<1x256x64xf32, #tpu.memory_space<vmem>> -> memref<256x64xf32, #tpu.memory_space<vmem>>
          %gather3A_1437 = tpu.vector_load_idx %gather3A_1436[%add3A_1190, %xor3A_1427] : memref<256x64xf32, #tpu.memory_space<vmem>>[vector<16xi32>, vector<16xi32>], vector<16xf32>,
          %gather3A_1438 = arith.constant 0 : i32
          %gather3A_1439 = arith.constant 0 : i32
          %gather3A_1440 = tpu.memref_slice %arg9[%scan3A_792, %gather3A_1438, %gather3A_1439] : memref<2x256x64xf32, #tpu.memory_space<vmem>> -> memref<1x256x64xf32, #tpu.memory_space<vmem>>
          %gather3A_1441 = tpu.memref_squeeze %gather3A_1440 : memref<1x256x64xf32, #tpu.memory_space<vmem>> -> memref<256x64xf32, #tpu.memory_space<vmem>>
          %gather3A_1442 = tpu.vector_load_idx %gather3A_1441[%add3A_1190, %xor3A_1427] : memref<256x64xf32, #tpu.memory_space<vmem>>[vector<16xi32>, vector<16xi32>], vector<16xf32>,
          %sub3A_1443 = arith.subf %gather3A_1432, %gather3A_1437 : vector<16xf32>
          %sub3A_1444 = arith.subf %gather3A_1432, %gather3A_1442 : vector<16xf32>
          %mul3A_1445 = arith.mulf %sub3A_1443, %sub3A_1443 : vector<16xf32>
          %add3A_1446 = arith.addf %add3A_1390, %mul3A_1445 : vector<16xf32>
          %mul3A_1447 = arith.mulf %sub3A_1444, %sub3A_1444 : vector<16xf32>
          %add3A_1448 = arith.addf %add3A_1392, %mul3A_1447 : vector<16xf32>
          %broadcast_in_dim3A_1449 = arith.constant 0 : i32
          %broadcast_in_dim3A_1450 = vector.broadcast %broadcast_in_dim3A_1449 : i32 to vector<16xi32>
          %add3A_1451 = arith.constant 5 : i32
          %add3A_1452 = arith.addi %mul3A_1310, %add3A_1451 : i32
          %add3A_1453 = vector.broadcast %add3A_1452 : i32 to vector<16xi32>
          %add3A_1454 = arith.addi %broadcast_in_dim3A_1450, %add3A_1453 : vector<16xi32>
          %xor3A_1455 = arith.xori %add3A_1454, %iota3A : vector<16xi32>
          %gather3A_1456 = arith.constant 0 : i32
          %gather3A_1457 = arith.constant 0 : i32
          %gather3A_1458 = tpu.memref_slice %arg7[%scan3A_790, %gather3A_1456, %gather3A_1457] : memref<2x64x256xf32, #tpu.memory_space<vmem>> -> memref<1x64x256xf32, #tpu.memory_space<vmem>>
          %gather3A_1459 = tpu.memref_squeeze %gather3A_1458 : memref<1x64x256xf32, #tpu.memory_space<vmem>> -> memref<64x256xf32, #tpu.memory_space<vmem>>
          %gather3A_1460 = tpu.vector_load_idx %gather3A_1459[%xor3A_1455, %add3A_1190] : memref<64x256xf32, #tpu.memory_space<vmem>>[vector<16xi32>, vector<16xi32>], vector<16xf32>,
          %gather3A_1461 = arith.constant 0 : i32
          %gather3A_1462 = arith.constant 0 : i32
          %gather3A_1463 = tpu.memref_slice %arg8[%scan3A_791, %gather3A_1461, %gather3A_1462] : memref<2x256x64xf32, #tpu.memory_space<vmem>> -> memref<1x256x64xf32, #tpu.memory_space<vmem>>
          %gather3A_1464 = tpu.memref_squeeze %gather3A_1463 : memref<1x256x64xf32, #tpu.memory_space<vmem>> -> memref<256x64xf32, #tpu.memory_space<vmem>>
          %gather3A_1465 = tpu.vector_load_idx %gather3A_1464[%add3A_1190, %xor3A_1455] : memref<256x64xf32, #tpu.memory_space<vmem>>[vector<16xi32>, vector<16xi32>], vector<16xf32>,
          %gather3A_1466 = arith.constant 0 : i32
          %gather3A_1467 = arith.constant 0 : i32
          %gather3A_1468 = tpu.memref_slice %arg9[%scan3A_792, %gather3A_1466, %gather3A_1467] : memref<2x256x64xf32, #tpu.memory_space<vmem>> -> memref<1x256x64xf32, #tpu.memory_space<vmem>>
          %gather3A_1469 = tpu.memref_squeeze %gather3A_1468 : memref<1x256x64xf32, #tpu.memory_space<vmem>> -> memref<256x64xf32, #tpu.memory_space<vmem>>
          %gather3A_1470 = tpu.vector_load_idx %gather3A_1469[%add3A_1190, %xor3A_1455] : memref<256x64xf32, #tpu.memory_space<vmem>>[vector<16xi32>, vector<16xi32>], vector<16xf32>,
          %sub3A_1471 = arith.subf %gather3A_1460, %gather3A_1465 : vector<16xf32>
          %sub3A_1472 = arith.subf %gather3A_1460, %gather3A_1470 : vector<16xf32>
          %mul3A_1473 = arith.mulf %sub3A_1471, %sub3A_1471 : vector<16xf32>
          %add3A_1474 = arith.addf %add3A_1418, %mul3A_1473 : vector<16xf32>
          %mul3A_1475 = arith.mulf %sub3A_1472, %sub3A_1472 : vector<16xf32>
          %add3A_1476 = arith.addf %add3A_1420, %mul3A_1475 : vector<16xf32>
          %broadcast_in_dim3A_1477 = arith.constant 0 : i32
          %broadcast_in_dim3A_1478 = vector.broadcast %broadcast_in_dim3A_1477 : i32 to vector<16xi32>
          %add3A_1479 = arith.constant 6 : i32
          %add3A_1480 = arith.addi %mul3A_1310, %add3A_1479 : i32
          %add3A_1481 = vector.broadcast %add3A_1480 : i32 to vector<16xi32>
          %add3A_1482 = arith.addi %broadcast_in_dim3A_1478, %add3A_1481 : vector<16xi32>
          %xor3A_1483 = arith.xori %add3A_1482, %iota3A : vector<16xi32>
          %gather3A_1484 = arith.constant 0 : i32
          %gather3A_1485 = arith.constant 0 : i32
          %gather3A_1486 = tpu.memref_slice %arg7[%scan3A_790, %gather3A_1484, %gather3A_1485] : memref<2x64x256xf32, #tpu.memory_space<vmem>> -> memref<1x64x256xf32, #tpu.memory_space<vmem>>
          %gather3A_1487 = tpu.memref_squeeze %gather3A_1486 : memref<1x64x256xf32, #tpu.memory_space<vmem>> -> memref<64x256xf32, #tpu.memory_space<vmem>>
          %gather3A_1488 = tpu.vector_load_idx %gather3A_1487[%xor3A_1483, %add3A_1190] : memref<64x256xf32, #tpu.memory_space<vmem>>[vector<16xi32>, vector<16xi32>], vector<16xf32>,
          %gather3A_1489 = arith.constant 0 : i32
          %gather3A_1490 = arith.constant 0 : i32
          %gather3A_1491 = tpu.memref_slice %arg8[%scan3A_791, %gather3A_1489, %gather3A_1490] : memref<2x256x64xf32, #tpu.memory_space<vmem>> -> memref<1x256x64xf32, #tpu.memory_space<vmem>>
          %gather3A_1492 = tpu.memref_squeeze %gather3A_1491 : memref<1x256x64xf32, #tpu.memory_space<vmem>> -> memref<256x64xf32, #tpu.memory_space<vmem>>
          %gather3A_1493 = tpu.vector_load_idx %gather3A_1492[%add3A_1190, %xor3A_1483] : memref<256x64xf32, #tpu.memory_space<vmem>>[vector<16xi32>, vector<16xi32>], vector<16xf32>,
          %gather3A_1494 = arith.constant 0 : i32
          %gather3A_1495 = arith.constant 0 : i32
          %gather3A_1496 = tpu.memref_slice %arg9[%scan3A_792, %gather3A_1494, %gather3A_1495] : memref<2x256x64xf32, #tpu.memory_space<vmem>> -> memref<1x256x64xf32, #tpu.memory_space<vmem>>
          %gather3A_1497 = tpu.memref_squeeze %gather3A_1496 : memref<1x256x64xf32, #tpu.memory_space<vmem>> -> memref<256x64xf32, #tpu.memory_space<vmem>>
          %gather3A_1498 = tpu.vector_load_idx %gather3A_1497[%add3A_1190, %xor3A_1483] : memref<256x64xf32, #tpu.memory_space<vmem>>[vector<16xi32>, vector<16xi32>], vector<16xf32>,
          %sub3A_1499 = arith.subf %gather3A_1488, %gather3A_1493 : vector<16xf32>
          %sub3A_1500 = arith.subf %gather3A_1488, %gather3A_1498 : vector<16xf32>
          %mul3A_1501 = arith.mulf %sub3A_1499, %sub3A_1499 : vector<16xf32>
          %add3A_1502 = arith.addf %add3A_1446, %mul3A_1501 : vector<16xf32>
          %mul3A_1503 = arith.mulf %sub3A_1500, %sub3A_1500 : vector<16xf32>
          %add3A_1504 = arith.addf %add3A_1448, %mul3A_1503 : vector<16xf32>
          %broadcast_in_dim3A_1505 = arith.constant 0 : i32
          %broadcast_in_dim3A_1506 = vector.broadcast %broadcast_in_dim3A_1505 : i32 to vector<16xi32>
          %add3A_1507 = arith.constant 7 : i32
          %add3A_1508 = arith.addi %mul3A_1310, %add3A_1507 : i32
          %add3A_1509 = vector.broadcast %add3A_1508 : i32 to vector<16xi32>
          %add3A_1510 = arith.addi %broadcast_in_dim3A_1506, %add3A_1509 : vector<16xi32>
          %xor3A_1511 = arith.xori %add3A_1510, %iota3A : vector<16xi32>
          %gather3A_1512 = arith.constant 0 : i32
          %gather3A_1513 = arith.constant 0 : i32
          %gather3A_1514 = tpu.memref_slice %arg7[%scan3A_790, %gather3A_1512, %gather3A_1513] : memref<2x64x256xf32, #tpu.memory_space<vmem>> -> memref<1x64x256xf32, #tpu.memory_space<vmem>>
          %gather3A_1515 = tpu.memref_squeeze %gather3A_1514 : memref<1x64x256xf32, #tpu.memory_space<vmem>> -> memref<64x256xf32, #tpu.memory_space<vmem>>
          %gather3A_1516 = tpu.vector_load_idx %gather3A_1515[%xor3A_1511, %add3A_1190] : memref<64x256xf32, #tpu.memory_space<vmem>>[vector<16xi32>, vector<16xi32>], vector<16xf32>,
          %gather3A_1517 = arith.constant 0 : i32
          %gather3A_1518 = arith.constant 0 : i32
          %gather3A_1519 = tpu.memref_slice %arg8[%scan3A_791, %gather3A_1517, %gather3A_1518] : memref<2x256x64xf32, #tpu.memory_space<vmem>> -> memref<1x256x64xf32, #tpu.memory_space<vmem>>
          %gather3A_1520 = tpu.memref_squeeze %gather3A_1519 : memref<1x256x64xf32, #tpu.memory_space<vmem>> -> memref<256x64xf32, #tpu.memory_space<vmem>>
          %gather3A_1521 = tpu.vector_load_idx %gather3A_1520[%add3A_1190, %xor3A_1511] : memref<256x64xf32, #tpu.memory_space<vmem>>[vector<16xi32>, vector<16xi32>], vector<16xf32>,
          %gather3A_1522 = arith.constant 0 : i32
          %gather3A_1523 = arith.constant 0 : i32
          %gather3A_1524 = tpu.memref_slice %arg9[%scan3A_792, %gather3A_1522, %gather3A_1523] : memref<2x256x64xf32, #tpu.memory_space<vmem>> -> memref<1x256x64xf32, #tpu.memory_space<vmem>>
          %gather3A_1525 = tpu.memref_squeeze %gather3A_1524 : memref<1x256x64xf32, #tpu.memory_space<vmem>> -> memref<256x64xf32, #tpu.memory_space<vmem>>
          %gather3A_1526 = tpu.vector_load_idx %gather3A_1525[%add3A_1190, %xor3A_1511] : memref<256x64xf32, #tpu.memory_space<vmem>>[vector<16xi32>, vector<16xi32>], vector<16xf32>,
          %sub3A_1527 = arith.subf %gather3A_1516, %gather3A_1521 : vector<16xf32>
          %sub3A_1528 = arith.subf %gather3A_1516, %gather3A_1526 : vector<16xf32>
          %mul3A_1529 = arith.mulf %sub3A_1527, %sub3A_1527 : vector<16xf32>
          %add3A_1530 = arith.addf %add3A_1474, %mul3A_1529 : vector<16xf32>
          %mul3A_1531 = arith.mulf %sub3A_1528, %sub3A_1528 : vector<16xf32>
          %add3A_1532 = arith.addf %add3A_1476, %mul3A_1531 : vector<16xf32>
          scf.yield %add3A_1502, %add3A_1530, %add3A_1504, %add3A_1532 : vector<16xf32>, vector<16xf32>, vector<16xf32>, vector<16xf32>
        }
        %scan3A_1204 = arith.constant 8 : i32
        %add3A_1205 = arith.addf %scan3A_1203#0, %scan3A_1203#1 : vector<16xf32>
        %bitcast_convert_type3A = tpu.bitcast %add3A_1205 : vector<16xf32> -> vector<16xi32>
        %shift_right_logical3A = arith.constant 1 : i32
        %shift_right_logical3A_1206 = vector.broadcast %shift_right_logical3A : i32 to vector<16xi32>
        %shift_right_logical3A_1207 = arith.shrui %bitcast_convert_type3A, %shift_right_logical3A_1206 : vector<16xi32>
        %sub3A_1208 = arith.constant 1597463007 : i32
        %sub3A_1209 = vector.broadcast %sub3A_1208 : i32 to vector<16xi32>
        %sub3A_1210 = arith.subi %sub3A_1209, %shift_right_logical3A_1207 : vector<16xi32>
        %bitcast_convert_type3A_1211 = tpu.bitcast %sub3A_1210 : vector<16xi32> -> vector<16xf32>
        %mul3A_1212 = arith.constant 5.000000e-01 : f32
        %mul3A_1213 = vector.broadcast %mul3A_1212 : f32 to vector<16xf32>
        %mul3A_1214 = arith.mulf %mul3A_1213, %add3A_1205 : vector<16xf32>
        %mul3A_1215 = arith.mulf %mul3A_1214, %bitcast_convert_type3A_1211 : vector<16xf32>
        %mul3A_1216 = arith.mulf %mul3A_1215, %bitcast_convert_type3A_1211 : vector<16xf32>
        %sub3A_1217 = arith.constant 1.500000e+00 : f32
        %sub3A_1218 = vector.broadcast %sub3A_1217 : f32 to vector<16xf32>
        %sub3A_1219 = arith.subf %sub3A_1218, %mul3A_1216 : vector<16xf32>
        %mul3A_1220 = arith.mulf %bitcast_convert_type3A_1211, %sub3A_1219 : vector<16xf32>
        %mul3A_1221 = arith.constant 5.000000e-01 : f32
        %mul3A_1222 = vector.broadcast %mul3A_1221 : f32 to vector<16xf32>
        %mul3A_1223 = arith.mulf %mul3A_1222, %add3A_1205 : vector<16xf32>
        %mul3A_1224 = arith.mulf %mul3A_1223, %mul3A_1220 : vector<16xf32>
        %mul3A_1225 = arith.mulf %mul3A_1224, %mul3A_1220 : vector<16xf32>
        %sub3A_1226 = arith.constant 1.500000e+00 : f32
        %sub3A_1227 = vector.broadcast %sub3A_1226 : f32 to vector<16xf32>
        %sub3A_1228 = arith.subf %sub3A_1227, %mul3A_1225 : vector<16xf32>
        %mul3A_1229 = arith.mulf %mul3A_1220, %sub3A_1228 : vector<16xf32>
        %mul3A_1230 = arith.constant 5.000000e-01 : f32
        %mul3A_1231 = vector.broadcast %mul3A_1230 : f32 to vector<16xf32>
        %mul3A_1232 = arith.mulf %mul3A_1231, %add3A_1205 : vector<16xf32>
        %mul3A_1233 = arith.mulf %mul3A_1232, %mul3A_1229 : vector<16xf32>
        %mul3A_1234 = arith.mulf %mul3A_1233, %mul3A_1229 : vector<16xf32>
        %sub3A_1235 = arith.constant 1.500000e+00 : f32
        %sub3A_1236 = vector.broadcast %sub3A_1235 : f32 to vector<16xf32>
        %sub3A_1237 = arith.subf %sub3A_1236, %mul3A_1234 : vector<16xf32>
        %mul3A_1238 = arith.mulf %mul3A_1229, %sub3A_1237 : vector<16xf32>
        %mul3A_1239 = arith.constant 5.000000e-01 : f32
        %mul3A_1240 = vector.broadcast %mul3A_1239 : f32 to vector<16xf32>
        %mul3A_1241 = arith.mulf %mul3A_1240, %add3A_1205 : vector<16xf32>
        %mul3A_1242 = arith.mulf %mul3A_1241, %mul3A_1238 : vector<16xf32>
        %mul3A_1243 = arith.mulf %mul3A_1242, %mul3A_1238 : vector<16xf32>
        %sub3A_1244 = arith.constant 1.500000e+00 : f32
        %sub3A_1245 = vector.broadcast %sub3A_1244 : f32 to vector<16xf32>
        %sub3A_1246 = arith.subf %sub3A_1245, %mul3A_1243 : vector<16xf32>
        %mul3A_1247 = arith.mulf %mul3A_1238, %sub3A_1246 : vector<16xf32>
        %mul3A_1248 = arith.mulf %add3A_1205, %mul3A_1247 : vector<16xf32>
        %add3A_1249 = arith.addf %scan3A_1203#2, %scan3A_1203#3 : vector<16xf32>
        %bitcast_convert_type3A_1250 = tpu.bitcast %add3A_1249 : vector<16xf32> -> vector<16xi32>
        %shift_right_logical3A_1251 = arith.constant 1 : i32
        %shift_right_logical3A_1252 = vector.broadcast %shift_right_logical3A_1251 : i32 to vector<16xi32>
        %shift_right_logical3A_1253 = arith.shrui %bitcast_convert_type3A_1250, %shift_right_logical3A_1252 : vector<16xi32>
        %sub3A_1254 = arith.constant 1597463007 : i32
        %sub3A_1255 = vector.broadcast %sub3A_1254 : i32 to vector<16xi32>
        %sub3A_1256 = arith.subi %sub3A_1255, %shift_right_logical3A_1253 : vector<16xi32>
        %bitcast_convert_type3A_1257 = tpu.bitcast %sub3A_1256 : vector<16xi32> -> vector<16xf32>
        %mul3A_1258 = arith.constant 5.000000e-01 : f32
        %mul3A_1259 = vector.broadcast %mul3A_1258 : f32 to vector<16xf32>
        %mul3A_1260 = arith.mulf %mul3A_1259, %add3A_1249 : vector<16xf32>
        %mul3A_1261 = arith.mulf %mul3A_1260, %bitcast_convert_type3A_1257 : vector<16xf32>
        %mul3A_1262 = arith.mulf %mul3A_1261, %bitcast_convert_type3A_1257 : vector<16xf32>
        %sub3A_1263 = arith.constant 1.500000e+00 : f32
        %sub3A_1264 = vector.broadcast %sub3A_1263 : f32 to vector<16xf32>
        %sub3A_1265 = arith.subf %sub3A_1264, %mul3A_1262 : vector<16xf32>
        %mul3A_1266 = arith.mulf %bitcast_convert_type3A_1257, %sub3A_1265 : vector<16xf32>
        %mul3A_1267 = arith.constant 5.000000e-01 : f32
        %mul3A_1268 = vector.broadcast %mul3A_1267 : f32 to vector<16xf32>
        %mul3A_1269 = arith.mulf %mul3A_1268, %add3A_1249 : vector<16xf32>
        %mul3A_1270 = arith.mulf %mul3A_1269, %mul3A_1266 : vector<16xf32>
        %mul3A_1271 = arith.mulf %mul3A_1270, %mul3A_1266 : vector<16xf32>
        %sub3A_1272 = arith.constant 1.500000e+00 : f32
        %sub3A_1273 = vector.broadcast %sub3A_1272 : f32 to vector<16xf32>
        %sub3A_1274 = arith.subf %sub3A_1273, %mul3A_1271 : vector<16xf32>
        %mul3A_1275 = arith.mulf %mul3A_1266, %sub3A_1274 : vector<16xf32>
        %mul3A_1276 = arith.constant 5.000000e-01 : f32
        %mul3A_1277 = vector.broadcast %mul3A_1276 : f32 to vector<16xf32>
        %mul3A_1278 = arith.mulf %mul3A_1277, %add3A_1249 : vector<16xf32>
        %mul3A_1279 = arith.mulf %mul3A_1278, %mul3A_1275 : vector<16xf32>
        %mul3A_1280 = arith.mulf %mul3A_1279, %mul3A_1275 : vector<16xf32>
        %sub3A_1281 = arith.constant 1.500000e+00 : f32
        %sub3A_1282 = vector.broadcast %sub3A_1281 : f32 to vector<16xf32>
        %sub3A_1283 = arith.subf %sub3A_1282, %mul3A_1280 : vector<16xf32>
        %mul3A_1284 = arith.mulf %mul3A_1275, %sub3A_1283 : vector<16xf32>
        %mul3A_1285 = arith.constant 5.000000e-01 : f32
        %mul3A_1286 = vector.broadcast %mul3A_1285 : f32 to vector<16xf32>
        %mul3A_1287 = arith.mulf %mul3A_1286, %add3A_1249 : vector<16xf32>
        %mul3A_1288 = arith.mulf %mul3A_1287, %mul3A_1284 : vector<16xf32>
        %mul3A_1289 = arith.mulf %mul3A_1288, %mul3A_1284 : vector<16xf32>
        %sub3A_1290 = arith.constant 1.500000e+00 : f32
        %sub3A_1291 = vector.broadcast %sub3A_1290 : f32 to vector<16xf32>
        %sub3A_1292 = arith.subf %sub3A_1291, %mul3A_1289 : vector<16xf32>
        %mul3A_1293 = arith.mulf %mul3A_1284, %sub3A_1292 : vector<16xf32>
        %mul3A_1294 = arith.mulf %add3A_1249, %mul3A_1293 : vector<16xf32>
        %sub3A_1295 = arith.subf %mul3A_1248, %mul3A_1294 : vector<16xf32>
        %add3A_1296 = arith.constant 2.000000e-01 : f32
        %add3A_1297 = vector.broadcast %add3A_1296 : f32 to vector<16xf32>
        %add3A_1298 = arith.addf %sub3A_1295, %add3A_1297 : vector<16xf32>
        %max3A = arith.constant 0.000000e+00 : f32
        %max3A_1299 = vector.broadcast %max3A : f32 to vector<16xf32>
        %max3A_1300 = arith.maximumf %add3A_1298, %max3A_1299 : vector<16xf32>
        %add3A_1301 = arith.addf %scan3A_1184, %max3A_1300 : vector<16xf32>
        %add3A_1302 = arith.addf %scan3A_1185, %mul3A_1248 : vector<16xf32>
        %add3A_1303 = arith.addf %scan3A_1186, %mul3A_1294 : vector<16xf32>
        scf.yield %add3A_1301, %add3A_1302, %add3A_1303 : vector<16xf32>, vector<16xf32>, vector<16xf32>
      }
      %scan3A_798 = arith.constant 16 : i32
      %add3A_799 = arith.constant 2 : i32
      %add3A_800 = arith.addi %mul3A_417, %add3A_799 : i32
      %lt3A_801 = arith.constant 16 : i32
      %lt3A_802 = arith.cmpi slt, %add3A_800, %lt3A_801 : i32
      %convert_element_type3A_803 = arith.extui %lt3A_802 : i1 to i32
      %cond3A_804 = arith.constant 0 : i32
      %cond3A_805 = arith.cmpi ne, %convert_element_type3A_803, %cond3A_804 : i32
      scf.if %cond3A_805 {
        %add3A_1183 = arith.constant 2 : i32
        %add3A_1184 = arith.addi %mul3A_417, %add3A_1183 : i32
        %mul3A_1185 = arith.constant 2 : i32
        %mul3A_1186 = arith.muli %add3A_1184, %mul3A_1185 : i32
        %add3A_1187 = arith.constant 0 : i32
        %add3A_1188 = arith.addi %mul3A_1186, %add3A_1187 : i32
        %dma_start3A_1189 = arith.constant 0 : i32
        %dma_start3A_1190 = arith.constant 0 : i32
        %dma_start3A_1191 = arith.constant 0 : i32
        %dma_start3A_1192 = arith.constant 0 : i32
        %dma_start3A_1193 = tpu.memref_slice %arg7[%dma_start3A_1190, %dma_start3A_1191, %dma_start3A_1192] : memref<2x64x256xf32, #tpu.memory_space<vmem>> -> memref<1x8x128xf32, #tpu.memory_space<vmem>>
        %dma_start3A_1194 = tpu.memref_squeeze %dma_start3A_1193 : memref<1x8x128xf32, #tpu.memory_space<vmem>> -> memref<8x128xf32, #tpu.memory_space<vmem>>
        %dma_start3A_1195 = arith.constant 0 : i32
        %dma_start3A_1196 = arith.constant 0 : i32
        %dma_start3A_1197 = tpu.memref_slice %arg2[%add3A, %dma_start3A_1189, %add3A_1188, %dma_start3A_1195, %dma_start3A_1196] : memref<32x8x32x8x128xf32, #tpu.memory_space<hbm>> -> memref<1x1x1x8x128xf32, #tpu.memory_space<hbm>>
        %dma_start3A_1198 = tpu.memref_squeeze %dma_start3A_1197 : memref<1x1x1x8x128xf32, #tpu.memory_space<hbm>> -> memref<8x128xf32, #tpu.memory_space<hbm>>
        %dma_start3A_1199 = arith.constant 0 : i32
        %dma_start3A_1200 = arith.constant 0 : i32
        %dma_start3A_1201 = tpu.memref_slice %arg7[%dma_start3A_1190, %dma_start3A_1199, %dma_start3A_1200] : memref<2x64x256xf32, #tpu.memory_space<vmem>> -> memref<1x8x128xf32, #tpu.memory_space<vmem>>
        %dma_start3A_1202 = tpu.memref_squeeze %dma_start3A_1201 : memref<1x8x128xf32, #tpu.memory_space<vmem>> -> memref<8x128xf32, #tpu.memory_space<vmem>>
        %dma_start3A_1203 = arith.constant 0 : i32
        %dma_start3A_1204 = arith.constant 0 : i32
        %dma_start3A_1205 = tpu.memref_slice %arg2[%add3A, %dma_start3A_1189, %add3A_1188, %dma_start3A_1203, %dma_start3A_1204] : memref<32x8x32x8x128xf32, #tpu.memory_space<hbm>> -> memref<1x1x1x8x128xf32, #tpu.memory_space<hbm>>
        %dma_start3A_1206 = tpu.memref_squeeze %dma_start3A_1205 : memref<1x1x1x8x128xf32, #tpu.memory_space<hbm>> -> memref<8x128xf32, #tpu.memory_space<hbm>>
        tpu.enqueue_dma source(%dma_start3A_1206 : memref<8x128xf32, #tpu.memory_space<hbm>>) target(%dma_start3A_1202 : memref<8x128xf32, #tpu.memory_space<vmem>>) target_semaphore(%arg13 : memref<!tpu.dma_semaphore, #tpu.memory_space<semaphore_mem>>)
        %add3A_1207 = arith.constant 1 : i32
        %add3A_1208 = arith.addi %mul3A_1186, %add3A_1207 : i32
        %dma_start3A_1209 = arith.constant 0 : i32
        %dma_start3A_1210 = arith.constant 0 : i32
        %dma_start3A_1211 = arith.constant 0 : i32
        %dma_start3A_1212 = arith.constant 128 : i32
        %dma_start3A_1213 = tpu.memref_slice %arg7[%dma_start3A_1210, %dma_start3A_1211, %dma_start3A_1212] : memref<2x64x256xf32, #tpu.memory_space<vmem>> -> memref<1x8x128xf32, #tpu.memory_space<vmem>>
        %dma_start3A_1214 = tpu.memref_squeeze %dma_start3A_1213 : memref<1x8x128xf32, #tpu.memory_space<vmem>> -> memref<8x128xf32, #tpu.memory_space<vmem>>
        %dma_start3A_1215 = arith.constant 0 : i32
        %dma_start3A_1216 = arith.constant 0 : i32
        %dma_start3A_1217 = tpu.memref_slice %arg2[%add3A, %dma_start3A_1209, %add3A_1208, %dma_start3A_1215, %dma_start3A_1216] : memref<32x8x32x8x128xf32, #tpu.memory_space<hbm>> -> memref<1x1x1x8x128xf32, #tpu.memory_space<hbm>>
        %dma_start3A_1218 = tpu.memref_squeeze %dma_start3A_1217 : memref<1x1x1x8x128xf32, #tpu.memory_space<hbm>> -> memref<8x128xf32, #tpu.memory_space<hbm>>
        %dma_start3A_1219 = arith.constant 0 : i32
        %dma_start3A_1220 = arith.constant 128 : i32
        %dma_start3A_1221 = tpu.memref_slice %arg7[%dma_start3A_1210, %dma_start3A_1219, %dma_start3A_1220] : memref<2x64x256xf32, #tpu.memory_space<vmem>> -> memref<1x8x128xf32, #tpu.memory_space<vmem>>
        %dma_start3A_1222 = tpu.memref_squeeze %dma_start3A_1221 : memref<1x8x128xf32, #tpu.memory_space<vmem>> -> memref<8x128xf32, #tpu.memory_space<vmem>>
        %dma_start3A_1223 = arith.constant 0 : i32
        %dma_start3A_1224 = arith.constant 0 : i32
        %dma_start3A_1225 = tpu.memref_slice %arg2[%add3A, %dma_start3A_1209, %add3A_1208, %dma_start3A_1223, %dma_start3A_1224] : memref<32x8x32x8x128xf32, #tpu.memory_space<hbm>> -> memref<1x1x1x8x128xf32, #tpu.memory_space<hbm>>
        %dma_start3A_1226 = tpu.memref_squeeze %dma_start3A_1225 : memref<1x1x1x8x128xf32, #tpu.memory_space<hbm>> -> memref<8x128xf32, #tpu.memory_space<hbm>>
        tpu.enqueue_dma source(%dma_start3A_1226 : memref<8x128xf32, #tpu.memory_space<hbm>>) target(%dma_start3A_1222 : memref<8x128xf32, #tpu.memory_space<vmem>>) target_semaphore(%arg13 : memref<!tpu.dma_semaphore, #tpu.memory_space<semaphore_mem>>)
        %add3A_1227 = arith.constant 0 : i32
        %add3A_1228 = arith.addi %mul3A_1186, %add3A_1227 : i32
        %dma_start3A_1229 = arith.constant 1 : i32
        %dma_start3A_1230 = arith.constant 0 : i32
        %dma_start3A_1231 = arith.constant 8 : i32
        %dma_start3A_1232 = arith.constant 0 : i32
        %dma_start3A_1233 = tpu.memref_slice %arg7[%dma_start3A_1230, %dma_start3A_1231, %dma_start3A_1232] : memref<2x64x256xf32, #tpu.memory_space<vmem>> -> memref<1x8x128xf32, #tpu.memory_space<vmem>>
        %dma_start3A_1234 = tpu.memref_squeeze %dma_start3A_1233 : memref<1x8x128xf32, #tpu.memory_space<vmem>> -> memref<8x128xf32, #tpu.memory_space<vmem>>
        %dma_start3A_1235 = arith.constant 0 : i32
        %dma_start3A_1236 = arith.constant 0 : i32
        %dma_start3A_1237 = tpu.memref_slice %arg2[%add3A, %dma_start3A_1229, %add3A_1228, %dma_start3A_1235, %dma_start3A_1236] : memref<32x8x32x8x128xf32, #tpu.memory_space<hbm>> -> memref<1x1x1x8x128xf32, #tpu.memory_space<hbm>>
        %dma_start3A_1238 = tpu.memref_squeeze %dma_start3A_1237 : memref<1x1x1x8x128xf32, #tpu.memory_space<hbm>> -> memref<8x128xf32, #tpu.memory_space<hbm>>
        %dma_start3A_1239 = arith.constant 8 : i32
        %dma_start3A_1240 = arith.constant 0 : i32
        %dma_start3A_1241 = tpu.memref_slice %arg7[%dma_start3A_1230, %dma_start3A_1239, %dma_start3A_1240] : memref<2x64x256xf32, #tpu.memory_space<vmem>> -> memref<1x8x128xf32, #tpu.memory_space<vmem>>
        %dma_start3A_1242 = tpu.memref_squeeze %dma_start3A_1241 : memref<1x8x128xf32, #tpu.memory_space<vmem>> -> memref<8x128xf32, #tpu.memory_space<vmem>>
        %dma_start3A_1243 = arith.constant 0 : i32
        %dma_start3A_1244 = arith.constant 0 : i32
        %dma_start3A_1245 = tpu.memref_slice %arg2[%add3A, %dma_start3A_1229, %add3A_1228, %dma_start3A_1243, %dma_start3A_1244] : memref<32x8x32x8x128xf32, #tpu.memory_space<hbm>> -> memref<1x1x1x8x128xf32, #tpu.memory_space<hbm>>
        %dma_start3A_1246 = tpu.memref_squeeze %dma_start3A_1245 : memref<1x1x1x8x128xf32, #tpu.memory_space<hbm>> -> memref<8x128xf32, #tpu.memory_space<hbm>>
        tpu.enqueue_dma source(%dma_start3A_1246 : memref<8x128xf32, #tpu.memory_space<hbm>>) target(%dma_start3A_1242 : memref<8x128xf32, #tpu.memory_space<vmem>>) target_semaphore(%arg13 : memref<!tpu.dma_semaphore, #tpu.memory_space<semaphore_mem>>)
        %add3A_1247 = arith.constant 1 : i32
        %add3A_1248 = arith.addi %mul3A_1186, %add3A_1247 : i32
        %dma_start3A_1249 = arith.constant 1 : i32
        %dma_start3A_1250 = arith.constant 0 : i32
        %dma_start3A_1251 = arith.constant 8 : i32
        %dma_start3A_1252 = arith.constant 128 : i32
        %dma_start3A_1253 = tpu.memref_slice %arg7[%dma_start3A_1250, %dma_start3A_1251, %dma_start3A_1252] : memref<2x64x256xf32, #tpu.memory_space<vmem>> -> memref<1x8x128xf32, #tpu.memory_space<vmem>>
        %dma_start3A_1254 = tpu.memref_squeeze %dma_start3A_1253 : memref<1x8x128xf32, #tpu.memory_space<vmem>> -> memref<8x128xf32, #tpu.memory_space<vmem>>
        %dma_start3A_1255 = arith.constant 0 : i32
        %dma_start3A_1256 = arith.constant 0 : i32
        %dma_start3A_1257 = tpu.memref_slice %arg2[%add3A, %dma_start3A_1249, %add3A_1248, %dma_start3A_1255, %dma_start3A_1256] : memref<32x8x32x8x128xf32, #tpu.memory_space<hbm>> -> memref<1x1x1x8x128xf32, #tpu.memory_space<hbm>>
        %dma_start3A_1258 = tpu.memref_squeeze %dma_start3A_1257 : memref<1x1x1x8x128xf32, #tpu.memory_space<hbm>> -> memref<8x128xf32, #tpu.memory_space<hbm>>
        %dma_start3A_1259 = arith.constant 8 : i32
        %dma_start3A_1260 = arith.constant 128 : i32
        %dma_start3A_1261 = tpu.memref_slice %arg7[%dma_start3A_1250, %dma_start3A_1259, %dma_start3A_1260] : memref<2x64x256xf32, #tpu.memory_space<vmem>> -> memref<1x8x128xf32, #tpu.memory_space<vmem>>
        %dma_start3A_1262 = tpu.memref_squeeze %dma_start3A_1261 : memref<1x8x128xf32, #tpu.memory_space<vmem>> -> memref<8x128xf32, #tpu.memory_space<vmem>>
        %dma_start3A_1263 = arith.constant 0 : i32
        %dma_start3A_1264 = arith.constant 0 : i32
        %dma_start3A_1265 = tpu.memref_slice %arg2[%add3A, %dma_start3A_1249, %add3A_1248, %dma_start3A_1263, %dma_start3A_1264] : memref<32x8x32x8x128xf32, #tpu.memory_space<hbm>> -> memref<1x1x1x8x128xf32, #tpu.memory_space<hbm>>
        %dma_start3A_1266 = tpu.memref_squeeze %dma_start3A_1265 : memref<1x1x1x8x128xf32, #tpu.memory_space<hbm>> -> memref<8x128xf32, #tpu.memory_space<hbm>>
        tpu.enqueue_dma source(%dma_start3A_1266 : memref<8x128xf32, #tpu.memory_space<hbm>>) target(%dma_start3A_1262 : memref<8x128xf32, #tpu.memory_space<vmem>>) target_semaphore(%arg13 : memref<!tpu.dma_semaphore, #tpu.memory_space<semaphore_mem>>)
        %add3A_1267 = arith.constant 0 : i32
        %add3A_1268 = arith.addi %mul3A_1186, %add3A_1267 : i32
        %dma_start3A_1269 = arith.constant 2 : i32
        %dma_start3A_1270 = arith.constant 0 : i32
        %dma_start3A_1271 = arith.constant 16 : i32
        %dma_start3A_1272 = arith.constant 0 : i32
        %dma_start3A_1273 = tpu.memref_slice %arg7[%dma_start3A_1270, %dma_start3A_1271, %dma_start3A_1272] : memref<2x64x256xf32, #tpu.memory_space<vmem>> -> memref<1x8x128xf32, #tpu.memory_space<vmem>>
        %dma_start3A_1274 = tpu.memref_squeeze %dma_start3A_1273 : memref<1x8x128xf32, #tpu.memory_space<vmem>> -> memref<8x128xf32, #tpu.memory_space<vmem>>
        %dma_start3A_1275 = arith.constant 0 : i32
        %dma_start3A_1276 = arith.constant 0 : i32
        %dma_start3A_1277 = tpu.memref_slice %arg2[%add3A, %dma_start3A_1269, %add3A_1268, %dma_start3A_1275, %dma_start3A_1276] : memref<32x8x32x8x128xf32, #tpu.memory_space<hbm>> -> memref<1x1x1x8x128xf32, #tpu.memory_space<hbm>>
        %dma_start3A_1278 = tpu.memref_squeeze %dma_start3A_1277 : memref<1x1x1x8x128xf32, #tpu.memory_space<hbm>> -> memref<8x128xf32, #tpu.memory_space<hbm>>
        %dma_start3A_1279 = arith.constant 16 : i32
        %dma_start3A_1280 = arith.constant 0 : i32
        %dma_start3A_1281 = tpu.memref_slice %arg7[%dma_start3A_1270, %dma_start3A_1279, %dma_start3A_1280] : memref<2x64x256xf32, #tpu.memory_space<vmem>> -> memref<1x8x128xf32, #tpu.memory_space<vmem>>
        %dma_start3A_1282 = tpu.memref_squeeze %dma_start3A_1281 : memref<1x8x128xf32, #tpu.memory_space<vmem>> -> memref<8x128xf32, #tpu.memory_space<vmem>>
        %dma_start3A_1283 = arith.constant 0 : i32
        %dma_start3A_1284 = arith.constant 0 : i32
        %dma_start3A_1285 = tpu.memref_slice %arg2[%add3A, %dma_start3A_1269, %add3A_1268, %dma_start3A_1283, %dma_start3A_1284] : memref<32x8x32x8x128xf32, #tpu.memory_space<hbm>> -> memref<1x1x1x8x128xf32, #tpu.memory_space<hbm>>
        %dma_start3A_1286 = tpu.memref_squeeze %dma_start3A_1285 : memref<1x1x1x8x128xf32, #tpu.memory_space<hbm>> -> memref<8x128xf32, #tpu.memory_space<hbm>>
        tpu.enqueue_dma source(%dma_start3A_1286 : memref<8x128xf32, #tpu.memory_space<hbm>>) target(%dma_start3A_1282 : memref<8x128xf32, #tpu.memory_space<vmem>>) target_semaphore(%arg13 : memref<!tpu.dma_semaphore, #tpu.memory_space<semaphore_mem>>)
        %add3A_1287 = arith.constant 1 : i32
        %add3A_1288 = arith.addi %mul3A_1186, %add3A_1287 : i32
        %dma_start3A_1289 = arith.constant 2 : i32
        %dma_start3A_1290 = arith.constant 0 : i32
        %dma_start3A_1291 = arith.constant 16 : i32
        %dma_start3A_1292 = arith.constant 128 : i32
        %dma_start3A_1293 = tpu.memref_slice %arg7[%dma_start3A_1290, %dma_start3A_1291, %dma_start3A_1292] : memref<2x64x256xf32, #tpu.memory_space<vmem>> -> memref<1x8x128xf32, #tpu.memory_space<vmem>>
        %dma_start3A_1294 = tpu.memref_squeeze %dma_start3A_1293 : memref<1x8x128xf32, #tpu.memory_space<vmem>> -> memref<8x128xf32, #tpu.memory_space<vmem>>
        %dma_start3A_1295 = arith.constant 0 : i32
        %dma_start3A_1296 = arith.constant 0 : i32
        %dma_start3A_1297 = tpu.memref_slice %arg2[%add3A, %dma_start3A_1289, %add3A_1288, %dma_start3A_1295, %dma_start3A_1296] : memref<32x8x32x8x128xf32, #tpu.memory_space<hbm>> -> memref<1x1x1x8x128xf32, #tpu.memory_space<hbm>>
        %dma_start3A_1298 = tpu.memref_squeeze %dma_start3A_1297 : memref<1x1x1x8x128xf32, #tpu.memory_space<hbm>> -> memref<8x128xf32, #tpu.memory_space<hbm>>
        %dma_start3A_1299 = arith.constant 16 : i32
        %dma_start3A_1300 = arith.constant 128 : i32
        %dma_start3A_1301 = tpu.memref_slice %arg7[%dma_start3A_1290, %dma_start3A_1299, %dma_start3A_1300] : memref<2x64x256xf32, #tpu.memory_space<vmem>> -> memref<1x8x128xf32, #tpu.memory_space<vmem>>
        %dma_start3A_1302 = tpu.memref_squeeze %dma_start3A_1301 : memref<1x8x128xf32, #tpu.memory_space<vmem>> -> memref<8x128xf32, #tpu.memory_space<vmem>>
        %dma_start3A_1303 = arith.constant 0 : i32
        %dma_start3A_1304 = arith.constant 0 : i32
        %dma_start3A_1305 = tpu.memref_slice %arg2[%add3A, %dma_start3A_1289, %add3A_1288, %dma_start3A_1303, %dma_start3A_1304] : memref<32x8x32x8x128xf32, #tpu.memory_space<hbm>> -> memref<1x1x1x8x128xf32, #tpu.memory_space<hbm>>
        %dma_start3A_1306 = tpu.memref_squeeze %dma_start3A_1305 : memref<1x1x1x8x128xf32, #tpu.memory_space<hbm>> -> memref<8x128xf32, #tpu.memory_space<hbm>>
        tpu.enqueue_dma source(%dma_start3A_1306 : memref<8x128xf32, #tpu.memory_space<hbm>>) target(%dma_start3A_1302 : memref<8x128xf32, #tpu.memory_space<vmem>>) target_semaphore(%arg13 : memref<!tpu.dma_semaphore, #tpu.memory_space<semaphore_mem>>)
        %add3A_1307 = arith.constant 0 : i32
        %add3A_1308 = arith.addi %mul3A_1186, %add3A_1307 : i32
        %dma_start3A_1309 = arith.constant 3 : i32
        %dma_start3A_1310 = arith.constant 0 : i32
        %dma_start3A_1311 = arith.constant 24 : i32
        %dma_start3A_1312 = arith.constant 0 : i32
        %dma_start3A_1313 = tpu.memref_slice %arg7[%dma_start3A_1310, %dma_start3A_1311, %dma_start3A_1312] : memref<2x64x256xf32, #tpu.memory_space<vmem>> -> memref<1x8x128xf32, #tpu.memory_space<vmem>>
        %dma_start3A_1314 = tpu.memref_squeeze %dma_start3A_1313 : memref<1x8x128xf32, #tpu.memory_space<vmem>> -> memref<8x128xf32, #tpu.memory_space<vmem>>
        %dma_start3A_1315 = arith.constant 0 : i32
        %dma_start3A_1316 = arith.constant 0 : i32
        %dma_start3A_1317 = tpu.memref_slice %arg2[%add3A, %dma_start3A_1309, %add3A_1308, %dma_start3A_1315, %dma_start3A_1316] : memref<32x8x32x8x128xf32, #tpu.memory_space<hbm>> -> memref<1x1x1x8x128xf32, #tpu.memory_space<hbm>>
        %dma_start3A_1318 = tpu.memref_squeeze %dma_start3A_1317 : memref<1x1x1x8x128xf32, #tpu.memory_space<hbm>> -> memref<8x128xf32, #tpu.memory_space<hbm>>
        %dma_start3A_1319 = arith.constant 24 : i32
        %dma_start3A_1320 = arith.constant 0 : i32
        %dma_start3A_1321 = tpu.memref_slice %arg7[%dma_start3A_1310, %dma_start3A_1319, %dma_start3A_1320] : memref<2x64x256xf32, #tpu.memory_space<vmem>> -> memref<1x8x128xf32, #tpu.memory_space<vmem>>
        %dma_start3A_1322 = tpu.memref_squeeze %dma_start3A_1321 : memref<1x8x128xf32, #tpu.memory_space<vmem>> -> memref<8x128xf32, #tpu.memory_space<vmem>>
        %dma_start3A_1323 = arith.constant 0 : i32
        %dma_start3A_1324 = arith.constant 0 : i32
        %dma_start3A_1325 = tpu.memref_slice %arg2[%add3A, %dma_start3A_1309, %add3A_1308, %dma_start3A_1323, %dma_start3A_1324] : memref<32x8x32x8x128xf32, #tpu.memory_space<hbm>> -> memref<1x1x1x8x128xf32, #tpu.memory_space<hbm>>
        %dma_start3A_1326 = tpu.memref_squeeze %dma_start3A_1325 : memref<1x1x1x8x128xf32, #tpu.memory_space<hbm>> -> memref<8x128xf32, #tpu.memory_space<hbm>>
        tpu.enqueue_dma source(%dma_start3A_1326 : memref<8x128xf32, #tpu.memory_space<hbm>>) target(%dma_start3A_1322 : memref<8x128xf32, #tpu.memory_space<vmem>>) target_semaphore(%arg13 : memref<!tpu.dma_semaphore, #tpu.memory_space<semaphore_mem>>)
        %add3A_1327 = arith.constant 1 : i32
        %add3A_1328 = arith.addi %mul3A_1186, %add3A_1327 : i32
        %dma_start3A_1329 = arith.constant 3 : i32
        %dma_start3A_1330 = arith.constant 0 : i32
        %dma_start3A_1331 = arith.constant 24 : i32
        %dma_start3A_1332 = arith.constant 128 : i32
        %dma_start3A_1333 = tpu.memref_slice %arg7[%dma_start3A_1330, %dma_start3A_1331, %dma_start3A_1332] : memref<2x64x256xf32, #tpu.memory_space<vmem>> -> memref<1x8x128xf32, #tpu.memory_space<vmem>>
        %dma_start3A_1334 = tpu.memref_squeeze %dma_start3A_1333 : memref<1x8x128xf32, #tpu.memory_space<vmem>> -> memref<8x128xf32, #tpu.memory_space<vmem>>
        %dma_start3A_1335 = arith.constant 0 : i32
        %dma_start3A_1336 = arith.constant 0 : i32
        %dma_start3A_1337 = tpu.memref_slice %arg2[%add3A, %dma_start3A_1329, %add3A_1328, %dma_start3A_1335, %dma_start3A_1336] : memref<32x8x32x8x128xf32, #tpu.memory_space<hbm>> -> memref<1x1x1x8x128xf32, #tpu.memory_space<hbm>>
        %dma_start3A_1338 = tpu.memref_squeeze %dma_start3A_1337 : memref<1x1x1x8x128xf32, #tpu.memory_space<hbm>> -> memref<8x128xf32, #tpu.memory_space<hbm>>
        %dma_start3A_1339 = arith.constant 24 : i32
        %dma_start3A_1340 = arith.constant 128 : i32
        %dma_start3A_1341 = tpu.memref_slice %arg7[%dma_start3A_1330, %dma_start3A_1339, %dma_start3A_1340] : memref<2x64x256xf32, #tpu.memory_space<vmem>> -> memref<1x8x128xf32, #tpu.memory_space<vmem>>
        %dma_start3A_1342 = tpu.memref_squeeze %dma_start3A_1341 : memref<1x8x128xf32, #tpu.memory_space<vmem>> -> memref<8x128xf32, #tpu.memory_space<vmem>>
        %dma_start3A_1343 = arith.constant 0 : i32
        %dma_start3A_1344 = arith.constant 0 : i32
        %dma_start3A_1345 = tpu.memref_slice %arg2[%add3A, %dma_start3A_1329, %add3A_1328, %dma_start3A_1343, %dma_start3A_1344] : memref<32x8x32x8x128xf32, #tpu.memory_space<hbm>> -> memref<1x1x1x8x128xf32, #tpu.memory_space<hbm>>
        %dma_start3A_1346 = tpu.memref_squeeze %dma_start3A_1345 : memref<1x1x1x8x128xf32, #tpu.memory_space<hbm>> -> memref<8x128xf32, #tpu.memory_space<hbm>>
        tpu.enqueue_dma source(%dma_start3A_1346 : memref<8x128xf32, #tpu.memory_space<hbm>>) target(%dma_start3A_1342 : memref<8x128xf32, #tpu.memory_space<vmem>>) target_semaphore(%arg13 : memref<!tpu.dma_semaphore, #tpu.memory_space<semaphore_mem>>)
        %add3A_1347 = arith.constant 0 : i32
        %add3A_1348 = arith.addi %mul3A_1186, %add3A_1347 : i32
        %dma_start3A_1349 = arith.constant 4 : i32
        %dma_start3A_1350 = arith.constant 0 : i32
        %dma_start3A_1351 = arith.constant 32 : i32
        %dma_start3A_1352 = arith.constant 0 : i32
        %dma_start3A_1353 = tpu.memref_slice %arg7[%dma_start3A_1350, %dma_start3A_1351, %dma_start3A_1352] : memref<2x64x256xf32, #tpu.memory_space<vmem>> -> memref<1x8x128xf32, #tpu.memory_space<vmem>>
        %dma_start3A_1354 = tpu.memref_squeeze %dma_start3A_1353 : memref<1x8x128xf32, #tpu.memory_space<vmem>> -> memref<8x128xf32, #tpu.memory_space<vmem>>
        %dma_start3A_1355 = arith.constant 0 : i32
        %dma_start3A_1356 = arith.constant 0 : i32
        %dma_start3A_1357 = tpu.memref_slice %arg2[%add3A, %dma_start3A_1349, %add3A_1348, %dma_start3A_1355, %dma_start3A_1356] : memref<32x8x32x8x128xf32, #tpu.memory_space<hbm>> -> memref<1x1x1x8x128xf32, #tpu.memory_space<hbm>>
        %dma_start3A_1358 = tpu.memref_squeeze %dma_start3A_1357 : memref<1x1x1x8x128xf32, #tpu.memory_space<hbm>> -> memref<8x128xf32, #tpu.memory_space<hbm>>
        %dma_start3A_1359 = arith.constant 32 : i32
        %dma_start3A_1360 = arith.constant 0 : i32
        %dma_start3A_1361 = tpu.memref_slice %arg7[%dma_start3A_1350, %dma_start3A_1359, %dma_start3A_1360] : memref<2x64x256xf32, #tpu.memory_space<vmem>> -> memref<1x8x128xf32, #tpu.memory_space<vmem>>
        %dma_start3A_1362 = tpu.memref_squeeze %dma_start3A_1361 : memref<1x8x128xf32, #tpu.memory_space<vmem>> -> memref<8x128xf32, #tpu.memory_space<vmem>>
        %dma_start3A_1363 = arith.constant 0 : i32
        %dma_start3A_1364 = arith.constant 0 : i32
        %dma_start3A_1365 = tpu.memref_slice %arg2[%add3A, %dma_start3A_1349, %add3A_1348, %dma_start3A_1363, %dma_start3A_1364] : memref<32x8x32x8x128xf32, #tpu.memory_space<hbm>> -> memref<1x1x1x8x128xf32, #tpu.memory_space<hbm>>
        %dma_start3A_1366 = tpu.memref_squeeze %dma_start3A_1365 : memref<1x1x1x8x128xf32, #tpu.memory_space<hbm>> -> memref<8x128xf32, #tpu.memory_space<hbm>>
        tpu.enqueue_dma source(%dma_start3A_1366 : memref<8x128xf32, #tpu.memory_space<hbm>>) target(%dma_start3A_1362 : memref<8x128xf32, #tpu.memory_space<vmem>>) target_semaphore(%arg13 : memref<!tpu.dma_semaphore, #tpu.memory_space<semaphore_mem>>)
        %add3A_1367 = arith.constant 1 : i32
        %add3A_1368 = arith.addi %mul3A_1186, %add3A_1367 : i32
        %dma_start3A_1369 = arith.constant 4 : i32
        %dma_start3A_1370 = arith.constant 0 : i32
        %dma_start3A_1371 = arith.constant 32 : i32
        %dma_start3A_1372 = arith.constant 128 : i32
        %dma_start3A_1373 = tpu.memref_slice %arg7[%dma_start3A_1370, %dma_start3A_1371, %dma_start3A_1372] : memref<2x64x256xf32, #tpu.memory_space<vmem>> -> memref<1x8x128xf32, #tpu.memory_space<vmem>>
        %dma_start3A_1374 = tpu.memref_squeeze %dma_start3A_1373 : memref<1x8x128xf32, #tpu.memory_space<vmem>> -> memref<8x128xf32, #tpu.memory_space<vmem>>
        %dma_start3A_1375 = arith.constant 0 : i32
        %dma_start3A_1376 = arith.constant 0 : i32
        %dma_start3A_1377 = tpu.memref_slice %arg2[%add3A, %dma_start3A_1369, %add3A_1368, %dma_start3A_1375, %dma_start3A_1376] : memref<32x8x32x8x128xf32, #tpu.memory_space<hbm>> -> memref<1x1x1x8x128xf32, #tpu.memory_space<hbm>>
        %dma_start3A_1378 = tpu.memref_squeeze %dma_start3A_1377 : memref<1x1x1x8x128xf32, #tpu.memory_space<hbm>> -> memref<8x128xf32, #tpu.memory_space<hbm>>
        %dma_start3A_1379 = arith.constant 32 : i32
        %dma_start3A_1380 = arith.constant 128 : i32
        %dma_start3A_1381 = tpu.memref_slice %arg7[%dma_start3A_1370, %dma_start3A_1379, %dma_start3A_1380] : memref<2x64x256xf32, #tpu.memory_space<vmem>> -> memref<1x8x128xf32, #tpu.memory_space<vmem>>
        %dma_start3A_1382 = tpu.memref_squeeze %dma_start3A_1381 : memref<1x8x128xf32, #tpu.memory_space<vmem>> -> memref<8x128xf32, #tpu.memory_space<vmem>>
        %dma_start3A_1383 = arith.constant 0 : i32
        %dma_start3A_1384 = arith.constant 0 : i32
        %dma_start3A_1385 = tpu.memref_slice %arg2[%add3A, %dma_start3A_1369, %add3A_1368, %dma_start3A_1383, %dma_start3A_1384] : memref<32x8x32x8x128xf32, #tpu.memory_space<hbm>> -> memref<1x1x1x8x128xf32, #tpu.memory_space<hbm>>
        %dma_start3A_1386 = tpu.memref_squeeze %dma_start3A_1385 : memref<1x1x1x8x128xf32, #tpu.memory_space<hbm>> -> memref<8x128xf32, #tpu.memory_space<hbm>>
        tpu.enqueue_dma source(%dma_start3A_1386 : memref<8x128xf32, #tpu.memory_space<hbm>>) target(%dma_start3A_1382 : memref<8x128xf32, #tpu.memory_space<vmem>>) target_semaphore(%arg13 : memref<!tpu.dma_semaphore, #tpu.memory_space<semaphore_mem>>)
        %add3A_1387 = arith.constant 0 : i32
        %add3A_1388 = arith.addi %mul3A_1186, %add3A_1387 : i32
        %dma_start3A_1389 = arith.constant 5 : i32
        %dma_start3A_1390 = arith.constant 0 : i32
        %dma_start3A_1391 = arith.constant 40 : i32
        %dma_start3A_1392 = arith.constant 0 : i32
        %dma_start3A_1393 = tpu.memref_slice %arg7[%dma_start3A_1390, %dma_start3A_1391, %dma_start3A_1392] : memref<2x64x256xf32, #tpu.memory_space<vmem>> -> memref<1x8x128xf32, #tpu.memory_space<vmem>>
        %dma_start3A_1394 = tpu.memref_squeeze %dma_start3A_1393 : memref<1x8x128xf32, #tpu.memory_space<vmem>> -> memref<8x128xf32, #tpu.memory_space<vmem>>
        %dma_start3A_1395 = arith.constant 0 : i32
        %dma_start3A_1396 = arith.constant 0 : i32
        %dma_start3A_1397 = tpu.memref_slice %arg2[%add3A, %dma_start3A_1389, %add3A_1388, %dma_start3A_1395, %dma_start3A_1396] : memref<32x8x32x8x128xf32, #tpu.memory_space<hbm>> -> memref<1x1x1x8x128xf32, #tpu.memory_space<hbm>>
        %dma_start3A_1398 = tpu.memref_squeeze %dma_start3A_1397 : memref<1x1x1x8x128xf32, #tpu.memory_space<hbm>> -> memref<8x128xf32, #tpu.memory_space<hbm>>
        %dma_start3A_1399 = arith.constant 40 : i32
        %dma_start3A_1400 = arith.constant 0 : i32
        %dma_start3A_1401 = tpu.memref_slice %arg7[%dma_start3A_1390, %dma_start3A_1399, %dma_start3A_1400] : memref<2x64x256xf32, #tpu.memory_space<vmem>> -> memref<1x8x128xf32, #tpu.memory_space<vmem>>
        %dma_start3A_1402 = tpu.memref_squeeze %dma_start3A_1401 : memref<1x8x128xf32, #tpu.memory_space<vmem>> -> memref<8x128xf32, #tpu.memory_space<vmem>>
        %dma_start3A_1403 = arith.constant 0 : i32
        %dma_start3A_1404 = arith.constant 0 : i32
        %dma_start3A_1405 = tpu.memref_slice %arg2[%add3A, %dma_start3A_1389, %add3A_1388, %dma_start3A_1403, %dma_start3A_1404] : memref<32x8x32x8x128xf32, #tpu.memory_space<hbm>> -> memref<1x1x1x8x128xf32, #tpu.memory_space<hbm>>
        %dma_start3A_1406 = tpu.memref_squeeze %dma_start3A_1405 : memref<1x1x1x8x128xf32, #tpu.memory_space<hbm>> -> memref<8x128xf32, #tpu.memory_space<hbm>>
        tpu.enqueue_dma source(%dma_start3A_1406 : memref<8x128xf32, #tpu.memory_space<hbm>>) target(%dma_start3A_1402 : memref<8x128xf32, #tpu.memory_space<vmem>>) target_semaphore(%arg13 : memref<!tpu.dma_semaphore, #tpu.memory_space<semaphore_mem>>)
        %add3A_1407 = arith.constant 1 : i32
        %add3A_1408 = arith.addi %mul3A_1186, %add3A_1407 : i32
        %dma_start3A_1409 = arith.constant 5 : i32
        %dma_start3A_1410 = arith.constant 0 : i32
        %dma_start3A_1411 = arith.constant 40 : i32
        %dma_start3A_1412 = arith.constant 128 : i32
        %dma_start3A_1413 = tpu.memref_slice %arg7[%dma_start3A_1410, %dma_start3A_1411, %dma_start3A_1412] : memref<2x64x256xf32, #tpu.memory_space<vmem>> -> memref<1x8x128xf32, #tpu.memory_space<vmem>>
        %dma_start3A_1414 = tpu.memref_squeeze %dma_start3A_1413 : memref<1x8x128xf32, #tpu.memory_space<vmem>> -> memref<8x128xf32, #tpu.memory_space<vmem>>
        %dma_start3A_1415 = arith.constant 0 : i32
        %dma_start3A_1416 = arith.constant 0 : i32
        %dma_start3A_1417 = tpu.memref_slice %arg2[%add3A, %dma_start3A_1409, %add3A_1408, %dma_start3A_1415, %dma_start3A_1416] : memref<32x8x32x8x128xf32, #tpu.memory_space<hbm>> -> memref<1x1x1x8x128xf32, #tpu.memory_space<hbm>>
        %dma_start3A_1418 = tpu.memref_squeeze %dma_start3A_1417 : memref<1x1x1x8x128xf32, #tpu.memory_space<hbm>> -> memref<8x128xf32, #tpu.memory_space<hbm>>
        %dma_start3A_1419 = arith.constant 40 : i32
        %dma_start3A_1420 = arith.constant 128 : i32
        %dma_start3A_1421 = tpu.memref_slice %arg7[%dma_start3A_1410, %dma_start3A_1419, %dma_start3A_1420] : memref<2x64x256xf32, #tpu.memory_space<vmem>> -> memref<1x8x128xf32, #tpu.memory_space<vmem>>
        %dma_start3A_1422 = tpu.memref_squeeze %dma_start3A_1421 : memref<1x8x128xf32, #tpu.memory_space<vmem>> -> memref<8x128xf32, #tpu.memory_space<vmem>>
        %dma_start3A_1423 = arith.constant 0 : i32
        %dma_start3A_1424 = arith.constant 0 : i32
        %dma_start3A_1425 = tpu.memref_slice %arg2[%add3A, %dma_start3A_1409, %add3A_1408, %dma_start3A_1423, %dma_start3A_1424] : memref<32x8x32x8x128xf32, #tpu.memory_space<hbm>> -> memref<1x1x1x8x128xf32, #tpu.memory_space<hbm>>
        %dma_start3A_1426 = tpu.memref_squeeze %dma_start3A_1425 : memref<1x1x1x8x128xf32, #tpu.memory_space<hbm>> -> memref<8x128xf32, #tpu.memory_space<hbm>>
        tpu.enqueue_dma source(%dma_start3A_1426 : memref<8x128xf32, #tpu.memory_space<hbm>>) target(%dma_start3A_1422 : memref<8x128xf32, #tpu.memory_space<vmem>>) target_semaphore(%arg13 : memref<!tpu.dma_semaphore, #tpu.memory_space<semaphore_mem>>)
        %add3A_1427 = arith.constant 0 : i32
        %add3A_1428 = arith.addi %mul3A_1186, %add3A_1427 : i32
        %dma_start3A_1429 = arith.constant 6 : i32
        %dma_start3A_1430 = arith.constant 0 : i32
        %dma_start3A_1431 = arith.constant 48 : i32
        %dma_start3A_1432 = arith.constant 0 : i32
        %dma_start3A_1433 = tpu.memref_slice %arg7[%dma_start3A_1430, %dma_start3A_1431, %dma_start3A_1432] : memref<2x64x256xf32, #tpu.memory_space<vmem>> -> memref<1x8x128xf32, #tpu.memory_space<vmem>>
        %dma_start3A_1434 = tpu.memref_squeeze %dma_start3A_1433 : memref<1x8x128xf32, #tpu.memory_space<vmem>> -> memref<8x128xf32, #tpu.memory_space<vmem>>
        %dma_start3A_1435 = arith.constant 0 : i32
        %dma_start3A_1436 = arith.constant 0 : i32
        %dma_start3A_1437 = tpu.memref_slice %arg2[%add3A, %dma_start3A_1429, %add3A_1428, %dma_start3A_1435, %dma_start3A_1436] : memref<32x8x32x8x128xf32, #tpu.memory_space<hbm>> -> memref<1x1x1x8x128xf32, #tpu.memory_space<hbm>>
        %dma_start3A_1438 = tpu.memref_squeeze %dma_start3A_1437 : memref<1x1x1x8x128xf32, #tpu.memory_space<hbm>> -> memref<8x128xf32, #tpu.memory_space<hbm>>
        %dma_start3A_1439 = arith.constant 48 : i32
        %dma_start3A_1440 = arith.constant 0 : i32
        %dma_start3A_1441 = tpu.memref_slice %arg7[%dma_start3A_1430, %dma_start3A_1439, %dma_start3A_1440] : memref<2x64x256xf32, #tpu.memory_space<vmem>> -> memref<1x8x128xf32, #tpu.memory_space<vmem>>
        %dma_start3A_1442 = tpu.memref_squeeze %dma_start3A_1441 : memref<1x8x128xf32, #tpu.memory_space<vmem>> -> memref<8x128xf32, #tpu.memory_space<vmem>>
        %dma_start3A_1443 = arith.constant 0 : i32
        %dma_start3A_1444 = arith.constant 0 : i32
        %dma_start3A_1445 = tpu.memref_slice %arg2[%add3A, %dma_start3A_1429, %add3A_1428, %dma_start3A_1443, %dma_start3A_1444] : memref<32x8x32x8x128xf32, #tpu.memory_space<hbm>> -> memref<1x1x1x8x128xf32, #tpu.memory_space<hbm>>
        %dma_start3A_1446 = tpu.memref_squeeze %dma_start3A_1445 : memref<1x1x1x8x128xf32, #tpu.memory_space<hbm>> -> memref<8x128xf32, #tpu.memory_space<hbm>>
        tpu.enqueue_dma source(%dma_start3A_1446 : memref<8x128xf32, #tpu.memory_space<hbm>>) target(%dma_start3A_1442 : memref<8x128xf32, #tpu.memory_space<vmem>>) target_semaphore(%arg13 : memref<!tpu.dma_semaphore, #tpu.memory_space<semaphore_mem>>)
        %add3A_1447 = arith.constant 1 : i32
        %add3A_1448 = arith.addi %mul3A_1186, %add3A_1447 : i32
        %dma_start3A_1449 = arith.constant 6 : i32
        %dma_start3A_1450 = arith.constant 0 : i32
        %dma_start3A_1451 = arith.constant 48 : i32
        %dma_start3A_1452 = arith.constant 128 : i32
        %dma_start3A_1453 = tpu.memref_slice %arg7[%dma_start3A_1450, %dma_start3A_1451, %dma_start3A_1452] : memref<2x64x256xf32, #tpu.memory_space<vmem>> -> memref<1x8x128xf32, #tpu.memory_space<vmem>>
        %dma_start3A_1454 = tpu.memref_squeeze %dma_start3A_1453 : memref<1x8x128xf32, #tpu.memory_space<vmem>> -> memref<8x128xf32, #tpu.memory_space<vmem>>
        %dma_start3A_1455 = arith.constant 0 : i32
        %dma_start3A_1456 = arith.constant 0 : i32
        %dma_start3A_1457 = tpu.memref_slice %arg2[%add3A, %dma_start3A_1449, %add3A_1448, %dma_start3A_1455, %dma_start3A_1456] : memref<32x8x32x8x128xf32, #tpu.memory_space<hbm>> -> memref<1x1x1x8x128xf32, #tpu.memory_space<hbm>>
        %dma_start3A_1458 = tpu.memref_squeeze %dma_start3A_1457 : memref<1x1x1x8x128xf32, #tpu.memory_space<hbm>> -> memref<8x128xf32, #tpu.memory_space<hbm>>
        %dma_start3A_1459 = arith.constant 48 : i32
        %dma_start3A_1460 = arith.constant 128 : i32
        %dma_start3A_1461 = tpu.memref_slice %arg7[%dma_start3A_1450, %dma_start3A_1459, %dma_start3A_1460] : memref<2x64x256xf32, #tpu.memory_space<vmem>> -> memref<1x8x128xf32, #tpu.memory_space<vmem>>
        %dma_start3A_1462 = tpu.memref_squeeze %dma_start3A_1461 : memref<1x8x128xf32, #tpu.memory_space<vmem>> -> memref<8x128xf32, #tpu.memory_space<vmem>>
        %dma_start3A_1463 = arith.constant 0 : i32
        %dma_start3A_1464 = arith.constant 0 : i32
        %dma_start3A_1465 = tpu.memref_slice %arg2[%add3A, %dma_start3A_1449, %add3A_1448, %dma_start3A_1463, %dma_start3A_1464] : memref<32x8x32x8x128xf32, #tpu.memory_space<hbm>> -> memref<1x1x1x8x128xf32, #tpu.memory_space<hbm>>
        %dma_start3A_1466 = tpu.memref_squeeze %dma_start3A_1465 : memref<1x1x1x8x128xf32, #tpu.memory_space<hbm>> -> memref<8x128xf32, #tpu.memory_space<hbm>>
        tpu.enqueue_dma source(%dma_start3A_1466 : memref<8x128xf32, #tpu.memory_space<hbm>>) target(%dma_start3A_1462 : memref<8x128xf32, #tpu.memory_space<vmem>>) target_semaphore(%arg13 : memref<!tpu.dma_semaphore, #tpu.memory_space<semaphore_mem>>)
        %add3A_1467 = arith.constant 0 : i32
        %add3A_1468 = arith.addi %mul3A_1186, %add3A_1467 : i32
        %dma_start3A_1469 = arith.constant 7 : i32
        %dma_start3A_1470 = arith.constant 0 : i32
        %dma_start3A_1471 = arith.constant 56 : i32
        %dma_start3A_1472 = arith.constant 0 : i32
        %dma_start3A_1473 = tpu.memref_slice %arg7[%dma_start3A_1470, %dma_start3A_1471, %dma_start3A_1472] : memref<2x64x256xf32, #tpu.memory_space<vmem>> -> memref<1x8x128xf32, #tpu.memory_space<vmem>>
        %dma_start3A_1474 = tpu.memref_squeeze %dma_start3A_1473 : memref<1x8x128xf32, #tpu.memory_space<vmem>> -> memref<8x128xf32, #tpu.memory_space<vmem>>
        %dma_start3A_1475 = arith.constant 0 : i32
        %dma_start3A_1476 = arith.constant 0 : i32
        %dma_start3A_1477 = tpu.memref_slice %arg2[%add3A, %dma_start3A_1469, %add3A_1468, %dma_start3A_1475, %dma_start3A_1476] : memref<32x8x32x8x128xf32, #tpu.memory_space<hbm>> -> memref<1x1x1x8x128xf32, #tpu.memory_space<hbm>>
        %dma_start3A_1478 = tpu.memref_squeeze %dma_start3A_1477 : memref<1x1x1x8x128xf32, #tpu.memory_space<hbm>> -> memref<8x128xf32, #tpu.memory_space<hbm>>
        %dma_start3A_1479 = arith.constant 56 : i32
        %dma_start3A_1480 = arith.constant 0 : i32
        %dma_start3A_1481 = tpu.memref_slice %arg7[%dma_start3A_1470, %dma_start3A_1479, %dma_start3A_1480] : memref<2x64x256xf32, #tpu.memory_space<vmem>> -> memref<1x8x128xf32, #tpu.memory_space<vmem>>
        %dma_start3A_1482 = tpu.memref_squeeze %dma_start3A_1481 : memref<1x8x128xf32, #tpu.memory_space<vmem>> -> memref<8x128xf32, #tpu.memory_space<vmem>>
        %dma_start3A_1483 = arith.constant 0 : i32
        %dma_start3A_1484 = arith.constant 0 : i32
        %dma_start3A_1485 = tpu.memref_slice %arg2[%add3A, %dma_start3A_1469, %add3A_1468, %dma_start3A_1483, %dma_start3A_1484] : memref<32x8x32x8x128xf32, #tpu.memory_space<hbm>> -> memref<1x1x1x8x128xf32, #tpu.memory_space<hbm>>
        %dma_start3A_1486 = tpu.memref_squeeze %dma_start3A_1485 : memref<1x1x1x8x128xf32, #tpu.memory_space<hbm>> -> memref<8x128xf32, #tpu.memory_space<hbm>>
        tpu.enqueue_dma source(%dma_start3A_1486 : memref<8x128xf32, #tpu.memory_space<hbm>>) target(%dma_start3A_1482 : memref<8x128xf32, #tpu.memory_space<vmem>>) target_semaphore(%arg13 : memref<!tpu.dma_semaphore, #tpu.memory_space<semaphore_mem>>)
        %add3A_1487 = arith.constant 1 : i32
        %add3A_1488 = arith.addi %mul3A_1186, %add3A_1487 : i32
        %dma_start3A_1489 = arith.constant 7 : i32
        %dma_start3A_1490 = arith.constant 0 : i32
        %dma_start3A_1491 = arith.constant 56 : i32
        %dma_start3A_1492 = arith.constant 128 : i32
        %dma_start3A_1493 = tpu.memref_slice %arg7[%dma_start3A_1490, %dma_start3A_1491, %dma_start3A_1492] : memref<2x64x256xf32, #tpu.memory_space<vmem>> -> memref<1x8x128xf32, #tpu.memory_space<vmem>>
        %dma_start3A_1494 = tpu.memref_squeeze %dma_start3A_1493 : memref<1x8x128xf32, #tpu.memory_space<vmem>> -> memref<8x128xf32, #tpu.memory_space<vmem>>
        %dma_start3A_1495 = arith.constant 0 : i32
        %dma_start3A_1496 = arith.constant 0 : i32
        %dma_start3A_1497 = tpu.memref_slice %arg2[%add3A, %dma_start3A_1489, %add3A_1488, %dma_start3A_1495, %dma_start3A_1496] : memref<32x8x32x8x128xf32, #tpu.memory_space<hbm>> -> memref<1x1x1x8x128xf32, #tpu.memory_space<hbm>>
        %dma_start3A_1498 = tpu.memref_squeeze %dma_start3A_1497 : memref<1x1x1x8x128xf32, #tpu.memory_space<hbm>> -> memref<8x128xf32, #tpu.memory_space<hbm>>
        %dma_start3A_1499 = arith.constant 56 : i32
        %dma_start3A_1500 = arith.constant 128 : i32
        %dma_start3A_1501 = tpu.memref_slice %arg7[%dma_start3A_1490, %dma_start3A_1499, %dma_start3A_1500] : memref<2x64x256xf32, #tpu.memory_space<vmem>> -> memref<1x8x128xf32, #tpu.memory_space<vmem>>
        %dma_start3A_1502 = tpu.memref_squeeze %dma_start3A_1501 : memref<1x8x128xf32, #tpu.memory_space<vmem>> -> memref<8x128xf32, #tpu.memory_space<vmem>>
        %dma_start3A_1503 = arith.constant 0 : i32
        %dma_start3A_1504 = arith.constant 0 : i32
        %dma_start3A_1505 = tpu.memref_slice %arg2[%add3A, %dma_start3A_1489, %add3A_1488, %dma_start3A_1503, %dma_start3A_1504] : memref<32x8x32x8x128xf32, #tpu.memory_space<hbm>> -> memref<1x1x1x8x128xf32, #tpu.memory_space<hbm>>
        %dma_start3A_1506 = tpu.memref_squeeze %dma_start3A_1505 : memref<1x1x1x8x128xf32, #tpu.memory_space<hbm>> -> memref<8x128xf32, #tpu.memory_space<hbm>>
        tpu.enqueue_dma source(%dma_start3A_1506 : memref<8x128xf32, #tpu.memory_space<hbm>>) target(%dma_start3A_1502 : memref<8x128xf32, #tpu.memory_space<vmem>>) target_semaphore(%arg13 : memref<!tpu.dma_semaphore, #tpu.memory_space<semaphore_mem>>)
        %add3A_1507 = arith.constant 0 : i32
        %add3A_1508 = arith.addi %mul3A_1186, %add3A_1507 : i32
        %dma_start3A_1509 = arith.constant 0 : i32
        %dma_start3A_1510 = arith.constant 0 : i32
        %dma_start3A_1511 = arith.constant 0 : i32
        %dma_start3A_1512 = tpu.memref_slice %arg8[%dma_start3A_1509, %dma_start3A_1510, %dma_start3A_1511] : memref<2x256x64xf32, #tpu.memory_space<vmem>> -> memref<1x128x64xf32, #tpu.memory_space<vmem>>
        %dma_start3A_1513 = tpu.memref_squeeze %dma_start3A_1512 : memref<1x128x64xf32, #tpu.memory_space<vmem>> -> memref<128x64xf32, #tpu.memory_space<vmem>>
        %dma_start3A_1514 = arith.constant 0 : i32
        %dma_start3A_1515 = tpu.memref_slice %arg10[%add3A_1508, %dma_start3A_1514] : memref<32x128xi32, #tpu.memory_space<vmem>> -> memref<1x128xi32, #tpu.memory_space<vmem>>
        %dma_start3A_1516 = tpu.memref_squeeze %dma_start3A_1515 : memref<1x128xi32, #tpu.memory_space<vmem>> -> memref<128xi32, #tpu.memory_space<vmem>>
        %dma_start3A_1517 = arith.constant 0 : i32
        %dma_start3A_1518 = arith.constant 0 : i32
        %dma_start3A_1519 = tpu.memref_slice %arg5[%dma_start3A_1517, %dma_start3A_1518] : memref<8192x64xf32, #tpu.memory_space<hbm>> -> memref<8192x64xf32, #tpu.memory_space<hbm>>
        tpu.enqueue_indirect_dma source(%dma_start3A_1519 : memref<8192x64xf32, #tpu.memory_space<hbm>>) target(%dma_start3A_1513 : memref<128x64xf32, #tpu.memory_space<vmem>>) offsets(%dma_start3A_1516 : memref<128xi32, #tpu.memory_space<vmem>>) semaphore(%arg13 : memref<!tpu.dma_semaphore, #tpu.memory_space<semaphore_mem>>)
        %add3A_1520 = arith.constant 0 : i32
        %add3A_1521 = arith.addi %mul3A_1186, %add3A_1520 : i32
        %dma_start3A_1522 = arith.constant 0 : i32
        %dma_start3A_1523 = arith.constant 0 : i32
        %dma_start3A_1524 = arith.constant 0 : i32
        %dma_start3A_1525 = tpu.memref_slice %arg9[%dma_start3A_1522, %dma_start3A_1523, %dma_start3A_1524] : memref<2x256x64xf32, #tpu.memory_space<vmem>> -> memref<1x128x64xf32, #tpu.memory_space<vmem>>
        %dma_start3A_1526 = tpu.memref_squeeze %dma_start3A_1525 : memref<1x128x64xf32, #tpu.memory_space<vmem>> -> memref<128x64xf32, #tpu.memory_space<vmem>>
        %dma_start3A_1527 = arith.constant 0 : i32
        %dma_start3A_1528 = tpu.memref_slice %arg11[%add3A_1521, %dma_start3A_1527] : memref<32x128xi32, #tpu.memory_space<vmem>> -> memref<1x128xi32, #tpu.memory_space<vmem>>
        %dma_start3A_1529 = tpu.memref_squeeze %dma_start3A_1528 : memref<1x128xi32, #tpu.memory_space<vmem>> -> memref<128xi32, #tpu.memory_space<vmem>>
        %dma_start3A_1530 = arith.constant 0 : i32
        %dma_start3A_1531 = arith.constant 0 : i32
        %dma_start3A_1532 = tpu.memref_slice %arg5[%dma_start3A_1530, %dma_start3A_1531] : memref<8192x64xf32, #tpu.memory_space<hbm>> -> memref<8192x64xf32, #tpu.memory_space<hbm>>
        tpu.enqueue_indirect_dma source(%dma_start3A_1532 : memref<8192x64xf32, #tpu.memory_space<hbm>>) target(%dma_start3A_1526 : memref<128x64xf32, #tpu.memory_space<vmem>>) offsets(%dma_start3A_1529 : memref<128xi32, #tpu.memory_space<vmem>>) semaphore(%arg13 : memref<!tpu.dma_semaphore, #tpu.memory_space<semaphore_mem>>)
        %add3A_1533 = arith.constant 1 : i32
        %add3A_1534 = arith.addi %mul3A_1186, %add3A_1533 : i32
        %dma_start3A_1535 = arith.constant 0 : i32
        %dma_start3A_1536 = arith.constant 128 : i32
        %dma_start3A_1537 = arith.constant 0 : i32
        %dma_start3A_1538 = tpu.memref_slice %arg8[%dma_start3A_1535, %dma_start3A_1536, %dma_start3A_1537] : memref<2x256x64xf32, #tpu.memory_space<vmem>> -> memref<1x128x64xf32, #tpu.memory_space<vmem>>
        %dma_start3A_1539 = tpu.memref_squeeze %dma_start3A_1538 : memref<1x128x64xf32, #tpu.memory_space<vmem>> -> memref<128x64xf32, #tpu.memory_space<vmem>>
        %dma_start3A_1540 = arith.constant 0 : i32
        %dma_start3A_1541 = tpu.memref_slice %arg10[%add3A_1534, %dma_start3A_1540] : memref<32x128xi32, #tpu.memory_space<vmem>> -> memref<1x128xi32, #tpu.memory_space<vmem>>
        %dma_start3A_1542 = tpu.memref_squeeze %dma_start3A_1541 : memref<1x128xi32, #tpu.memory_space<vmem>> -> memref<128xi32, #tpu.memory_space<vmem>>
        %dma_start3A_1543 = arith.constant 0 : i32
        %dma_start3A_1544 = arith.constant 0 : i32
        %dma_start3A_1545 = tpu.memref_slice %arg5[%dma_start3A_1543, %dma_start3A_1544] : memref<8192x64xf32, #tpu.memory_space<hbm>> -> memref<8192x64xf32, #tpu.memory_space<hbm>>
        tpu.enqueue_indirect_dma source(%dma_start3A_1545 : memref<8192x64xf32, #tpu.memory_space<hbm>>) target(%dma_start3A_1539 : memref<128x64xf32, #tpu.memory_space<vmem>>) offsets(%dma_start3A_1542 : memref<128xi32, #tpu.memory_space<vmem>>) semaphore(%arg13 : memref<!tpu.dma_semaphore, #tpu.memory_space<semaphore_mem>>)
        %add3A_1546 = arith.constant 1 : i32
        %add3A_1547 = arith.addi %mul3A_1186, %add3A_1546 : i32
        %dma_start3A_1548 = arith.constant 0 : i32
        %dma_start3A_1549 = arith.constant 128 : i32
        %dma_start3A_1550 = arith.constant 0 : i32
        %dma_start3A_1551 = tpu.memref_slice %arg9[%dma_start3A_1548, %dma_start3A_1549, %dma_start3A_1550] : memref<2x256x64xf32, #tpu.memory_space<vmem>> -> memref<1x128x64xf32, #tpu.memory_space<vmem>>
        %dma_start3A_1552 = tpu.memref_squeeze %dma_start3A_1551 : memref<1x128x64xf32, #tpu.memory_space<vmem>> -> memref<128x64xf32, #tpu.memory_space<vmem>>
        %dma_start3A_1553 = arith.constant 0 : i32
        %dma_start3A_1554 = tpu.memref_slice %arg11[%add3A_1547, %dma_start3A_1553] : memref<32x128xi32, #tpu.memory_space<vmem>> -> memref<1x128xi32, #tpu.memory_space<vmem>>
        %dma_start3A_1555 = tpu.memref_squeeze %dma_start3A_1554 : memref<1x128xi32, #tpu.memory_space<vmem>> -> memref<128xi32, #tpu.memory_space<vmem>>
        %dma_start3A_1556 = arith.constant 0 : i32
        %dma_start3A_1557 = arith.constant 0 : i32
        %dma_start3A_1558 = tpu.memref_slice %arg5[%dma_start3A_1556, %dma_start3A_1557] : memref<8192x64xf32, #tpu.memory_space<hbm>> -> memref<8192x64xf32, #tpu.memory_space<hbm>>
        tpu.enqueue_indirect_dma source(%dma_start3A_1558 : memref<8192x64xf32, #tpu.memory_space<hbm>>) target(%dma_start3A_1552 : memref<128x64xf32, #tpu.memory_space<vmem>>) offsets(%dma_start3A_1555 : memref<128xi32, #tpu.memory_space<vmem>>) semaphore(%arg13 : memref<!tpu.dma_semaphore, #tpu.memory_space<semaphore_mem>>)
      } else {
      }
      %dma_wait3A_806 = arith.constant 0 : i32
      %dma_wait3A_807 = arith.constant 0 : i32
      %dma_wait3A_808 = arith.constant 0 : i32
      %dma_wait3A_809 = arith.constant 1 : i32
      %dma_wait3A_810 = arith.constant 0 : i32
      %dma_wait3A_811 = arith.constant 0 : i32
      %dma_wait3A_812 = tpu.memref_slice %arg7[%dma_wait3A_809, %dma_wait3A_810, %dma_wait3A_811] : memref<2x64x256xf32, #tpu.memory_space<vmem>> -> memref<1x8x128xf32, #tpu.memory_space<vmem>>
      %dma_wait3A_813 = tpu.memref_squeeze %dma_wait3A_812 : memref<1x8x128xf32, #tpu.memory_space<vmem>> -> memref<8x128xf32, #tpu.memory_space<vmem>>
      %dma_wait3A_814 = arith.constant 0 : i32
      %dma_wait3A_815 = arith.constant 0 : i32
      %dma_wait3A_816 = tpu.memref_slice %arg2[%dma_wait3A_806, %dma_wait3A_807, %dma_wait3A_808, %dma_wait3A_814, %dma_wait3A_815] : memref<32x8x32x8x128xf32, #tpu.memory_space<hbm>> -> memref<1x1x1x8x128xf32, #tpu.memory_space<hbm>>
      %dma_wait3A_817 = tpu.memref_squeeze %dma_wait3A_816 : memref<1x1x1x8x128xf32, #tpu.memory_space<hbm>> -> memref<8x128xf32, #tpu.memory_space<hbm>>
      %dma_wait3A_818 = arith.constant 0 : i32
      %dma_wait3A_819 = arith.constant 0 : i32
      %dma_wait3A_820 = tpu.memref_slice %arg7[%dma_wait3A_809, %dma_wait3A_818, %dma_wait3A_819] : memref<2x64x256xf32, #tpu.memory_space<vmem>> -> memref<1x8x128xf32, #tpu.memory_space<vmem>>
      %dma_wait3A_821 = tpu.memref_squeeze %dma_wait3A_820 : memref<1x8x128xf32, #tpu.memory_space<vmem>> -> memref<8x128xf32, #tpu.memory_space<vmem>>
      %dma_wait3A_822 = arith.constant 0 : i32
      %dma_wait3A_823 = arith.constant 0 : i32
      %dma_wait3A_824 = tpu.memref_slice %arg2[%dma_wait3A_806, %dma_wait3A_807, %dma_wait3A_808, %dma_wait3A_822, %dma_wait3A_823] : memref<32x8x32x8x128xf32, #tpu.memory_space<hbm>> -> memref<1x1x1x8x128xf32, #tpu.memory_space<hbm>>
      %dma_wait3A_825 = tpu.memref_squeeze %dma_wait3A_824 : memref<1x1x1x8x128xf32, #tpu.memory_space<hbm>> -> memref<8x128xf32, #tpu.memory_space<hbm>>
      tpu.wait_dma2 semaphore(%arg14 : memref<!tpu.dma_semaphore, #tpu.memory_space<semaphore_mem>>) src(%dma_wait3A_825 : memref<8x128xf32, #tpu.memory_space<hbm>>) dst(%dma_wait3A_821 : memref<8x128xf32, #tpu.memory_space<vmem>>)
      %dma_wait3A_826 = arith.constant 0 : i32
      %dma_wait3A_827 = arith.constant 0 : i32
      %dma_wait3A_828 = arith.constant 1 : i32
      %dma_wait3A_829 = arith.constant 1 : i32
      %dma_wait3A_830 = arith.constant 0 : i32
      %dma_wait3A_831 = arith.constant 128 : i32
      %dma_wait3A_832 = tpu.memref_slice %arg7[%dma_wait3A_829, %dma_wait3A_830, %dma_wait3A_831] : memref<2x64x256xf32, #tpu.memory_space<vmem>> -> memref<1x8x128xf32, #tpu.memory_space<vmem>>
      %dma_wait3A_833 = tpu.memref_squeeze %dma_wait3A_832 : memref<1x8x128xf32, #tpu.memory_space<vmem>> -> memref<8x128xf32, #tpu.memory_space<vmem>>
      %dma_wait3A_834 = arith.constant 0 : i32
      %dma_wait3A_835 = arith.constant 0 : i32
      %dma_wait3A_836 = tpu.memref_slice %arg2[%dma_wait3A_826, %dma_wait3A_827, %dma_wait3A_828, %dma_wait3A_834, %dma_wait3A_835] : memref<32x8x32x8x128xf32, #tpu.memory_space<hbm>> -> memref<1x1x1x8x128xf32, #tpu.memory_space<hbm>>
      %dma_wait3A_837 = tpu.memref_squeeze %dma_wait3A_836 : memref<1x1x1x8x128xf32, #tpu.memory_space<hbm>> -> memref<8x128xf32, #tpu.memory_space<hbm>>
      %dma_wait3A_838 = arith.constant 0 : i32
      %dma_wait3A_839 = arith.constant 128 : i32
      %dma_wait3A_840 = tpu.memref_slice %arg7[%dma_wait3A_829, %dma_wait3A_838, %dma_wait3A_839] : memref<2x64x256xf32, #tpu.memory_space<vmem>> -> memref<1x8x128xf32, #tpu.memory_space<vmem>>
      %dma_wait3A_841 = tpu.memref_squeeze %dma_wait3A_840 : memref<1x8x128xf32, #tpu.memory_space<vmem>> -> memref<8x128xf32, #tpu.memory_space<vmem>>
      %dma_wait3A_842 = arith.constant 0 : i32
      %dma_wait3A_843 = arith.constant 0 : i32
      %dma_wait3A_844 = tpu.memref_slice %arg2[%dma_wait3A_826, %dma_wait3A_827, %dma_wait3A_828, %dma_wait3A_842, %dma_wait3A_843] : memref<32x8x32x8x128xf32, #tpu.memory_space<hbm>> -> memref<1x1x1x8x128xf32, #tpu.memory_space<hbm>>
      %dma_wait3A_845 = tpu.memref_squeeze %dma_wait3A_844 : memref<1x1x1x8x128xf32, #tpu.memory_space<hbm>> -> memref<8x128xf32, #tpu.memory_space<hbm>>
      tpu.wait_dma2 semaphore(%arg14 : memref<!tpu.dma_semaphore, #tpu.memory_space<semaphore_mem>>) src(%dma_wait3A_845 : memref<8x128xf32, #tpu.memory_space<hbm>>) dst(%dma_wait3A_841 : memref<8x128xf32, #tpu.memory_space<vmem>>)
      %dma_wait3A_846 = arith.constant 0 : i32
      %dma_wait3A_847 = arith.constant 1 : i32
      %dma_wait3A_848 = arith.constant 0 : i32
      %dma_wait3A_849 = arith.constant 1 : i32
      %dma_wait3A_850 = arith.constant 8 : i32
      %dma_wait3A_851 = arith.constant 0 : i32
      %dma_wait3A_852 = tpu.memref_slice %arg7[%dma_wait3A_849, %dma_wait3A_850, %dma_wait3A_851] : memref<2x64x256xf32, #tpu.memory_space<vmem>> -> memref<1x8x128xf32, #tpu.memory_space<vmem>>
      %dma_wait3A_853 = tpu.memref_squeeze %dma_wait3A_852 : memref<1x8x128xf32, #tpu.memory_space<vmem>> -> memref<8x128xf32, #tpu.memory_space<vmem>>
      %dma_wait3A_854 = arith.constant 0 : i32
      %dma_wait3A_855 = arith.constant 0 : i32
      %dma_wait3A_856 = tpu.memref_slice %arg2[%dma_wait3A_846, %dma_wait3A_847, %dma_wait3A_848, %dma_wait3A_854, %dma_wait3A_855] : memref<32x8x32x8x128xf32, #tpu.memory_space<hbm>> -> memref<1x1x1x8x128xf32, #tpu.memory_space<hbm>>
      %dma_wait3A_857 = tpu.memref_squeeze %dma_wait3A_856 : memref<1x1x1x8x128xf32, #tpu.memory_space<hbm>> -> memref<8x128xf32, #tpu.memory_space<hbm>>
      %dma_wait3A_858 = arith.constant 8 : i32
      %dma_wait3A_859 = arith.constant 0 : i32
      %dma_wait3A_860 = tpu.memref_slice %arg7[%dma_wait3A_849, %dma_wait3A_858, %dma_wait3A_859] : memref<2x64x256xf32, #tpu.memory_space<vmem>> -> memref<1x8x128xf32, #tpu.memory_space<vmem>>
      %dma_wait3A_861 = tpu.memref_squeeze %dma_wait3A_860 : memref<1x8x128xf32, #tpu.memory_space<vmem>> -> memref<8x128xf32, #tpu.memory_space<vmem>>
      %dma_wait3A_862 = arith.constant 0 : i32
      %dma_wait3A_863 = arith.constant 0 : i32
      %dma_wait3A_864 = tpu.memref_slice %arg2[%dma_wait3A_846, %dma_wait3A_847, %dma_wait3A_848, %dma_wait3A_862, %dma_wait3A_863] : memref<32x8x32x8x128xf32, #tpu.memory_space<hbm>> -> memref<1x1x1x8x128xf32, #tpu.memory_space<hbm>>
      %dma_wait3A_865 = tpu.memref_squeeze %dma_wait3A_864 : memref<1x1x1x8x128xf32, #tpu.memory_space<hbm>> -> memref<8x128xf32, #tpu.memory_space<hbm>>
      tpu.wait_dma2 semaphore(%arg14 : memref<!tpu.dma_semaphore, #tpu.memory_space<semaphore_mem>>) src(%dma_wait3A_865 : memref<8x128xf32, #tpu.memory_space<hbm>>) dst(%dma_wait3A_861 : memref<8x128xf32, #tpu.memory_space<vmem>>)
      %dma_wait3A_866 = arith.constant 0 : i32
      %dma_wait3A_867 = arith.constant 1 : i32
      %dma_wait3A_868 = arith.constant 1 : i32
      %dma_wait3A_869 = arith.constant 1 : i32
      %dma_wait3A_870 = arith.constant 8 : i32
      %dma_wait3A_871 = arith.constant 128 : i32
      %dma_wait3A_872 = tpu.memref_slice %arg7[%dma_wait3A_869, %dma_wait3A_870, %dma_wait3A_871] : memref<2x64x256xf32, #tpu.memory_space<vmem>> -> memref<1x8x128xf32, #tpu.memory_space<vmem>>
      %dma_wait3A_873 = tpu.memref_squeeze %dma_wait3A_872 : memref<1x8x128xf32, #tpu.memory_space<vmem>> -> memref<8x128xf32, #tpu.memory_space<vmem>>
      %dma_wait3A_874 = arith.constant 0 : i32
      %dma_wait3A_875 = arith.constant 0 : i32
      %dma_wait3A_876 = tpu.memref_slice %arg2[%dma_wait3A_866, %dma_wait3A_867, %dma_wait3A_868, %dma_wait3A_874, %dma_wait3A_875] : memref<32x8x32x8x128xf32, #tpu.memory_space<hbm>> -> memref<1x1x1x8x128xf32, #tpu.memory_space<hbm>>
      %dma_wait3A_877 = tpu.memref_squeeze %dma_wait3A_876 : memref<1x1x1x8x128xf32, #tpu.memory_space<hbm>> -> memref<8x128xf32, #tpu.memory_space<hbm>>
      %dma_wait3A_878 = arith.constant 8 : i32
      %dma_wait3A_879 = arith.constant 128 : i32
      %dma_wait3A_880 = tpu.memref_slice %arg7[%dma_wait3A_869, %dma_wait3A_878, %dma_wait3A_879] : memref<2x64x256xf32, #tpu.memory_space<vmem>> -> memref<1x8x128xf32, #tpu.memory_space<vmem>>
      %dma_wait3A_881 = tpu.memref_squeeze %dma_wait3A_880 : memref<1x8x128xf32, #tpu.memory_space<vmem>> -> memref<8x128xf32, #tpu.memory_space<vmem>>
      %dma_wait3A_882 = arith.constant 0 : i32
      %dma_wait3A_883 = arith.constant 0 : i32
      %dma_wait3A_884 = tpu.memref_slice %arg2[%dma_wait3A_866, %dma_wait3A_867, %dma_wait3A_868, %dma_wait3A_882, %dma_wait3A_883] : memref<32x8x32x8x128xf32, #tpu.memory_space<hbm>> -> memref<1x1x1x8x128xf32, #tpu.memory_space<hbm>>
      %dma_wait3A_885 = tpu.memref_squeeze %dma_wait3A_884 : memref<1x1x1x8x128xf32, #tpu.memory_space<hbm>> -> memref<8x128xf32, #tpu.memory_space<hbm>>
      tpu.wait_dma2 semaphore(%arg14 : memref<!tpu.dma_semaphore, #tpu.memory_space<semaphore_mem>>) src(%dma_wait3A_885 : memref<8x128xf32, #tpu.memory_space<hbm>>) dst(%dma_wait3A_881 : memref<8x128xf32, #tpu.memory_space<vmem>>)
      %dma_wait3A_886 = arith.constant 0 : i32
      %dma_wait3A_887 = arith.constant 2 : i32
      %dma_wait3A_888 = arith.constant 0 : i32
      %dma_wait3A_889 = arith.constant 1 : i32
      %dma_wait3A_890 = arith.constant 16 : i32
      %dma_wait3A_891 = arith.constant 0 : i32
      %dma_wait3A_892 = tpu.memref_slice %arg7[%dma_wait3A_889, %dma_wait3A_890, %dma_wait3A_891] : memref<2x64x256xf32, #tpu.memory_space<vmem>> -> memref<1x8x128xf32, #tpu.memory_space<vmem>>
      %dma_wait3A_893 = tpu.memref_squeeze %dma_wait3A_892 : memref<1x8x128xf32, #tpu.memory_space<vmem>> -> memref<8x128xf32, #tpu.memory_space<vmem>>
      %dma_wait3A_894 = arith.constant 0 : i32
      %dma_wait3A_895 = arith.constant 0 : i32
      %dma_wait3A_896 = tpu.memref_slice %arg2[%dma_wait3A_886, %dma_wait3A_887, %dma_wait3A_888, %dma_wait3A_894, %dma_wait3A_895] : memref<32x8x32x8x128xf32, #tpu.memory_space<hbm>> -> memref<1x1x1x8x128xf32, #tpu.memory_space<hbm>>
      %dma_wait3A_897 = tpu.memref_squeeze %dma_wait3A_896 : memref<1x1x1x8x128xf32, #tpu.memory_space<hbm>> -> memref<8x128xf32, #tpu.memory_space<hbm>>
      %dma_wait3A_898 = arith.constant 16 : i32
      %dma_wait3A_899 = arith.constant 0 : i32
      %dma_wait3A_900 = tpu.memref_slice %arg7[%dma_wait3A_889, %dma_wait3A_898, %dma_wait3A_899] : memref<2x64x256xf32, #tpu.memory_space<vmem>> -> memref<1x8x128xf32, #tpu.memory_space<vmem>>
      %dma_wait3A_901 = tpu.memref_squeeze %dma_wait3A_900 : memref<1x8x128xf32, #tpu.memory_space<vmem>> -> memref<8x128xf32, #tpu.memory_space<vmem>>
      %dma_wait3A_902 = arith.constant 0 : i32
      %dma_wait3A_903 = arith.constant 0 : i32
      %dma_wait3A_904 = tpu.memref_slice %arg2[%dma_wait3A_886, %dma_wait3A_887, %dma_wait3A_888, %dma_wait3A_902, %dma_wait3A_903] : memref<32x8x32x8x128xf32, #tpu.memory_space<hbm>> -> memref<1x1x1x8x128xf32, #tpu.memory_space<hbm>>
      %dma_wait3A_905 = tpu.memref_squeeze %dma_wait3A_904 : memref<1x1x1x8x128xf32, #tpu.memory_space<hbm>> -> memref<8x128xf32, #tpu.memory_space<hbm>>
      tpu.wait_dma2 semaphore(%arg14 : memref<!tpu.dma_semaphore, #tpu.memory_space<semaphore_mem>>) src(%dma_wait3A_905 : memref<8x128xf32, #tpu.memory_space<hbm>>) dst(%dma_wait3A_901 : memref<8x128xf32, #tpu.memory_space<vmem>>)
      %dma_wait3A_906 = arith.constant 0 : i32
      %dma_wait3A_907 = arith.constant 2 : i32
      %dma_wait3A_908 = arith.constant 1 : i32
      %dma_wait3A_909 = arith.constant 1 : i32
      %dma_wait3A_910 = arith.constant 16 : i32
      %dma_wait3A_911 = arith.constant 128 : i32
      %dma_wait3A_912 = tpu.memref_slice %arg7[%dma_wait3A_909, %dma_wait3A_910, %dma_wait3A_911] : memref<2x64x256xf32, #tpu.memory_space<vmem>> -> memref<1x8x128xf32, #tpu.memory_space<vmem>>
      %dma_wait3A_913 = tpu.memref_squeeze %dma_wait3A_912 : memref<1x8x128xf32, #tpu.memory_space<vmem>> -> memref<8x128xf32, #tpu.memory_space<vmem>>
      %dma_wait3A_914 = arith.constant 0 : i32
      %dma_wait3A_915 = arith.constant 0 : i32
      %dma_wait3A_916 = tpu.memref_slice %arg2[%dma_wait3A_906, %dma_wait3A_907, %dma_wait3A_908, %dma_wait3A_914, %dma_wait3A_915] : memref<32x8x32x8x128xf32, #tpu.memory_space<hbm>> -> memref<1x1x1x8x128xf32, #tpu.memory_space<hbm>>
      %dma_wait3A_917 = tpu.memref_squeeze %dma_wait3A_916 : memref<1x1x1x8x128xf32, #tpu.memory_space<hbm>> -> memref<8x128xf32, #tpu.memory_space<hbm>>
      %dma_wait3A_918 = arith.constant 16 : i32
      %dma_wait3A_919 = arith.constant 128 : i32
      %dma_wait3A_920 = tpu.memref_slice %arg7[%dma_wait3A_909, %dma_wait3A_918, %dma_wait3A_919] : memref<2x64x256xf32, #tpu.memory_space<vmem>> -> memref<1x8x128xf32, #tpu.memory_space<vmem>>
      %dma_wait3A_921 = tpu.memref_squeeze %dma_wait3A_920 : memref<1x8x128xf32, #tpu.memory_space<vmem>> -> memref<8x128xf32, #tpu.memory_space<vmem>>
      %dma_wait3A_922 = arith.constant 0 : i32
      %dma_wait3A_923 = arith.constant 0 : i32
      %dma_wait3A_924 = tpu.memref_slice %arg2[%dma_wait3A_906, %dma_wait3A_907, %dma_wait3A_908, %dma_wait3A_922, %dma_wait3A_923] : memref<32x8x32x8x128xf32, #tpu.memory_space<hbm>> -> memref<1x1x1x8x128xf32, #tpu.memory_space<hbm>>
      %dma_wait3A_925 = tpu.memref_squeeze %dma_wait3A_924 : memref<1x1x1x8x128xf32, #tpu.memory_space<hbm>> -> memref<8x128xf32, #tpu.memory_space<hbm>>
      tpu.wait_dma2 semaphore(%arg14 : memref<!tpu.dma_semaphore, #tpu.memory_space<semaphore_mem>>) src(%dma_wait3A_925 : memref<8x128xf32, #tpu.memory_space<hbm>>) dst(%dma_wait3A_921 : memref<8x128xf32, #tpu.memory_space<vmem>>)
      %dma_wait3A_926 = arith.constant 0 : i32
      %dma_wait3A_927 = arith.constant 3 : i32
      %dma_wait3A_928 = arith.constant 0 : i32
      %dma_wait3A_929 = arith.constant 1 : i32
      %dma_wait3A_930 = arith.constant 24 : i32
      %dma_wait3A_931 = arith.constant 0 : i32
      %dma_wait3A_932 = tpu.memref_slice %arg7[%dma_wait3A_929, %dma_wait3A_930, %dma_wait3A_931] : memref<2x64x256xf32, #tpu.memory_space<vmem>> -> memref<1x8x128xf32, #tpu.memory_space<vmem>>
      %dma_wait3A_933 = tpu.memref_squeeze %dma_wait3A_932 : memref<1x8x128xf32, #tpu.memory_space<vmem>> -> memref<8x128xf32, #tpu.memory_space<vmem>>
      %dma_wait3A_934 = arith.constant 0 : i32
      %dma_wait3A_935 = arith.constant 0 : i32
      %dma_wait3A_936 = tpu.memref_slice %arg2[%dma_wait3A_926, %dma_wait3A_927, %dma_wait3A_928, %dma_wait3A_934, %dma_wait3A_935] : memref<32x8x32x8x128xf32, #tpu.memory_space<hbm>> -> memref<1x1x1x8x128xf32, #tpu.memory_space<hbm>>
      %dma_wait3A_937 = tpu.memref_squeeze %dma_wait3A_936 : memref<1x1x1x8x128xf32, #tpu.memory_space<hbm>> -> memref<8x128xf32, #tpu.memory_space<hbm>>
      %dma_wait3A_938 = arith.constant 24 : i32
      %dma_wait3A_939 = arith.constant 0 : i32
      %dma_wait3A_940 = tpu.memref_slice %arg7[%dma_wait3A_929, %dma_wait3A_938, %dma_wait3A_939] : memref<2x64x256xf32, #tpu.memory_space<vmem>> -> memref<1x8x128xf32, #tpu.memory_space<vmem>>
      %dma_wait3A_941 = tpu.memref_squeeze %dma_wait3A_940 : memref<1x8x128xf32, #tpu.memory_space<vmem>> -> memref<8x128xf32, #tpu.memory_space<vmem>>
      %dma_wait3A_942 = arith.constant 0 : i32
      %dma_wait3A_943 = arith.constant 0 : i32
      %dma_wait3A_944 = tpu.memref_slice %arg2[%dma_wait3A_926, %dma_wait3A_927, %dma_wait3A_928, %dma_wait3A_942, %dma_wait3A_943] : memref<32x8x32x8x128xf32, #tpu.memory_space<hbm>> -> memref<1x1x1x8x128xf32, #tpu.memory_space<hbm>>
      %dma_wait3A_945 = tpu.memref_squeeze %dma_wait3A_944 : memref<1x1x1x8x128xf32, #tpu.memory_space<hbm>> -> memref<8x128xf32, #tpu.memory_space<hbm>>
      tpu.wait_dma2 semaphore(%arg14 : memref<!tpu.dma_semaphore, #tpu.memory_space<semaphore_mem>>) src(%dma_wait3A_945 : memref<8x128xf32, #tpu.memory_space<hbm>>) dst(%dma_wait3A_941 : memref<8x128xf32, #tpu.memory_space<vmem>>)
      %dma_wait3A_946 = arith.constant 0 : i32
      %dma_wait3A_947 = arith.constant 3 : i32
      %dma_wait3A_948 = arith.constant 1 : i32
      %dma_wait3A_949 = arith.constant 1 : i32
      %dma_wait3A_950 = arith.constant 24 : i32
      %dma_wait3A_951 = arith.constant 128 : i32
      %dma_wait3A_952 = tpu.memref_slice %arg7[%dma_wait3A_949, %dma_wait3A_950, %dma_wait3A_951] : memref<2x64x256xf32, #tpu.memory_space<vmem>> -> memref<1x8x128xf32, #tpu.memory_space<vmem>>
      %dma_wait3A_953 = tpu.memref_squeeze %dma_wait3A_952 : memref<1x8x128xf32, #tpu.memory_space<vmem>> -> memref<8x128xf32, #tpu.memory_space<vmem>>
      %dma_wait3A_954 = arith.constant 0 : i32
      %dma_wait3A_955 = arith.constant 0 : i32
      %dma_wait3A_956 = tpu.memref_slice %arg2[%dma_wait3A_946, %dma_wait3A_947, %dma_wait3A_948, %dma_wait3A_954, %dma_wait3A_955] : memref<32x8x32x8x128xf32, #tpu.memory_space<hbm>> -> memref<1x1x1x8x128xf32, #tpu.memory_space<hbm>>
      %dma_wait3A_957 = tpu.memref_squeeze %dma_wait3A_956 : memref<1x1x1x8x128xf32, #tpu.memory_space<hbm>> -> memref<8x128xf32, #tpu.memory_space<hbm>>
      %dma_wait3A_958 = arith.constant 24 : i32
      %dma_wait3A_959 = arith.constant 128 : i32
      %dma_wait3A_960 = tpu.memref_slice %arg7[%dma_wait3A_949, %dma_wait3A_958, %dma_wait3A_959] : memref<2x64x256xf32, #tpu.memory_space<vmem>> -> memref<1x8x128xf32, #tpu.memory_space<vmem>>
      %dma_wait3A_961 = tpu.memref_squeeze %dma_wait3A_960 : memref<1x8x128xf32, #tpu.memory_space<vmem>> -> memref<8x128xf32, #tpu.memory_space<vmem>>
      %dma_wait3A_962 = arith.constant 0 : i32
      %dma_wait3A_963 = arith.constant 0 : i32
      %dma_wait3A_964 = tpu.memref_slice %arg2[%dma_wait3A_946, %dma_wait3A_947, %dma_wait3A_948, %dma_wait3A_962, %dma_wait3A_963] : memref<32x8x32x8x128xf32, #tpu.memory_space<hbm>> -> memref<1x1x1x8x128xf32, #tpu.memory_space<hbm>>
      %dma_wait3A_965 = tpu.memref_squeeze %dma_wait3A_964 : memref<1x1x1x8x128xf32, #tpu.memory_space<hbm>> -> memref<8x128xf32, #tpu.memory_space<hbm>>
      tpu.wait_dma2 semaphore(%arg14 : memref<!tpu.dma_semaphore, #tpu.memory_space<semaphore_mem>>) src(%dma_wait3A_965 : memref<8x128xf32, #tpu.memory_space<hbm>>) dst(%dma_wait3A_961 : memref<8x128xf32, #tpu.memory_space<vmem>>)
      %dma_wait3A_966 = arith.constant 0 : i32
      %dma_wait3A_967 = arith.constant 4 : i32
      %dma_wait3A_968 = arith.constant 0 : i32
      %dma_wait3A_969 = arith.constant 1 : i32
      %dma_wait3A_970 = arith.constant 32 : i32
      %dma_wait3A_971 = arith.constant 0 : i32
      %dma_wait3A_972 = tpu.memref_slice %arg7[%dma_wait3A_969, %dma_wait3A_970, %dma_wait3A_971] : memref<2x64x256xf32, #tpu.memory_space<vmem>> -> memref<1x8x128xf32, #tpu.memory_space<vmem>>
      %dma_wait3A_973 = tpu.memref_squeeze %dma_wait3A_972 : memref<1x8x128xf32, #tpu.memory_space<vmem>> -> memref<8x128xf32, #tpu.memory_space<vmem>>
      %dma_wait3A_974 = arith.constant 0 : i32
      %dma_wait3A_975 = arith.constant 0 : i32
      %dma_wait3A_976 = tpu.memref_slice %arg2[%dma_wait3A_966, %dma_wait3A_967, %dma_wait3A_968, %dma_wait3A_974, %dma_wait3A_975] : memref<32x8x32x8x128xf32, #tpu.memory_space<hbm>> -> memref<1x1x1x8x128xf32, #tpu.memory_space<hbm>>
      %dma_wait3A_977 = tpu.memref_squeeze %dma_wait3A_976 : memref<1x1x1x8x128xf32, #tpu.memory_space<hbm>> -> memref<8x128xf32, #tpu.memory_space<hbm>>
      %dma_wait3A_978 = arith.constant 32 : i32
      %dma_wait3A_979 = arith.constant 0 : i32
      %dma_wait3A_980 = tpu.memref_slice %arg7[%dma_wait3A_969, %dma_wait3A_978, %dma_wait3A_979] : memref<2x64x256xf32, #tpu.memory_space<vmem>> -> memref<1x8x128xf32, #tpu.memory_space<vmem>>
      %dma_wait3A_981 = tpu.memref_squeeze %dma_wait3A_980 : memref<1x8x128xf32, #tpu.memory_space<vmem>> -> memref<8x128xf32, #tpu.memory_space<vmem>>
      %dma_wait3A_982 = arith.constant 0 : i32
      %dma_wait3A_983 = arith.constant 0 : i32
      %dma_wait3A_984 = tpu.memref_slice %arg2[%dma_wait3A_966, %dma_wait3A_967, %dma_wait3A_968, %dma_wait3A_982, %dma_wait3A_983] : memref<32x8x32x8x128xf32, #tpu.memory_space<hbm>> -> memref<1x1x1x8x128xf32, #tpu.memory_space<hbm>>
      %dma_wait3A_985 = tpu.memref_squeeze %dma_wait3A_984 : memref<1x1x1x8x128xf32, #tpu.memory_space<hbm>> -> memref<8x128xf32, #tpu.memory_space<hbm>>
      tpu.wait_dma2 semaphore(%arg14 : memref<!tpu.dma_semaphore, #tpu.memory_space<semaphore_mem>>) src(%dma_wait3A_985 : memref<8x128xf32, #tpu.memory_space<hbm>>) dst(%dma_wait3A_981 : memref<8x128xf32, #tpu.memory_space<vmem>>)
      %dma_wait3A_986 = arith.constant 0 : i32
      %dma_wait3A_987 = arith.constant 4 : i32
      %dma_wait3A_988 = arith.constant 1 : i32
      %dma_wait3A_989 = arith.constant 1 : i32
      %dma_wait3A_990 = arith.constant 32 : i32
      %dma_wait3A_991 = arith.constant 128 : i32
      %dma_wait3A_992 = tpu.memref_slice %arg7[%dma_wait3A_989, %dma_wait3A_990, %dma_wait3A_991] : memref<2x64x256xf32, #tpu.memory_space<vmem>> -> memref<1x8x128xf32, #tpu.memory_space<vmem>>
      %dma_wait3A_993 = tpu.memref_squeeze %dma_wait3A_992 : memref<1x8x128xf32, #tpu.memory_space<vmem>> -> memref<8x128xf32, #tpu.memory_space<vmem>>
      %dma_wait3A_994 = arith.constant 0 : i32
      %dma_wait3A_995 = arith.constant 0 : i32
      %dma_wait3A_996 = tpu.memref_slice %arg2[%dma_wait3A_986, %dma_wait3A_987, %dma_wait3A_988, %dma_wait3A_994, %dma_wait3A_995] : memref<32x8x32x8x128xf32, #tpu.memory_space<hbm>> -> memref<1x1x1x8x128xf32, #tpu.memory_space<hbm>>
      %dma_wait3A_997 = tpu.memref_squeeze %dma_wait3A_996 : memref<1x1x1x8x128xf32, #tpu.memory_space<hbm>> -> memref<8x128xf32, #tpu.memory_space<hbm>>
      %dma_wait3A_998 = arith.constant 32 : i32
      %dma_wait3A_999 = arith.constant 128 : i32
      %dma_wait3A_1000 = tpu.memref_slice %arg7[%dma_wait3A_989, %dma_wait3A_998, %dma_wait3A_999] : memref<2x64x256xf32, #tpu.memory_space<vmem>> -> memref<1x8x128xf32, #tpu.memory_space<vmem>>
      %dma_wait3A_1001 = tpu.memref_squeeze %dma_wait3A_1000 : memref<1x8x128xf32, #tpu.memory_space<vmem>> -> memref<8x128xf32, #tpu.memory_space<vmem>>
      %dma_wait3A_1002 = arith.constant 0 : i32
      %dma_wait3A_1003 = arith.constant 0 : i32
      %dma_wait3A_1004 = tpu.memref_slice %arg2[%dma_wait3A_986, %dma_wait3A_987, %dma_wait3A_988, %dma_wait3A_1002, %dma_wait3A_1003] : memref<32x8x32x8x128xf32, #tpu.memory_space<hbm>> -> memref<1x1x1x8x128xf32, #tpu.memory_space<hbm>>
      %dma_wait3A_1005 = tpu.memref_squeeze %dma_wait3A_1004 : memref<1x1x1x8x128xf32, #tpu.memory_space<hbm>> -> memref<8x128xf32, #tpu.memory_space<hbm>>
      tpu.wait_dma2 semaphore(%arg14 : memref<!tpu.dma_semaphore, #tpu.memory_space<semaphore_mem>>) src(%dma_wait3A_1005 : memref<8x128xf32, #tpu.memory_space<hbm>>) dst(%dma_wait3A_1001 : memref<8x128xf32, #tpu.memory_space<vmem>>)
      %dma_wait3A_1006 = arith.constant 0 : i32
      %dma_wait3A_1007 = arith.constant 5 : i32
      %dma_wait3A_1008 = arith.constant 0 : i32
      %dma_wait3A_1009 = arith.constant 1 : i32
      %dma_wait3A_1010 = arith.constant 40 : i32
      %dma_wait3A_1011 = arith.constant 0 : i32
      %dma_wait3A_1012 = tpu.memref_slice %arg7[%dma_wait3A_1009, %dma_wait3A_1010, %dma_wait3A_1011] : memref<2x64x256xf32, #tpu.memory_space<vmem>> -> memref<1x8x128xf32, #tpu.memory_space<vmem>>
      %dma_wait3A_1013 = tpu.memref_squeeze %dma_wait3A_1012 : memref<1x8x128xf32, #tpu.memory_space<vmem>> -> memref<8x128xf32, #tpu.memory_space<vmem>>
      %dma_wait3A_1014 = arith.constant 0 : i32
      %dma_wait3A_1015 = arith.constant 0 : i32
      %dma_wait3A_1016 = tpu.memref_slice %arg2[%dma_wait3A_1006, %dma_wait3A_1007, %dma_wait3A_1008, %dma_wait3A_1014, %dma_wait3A_1015] : memref<32x8x32x8x128xf32, #tpu.memory_space<hbm>> -> memref<1x1x1x8x128xf32, #tpu.memory_space<hbm>>
      %dma_wait3A_1017 = tpu.memref_squeeze %dma_wait3A_1016 : memref<1x1x1x8x128xf32, #tpu.memory_space<hbm>> -> memref<8x128xf32, #tpu.memory_space<hbm>>
      %dma_wait3A_1018 = arith.constant 40 : i32
      %dma_wait3A_1019 = arith.constant 0 : i32
      %dma_wait3A_1020 = tpu.memref_slice %arg7[%dma_wait3A_1009, %dma_wait3A_1018, %dma_wait3A_1019] : memref<2x64x256xf32, #tpu.memory_space<vmem>> -> memref<1x8x128xf32, #tpu.memory_space<vmem>>
      %dma_wait3A_1021 = tpu.memref_squeeze %dma_wait3A_1020 : memref<1x8x128xf32, #tpu.memory_space<vmem>> -> memref<8x128xf32, #tpu.memory_space<vmem>>
      %dma_wait3A_1022 = arith.constant 0 : i32
      %dma_wait3A_1023 = arith.constant 0 : i32
      %dma_wait3A_1024 = tpu.memref_slice %arg2[%dma_wait3A_1006, %dma_wait3A_1007, %dma_wait3A_1008, %dma_wait3A_1022, %dma_wait3A_1023] : memref<32x8x32x8x128xf32, #tpu.memory_space<hbm>> -> memref<1x1x1x8x128xf32, #tpu.memory_space<hbm>>
      %dma_wait3A_1025 = tpu.memref_squeeze %dma_wait3A_1024 : memref<1x1x1x8x128xf32, #tpu.memory_space<hbm>> -> memref<8x128xf32, #tpu.memory_space<hbm>>
      tpu.wait_dma2 semaphore(%arg14 : memref<!tpu.dma_semaphore, #tpu.memory_space<semaphore_mem>>) src(%dma_wait3A_1025 : memref<8x128xf32, #tpu.memory_space<hbm>>) dst(%dma_wait3A_1021 : memref<8x128xf32, #tpu.memory_space<vmem>>)
      %dma_wait3A_1026 = arith.constant 0 : i32
      %dma_wait3A_1027 = arith.constant 5 : i32
      %dma_wait3A_1028 = arith.constant 1 : i32
      %dma_wait3A_1029 = arith.constant 1 : i32
      %dma_wait3A_1030 = arith.constant 40 : i32
      %dma_wait3A_1031 = arith.constant 128 : i32
      %dma_wait3A_1032 = tpu.memref_slice %arg7[%dma_wait3A_1029, %dma_wait3A_1030, %dma_wait3A_1031] : memref<2x64x256xf32, #tpu.memory_space<vmem>> -> memref<1x8x128xf32, #tpu.memory_space<vmem>>
      %dma_wait3A_1033 = tpu.memref_squeeze %dma_wait3A_1032 : memref<1x8x128xf32, #tpu.memory_space<vmem>> -> memref<8x128xf32, #tpu.memory_space<vmem>>
      %dma_wait3A_1034 = arith.constant 0 : i32
      %dma_wait3A_1035 = arith.constant 0 : i32
      %dma_wait3A_1036 = tpu.memref_slice %arg2[%dma_wait3A_1026, %dma_wait3A_1027, %dma_wait3A_1028, %dma_wait3A_1034, %dma_wait3A_1035] : memref<32x8x32x8x128xf32, #tpu.memory_space<hbm>> -> memref<1x1x1x8x128xf32, #tpu.memory_space<hbm>>
      %dma_wait3A_1037 = tpu.memref_squeeze %dma_wait3A_1036 : memref<1x1x1x8x128xf32, #tpu.memory_space<hbm>> -> memref<8x128xf32, #tpu.memory_space<hbm>>
      %dma_wait3A_1038 = arith.constant 40 : i32
      %dma_wait3A_1039 = arith.constant 128 : i32
      %dma_wait3A_1040 = tpu.memref_slice %arg7[%dma_wait3A_1029, %dma_wait3A_1038, %dma_wait3A_1039] : memref<2x64x256xf32, #tpu.memory_space<vmem>> -> memref<1x8x128xf32, #tpu.memory_space<vmem>>
      %dma_wait3A_1041 = tpu.memref_squeeze %dma_wait3A_1040 : memref<1x8x128xf32, #tpu.memory_space<vmem>> -> memref<8x128xf32, #tpu.memory_space<vmem>>
      %dma_wait3A_1042 = arith.constant 0 : i32
      %dma_wait3A_1043 = arith.constant 0 : i32
      %dma_wait3A_1044 = tpu.memref_slice %arg2[%dma_wait3A_1026, %dma_wait3A_1027, %dma_wait3A_1028, %dma_wait3A_1042, %dma_wait3A_1043] : memref<32x8x32x8x128xf32, #tpu.memory_space<hbm>> -> memref<1x1x1x8x128xf32, #tpu.memory_space<hbm>>
      %dma_wait3A_1045 = tpu.memref_squeeze %dma_wait3A_1044 : memref<1x1x1x8x128xf32, #tpu.memory_space<hbm>> -> memref<8x128xf32, #tpu.memory_space<hbm>>
      tpu.wait_dma2 semaphore(%arg14 : memref<!tpu.dma_semaphore, #tpu.memory_space<semaphore_mem>>) src(%dma_wait3A_1045 : memref<8x128xf32, #tpu.memory_space<hbm>>) dst(%dma_wait3A_1041 : memref<8x128xf32, #tpu.memory_space<vmem>>)
      %dma_wait3A_1046 = arith.constant 0 : i32
      %dma_wait3A_1047 = arith.constant 6 : i32
      %dma_wait3A_1048 = arith.constant 0 : i32
      %dma_wait3A_1049 = arith.constant 1 : i32
      %dma_wait3A_1050 = arith.constant 48 : i32
      %dma_wait3A_1051 = arith.constant 0 : i32
      %dma_wait3A_1052 = tpu.memref_slice %arg7[%dma_wait3A_1049, %dma_wait3A_1050, %dma_wait3A_1051] : memref<2x64x256xf32, #tpu.memory_space<vmem>> -> memref<1x8x128xf32, #tpu.memory_space<vmem>>
      %dma_wait3A_1053 = tpu.memref_squeeze %dma_wait3A_1052 : memref<1x8x128xf32, #tpu.memory_space<vmem>> -> memref<8x128xf32, #tpu.memory_space<vmem>>
      %dma_wait3A_1054 = arith.constant 0 : i32
      %dma_wait3A_1055 = arith.constant 0 : i32
      %dma_wait3A_1056 = tpu.memref_slice %arg2[%dma_wait3A_1046, %dma_wait3A_1047, %dma_wait3A_1048, %dma_wait3A_1054, %dma_wait3A_1055] : memref<32x8x32x8x128xf32, #tpu.memory_space<hbm>> -> memref<1x1x1x8x128xf32, #tpu.memory_space<hbm>>
      %dma_wait3A_1057 = tpu.memref_squeeze %dma_wait3A_1056 : memref<1x1x1x8x128xf32, #tpu.memory_space<hbm>> -> memref<8x128xf32, #tpu.memory_space<hbm>>
      %dma_wait3A_1058 = arith.constant 48 : i32
      %dma_wait3A_1059 = arith.constant 0 : i32
      %dma_wait3A_1060 = tpu.memref_slice %arg7[%dma_wait3A_1049, %dma_wait3A_1058, %dma_wait3A_1059] : memref<2x64x256xf32, #tpu.memory_space<vmem>> -> memref<1x8x128xf32, #tpu.memory_space<vmem>>
      %dma_wait3A_1061 = tpu.memref_squeeze %dma_wait3A_1060 : memref<1x8x128xf32, #tpu.memory_space<vmem>> -> memref<8x128xf32, #tpu.memory_space<vmem>>
      %dma_wait3A_1062 = arith.constant 0 : i32
      %dma_wait3A_1063 = arith.constant 0 : i32
      %dma_wait3A_1064 = tpu.memref_slice %arg2[%dma_wait3A_1046, %dma_wait3A_1047, %dma_wait3A_1048, %dma_wait3A_1062, %dma_wait3A_1063] : memref<32x8x32x8x128xf32, #tpu.memory_space<hbm>> -> memref<1x1x1x8x128xf32, #tpu.memory_space<hbm>>
      %dma_wait3A_1065 = tpu.memref_squeeze %dma_wait3A_1064 : memref<1x1x1x8x128xf32, #tpu.memory_space<hbm>> -> memref<8x128xf32, #tpu.memory_space<hbm>>
      tpu.wait_dma2 semaphore(%arg14 : memref<!tpu.dma_semaphore, #tpu.memory_space<semaphore_mem>>) src(%dma_wait3A_1065 : memref<8x128xf32, #tpu.memory_space<hbm>>) dst(%dma_wait3A_1061 : memref<8x128xf32, #tpu.memory_space<vmem>>)
      %dma_wait3A_1066 = arith.constant 0 : i32
      %dma_wait3A_1067 = arith.constant 6 : i32
      %dma_wait3A_1068 = arith.constant 1 : i32
      %dma_wait3A_1069 = arith.constant 1 : i32
      %dma_wait3A_1070 = arith.constant 48 : i32
      %dma_wait3A_1071 = arith.constant 128 : i32
      %dma_wait3A_1072 = tpu.memref_slice %arg7[%dma_wait3A_1069, %dma_wait3A_1070, %dma_wait3A_1071] : memref<2x64x256xf32, #tpu.memory_space<vmem>> -> memref<1x8x128xf32, #tpu.memory_space<vmem>>
      %dma_wait3A_1073 = tpu.memref_squeeze %dma_wait3A_1072 : memref<1x8x128xf32, #tpu.memory_space<vmem>> -> memref<8x128xf32, #tpu.memory_space<vmem>>
      %dma_wait3A_1074 = arith.constant 0 : i32
      %dma_wait3A_1075 = arith.constant 0 : i32
      %dma_wait3A_1076 = tpu.memref_slice %arg2[%dma_wait3A_1066, %dma_wait3A_1067, %dma_wait3A_1068, %dma_wait3A_1074, %dma_wait3A_1075] : memref<32x8x32x8x128xf32, #tpu.memory_space<hbm>> -> memref<1x1x1x8x128xf32, #tpu.memory_space<hbm>>
      %dma_wait3A_1077 = tpu.memref_squeeze %dma_wait3A_1076 : memref<1x1x1x8x128xf32, #tpu.memory_space<hbm>> -> memref<8x128xf32, #tpu.memory_space<hbm>>
      %dma_wait3A_1078 = arith.constant 48 : i32
      %dma_wait3A_1079 = arith.constant 128 : i32
      %dma_wait3A_1080 = tpu.memref_slice %arg7[%dma_wait3A_1069, %dma_wait3A_1078, %dma_wait3A_1079] : memref<2x64x256xf32, #tpu.memory_space<vmem>> -> memref<1x8x128xf32, #tpu.memory_space<vmem>>
      %dma_wait3A_1081 = tpu.memref_squeeze %dma_wait3A_1080 : memref<1x8x128xf32, #tpu.memory_space<vmem>> -> memref<8x128xf32, #tpu.memory_space<vmem>>
      %dma_wait3A_1082 = arith.constant 0 : i32
      %dma_wait3A_1083 = arith.constant 0 : i32
      %dma_wait3A_1084 = tpu.memref_slice %arg2[%dma_wait3A_1066, %dma_wait3A_1067, %dma_wait3A_1068, %dma_wait3A_1082, %dma_wait3A_1083] : memref<32x8x32x8x128xf32, #tpu.memory_space<hbm>> -> memref<1x1x1x8x128xf32, #tpu.memory_space<hbm>>
      %dma_wait3A_1085 = tpu.memref_squeeze %dma_wait3A_1084 : memref<1x1x1x8x128xf32, #tpu.memory_space<hbm>> -> memref<8x128xf32, #tpu.memory_space<hbm>>
      tpu.wait_dma2 semaphore(%arg14 : memref<!tpu.dma_semaphore, #tpu.memory_space<semaphore_mem>>) src(%dma_wait3A_1085 : memref<8x128xf32, #tpu.memory_space<hbm>>) dst(%dma_wait3A_1081 : memref<8x128xf32, #tpu.memory_space<vmem>>)
      %dma_wait3A_1086 = arith.constant 0 : i32
      %dma_wait3A_1087 = arith.constant 7 : i32
      %dma_wait3A_1088 = arith.constant 0 : i32
      %dma_wait3A_1089 = arith.constant 1 : i32
      %dma_wait3A_1090 = arith.constant 56 : i32
      %dma_wait3A_1091 = arith.constant 0 : i32
      %dma_wait3A_1092 = tpu.memref_slice %arg7[%dma_wait3A_1089, %dma_wait3A_1090, %dma_wait3A_1091] : memref<2x64x256xf32, #tpu.memory_space<vmem>> -> memref<1x8x128xf32, #tpu.memory_space<vmem>>
      %dma_wait3A_1093 = tpu.memref_squeeze %dma_wait3A_1092 : memref<1x8x128xf32, #tpu.memory_space<vmem>> -> memref<8x128xf32, #tpu.memory_space<vmem>>
      %dma_wait3A_1094 = arith.constant 0 : i32
      %dma_wait3A_1095 = arith.constant 0 : i32
      %dma_wait3A_1096 = tpu.memref_slice %arg2[%dma_wait3A_1086, %dma_wait3A_1087, %dma_wait3A_1088, %dma_wait3A_1094, %dma_wait3A_1095] : memref<32x8x32x8x128xf32, #tpu.memory_space<hbm>> -> memref<1x1x1x8x128xf32, #tpu.memory_space<hbm>>
      %dma_wait3A_1097 = tpu.memref_squeeze %dma_wait3A_1096 : memref<1x1x1x8x128xf32, #tpu.memory_space<hbm>> -> memref<8x128xf32, #tpu.memory_space<hbm>>
      %dma_wait3A_1098 = arith.constant 56 : i32
      %dma_wait3A_1099 = arith.constant 0 : i32
      %dma_wait3A_1100 = tpu.memref_slice %arg7[%dma_wait3A_1089, %dma_wait3A_1098, %dma_wait3A_1099] : memref<2x64x256xf32, #tpu.memory_space<vmem>> -> memref<1x8x128xf32, #tpu.memory_space<vmem>>
      %dma_wait3A_1101 = tpu.memref_squeeze %dma_wait3A_1100 : memref<1x8x128xf32, #tpu.memory_space<vmem>> -> memref<8x128xf32, #tpu.memory_space<vmem>>
      %dma_wait3A_1102 = arith.constant 0 : i32
      %dma_wait3A_1103 = arith.constant 0 : i32
      %dma_wait3A_1104 = tpu.memref_slice %arg2[%dma_wait3A_1086, %dma_wait3A_1087, %dma_wait3A_1088, %dma_wait3A_1102, %dma_wait3A_1103] : memref<32x8x32x8x128xf32, #tpu.memory_space<hbm>> -> memref<1x1x1x8x128xf32, #tpu.memory_space<hbm>>
      %dma_wait3A_1105 = tpu.memref_squeeze %dma_wait3A_1104 : memref<1x1x1x8x128xf32, #tpu.memory_space<hbm>> -> memref<8x128xf32, #tpu.memory_space<hbm>>
      tpu.wait_dma2 semaphore(%arg14 : memref<!tpu.dma_semaphore, #tpu.memory_space<semaphore_mem>>) src(%dma_wait3A_1105 : memref<8x128xf32, #tpu.memory_space<hbm>>) dst(%dma_wait3A_1101 : memref<8x128xf32, #tpu.memory_space<vmem>>)
      %dma_wait3A_1106 = arith.constant 0 : i32
      %dma_wait3A_1107 = arith.constant 7 : i32
      %dma_wait3A_1108 = arith.constant 1 : i32
      %dma_wait3A_1109 = arith.constant 1 : i32
      %dma_wait3A_1110 = arith.constant 56 : i32
      %dma_wait3A_1111 = arith.constant 128 : i32
      %dma_wait3A_1112 = tpu.memref_slice %arg7[%dma_wait3A_1109, %dma_wait3A_1110, %dma_wait3A_1111] : memref<2x64x256xf32, #tpu.memory_space<vmem>> -> memref<1x8x128xf32, #tpu.memory_space<vmem>>
      %dma_wait3A_1113 = tpu.memref_squeeze %dma_wait3A_1112 : memref<1x8x128xf32, #tpu.memory_space<vmem>> -> memref<8x128xf32, #tpu.memory_space<vmem>>
      %dma_wait3A_1114 = arith.constant 0 : i32
      %dma_wait3A_1115 = arith.constant 0 : i32
      %dma_wait3A_1116 = tpu.memref_slice %arg2[%dma_wait3A_1106, %dma_wait3A_1107, %dma_wait3A_1108, %dma_wait3A_1114, %dma_wait3A_1115] : memref<32x8x32x8x128xf32, #tpu.memory_space<hbm>> -> memref<1x1x1x8x128xf32, #tpu.memory_space<hbm>>
      %dma_wait3A_1117 = tpu.memref_squeeze %dma_wait3A_1116 : memref<1x1x1x8x128xf32, #tpu.memory_space<hbm>> -> memref<8x128xf32, #tpu.memory_space<hbm>>
      %dma_wait3A_1118 = arith.constant 56 : i32
      %dma_wait3A_1119 = arith.constant 128 : i32
      %dma_wait3A_1120 = tpu.memref_slice %arg7[%dma_wait3A_1109, %dma_wait3A_1118, %dma_wait3A_1119] : memref<2x64x256xf32, #tpu.memory_space<vmem>> -> memref<1x8x128xf32, #tpu.memory_space<vmem>>
      %dma_wait3A_1121 = tpu.memref_squeeze %dma_wait3A_1120 : memref<1x8x128xf32, #tpu.memory_space<vmem>> -> memref<8x128xf32, #tpu.memory_space<vmem>>
      %dma_wait3A_1122 = arith.constant 0 : i32
      %dma_wait3A_1123 = arith.constant 0 : i32
      %dma_wait3A_1124 = tpu.memref_slice %arg2[%dma_wait3A_1106, %dma_wait3A_1107, %dma_wait3A_1108, %dma_wait3A_1122, %dma_wait3A_1123] : memref<32x8x32x8x128xf32, #tpu.memory_space<hbm>> -> memref<1x1x1x8x128xf32, #tpu.memory_space<hbm>>
      %dma_wait3A_1125 = tpu.memref_squeeze %dma_wait3A_1124 : memref<1x1x1x8x128xf32, #tpu.memory_space<hbm>> -> memref<8x128xf32, #tpu.memory_space<hbm>>
      tpu.wait_dma2 semaphore(%arg14 : memref<!tpu.dma_semaphore, #tpu.memory_space<semaphore_mem>>) src(%dma_wait3A_1125 : memref<8x128xf32, #tpu.memory_space<hbm>>) dst(%dma_wait3A_1121 : memref<8x128xf32, #tpu.memory_space<vmem>>)
      %dma_wait3A_1126 = arith.constant 0 : i32
      %dma_wait3A_1127 = arith.constant 1 : i32
      %dma_wait3A_1128 = arith.constant 0 : i32
      %dma_wait3A_1129 = arith.constant 0 : i32
      %dma_wait3A_1130 = tpu.memref_slice %arg8[%dma_wait3A_1127, %dma_wait3A_1128, %dma_wait3A_1129] : memref<2x256x64xf32, #tpu.memory_space<vmem>> -> memref<1x128x64xf32, #tpu.memory_space<vmem>>
      %dma_wait3A_1131 = tpu.memref_squeeze %dma_wait3A_1130 : memref<1x128x64xf32, #tpu.memory_space<vmem>> -> memref<128x64xf32, #tpu.memory_space<vmem>>
      %dma_wait3A_1132 = arith.constant 0 : i32
      %dma_wait3A_1133 = tpu.memref_slice %arg10[%dma_wait3A_1126, %dma_wait3A_1132] : memref<32x128xi32, #tpu.memory_space<vmem>> -> memref<1x128xi32, #tpu.memory_space<vmem>>
      %dma_wait3A_1134 = tpu.memref_squeeze %dma_wait3A_1133 : memref<1x128xi32, #tpu.memory_space<vmem>> -> memref<128xi32, #tpu.memory_space<vmem>>
      %dma_wait3A_1135 = arith.constant 0 : i32
      %dma_wait3A_1136 = arith.constant 0 : i32
      %dma_wait3A_1137 = tpu.memref_slice %arg5[%dma_wait3A_1135, %dma_wait3A_1136] : memref<8192x64xf32, #tpu.memory_space<hbm>> -> memref<8192x64xf32, #tpu.memory_space<hbm>>
      tpu.wait_indirect_dma semaphore(%arg14 : memref<!tpu.dma_semaphore, #tpu.memory_space<semaphore_mem>>) src(%dma_wait3A_1137 : memref<8192x64xf32, #tpu.memory_space<hbm>>) dst(%dma_wait3A_1131 : memref<128x64xf32, #tpu.memory_space<vmem>>)
      %dma_wait3A_1138 = arith.constant 0 : i32
      %dma_wait3A_1139 = arith.constant 1 : i32
      %dma_wait3A_1140 = arith.constant 0 : i32
      %dma_wait3A_1141 = arith.constant 0 : i32
      %dma_wait3A_1142 = tpu.memref_slice %arg9[%dma_wait3A_1139, %dma_wait3A_1140, %dma_wait3A_1141] : memref<2x256x64xf32, #tpu.memory_space<vmem>> -> memref<1x128x64xf32, #tpu.memory_space<vmem>>
      %dma_wait3A_1143 = tpu.memref_squeeze %dma_wait3A_1142 : memref<1x128x64xf32, #tpu.memory_space<vmem>> -> memref<128x64xf32, #tpu.memory_space<vmem>>
      %dma_wait3A_1144 = arith.constant 0 : i32
      %dma_wait3A_1145 = tpu.memref_slice %arg11[%dma_wait3A_1138, %dma_wait3A_1144] : memref<32x128xi32, #tpu.memory_space<vmem>> -> memref<1x128xi32, #tpu.memory_space<vmem>>
      %dma_wait3A_1146 = tpu.memref_squeeze %dma_wait3A_1145 : memref<1x128xi32, #tpu.memory_space<vmem>> -> memref<128xi32, #tpu.memory_space<vmem>>
      %dma_wait3A_1147 = arith.constant 0 : i32
      %dma_wait3A_1148 = arith.constant 0 : i32
      %dma_wait3A_1149 = tpu.memref_slice %arg5[%dma_wait3A_1147, %dma_wait3A_1148] : memref<8192x64xf32, #tpu.memory_space<hbm>> -> memref<8192x64xf32, #tpu.memory_space<hbm>>
      tpu.wait_indirect_dma semaphore(%arg14 : memref<!tpu.dma_semaphore, #tpu.memory_space<semaphore_mem>>) src(%dma_wait3A_1149 : memref<8192x64xf32, #tpu.memory_space<hbm>>) dst(%dma_wait3A_1143 : memref<128x64xf32, #tpu.memory_space<vmem>>)
      %dma_wait3A_1150 = arith.constant 1 : i32
      %dma_wait3A_1151 = arith.constant 1 : i32
      %dma_wait3A_1152 = arith.constant 128 : i32
      %dma_wait3A_1153 = arith.constant 0 : i32
      %dma_wait3A_1154 = tpu.memref_slice %arg8[%dma_wait3A_1151, %dma_wait3A_1152, %dma_wait3A_1153] : memref<2x256x64xf32, #tpu.memory_space<vmem>> -> memref<1x128x64xf32, #tpu.memory_space<vmem>>
      %dma_wait3A_1155 = tpu.memref_squeeze %dma_wait3A_1154 : memref<1x128x64xf32, #tpu.memory_space<vmem>> -> memref<128x64xf32, #tpu.memory_space<vmem>>
      %dma_wait3A_1156 = arith.constant 0 : i32
      %dma_wait3A_1157 = tpu.memref_slice %arg10[%dma_wait3A_1150, %dma_wait3A_1156] : memref<32x128xi32, #tpu.memory_space<vmem>> -> memref<1x128xi32, #tpu.memory_space<vmem>>
      %dma_wait3A_1158 = tpu.memref_squeeze %dma_wait3A_1157 : memref<1x128xi32, #tpu.memory_space<vmem>> -> memref<128xi32, #tpu.memory_space<vmem>>
      %dma_wait3A_1159 = arith.constant 0 : i32
      %dma_wait3A_1160 = arith.constant 0 : i32
      %dma_wait3A_1161 = tpu.memref_slice %arg5[%dma_wait3A_1159, %dma_wait3A_1160] : memref<8192x64xf32, #tpu.memory_space<hbm>> -> memref<8192x64xf32, #tpu.memory_space<hbm>>
      tpu.wait_indirect_dma semaphore(%arg14 : memref<!tpu.dma_semaphore, #tpu.memory_space<semaphore_mem>>) src(%dma_wait3A_1161 : memref<8192x64xf32, #tpu.memory_space<hbm>>) dst(%dma_wait3A_1155 : memref<128x64xf32, #tpu.memory_space<vmem>>)
      %dma_wait3A_1162 = arith.constant 1 : i32
      %dma_wait3A_1163 = arith.constant 1 : i32
      %dma_wait3A_1164 = arith.constant 128 : i32
      %dma_wait3A_1165 = arith.constant 0 : i32
      %dma_wait3A_1166 = tpu.memref_slice %arg9[%dma_wait3A_1163, %dma_wait3A_1164, %dma_wait3A_1165] : memref<2x256x64xf32, #tpu.memory_space<vmem>> -> memref<1x128x64xf32, #tpu.memory_space<vmem>>
      %dma_wait3A_1167 = tpu.memref_squeeze %dma_wait3A_1166 : memref<1x128x64xf32, #tpu.memory_space<vmem>> -> memref<128x64xf32, #tpu.memory_space<vmem>>
      %dma_wait3A_1168 = arith.constant 0 : i32
      %dma_wait3A_1169 = tpu.memref_slice %arg11[%dma_wait3A_1162, %dma_wait3A_1168] : memref<32x128xi32, #tpu.memory_space<vmem>> -> memref<1x128xi32, #tpu.memory_space<vmem>>
      %dma_wait3A_1170 = tpu.memref_squeeze %dma_wait3A_1169 : memref<1x128xi32, #tpu.memory_space<vmem>> -> memref<128xi32, #tpu.memory_space<vmem>>
      %dma_wait3A_1171 = arith.constant 0 : i32
      %dma_wait3A_1172 = arith.constant 0 : i32
      %dma_wait3A_1173 = tpu.memref_slice %arg5[%dma_wait3A_1171, %dma_wait3A_1172] : memref<8192x64xf32, #tpu.memory_space<hbm>> -> memref<8192x64xf32, #tpu.memory_space<hbm>>
      tpu.wait_indirect_dma semaphore(%arg14 : memref<!tpu.dma_semaphore, #tpu.memory_space<semaphore_mem>>) src(%dma_wait3A_1173 : memref<8192x64xf32, #tpu.memory_space<hbm>>) dst(%dma_wait3A_1167 : memref<128x64xf32, #tpu.memory_space<vmem>>)
      %scan3A_1174 = arith.constant 1 : i32
      %scan3A_1175 = arith.constant 1 : i32
      %scan3A_1176 = arith.constant 1 : i32
      %scan3A_1177 = arith.constant 0 : i32
      %scan3A_1178 = arith.constant 16 : i32
      %scan3A_1179 = arith.addi %scan3A_1177, %scan3A_1178 : i32
      %scan3A_1180 = arith.constant 1 : i32
      %scan3A_1181:3 = scf.for %scan3A_1183 = %scan3A_1177 to %scan3A_1179 step %scan3A_1180 iter_args(%scan3A_1184 = %scan3A_797#0, %scan3A_1185 = %scan3A_797#1, %scan3A_1186 = %scan3A_797#2) -> (vector<16xf32>, vector<16xf32>, vector<16xf32>)  : i32 {
        %mul3A_1187 = arith.constant 16 : i32
        %mul3A_1188 = arith.muli %scan3A_1183, %mul3A_1187 : i32
        %iota3A = tpu.iota {dimensions = array<i32: 0>} : vector<16xi32>
        %add3A_1189 = vector.broadcast %mul3A_1188 : i32 to vector<16xi32>
        %add3A_1190 = arith.addi %add3A_1189, %iota3A : vector<16xi32>
        %broadcast_in_dim3A_1191 = arith.constant 0.000000e+00 : f32
        %broadcast_in_dim3A_1192 = vector.broadcast %broadcast_in_dim3A_1191 : f32 to vector<16xf32>
        %broadcast_in_dim3A_1193 = arith.constant 0.000000e+00 : f32
        %broadcast_in_dim3A_1194 = vector.broadcast %broadcast_in_dim3A_1193 : f32 to vector<16xf32>
        %broadcast_in_dim3A_1195 = arith.constant 0.000000e+00 : f32
        %broadcast_in_dim3A_1196 = vector.broadcast %broadcast_in_dim3A_1195 : f32 to vector<16xf32>
        %broadcast_in_dim3A_1197 = arith.constant 0.000000e+00 : f32
        %broadcast_in_dim3A_1198 = vector.broadcast %broadcast_in_dim3A_1197 : f32 to vector<16xf32>
        %scan3A_1199 = arith.constant 0 : i32
        %scan3A_1200 = arith.constant 8 : i32
        %scan3A_1201 = arith.addi %scan3A_1199, %scan3A_1200 : i32
        %scan3A_1202 = arith.constant 1 : i32
        %scan3A_1203:4 = scf.for %scan3A_1304 = %scan3A_1199 to %scan3A_1201 step %scan3A_1202 iter_args(%scan3A_1305 = %broadcast_in_dim3A_1192, %scan3A_1306 = %broadcast_in_dim3A_1194, %scan3A_1307 = %broadcast_in_dim3A_1196, %scan3A_1308 = %broadcast_in_dim3A_1198) -> (vector<16xf32>, vector<16xf32>, vector<16xf32>, vector<16xf32>)  : i32 {
          %mul3A_1309 = arith.constant 8 : i32
          %mul3A_1310 = arith.muli %scan3A_1304, %mul3A_1309 : i32
          %broadcast_in_dim3A_1311 = arith.constant 0 : i32
          %broadcast_in_dim3A_1312 = vector.broadcast %broadcast_in_dim3A_1311 : i32 to vector<16xi32>
          %add3A_1313 = arith.constant 0 : i32
          %add3A_1314 = arith.addi %mul3A_1310, %add3A_1313 : i32
          %add3A_1315 = vector.broadcast %add3A_1314 : i32 to vector<16xi32>
          %add3A_1316 = arith.addi %broadcast_in_dim3A_1312, %add3A_1315 : vector<16xi32>
          %xor3A = arith.xori %add3A_1316, %iota3A : vector<16xi32>
          %gather3A = arith.constant 0 : i32
          %gather3A_1317 = arith.constant 0 : i32
          %gather3A_1318 = tpu.memref_slice %arg7[%scan3A_1174, %gather3A, %gather3A_1317] : memref<2x64x256xf32, #tpu.memory_space<vmem>> -> memref<1x64x256xf32, #tpu.memory_space<vmem>>
          %gather3A_1319 = tpu.memref_squeeze %gather3A_1318 : memref<1x64x256xf32, #tpu.memory_space<vmem>> -> memref<64x256xf32, #tpu.memory_space<vmem>>
          %gather3A_1320 = tpu.vector_load_idx %gather3A_1319[%xor3A, %add3A_1190] : memref<64x256xf32, #tpu.memory_space<vmem>>[vector<16xi32>, vector<16xi32>], vector<16xf32>,
          %gather3A_1321 = arith.constant 0 : i32
          %gather3A_1322 = arith.constant 0 : i32
          %gather3A_1323 = tpu.memref_slice %arg8[%scan3A_1175, %gather3A_1321, %gather3A_1322] : memref<2x256x64xf32, #tpu.memory_space<vmem>> -> memref<1x256x64xf32, #tpu.memory_space<vmem>>
          %gather3A_1324 = tpu.memref_squeeze %gather3A_1323 : memref<1x256x64xf32, #tpu.memory_space<vmem>> -> memref<256x64xf32, #tpu.memory_space<vmem>>
          %gather3A_1325 = tpu.vector_load_idx %gather3A_1324[%add3A_1190, %xor3A] : memref<256x64xf32, #tpu.memory_space<vmem>>[vector<16xi32>, vector<16xi32>], vector<16xf32>,
          %gather3A_1326 = arith.constant 0 : i32
          %gather3A_1327 = arith.constant 0 : i32
          %gather3A_1328 = tpu.memref_slice %arg9[%scan3A_1176, %gather3A_1326, %gather3A_1327] : memref<2x256x64xf32, #tpu.memory_space<vmem>> -> memref<1x256x64xf32, #tpu.memory_space<vmem>>
          %gather3A_1329 = tpu.memref_squeeze %gather3A_1328 : memref<1x256x64xf32, #tpu.memory_space<vmem>> -> memref<256x64xf32, #tpu.memory_space<vmem>>
          %gather3A_1330 = tpu.vector_load_idx %gather3A_1329[%add3A_1190, %xor3A] : memref<256x64xf32, #tpu.memory_space<vmem>>[vector<16xi32>, vector<16xi32>], vector<16xf32>,
          %sub3A_1331 = arith.subf %gather3A_1320, %gather3A_1325 : vector<16xf32>
          %sub3A_1332 = arith.subf %gather3A_1320, %gather3A_1330 : vector<16xf32>
          %mul3A_1333 = arith.mulf %sub3A_1331, %sub3A_1331 : vector<16xf32>
          %add3A_1334 = arith.addf %scan3A_1305, %mul3A_1333 : vector<16xf32>
          %mul3A_1335 = arith.mulf %sub3A_1332, %sub3A_1332 : vector<16xf32>
          %add3A_1336 = arith.addf %scan3A_1307, %mul3A_1335 : vector<16xf32>
          %broadcast_in_dim3A_1337 = arith.constant 0 : i32
          %broadcast_in_dim3A_1338 = vector.broadcast %broadcast_in_dim3A_1337 : i32 to vector<16xi32>
          %add3A_1339 = arith.constant 1 : i32
          %add3A_1340 = arith.addi %mul3A_1310, %add3A_1339 : i32
          %add3A_1341 = vector.broadcast %add3A_1340 : i32 to vector<16xi32>
          %add3A_1342 = arith.addi %broadcast_in_dim3A_1338, %add3A_1341 : vector<16xi32>
          %xor3A_1343 = arith.xori %add3A_1342, %iota3A : vector<16xi32>
          %gather3A_1344 = arith.constant 0 : i32
          %gather3A_1345 = arith.constant 0 : i32
          %gather3A_1346 = tpu.memref_slice %arg7[%scan3A_1174, %gather3A_1344, %gather3A_1345] : memref<2x64x256xf32, #tpu.memory_space<vmem>> -> memref<1x64x256xf32, #tpu.memory_space<vmem>>
          %gather3A_1347 = tpu.memref_squeeze %gather3A_1346 : memref<1x64x256xf32, #tpu.memory_space<vmem>> -> memref<64x256xf32, #tpu.memory_space<vmem>>
          %gather3A_1348 = tpu.vector_load_idx %gather3A_1347[%xor3A_1343, %add3A_1190] : memref<64x256xf32, #tpu.memory_space<vmem>>[vector<16xi32>, vector<16xi32>], vector<16xf32>,
          %gather3A_1349 = arith.constant 0 : i32
          %gather3A_1350 = arith.constant 0 : i32
          %gather3A_1351 = tpu.memref_slice %arg8[%scan3A_1175, %gather3A_1349, %gather3A_1350] : memref<2x256x64xf32, #tpu.memory_space<vmem>> -> memref<1x256x64xf32, #tpu.memory_space<vmem>>
          %gather3A_1352 = tpu.memref_squeeze %gather3A_1351 : memref<1x256x64xf32, #tpu.memory_space<vmem>> -> memref<256x64xf32, #tpu.memory_space<vmem>>
          %gather3A_1353 = tpu.vector_load_idx %gather3A_1352[%add3A_1190, %xor3A_1343] : memref<256x64xf32, #tpu.memory_space<vmem>>[vector<16xi32>, vector<16xi32>], vector<16xf32>,
          %gather3A_1354 = arith.constant 0 : i32
          %gather3A_1355 = arith.constant 0 : i32
          %gather3A_1356 = tpu.memref_slice %arg9[%scan3A_1176, %gather3A_1354, %gather3A_1355] : memref<2x256x64xf32, #tpu.memory_space<vmem>> -> memref<1x256x64xf32, #tpu.memory_space<vmem>>
          %gather3A_1357 = tpu.memref_squeeze %gather3A_1356 : memref<1x256x64xf32, #tpu.memory_space<vmem>> -> memref<256x64xf32, #tpu.memory_space<vmem>>
          %gather3A_1358 = tpu.vector_load_idx %gather3A_1357[%add3A_1190, %xor3A_1343] : memref<256x64xf32, #tpu.memory_space<vmem>>[vector<16xi32>, vector<16xi32>], vector<16xf32>,
          %sub3A_1359 = arith.subf %gather3A_1348, %gather3A_1353 : vector<16xf32>
          %sub3A_1360 = arith.subf %gather3A_1348, %gather3A_1358 : vector<16xf32>
          %mul3A_1361 = arith.mulf %sub3A_1359, %sub3A_1359 : vector<16xf32>
          %add3A_1362 = arith.addf %scan3A_1306, %mul3A_1361 : vector<16xf32>
          %mul3A_1363 = arith.mulf %sub3A_1360, %sub3A_1360 : vector<16xf32>
          %add3A_1364 = arith.addf %scan3A_1308, %mul3A_1363 : vector<16xf32>
          %broadcast_in_dim3A_1365 = arith.constant 0 : i32
          %broadcast_in_dim3A_1366 = vector.broadcast %broadcast_in_dim3A_1365 : i32 to vector<16xi32>
          %add3A_1367 = arith.constant 2 : i32
          %add3A_1368 = arith.addi %mul3A_1310, %add3A_1367 : i32
          %add3A_1369 = vector.broadcast %add3A_1368 : i32 to vector<16xi32>
          %add3A_1370 = arith.addi %broadcast_in_dim3A_1366, %add3A_1369 : vector<16xi32>
          %xor3A_1371 = arith.xori %add3A_1370, %iota3A : vector<16xi32>
          %gather3A_1372 = arith.constant 0 : i32
          %gather3A_1373 = arith.constant 0 : i32
          %gather3A_1374 = tpu.memref_slice %arg7[%scan3A_1174, %gather3A_1372, %gather3A_1373] : memref<2x64x256xf32, #tpu.memory_space<vmem>> -> memref<1x64x256xf32, #tpu.memory_space<vmem>>
          %gather3A_1375 = tpu.memref_squeeze %gather3A_1374 : memref<1x64x256xf32, #tpu.memory_space<vmem>> -> memref<64x256xf32, #tpu.memory_space<vmem>>
          %gather3A_1376 = tpu.vector_load_idx %gather3A_1375[%xor3A_1371, %add3A_1190] : memref<64x256xf32, #tpu.memory_space<vmem>>[vector<16xi32>, vector<16xi32>], vector<16xf32>,
          %gather3A_1377 = arith.constant 0 : i32
          %gather3A_1378 = arith.constant 0 : i32
          %gather3A_1379 = tpu.memref_slice %arg8[%scan3A_1175, %gather3A_1377, %gather3A_1378] : memref<2x256x64xf32, #tpu.memory_space<vmem>> -> memref<1x256x64xf32, #tpu.memory_space<vmem>>
          %gather3A_1380 = tpu.memref_squeeze %gather3A_1379 : memref<1x256x64xf32, #tpu.memory_space<vmem>> -> memref<256x64xf32, #tpu.memory_space<vmem>>
          %gather3A_1381 = tpu.vector_load_idx %gather3A_1380[%add3A_1190, %xor3A_1371] : memref<256x64xf32, #tpu.memory_space<vmem>>[vector<16xi32>, vector<16xi32>], vector<16xf32>,
          %gather3A_1382 = arith.constant 0 : i32
          %gather3A_1383 = arith.constant 0 : i32
          %gather3A_1384 = tpu.memref_slice %arg9[%scan3A_1176, %gather3A_1382, %gather3A_1383] : memref<2x256x64xf32, #tpu.memory_space<vmem>> -> memref<1x256x64xf32, #tpu.memory_space<vmem>>
          %gather3A_1385 = tpu.memref_squeeze %gather3A_1384 : memref<1x256x64xf32, #tpu.memory_space<vmem>> -> memref<256x64xf32, #tpu.memory_space<vmem>>
          %gather3A_1386 = tpu.vector_load_idx %gather3A_1385[%add3A_1190, %xor3A_1371] : memref<256x64xf32, #tpu.memory_space<vmem>>[vector<16xi32>, vector<16xi32>], vector<16xf32>,
          %sub3A_1387 = arith.subf %gather3A_1376, %gather3A_1381 : vector<16xf32>
          %sub3A_1388 = arith.subf %gather3A_1376, %gather3A_1386 : vector<16xf32>
          %mul3A_1389 = arith.mulf %sub3A_1387, %sub3A_1387 : vector<16xf32>
          %add3A_1390 = arith.addf %add3A_1334, %mul3A_1389 : vector<16xf32>
          %mul3A_1391 = arith.mulf %sub3A_1388, %sub3A_1388 : vector<16xf32>
          %add3A_1392 = arith.addf %add3A_1336, %mul3A_1391 : vector<16xf32>
          %broadcast_in_dim3A_1393 = arith.constant 0 : i32
          %broadcast_in_dim3A_1394 = vector.broadcast %broadcast_in_dim3A_1393 : i32 to vector<16xi32>
          %add3A_1395 = arith.constant 3 : i32
          %add3A_1396 = arith.addi %mul3A_1310, %add3A_1395 : i32
          %add3A_1397 = vector.broadcast %add3A_1396 : i32 to vector<16xi32>
          %add3A_1398 = arith.addi %broadcast_in_dim3A_1394, %add3A_1397 : vector<16xi32>
          %xor3A_1399 = arith.xori %add3A_1398, %iota3A : vector<16xi32>
          %gather3A_1400 = arith.constant 0 : i32
          %gather3A_1401 = arith.constant 0 : i32
          %gather3A_1402 = tpu.memref_slice %arg7[%scan3A_1174, %gather3A_1400, %gather3A_1401] : memref<2x64x256xf32, #tpu.memory_space<vmem>> -> memref<1x64x256xf32, #tpu.memory_space<vmem>>
          %gather3A_1403 = tpu.memref_squeeze %gather3A_1402 : memref<1x64x256xf32, #tpu.memory_space<vmem>> -> memref<64x256xf32, #tpu.memory_space<vmem>>
          %gather3A_1404 = tpu.vector_load_idx %gather3A_1403[%xor3A_1399, %add3A_1190] : memref<64x256xf32, #tpu.memory_space<vmem>>[vector<16xi32>, vector<16xi32>], vector<16xf32>,
          %gather3A_1405 = arith.constant 0 : i32
          %gather3A_1406 = arith.constant 0 : i32
          %gather3A_1407 = tpu.memref_slice %arg8[%scan3A_1175, %gather3A_1405, %gather3A_1406] : memref<2x256x64xf32, #tpu.memory_space<vmem>> -> memref<1x256x64xf32, #tpu.memory_space<vmem>>
          %gather3A_1408 = tpu.memref_squeeze %gather3A_1407 : memref<1x256x64xf32, #tpu.memory_space<vmem>> -> memref<256x64xf32, #tpu.memory_space<vmem>>
          %gather3A_1409 = tpu.vector_load_idx %gather3A_1408[%add3A_1190, %xor3A_1399] : memref<256x64xf32, #tpu.memory_space<vmem>>[vector<16xi32>, vector<16xi32>], vector<16xf32>,
          %gather3A_1410 = arith.constant 0 : i32
          %gather3A_1411 = arith.constant 0 : i32
          %gather3A_1412 = tpu.memref_slice %arg9[%scan3A_1176, %gather3A_1410, %gather3A_1411] : memref<2x256x64xf32, #tpu.memory_space<vmem>> -> memref<1x256x64xf32, #tpu.memory_space<vmem>>
          %gather3A_1413 = tpu.memref_squeeze %gather3A_1412 : memref<1x256x64xf32, #tpu.memory_space<vmem>> -> memref<256x64xf32, #tpu.memory_space<vmem>>
          %gather3A_1414 = tpu.vector_load_idx %gather3A_1413[%add3A_1190, %xor3A_1399] : memref<256x64xf32, #tpu.memory_space<vmem>>[vector<16xi32>, vector<16xi32>], vector<16xf32>,
          %sub3A_1415 = arith.subf %gather3A_1404, %gather3A_1409 : vector<16xf32>
          %sub3A_1416 = arith.subf %gather3A_1404, %gather3A_1414 : vector<16xf32>
          %mul3A_1417 = arith.mulf %sub3A_1415, %sub3A_1415 : vector<16xf32>
          %add3A_1418 = arith.addf %add3A_1362, %mul3A_1417 : vector<16xf32>
          %mul3A_1419 = arith.mulf %sub3A_1416, %sub3A_1416 : vector<16xf32>
          %add3A_1420 = arith.addf %add3A_1364, %mul3A_1419 : vector<16xf32>
          %broadcast_in_dim3A_1421 = arith.constant 0 : i32
          %broadcast_in_dim3A_1422 = vector.broadcast %broadcast_in_dim3A_1421 : i32 to vector<16xi32>
          %add3A_1423 = arith.constant 4 : i32
          %add3A_1424 = arith.addi %mul3A_1310, %add3A_1423 : i32
          %add3A_1425 = vector.broadcast %add3A_1424 : i32 to vector<16xi32>
          %add3A_1426 = arith.addi %broadcast_in_dim3A_1422, %add3A_1425 : vector<16xi32>
          %xor3A_1427 = arith.xori %add3A_1426, %iota3A : vector<16xi32>
          %gather3A_1428 = arith.constant 0 : i32
          %gather3A_1429 = arith.constant 0 : i32
          %gather3A_1430 = tpu.memref_slice %arg7[%scan3A_1174, %gather3A_1428, %gather3A_1429] : memref<2x64x256xf32, #tpu.memory_space<vmem>> -> memref<1x64x256xf32, #tpu.memory_space<vmem>>
          %gather3A_1431 = tpu.memref_squeeze %gather3A_1430 : memref<1x64x256xf32, #tpu.memory_space<vmem>> -> memref<64x256xf32, #tpu.memory_space<vmem>>
          %gather3A_1432 = tpu.vector_load_idx %gather3A_1431[%xor3A_1427, %add3A_1190] : memref<64x256xf32, #tpu.memory_space<vmem>>[vector<16xi32>, vector<16xi32>], vector<16xf32>,
          %gather3A_1433 = arith.constant 0 : i32
          %gather3A_1434 = arith.constant 0 : i32
          %gather3A_1435 = tpu.memref_slice %arg8[%scan3A_1175, %gather3A_1433, %gather3A_1434] : memref<2x256x64xf32, #tpu.memory_space<vmem>> -> memref<1x256x64xf32, #tpu.memory_space<vmem>>
          %gather3A_1436 = tpu.memref_squeeze %gather3A_1435 : memref<1x256x64xf32, #tpu.memory_space<vmem>> -> memref<256x64xf32, #tpu.memory_space<vmem>>
          %gather3A_1437 = tpu.vector_load_idx %gather3A_1436[%add3A_1190, %xor3A_1427] : memref<256x64xf32, #tpu.memory_space<vmem>>[vector<16xi32>, vector<16xi32>], vector<16xf32>,
          %gather3A_1438 = arith.constant 0 : i32
          %gather3A_1439 = arith.constant 0 : i32
          %gather3A_1440 = tpu.memref_slice %arg9[%scan3A_1176, %gather3A_1438, %gather3A_1439] : memref<2x256x64xf32, #tpu.memory_space<vmem>> -> memref<1x256x64xf32, #tpu.memory_space<vmem>>
          %gather3A_1441 = tpu.memref_squeeze %gather3A_1440 : memref<1x256x64xf32, #tpu.memory_space<vmem>> -> memref<256x64xf32, #tpu.memory_space<vmem>>
          %gather3A_1442 = tpu.vector_load_idx %gather3A_1441[%add3A_1190, %xor3A_1427] : memref<256x64xf32, #tpu.memory_space<vmem>>[vector<16xi32>, vector<16xi32>], vector<16xf32>,
          %sub3A_1443 = arith.subf %gather3A_1432, %gather3A_1437 : vector<16xf32>
          %sub3A_1444 = arith.subf %gather3A_1432, %gather3A_1442 : vector<16xf32>
          %mul3A_1445 = arith.mulf %sub3A_1443, %sub3A_1443 : vector<16xf32>
          %add3A_1446 = arith.addf %add3A_1390, %mul3A_1445 : vector<16xf32>
          %mul3A_1447 = arith.mulf %sub3A_1444, %sub3A_1444 : vector<16xf32>
          %add3A_1448 = arith.addf %add3A_1392, %mul3A_1447 : vector<16xf32>
          %broadcast_in_dim3A_1449 = arith.constant 0 : i32
          %broadcast_in_dim3A_1450 = vector.broadcast %broadcast_in_dim3A_1449 : i32 to vector<16xi32>
          %add3A_1451 = arith.constant 5 : i32
          %add3A_1452 = arith.addi %mul3A_1310, %add3A_1451 : i32
          %add3A_1453 = vector.broadcast %add3A_1452 : i32 to vector<16xi32>
          %add3A_1454 = arith.addi %broadcast_in_dim3A_1450, %add3A_1453 : vector<16xi32>
          %xor3A_1455 = arith.xori %add3A_1454, %iota3A : vector<16xi32>
          %gather3A_1456 = arith.constant 0 : i32
          %gather3A_1457 = arith.constant 0 : i32
          %gather3A_1458 = tpu.memref_slice %arg7[%scan3A_1174, %gather3A_1456, %gather3A_1457] : memref<2x64x256xf32, #tpu.memory_space<vmem>> -> memref<1x64x256xf32, #tpu.memory_space<vmem>>
          %gather3A_1459 = tpu.memref_squeeze %gather3A_1458 : memref<1x64x256xf32, #tpu.memory_space<vmem>> -> memref<64x256xf32, #tpu.memory_space<vmem>>
          %gather3A_1460 = tpu.vector_load_idx %gather3A_1459[%xor3A_1455, %add3A_1190] : memref<64x256xf32, #tpu.memory_space<vmem>>[vector<16xi32>, vector<16xi32>], vector<16xf32>,
          %gather3A_1461 = arith.constant 0 : i32
          %gather3A_1462 = arith.constant 0 : i32
          %gather3A_1463 = tpu.memref_slice %arg8[%scan3A_1175, %gather3A_1461, %gather3A_1462] : memref<2x256x64xf32, #tpu.memory_space<vmem>> -> memref<1x256x64xf32, #tpu.memory_space<vmem>>
          %gather3A_1464 = tpu.memref_squeeze %gather3A_1463 : memref<1x256x64xf32, #tpu.memory_space<vmem>> -> memref<256x64xf32, #tpu.memory_space<vmem>>
          %gather3A_1465 = tpu.vector_load_idx %gather3A_1464[%add3A_1190, %xor3A_1455] : memref<256x64xf32, #tpu.memory_space<vmem>>[vector<16xi32>, vector<16xi32>], vector<16xf32>,
          %gather3A_1466 = arith.constant 0 : i32
          %gather3A_1467 = arith.constant 0 : i32
          %gather3A_1468 = tpu.memref_slice %arg9[%scan3A_1176, %gather3A_1466, %gather3A_1467] : memref<2x256x64xf32, #tpu.memory_space<vmem>> -> memref<1x256x64xf32, #tpu.memory_space<vmem>>
          %gather3A_1469 = tpu.memref_squeeze %gather3A_1468 : memref<1x256x64xf32, #tpu.memory_space<vmem>> -> memref<256x64xf32, #tpu.memory_space<vmem>>
          %gather3A_1470 = tpu.vector_load_idx %gather3A_1469[%add3A_1190, %xor3A_1455] : memref<256x64xf32, #tpu.memory_space<vmem>>[vector<16xi32>, vector<16xi32>], vector<16xf32>,
          %sub3A_1471 = arith.subf %gather3A_1460, %gather3A_1465 : vector<16xf32>
          %sub3A_1472 = arith.subf %gather3A_1460, %gather3A_1470 : vector<16xf32>
          %mul3A_1473 = arith.mulf %sub3A_1471, %sub3A_1471 : vector<16xf32>
          %add3A_1474 = arith.addf %add3A_1418, %mul3A_1473 : vector<16xf32>
          %mul3A_1475 = arith.mulf %sub3A_1472, %sub3A_1472 : vector<16xf32>
          %add3A_1476 = arith.addf %add3A_1420, %mul3A_1475 : vector<16xf32>
          %broadcast_in_dim3A_1477 = arith.constant 0 : i32
          %broadcast_in_dim3A_1478 = vector.broadcast %broadcast_in_dim3A_1477 : i32 to vector<16xi32>
          %add3A_1479 = arith.constant 6 : i32
          %add3A_1480 = arith.addi %mul3A_1310, %add3A_1479 : i32
          %add3A_1481 = vector.broadcast %add3A_1480 : i32 to vector<16xi32>
          %add3A_1482 = arith.addi %broadcast_in_dim3A_1478, %add3A_1481 : vector<16xi32>
          %xor3A_1483 = arith.xori %add3A_1482, %iota3A : vector<16xi32>
          %gather3A_1484 = arith.constant 0 : i32
          %gather3A_1485 = arith.constant 0 : i32
          %gather3A_1486 = tpu.memref_slice %arg7[%scan3A_1174, %gather3A_1484, %gather3A_1485] : memref<2x64x256xf32, #tpu.memory_space<vmem>> -> memref<1x64x256xf32, #tpu.memory_space<vmem>>
          %gather3A_1487 = tpu.memref_squeeze %gather3A_1486 : memref<1x64x256xf32, #tpu.memory_space<vmem>> -> memref<64x256xf32, #tpu.memory_space<vmem>>
          %gather3A_1488 = tpu.vector_load_idx %gather3A_1487[%xor3A_1483, %add3A_1190] : memref<64x256xf32, #tpu.memory_space<vmem>>[vector<16xi32>, vector<16xi32>], vector<16xf32>,
          %gather3A_1489 = arith.constant 0 : i32
          %gather3A_1490 = arith.constant 0 : i32
          %gather3A_1491 = tpu.memref_slice %arg8[%scan3A_1175, %gather3A_1489, %gather3A_1490] : memref<2x256x64xf32, #tpu.memory_space<vmem>> -> memref<1x256x64xf32, #tpu.memory_space<vmem>>
          %gather3A_1492 = tpu.memref_squeeze %gather3A_1491 : memref<1x256x64xf32, #tpu.memory_space<vmem>> -> memref<256x64xf32, #tpu.memory_space<vmem>>
          %gather3A_1493 = tpu.vector_load_idx %gather3A_1492[%add3A_1190, %xor3A_1483] : memref<256x64xf32, #tpu.memory_space<vmem>>[vector<16xi32>, vector<16xi32>], vector<16xf32>,
          %gather3A_1494 = arith.constant 0 : i32
          %gather3A_1495 = arith.constant 0 : i32
          %gather3A_1496 = tpu.memref_slice %arg9[%scan3A_1176, %gather3A_1494, %gather3A_1495] : memref<2x256x64xf32, #tpu.memory_space<vmem>> -> memref<1x256x64xf32, #tpu.memory_space<vmem>>
          %gather3A_1497 = tpu.memref_squeeze %gather3A_1496 : memref<1x256x64xf32, #tpu.memory_space<vmem>> -> memref<256x64xf32, #tpu.memory_space<vmem>>
          %gather3A_1498 = tpu.vector_load_idx %gather3A_1497[%add3A_1190, %xor3A_1483] : memref<256x64xf32, #tpu.memory_space<vmem>>[vector<16xi32>, vector<16xi32>], vector<16xf32>,
          %sub3A_1499 = arith.subf %gather3A_1488, %gather3A_1493 : vector<16xf32>
          %sub3A_1500 = arith.subf %gather3A_1488, %gather3A_1498 : vector<16xf32>
          %mul3A_1501 = arith.mulf %sub3A_1499, %sub3A_1499 : vector<16xf32>
          %add3A_1502 = arith.addf %add3A_1446, %mul3A_1501 : vector<16xf32>
          %mul3A_1503 = arith.mulf %sub3A_1500, %sub3A_1500 : vector<16xf32>
          %add3A_1504 = arith.addf %add3A_1448, %mul3A_1503 : vector<16xf32>
          %broadcast_in_dim3A_1505 = arith.constant 0 : i32
          %broadcast_in_dim3A_1506 = vector.broadcast %broadcast_in_dim3A_1505 : i32 to vector<16xi32>
          %add3A_1507 = arith.constant 7 : i32
          %add3A_1508 = arith.addi %mul3A_1310, %add3A_1507 : i32
          %add3A_1509 = vector.broadcast %add3A_1508 : i32 to vector<16xi32>
          %add3A_1510 = arith.addi %broadcast_in_dim3A_1506, %add3A_1509 : vector<16xi32>
          %xor3A_1511 = arith.xori %add3A_1510, %iota3A : vector<16xi32>
          %gather3A_1512 = arith.constant 0 : i32
          %gather3A_1513 = arith.constant 0 : i32
          %gather3A_1514 = tpu.memref_slice %arg7[%scan3A_1174, %gather3A_1512, %gather3A_1513] : memref<2x64x256xf32, #tpu.memory_space<vmem>> -> memref<1x64x256xf32, #tpu.memory_space<vmem>>
          %gather3A_1515 = tpu.memref_squeeze %gather3A_1514 : memref<1x64x256xf32, #tpu.memory_space<vmem>> -> memref<64x256xf32, #tpu.memory_space<vmem>>
          %gather3A_1516 = tpu.vector_load_idx %gather3A_1515[%xor3A_1511, %add3A_1190] : memref<64x256xf32, #tpu.memory_space<vmem>>[vector<16xi32>, vector<16xi32>], vector<16xf32>,
          %gather3A_1517 = arith.constant 0 : i32
          %gather3A_1518 = arith.constant 0 : i32
          %gather3A_1519 = tpu.memref_slice %arg8[%scan3A_1175, %gather3A_1517, %gather3A_1518] : memref<2x256x64xf32, #tpu.memory_space<vmem>> -> memref<1x256x64xf32, #tpu.memory_space<vmem>>
          %gather3A_1520 = tpu.memref_squeeze %gather3A_1519 : memref<1x256x64xf32, #tpu.memory_space<vmem>> -> memref<256x64xf32, #tpu.memory_space<vmem>>
          %gather3A_1521 = tpu.vector_load_idx %gather3A_1520[%add3A_1190, %xor3A_1511] : memref<256x64xf32, #tpu.memory_space<vmem>>[vector<16xi32>, vector<16xi32>], vector<16xf32>,
          %gather3A_1522 = arith.constant 0 : i32
          %gather3A_1523 = arith.constant 0 : i32
          %gather3A_1524 = tpu.memref_slice %arg9[%scan3A_1176, %gather3A_1522, %gather3A_1523] : memref<2x256x64xf32, #tpu.memory_space<vmem>> -> memref<1x256x64xf32, #tpu.memory_space<vmem>>
          %gather3A_1525 = tpu.memref_squeeze %gather3A_1524 : memref<1x256x64xf32, #tpu.memory_space<vmem>> -> memref<256x64xf32, #tpu.memory_space<vmem>>
          %gather3A_1526 = tpu.vector_load_idx %gather3A_1525[%add3A_1190, %xor3A_1511] : memref<256x64xf32, #tpu.memory_space<vmem>>[vector<16xi32>, vector<16xi32>], vector<16xf32>,
          %sub3A_1527 = arith.subf %gather3A_1516, %gather3A_1521 : vector<16xf32>
          %sub3A_1528 = arith.subf %gather3A_1516, %gather3A_1526 : vector<16xf32>
          %mul3A_1529 = arith.mulf %sub3A_1527, %sub3A_1527 : vector<16xf32>
          %add3A_1530 = arith.addf %add3A_1474, %mul3A_1529 : vector<16xf32>
          %mul3A_1531 = arith.mulf %sub3A_1528, %sub3A_1528 : vector<16xf32>
          %add3A_1532 = arith.addf %add3A_1476, %mul3A_1531 : vector<16xf32>
          scf.yield %add3A_1502, %add3A_1530, %add3A_1504, %add3A_1532 : vector<16xf32>, vector<16xf32>, vector<16xf32>, vector<16xf32>
        }
        %scan3A_1204 = arith.constant 8 : i32
        %add3A_1205 = arith.addf %scan3A_1203#0, %scan3A_1203#1 : vector<16xf32>
        %bitcast_convert_type3A = tpu.bitcast %add3A_1205 : vector<16xf32> -> vector<16xi32>
        %shift_right_logical3A = arith.constant 1 : i32
        %shift_right_logical3A_1206 = vector.broadcast %shift_right_logical3A : i32 to vector<16xi32>
        %shift_right_logical3A_1207 = arith.shrui %bitcast_convert_type3A, %shift_right_logical3A_1206 : vector<16xi32>
        %sub3A_1208 = arith.constant 1597463007 : i32
        %sub3A_1209 = vector.broadcast %sub3A_1208 : i32 to vector<16xi32>
        %sub3A_1210 = arith.subi %sub3A_1209, %shift_right_logical3A_1207 : vector<16xi32>
        %bitcast_convert_type3A_1211 = tpu.bitcast %sub3A_1210 : vector<16xi32> -> vector<16xf32>
        %mul3A_1212 = arith.constant 5.000000e-01 : f32
        %mul3A_1213 = vector.broadcast %mul3A_1212 : f32 to vector<16xf32>
        %mul3A_1214 = arith.mulf %mul3A_1213, %add3A_1205 : vector<16xf32>
        %mul3A_1215 = arith.mulf %mul3A_1214, %bitcast_convert_type3A_1211 : vector<16xf32>
        %mul3A_1216 = arith.mulf %mul3A_1215, %bitcast_convert_type3A_1211 : vector<16xf32>
        %sub3A_1217 = arith.constant 1.500000e+00 : f32
        %sub3A_1218 = vector.broadcast %sub3A_1217 : f32 to vector<16xf32>
        %sub3A_1219 = arith.subf %sub3A_1218, %mul3A_1216 : vector<16xf32>
        %mul3A_1220 = arith.mulf %bitcast_convert_type3A_1211, %sub3A_1219 : vector<16xf32>
        %mul3A_1221 = arith.constant 5.000000e-01 : f32
        %mul3A_1222 = vector.broadcast %mul3A_1221 : f32 to vector<16xf32>
        %mul3A_1223 = arith.mulf %mul3A_1222, %add3A_1205 : vector<16xf32>
        %mul3A_1224 = arith.mulf %mul3A_1223, %mul3A_1220 : vector<16xf32>
        %mul3A_1225 = arith.mulf %mul3A_1224, %mul3A_1220 : vector<16xf32>
        %sub3A_1226 = arith.constant 1.500000e+00 : f32
        %sub3A_1227 = vector.broadcast %sub3A_1226 : f32 to vector<16xf32>
        %sub3A_1228 = arith.subf %sub3A_1227, %mul3A_1225 : vector<16xf32>
        %mul3A_1229 = arith.mulf %mul3A_1220, %sub3A_1228 : vector<16xf32>
        %mul3A_1230 = arith.constant 5.000000e-01 : f32
        %mul3A_1231 = vector.broadcast %mul3A_1230 : f32 to vector<16xf32>
        %mul3A_1232 = arith.mulf %mul3A_1231, %add3A_1205 : vector<16xf32>
        %mul3A_1233 = arith.mulf %mul3A_1232, %mul3A_1229 : vector<16xf32>
        %mul3A_1234 = arith.mulf %mul3A_1233, %mul3A_1229 : vector<16xf32>
        %sub3A_1235 = arith.constant 1.500000e+00 : f32
        %sub3A_1236 = vector.broadcast %sub3A_1235 : f32 to vector<16xf32>
        %sub3A_1237 = arith.subf %sub3A_1236, %mul3A_1234 : vector<16xf32>
        %mul3A_1238 = arith.mulf %mul3A_1229, %sub3A_1237 : vector<16xf32>
        %mul3A_1239 = arith.constant 5.000000e-01 : f32
        %mul3A_1240 = vector.broadcast %mul3A_1239 : f32 to vector<16xf32>
        %mul3A_1241 = arith.mulf %mul3A_1240, %add3A_1205 : vector<16xf32>
        %mul3A_1242 = arith.mulf %mul3A_1241, %mul3A_1238 : vector<16xf32>
        %mul3A_1243 = arith.mulf %mul3A_1242, %mul3A_1238 : vector<16xf32>
        %sub3A_1244 = arith.constant 1.500000e+00 : f32
        %sub3A_1245 = vector.broadcast %sub3A_1244 : f32 to vector<16xf32>
        %sub3A_1246 = arith.subf %sub3A_1245, %mul3A_1243 : vector<16xf32>
        %mul3A_1247 = arith.mulf %mul3A_1238, %sub3A_1246 : vector<16xf32>
        %mul3A_1248 = arith.mulf %add3A_1205, %mul3A_1247 : vector<16xf32>
        %add3A_1249 = arith.addf %scan3A_1203#2, %scan3A_1203#3 : vector<16xf32>
        %bitcast_convert_type3A_1250 = tpu.bitcast %add3A_1249 : vector<16xf32> -> vector<16xi32>
        %shift_right_logical3A_1251 = arith.constant 1 : i32
        %shift_right_logical3A_1252 = vector.broadcast %shift_right_logical3A_1251 : i32 to vector<16xi32>
        %shift_right_logical3A_1253 = arith.shrui %bitcast_convert_type3A_1250, %shift_right_logical3A_1252 : vector<16xi32>
        %sub3A_1254 = arith.constant 1597463007 : i32
        %sub3A_1255 = vector.broadcast %sub3A_1254 : i32 to vector<16xi32>
        %sub3A_1256 = arith.subi %sub3A_1255, %shift_right_logical3A_1253 : vector<16xi32>
        %bitcast_convert_type3A_1257 = tpu.bitcast %sub3A_1256 : vector<16xi32> -> vector<16xf32>
        %mul3A_1258 = arith.constant 5.000000e-01 : f32
        %mul3A_1259 = vector.broadcast %mul3A_1258 : f32 to vector<16xf32>
        %mul3A_1260 = arith.mulf %mul3A_1259, %add3A_1249 : vector<16xf32>
        %mul3A_1261 = arith.mulf %mul3A_1260, %bitcast_convert_type3A_1257 : vector<16xf32>
        %mul3A_1262 = arith.mulf %mul3A_1261, %bitcast_convert_type3A_1257 : vector<16xf32>
        %sub3A_1263 = arith.constant 1.500000e+00 : f32
        %sub3A_1264 = vector.broadcast %sub3A_1263 : f32 to vector<16xf32>
        %sub3A_1265 = arith.subf %sub3A_1264, %mul3A_1262 : vector<16xf32>
        %mul3A_1266 = arith.mulf %bitcast_convert_type3A_1257, %sub3A_1265 : vector<16xf32>
        %mul3A_1267 = arith.constant 5.000000e-01 : f32
        %mul3A_1268 = vector.broadcast %mul3A_1267 : f32 to vector<16xf32>
        %mul3A_1269 = arith.mulf %mul3A_1268, %add3A_1249 : vector<16xf32>
        %mul3A_1270 = arith.mulf %mul3A_1269, %mul3A_1266 : vector<16xf32>
        %mul3A_1271 = arith.mulf %mul3A_1270, %mul3A_1266 : vector<16xf32>
        %sub3A_1272 = arith.constant 1.500000e+00 : f32
        %sub3A_1273 = vector.broadcast %sub3A_1272 : f32 to vector<16xf32>
        %sub3A_1274 = arith.subf %sub3A_1273, %mul3A_1271 : vector<16xf32>
        %mul3A_1275 = arith.mulf %mul3A_1266, %sub3A_1274 : vector<16xf32>
        %mul3A_1276 = arith.constant 5.000000e-01 : f32
        %mul3A_1277 = vector.broadcast %mul3A_1276 : f32 to vector<16xf32>
        %mul3A_1278 = arith.mulf %mul3A_1277, %add3A_1249 : vector<16xf32>
        %mul3A_1279 = arith.mulf %mul3A_1278, %mul3A_1275 : vector<16xf32>
        %mul3A_1280 = arith.mulf %mul3A_1279, %mul3A_1275 : vector<16xf32>
        %sub3A_1281 = arith.constant 1.500000e+00 : f32
        %sub3A_1282 = vector.broadcast %sub3A_1281 : f32 to vector<16xf32>
        %sub3A_1283 = arith.subf %sub3A_1282, %mul3A_1280 : vector<16xf32>
        %mul3A_1284 = arith.mulf %mul3A_1275, %sub3A_1283 : vector<16xf32>
        %mul3A_1285 = arith.constant 5.000000e-01 : f32
        %mul3A_1286 = vector.broadcast %mul3A_1285 : f32 to vector<16xf32>
        %mul3A_1287 = arith.mulf %mul3A_1286, %add3A_1249 : vector<16xf32>
        %mul3A_1288 = arith.mulf %mul3A_1287, %mul3A_1284 : vector<16xf32>
        %mul3A_1289 = arith.mulf %mul3A_1288, %mul3A_1284 : vector<16xf32>
        %sub3A_1290 = arith.constant 1.500000e+00 : f32
        %sub3A_1291 = vector.broadcast %sub3A_1290 : f32 to vector<16xf32>
        %sub3A_1292 = arith.subf %sub3A_1291, %mul3A_1289 : vector<16xf32>
        %mul3A_1293 = arith.mulf %mul3A_1284, %sub3A_1292 : vector<16xf32>
        %mul3A_1294 = arith.mulf %add3A_1249, %mul3A_1293 : vector<16xf32>
        %sub3A_1295 = arith.subf %mul3A_1248, %mul3A_1294 : vector<16xf32>
        %add3A_1296 = arith.constant 2.000000e-01 : f32
        %add3A_1297 = vector.broadcast %add3A_1296 : f32 to vector<16xf32>
        %add3A_1298 = arith.addf %sub3A_1295, %add3A_1297 : vector<16xf32>
        %max3A = arith.constant 0.000000e+00 : f32
        %max3A_1299 = vector.broadcast %max3A : f32 to vector<16xf32>
        %max3A_1300 = arith.maximumf %add3A_1298, %max3A_1299 : vector<16xf32>
        %add3A_1301 = arith.addf %scan3A_1184, %max3A_1300 : vector<16xf32>
        %add3A_1302 = arith.addf %scan3A_1185, %mul3A_1248 : vector<16xf32>
        %add3A_1303 = arith.addf %scan3A_1186, %mul3A_1294 : vector<16xf32>
        scf.yield %add3A_1301, %add3A_1302, %add3A_1303 : vector<16xf32>, vector<16xf32>, vector<16xf32>
      }
      %scan3A_1182 = arith.constant 16 : i32
      scf.yield %scan3A_1181#0, %scan3A_1181#1, %scan3A_1181#2 : vector<16xf32>, vector<16xf32>, vector<16xf32>
    }
    %scan3A_394 = arith.constant 8 : i32
    %swap3A = arith.constant 0 : i32
    %swap3A_395 = arith.index_cast %swap3A : i32 to index
    %swap3A_396 = arith.constant 0 : index
    %swap3A_397 = tpu.vector_load %arg12[%swap3A_395, %swap3A_396] {strides = array<i32>} : memref<4x16xf32, #tpu.memory_space<vmem>>, vector<16xf32>,
    tpu.vector_store %arg12[%swap3A_395, %swap3A_396], %scan3A_393#0 {strides = array<i32>} : memref<4x16xf32, #tpu.memory_space<vmem>>, vector<16xf32>,
    %swap3A_398 = arith.constant 1 : i32
    %swap3A_399 = arith.index_cast %swap3A_398 : i32 to index
    %swap3A_400 = arith.constant 0 : index
    %swap3A_401 = tpu.vector_load %arg12[%swap3A_399, %swap3A_400] {strides = array<i32>} : memref<4x16xf32, #tpu.memory_space<vmem>>, vector<16xf32>,
    tpu.vector_store %arg12[%swap3A_399, %swap3A_400], %scan3A_393#1 {strides = array<i32>} : memref<4x16xf32, #tpu.memory_space<vmem>>, vector<16xf32>,
    %swap3A_402 = arith.constant 2 : i32
    %swap3A_403 = arith.index_cast %swap3A_402 : i32 to index
    %swap3A_404 = arith.constant 0 : index
    %swap3A_405 = tpu.vector_load %arg12[%swap3A_403, %swap3A_404] {strides = array<i32>} : memref<4x16xf32, #tpu.memory_space<vmem>>, vector<16xf32>,
    tpu.vector_store %arg12[%swap3A_403, %swap3A_404], %scan3A_393#2 {strides = array<i32>} : memref<4x16xf32, #tpu.memory_space<vmem>>, vector<16xf32>,
    %broadcast_in_dim3A_406 = arith.constant 0.000000e+00 : f32
    %broadcast_in_dim3A_407 = vector.broadcast %broadcast_in_dim3A_406 : f32 to vector<16xf32>
    %swap3A_408 = arith.constant 3 : i32
    %swap3A_409 = arith.index_cast %swap3A_408 : i32 to index
    %swap3A_410 = arith.constant 0 : index
    %swap3A_411 = tpu.vector_load %arg12[%swap3A_409, %swap3A_410] {strides = array<i32>} : memref<4x16xf32, #tpu.memory_space<vmem>>, vector<16xf32>,
    tpu.vector_store %arg12[%swap3A_409, %swap3A_410], %broadcast_in_dim3A_407 {strides = array<i32>} : memref<4x16xf32, #tpu.memory_space<vmem>>, vector<16xf32>,
    "tpu.region"() ({
      %run_scoped3A = tpu.sem_alloc : memref<!tpu.dma_semaphore, #tpu.memory_space<semaphore_mem>>
      %dma_start3A_412 = arith.constant 0 : i32
      %dma_start3A_413 = arith.constant 0 : i32
      %dma_start3A_414 = tpu.memref_slice %arg6[%add3A, %dma_start3A_412, %dma_start3A_413] : memref<32x4x16xf32, #tpu.memory_space<hbm>> -> memref<1x4x16xf32, #tpu.memory_space<hbm>>
      %dma_start3A_415 = tpu.memref_squeeze %dma_start3A_414 : memref<1x4x16xf32, #tpu.memory_space<hbm>> -> memref<4x16xf32, #tpu.memory_space<hbm>>
      %dma_start3A_416 = arith.constant 0 : i32
      %dma_start3A_417 = arith.constant 0 : i32
      %dma_start3A_418 = tpu.memref_slice %arg6[%add3A, %dma_start3A_416, %dma_start3A_417] : memref<32x4x16xf32, #tpu.memory_space<hbm>> -> memref<1x4x16xf32, #tpu.memory_space<hbm>>
      %dma_start3A_419 = tpu.memref_squeeze %dma_start3A_418 : memref<1x4x16xf32, #tpu.memory_space<hbm>> -> memref<4x16xf32, #tpu.memory_space<hbm>>
      tpu.enqueue_dma source(%arg12 : memref<4x16xf32, #tpu.memory_space<vmem>>) target(%dma_start3A_419 : memref<4x16xf32, #tpu.memory_space<hbm>>) target_semaphore(%run_scoped3A : memref<!tpu.dma_semaphore, #tpu.memory_space<semaphore_mem>>)
      %dma_wait3A = arith.constant 0 : i32
      %dma_wait3A_420 = arith.constant 0 : i32
      %dma_wait3A_421 = tpu.memref_slice %arg6[%add3A, %dma_wait3A, %dma_wait3A_420] : memref<32x4x16xf32, #tpu.memory_space<hbm>> -> memref<1x4x16xf32, #tpu.memory_space<hbm>>
      %dma_wait3A_422 = tpu.memref_squeeze %dma_wait3A_421 : memref<1x4x16xf32, #tpu.memory_space<hbm>> -> memref<4x16xf32, #tpu.memory_space<hbm>>
      %dma_wait3A_423 = arith.constant 0 : i32
      %dma_wait3A_424 = arith.constant 0 : i32
      %dma_wait3A_425 = tpu.memref_slice %arg6[%add3A, %dma_wait3A_423, %dma_wait3A_424] : memref<32x4x16xf32, #tpu.memory_space<hbm>> -> memref<1x4x16xf32, #tpu.memory_space<hbm>>
      %dma_wait3A_426 = tpu.memref_squeeze %dma_wait3A_425 : memref<1x4x16xf32, #tpu.memory_space<hbm>> -> memref<4x16xf32, #tpu.memory_space<hbm>>
      tpu.wait_dma2 semaphore(%run_scoped3A : memref<!tpu.dma_semaphore, #tpu.memory_space<semaphore_mem>>) src(%arg12 : memref<4x16xf32, #tpu.memory_space<vmem>>) dst(%dma_wait3A_426 : memref<4x16xf32, #tpu.memory_space<hbm>>)
      tpu.yield
    }) : () -> ()
    return
  }
}

</mosaic_0001>

<sc_bundles>
// kernel: _sc_triplet.3.cloned.1.call-start
scs
__scs_entry_jumppad:
0x0: {  	(pc) =	sbr.rel $0x88, $3  }
0x1: {  	(tag) =	ssettag $0x0;
	lr =	simm.s32 $0x1  }
0x2: {  	[smem:$0x3F9D] =	sst lr;
	_ =	strace $0xD0000000  }
0x3: {  	_ = 	snop  }
0x4: {  	_ = 	snop  }
0x5: {  	_ = 	snop  }
0x6: {  	_ = 	snop  }
0x7: {  	_ = 	snop  }
__scs_overlays_trampoline_lowered:
0x8: {  	[smem:$0x3FAC] =	sst s0  }
0x9: {  	[smem:$0x3FAD] =	sst s1  }
0xa: {  	[smem:$0x3FAE] =	sst s2  }
0xb: {  	[smem:$0x3FAF] =	sst s3  }
0xc: {  	[smem:$0x3FB0] =	sst s4  }
0xd: {  	[smem:$0x3FB1] =	sst s5  }
0xe: {  	[smem:$0x3FB2] =	sst s6  }
0xf: {  	[smem:$0x3FB3] =	sst s7  }
0x10: {  	[smem:$0x3FB4] =	sst s8  }
0x11: {  	[smem:$0x3FB5] =	sst s9;
	s0 =	simm.s32 @!p0 $0x0  }
0x12: {  	s1 =	sld [smem:$0x3F9B];
	s0 =	simm.s32 @p0 $0x1  }
0x13: {  	[smem:$0x3FB6] =	sst s0;
	s0 =	simm.s32 @!p1 $0x0  }
0x14: {  	s2 =	sld [smem:$0x3F9A];
	s0 =	simm.s32 @p1 $0x1  }
0x15: {  	[smem:$0x3FB7] =	sst s0;
	s0 =	simm.s32 @!p2 $0x0  }
0x16: {  	s3 =	sld [smem:$0x3FDB];
	s0 =	simm.s32 @p2 $0x1  }
0x17: {  	s4 =	simm.s32 $0x1BF5;
	[smem:$0x3FB9] =	sst s0  }
0x18: {  	s0 =	sld [smem:$0x3F9C];
	_ =	swait.ge [sflag:s4], $0x0  }
0x19: {  	s7 =	sld [smem:$0x3F9D]  }
0x1a: {  	s8 =	sadd.s32 $0xFFFFE003, lr  }
0x1b: {  	s9 =	sadd.s32 $0xFFFFFEF7, lr;
	s5 =	simm.s32 $0xFFFFFFFF;
	p2 =	slt.u32 s8, $0xFFFFF086  }
0x1c: {  	p1 =	slt.u32 s9, $0xF7A;
	s5 =	simm.s32 @!p2 $0x0  }
0x1d: {  	s5 =	simm.s32 @p1 $0x1;
	p0 =	seq.s32 s7, s2  }
0x1e: {  	s7 =	smul.u32 @!p0 $0xF7A, s2;
	p2 =	seq.s32 @!p0 s5, $0x0  }
0x1f: {  	s9 =	smul.u32 $0xF7A, s1;
	s8 =	simm.s32 @!p0 $0x1BF5;
	p2 =	por !p2, p0  }
0x20: {  	[sflag:s8] =	ssyncset.s32 @!p0 $0xFFFFF086;
	s6 =	sadd.s32 @!p0 s3, s7;
	s7 =	simm.s32 @!p0 $0x108  }
0x21: {  	s3 =	sadd.s32 s3, s9;
	s6 =	sadd.s32 @!p0 $0x88, s6;
	s7 =	simm.s32 @p2 $0x1082  }
0x22: {  	[simem:s7], [sflag:s8] =	dma.local @!p0 [hbm:s6], $0xF7A  }
0x23: {  	s9 =	sor.u32 $0xD0000000, s2;
	s6 =	simm.s32 $0x108;
	_ =	swait.ge @!p0 [sflag:s8], $0x0  }
0x24: {  	s3 =	sadd.s32 $0x88, s3;
	s6 =	simm.s32 @!p1 $0x1082;
	[sflag:s4] =	ssyncset.s32 $0xFFFFF086  }
0x25: {  	[simem:s6], [sflag:s4] =	dma.local [hbm:s3], $0xF7A  }
0x26: {  	[smem:$0x3F9D] =	sst s1;
	(tag) =	ssettag s2;
	_ =	strace s9  }
0x27: {  	s1 =	sld [smem:$0x3FAD]  }
0x28: {  	s2 =	sld [smem:$0x3FAE]  }
0x29: {  	s4 =	sld [smem:$0x3FB0]  }
0x2a: {  	p0 =	seq.s32 s5, $0x0;
	s5 =	sld [smem:$0x3FB1]  }
0x2b: {  	s6 =	sld [smem:$0x3FB2]  }
0x2c: {  	s7 =	sld [smem:$0x3FB3]  }
0x2d: {  	s3 =	simm.s32 $0x108;
	s8 =	sld [smem:$0x3FB4]  }
0x2e: {  	s3 =	simm.s32 @!p0 $0x1082;
	s9 =	sld [smem:$0x3FB5]  }
0x2f: {  	lr =	sadd.s32 s0, s3;
	s0 =	sld [smem:$0x3FAC]  }
0x30: {  	s3 =	sld [smem:$0x3FAF]  }
0x31: {  	[smem:$0x3FB8] =	sst s10  }
0x32: {  	s10 =	sld [smem:$0x3FB6];
	_ =	sdelay $0x3  }
0x33: {  	p0 =	seq.s32 s10, $0x1;
	s10 =	sld [smem:$0x3FB8];
	_ =	sdelay $0x3  }
0x34: {  	[smem:$0x3FB8] =	sst s10  }
0x35: {  	s10 =	sld [smem:$0x3FB7];
	_ =	sdelay $0x3  }
0x36: {  	p1 =	seq.s32 s10, $0x1;
	s10 =	sld [smem:$0x3FB8];
	_ =	sdelay $0x3  }
0x37: {  	[smem:$0x3FB8] =	sst s10  }
0x38: {  	s10 =	sld [smem:$0x3FB9]  }
0x39: {  	_ = 	snop;
	(pc) =	sbr.ind lr, $3  }
0x3a: {  	_ = 	snop  }
0x3b: {  	_ = 	snop  }
0x3c: {  	p2 =	seq.s32 s10, $0x1;
	s10 =	sld [smem:$0x3FB8]  }
0x3d: {  	_ =	shalt  }
0x3e: {  	_ =	shalt  }
0x3f: {  	_ =	shalt  }
0x40: {  	_ =	shalt  }
0x41: {  	_ =	shalt  }
0x42: {  	_ =	shalt  }
0x43: {  	_ =	shalt  }
0x44: {  	_ =	shalt  }
0x45: {  	_ =	shalt  }
0x46: {  	_ =	shalt  }
0x47: {  	_ =	shalt  }
0x48: {  	_ =	shalt  }
0x49: {  	_ =	shalt  }
0x4a: {  	_ =	shalt  }
0x4b: {  	_ =	shalt  }
0x4c: {  	_ =	shalt  }
0x4d: {  	_ =	shalt  }
0x4e: {  	_ =	shalt  }
0x4f: {  	_ =	shalt  }
0x50: {  	_ =	shalt  }
0x51: {  	_ =	shalt  }
0x52: {  	_ =	shalt  }
0x53: {  	_ =	shalt  }
0x54: {  	_ =	shalt  }
0x55: {  	_ =	shalt  }
0x56: {  	_ =	shalt  }
0x57: {  	_ =	shalt  }
0x58: {  	_ =	shalt  }
0x59: {  	_ =	shalt  }
0x5a: {  	_ =	shalt  }
0x5b: {  	_ =	shalt  }
0x5c: {  	_ =	shalt  }
0x5d: {  	_ =	shalt  }
0x5e: {  	_ =	shalt  }
0x5f: {  	_ =	shalt  }
0x60: {  	_ =	shalt  }
0x61: {  	_ =	shalt  }
0x62: {  	_ =	shalt  }
0x63: {  	_ =	shalt  }
0x64: {  	_ =	shalt  }
0x65: {  	_ =	shalt  }
0x66: {  	_ =	shalt  }
0x67: {  	_ =	shalt  }
0x68: {  	_ =	shalt  }
0x69: {  	_ =	shalt  }
0x6a: {  	_ =	shalt  }
0x6b: {  	_ =	shalt  }
0x6c: {  	_ =	shalt  }
0x6d: {  	_ =	shalt  }
0x6e: {  	_ =	shalt  }
0x6f: {  	_ =	shalt  }
0x70: {  	_ =	shalt  }
0x71: {  	_ =	shalt  }
0x72: {  	_ =	shalt  }
0x73: {  	_ =	shalt  }
0x74: {  	_ =	shalt  }
0x75: {  	_ =	shalt  }
0x76: {  	_ =	shalt  }
0x77: {  	_ =	shalt  }
0x78: {  	_ =	shalt  }
0x79: {  	_ =	shalt  }
0x7a: {  	_ =	shalt  }
0x7b: {  	_ =	shalt  }
0x7c: {  	_ =	shalt  }
0x7d: {  	_ =	shalt  }
0x7e: {  	_ =	shalt  }
0x7f: {  	_ =	shalt  }
0x80: {  	_ =	shalt  }
0x81: {  	_ =	shalt  }
0x82: {  	_ =	shalt  }
0x83: {  	_ =	shalt  }
0x84: {  	_ =	shalt  }
0x85: {  	_ =	shalt  }
0x86: {  	_ =	shalt  }
0x87: {  	_ =	shalt  }
.Lfunc_end0:
.L_simem_size_0:
called_computation_lowered:
.L_overlay_start_0:
0x88: {  	s2 =	sld [smem:$0x3FD9]  }
0x89: {  	s3 =	sld [smem:$0x3FFE];
	_ =	sdelay $0x1  }
0x8a: {  	s1 =	srdreg.scid  }
0x8b: {  	s0 =	sand.u32 $0x1, s1  }
0x8c: {  	s17 =	sshll.u32 s0, $0xA;
	s2 =	sadd.s32 s3, s2  }
0x8d: {  	s2 =	sadd.s32 s2, s17  }
0x8e: {  	[smem:$0x3FC4] =	sst s2  }
0x8f: {  	_ = 	snop  }
0x90: {  	s2 =	sld [smem:$0x3FC9]  }
0x91: {  	s18 =	sld [smem:$0x3FC8]  }
0x92: {  	s4 =	sld [smem:$0x3FC7]  }
0x93: {  	s5 =	sld [smem:$0x3FD0];
	(tm) =	ssettm $0x1  }
0x94: {  	s6 =	sld [smem:$0x3FFB];
	_ =	sdelay $0x3  }
0x95: {  	_ =	strace s6  }
0x96: {  	s6 =	sld [smem:$0x3FFC];
	_ =	sdelay $0x3  }
0x97: {  	_ =	strace s6  }
0x98: {  	s6 =	sld [smem:$0x3FFD];
	_ =	sdelay $0x3  }
0x99: {  	_ =	strace s6  }
0x9a: {  	_ =	strace $0x8FFFFFFF  }
0x9b: {  	s19 =	sld [smem:$0x3FDB];
	_ =	sdelay $0x1  }
0x9c: {  	s7 =	simm.s32 $_scs_section_size  }
0x9d: {  	s8 =	simm.s32 $_size__tile_overlayer_lowered;
	s9 =	simm.s32 $_tile_overlayer_lowered  }
0x9e: {  	s22 =	simm.s32 $0x1BFF;
	s21 =	sshll.u32 s9, $0x1;
	s6 =	sadd.s32 s7, s19  }
0x9f: {  	s10 =	simm.s32 $0x0;
	s20 =	sshll.u32 s8, $0x1;
	s8 =	sadd.s32 s21, s6  }
0xa0: {  	[timem:s10], [sflag:s22] =	dma.local [hbm:s8], s20  }
0xa1: {  	_ =	swait.ge [sflag:s22], s20  }
0xa2: {  	s7 =	ssub.s32 $0x0, s20;
	[sflag:s22] =	ssyncset.done $0x0  }
0xa3: {  	[sflag:s22] =	ssyncadd.s32 s7;
	_ =	sdelay $0x1  }
0xa4: {  	s23 =	simm.s32 $0x1B8B  }
0xa5: {  	_ =	swait.ge [sflag:s23], $0x1  }
0xa6: {  	[sflag:s23] =	ssyncset.done $0x0  }
0xa7: {  	s25 =	simm.s32 $0x1B8E;
	s24 =	sld [smem:$0x3FFE];
	[sflag:s23] =	ssyncadd.s32 $0xFFFFFFFF  }
0xa8: {  	s26 =	simm.s32 $execute0_lowered;
	[smem:$0x3FD2] =	sst s25  }
0xa9: {  	s8 =	sshll.u32 s26, $0x1;
	_ =	strace $0x80000046;
	[dreg:$0x1] =	wrdreg $0xFFFFFFFF  }
0xaa: {  	s28 =	simm.s32 $_size_execute0_lowered;
	s6 =	sadd.s32 s6, s8;
	[dreg:$0x0] =	wrdreg $0x0  }
0xab: {  	s8 =	sshll.u32 s28, $0x1;
	[dreg:$0x2] =	wrdreg s6  }
0xac: {  	[dreg:$0x3] =	wrdreg s8  }
0xad: {  	[dreg:$0x4] =	wrdreg $0xC0  }
0xae: {  	_ =	task [dreg:s10], $0x5FFFF  }
0xaf: {  	[dreg:$0x1] =	wrdreg $0xFFFFFFFF  }
0xb0: {  	[dreg:$0x0] =	wrdreg $0x60  }
0xb1: {  	[dreg:$0x2] =	wrdreg s2  }
0xb2: {  	[dreg:$0x3] =	wrdreg s18  }
0xb3: {  	[dreg:$0x4] =	wrdreg s4  }
0xb4: {  	[dreg:$0x5] =	wrdreg s24  }
0xb5: {  	[dreg:$0x6] =	wrdreg s5  }
0xb6: {  	[dreg:$0x7] =	wrdreg $0x9  }
0xb7: {  	_ =	task.clear_ibuf [dreg:s10], $0x8FFFF;
	_ =	strace $0x90000046  }
0xb8: {  	s29 =	simm.s32 $0x9;
	_ =	strace $0x80000048  }
0xb9: {  	_ =	swait.ge [sflag:s29], $0x1  }
0xba: {  	[sflag:s29] =	ssyncadd.s32 $0xFFFFFFFF  }
0xbb: {  	_ =	strace $0x90000048  }
0xbc: {  	_ =	sfence  }
0xbd: {  	s30 =	sld [smem:$0x0];
	_ =	sdelay $0x2  }
0xbe: {  	s31 =	sshll.u32 s1, $0xD;
	s1 =	sshrl.u32 s1, $0x2  }
0xbf: {  	s3 =	sand.u32 $0x4000, s31;
	s1 =	sadd.s32 s1, s30  }
0xc0: {  	s0 =	sor.u32 s3, s0;
	s1 =	sshll.u32 s1, $0x11  }
0xc1: {  	s0 =	sor.u32 s1, s0  }
0xc2: {  	s0 =	sadd.s32 $0x8F2B, s0  }
0xc3: {  	[sflag:s0] =	ssyncadd.remote.s32 $0x1  }
0xc4: {  	_ =	sfence.sel $0xFFFF  }
0xc5: {  	[dreg:$0x0] =	wrdreg $0xFFFFFFFF;
	(pc) =	sbr.abs _section_cstart, $3  }
0xc6: {  	[dreg:$0x1] =	wrdreg $0xFFFFFFFF  }
0xc7: {  	_ =	task.clear_ibuf [dreg:s10], $0x2FFFF;
	_ =	strace $0x9FFFFFFF  }
0xc8: {  	(tm) =	ssettm $0x7FFFFFFF  }
0xc9: {  	_ =	shalt  }
tec
execute0_lowered:
.L_overlay_start_1:
0x0: {  	(tag) =	ssettag $0x1  }
0x1: {  	s1 =	rddreg [dreg:$0x0]  }
0x2: {  	s0 =	rddreg [dreg:$0x1]  }
0x3: {  	s2 =	rddreg [dreg:$0x2]  }
0x4: {  	s4 =	rddreg [dreg:$0x3]  }
0x5: {  	s5 =	rddreg [dreg:$0x4];
	s3 =	simm.s32 $0x0;
	s6 =	srdreg.scid  }
0x6: {  	s9 =	stileid.u32;
	[smem:$0x7FF] =	sst s3  }
0x7: {  	s6 =	sand.u32 $0x1, s6;
	s7 =	sshll.u32 s9, $0x1;
	s9 =	sshll.u32 s9, $0xA  }
0x8: {  	_ =	strace $0x80000047;
	s8 =	ssub.s32 $0x2, s6;
	s6 =	sor.u32 s6, s7  }
0x9: {  	s26 =	sand.u32 $0x3000, s9;
	s10 =	sshll.u32 s6, $0x4;
	s30 =	sshll.u32 s6, $0x9  }
0xa: {  	s0 =	sadd.s32 s0, s26;
	s31 =	sshll.u32 s6, $0xF;
	s11 =	sadd.s32 s2, s30  }
0xb: {  	s29 =	sand.u32 $0x70, s10;
	s12 =	sadd.s32 s1, s31;
	[dreg:$0x7] =	wrdreg s11  }
0xc: {  	s0 =	sadd.s32 s29, s0;
	[dreg:$0x8] =	wrdreg s12  }
0xd: {  	s13 =	sadd.s32 $0x80, s12;
	[dreg:$0x6] =	wrdreg s0  }
0xe: {  	s14 =	sadd.s32 $0x1000, s12;
	[dreg:$0x9] =	wrdreg s13  }
0xf: {  	s15 =	sadd.s32 $0x1080, s12;
	[dreg:$0xa] =	wrdreg s14  }
0x10: {  	s16 =	sadd.s32 $0x2000, s12;
	[dreg:$0xb] =	wrdreg s15  }
0x11: {  	s28 =	simm.s32 $0x19000;
	s17 =	sadd.s32 $0x2080, s12;
	[dreg:$0xc] =	wrdreg s16  }
0x12: {  	s4 =	sadd.s32 $0x400, s4;
	s18 =	sadd.s32 $0x3000, s12;
	[dreg:$0xd] =	wrdreg s17  }
0x13: {  	s25 =	sshrl.u32 s8, $0x1;
	s19 =	sadd.s32 $0x3080, s12;
	[dreg:$0xe] =	wrdreg s18  }
0x14: {  	s26 =	sshll.u32 s6, $0x3;
	s20 =	sadd.s32 $0x4000, s12;
	[dreg:$0xf] =	wrdreg s19  }
0x15: {  	s7 =	ssub.s32 s8, s25;
	s21 =	sadd.s32 $0x4080, s12;
	[dreg:$0x10] =	wrdreg s20  }
0x16: {  	s8 =	sshll.u32 s6, $0x12;
	s22 =	sadd.s32 $0x5000, s12;
	[dreg:$0x11] =	wrdreg s21  }
0x17: {  	s2 =	simm.s32 $0x10000;
	s23 =	sadd.s32 $0x5080, s12;
	[dreg:$0x12] =	wrdreg s22  }
0x18: {  	s10 =	simm.s32 $0x7980;
	s24 =	sadd.s32 $0x6000, s12;
	[dreg:$0x13] =	wrdreg s23  }
0x19: {  	s25 =	sadd.s32 $0x6080, s12;
	s29 =	sadd.s32 $0x7000, s12;
	[dreg:$0x14] =	wrdreg s24  }
0x1a: {  	s30 =	sadd.s32 $0x7080, s12;
	s31 =	smax.u32 s7, $0x1;
	[dreg:$0x15] =	wrdreg s25  }
0x1b: {  	s11 =	simm.s32 $0x7A80;
	s12 =	simm.s32 $0x7B80;
	[dreg:$0x16] =	wrdreg s29  }
0x1c: {  	s7 =	simm.s32 $0x0;
	s0 =	sadd.s32 s5, s26;
	[dreg:$0x18] =	wrdreg s30  }
0x1d: {  	[dreg:$0x19] =	wrdreg s31;
	s26 =	simm.s32 $0x80;
	s25 =	simm.s32 $0x18000  }
0x1e: {  	s23 =	simm.s32 $0x3;
	s5 =	simm.s32 $0x4000;
	s13 =	simm.s32 $0x7C80  }
0x1f: {  	s14 =	simm.s32 $0x7D80;
	s15 =	simm.s32 $0x7E80;
	s16 =	simm.s32 $0x7F80  }
0x20: {  	v0 =	vlaneseq.u32;
	s17 =	simm.s32 $0xC000;
	s18 =	simm.s32 $0x14000;
	s19 =	simm.s32 $0xE000  }
0x21: {  	v1 =	vand.u32 $0x7, v0;
	s20 =	simm.s32 $0x16000;
	s21 =	simm.s32 $0x1;
	s22 =	simm.s32 $0x2  }
0x22: {  	v3 =	vimm.f32 $0.0e+00;
	v2 =	vor.u32 $0xF8, v1;
	s24 =	simm.s32 $0x0;
	[dreg:$0x17] =	wrdreg s0;
	s0 =	simm.s32 $0x8000  }
.LBB2_1:
0x23: {  	[dreg:$0x1a] =	wrdreg s7  }
0x24: {  	s6 =	rddreg [dreg:$0x6];
	s30 =	simm.s32 $0x400  }
0x25: {  	[tilespmem:s25], [sflag:$0x3] =	stream.strided.gather [hbm4b:s6+s26], $0x1000, s30, s26, $0x38;
	[tilespmem:$0x1A040] =	vst v63  }
0x26: {  	_ =	swait.ge [sflag:s23], $0x1000  }
0x27: {  	[sflag:s23] =	ssyncset.done $0x0  }
0x28: {  	s31 =	rddreg [dreg:$0x7];
	[sflag:s23] =	ssyncadd.s32 $0xFFFFF000  }
0x29: {  	[tilespmem:s28], [sflag:$0x3] =	stream.linear.gather [hbm4b:s31+s3], $0x1000, $0x38;
	[tilespmem:$0x1A040] =	vst v63  }
0x2a: {  	_ =	swait.ge [sflag:s23], $0x1000  }
0x2b: {  	[sflag:s23] =	ssyncset.done $0x0  }
0x2c: {  	s6 =	simm.s32 $0x0;
	[sflag:s23] =	ssyncadd.s32 $0xFFFFF000  }
0x2d: {  	v6 =	vld [tilespmem:s6+$0x18060]  }
0x2e: {  	v8 =	vld [tilespmem:s6+$0x18070]  }
0x2f: {  	v9 =	vld [tilespmem:s6+$0x19070]  }
0x30: {  	v13 =	vld [tilespmem:s6+$0x19060]  }
0x31: {  	v4 =	vld [tilespmem:s6+$0x19050]  }
0x32: {  	v10 =	vld [tilespmem:s6+$0x18030]  }
0x33: {  	v5 =	vld [tilespmem:s6+$0x19030]  }
0x34: {  	v17 =	vld [tilespmem:s6+$0x18050];
	_ =	sdelay $0x2  }
0x35: {  	v7 =	vld [tilespmem:s6+$0x19000];
	v15 =	vadd.s32 $0x1, v9;
	v16 =	vadd.s32 $0x1, v13;
	vm1 =	veq.s32 v9, v8  }
0x36: {  	vm3 =	veq.s32 v13, v6;
	vm0 =	veq.s32 v5, v10;
	v10 =	vadd.s32 $0x1, v5  }
0x37: {  	v12 =	vld [tilespmem:s6+$0x18020];
	vm2 =	veq.s32 v4, v17;
	v11 =	vshra.s32 v15, $0x1F;
	v8 =	vshra.s32 v16, $0x1F  }
0x38: {  	v6 =	vld [tilespmem:s6+$0x19020];
	v20 =	vshra.s32 v10, $0x1F;
	v11 =	vshrl.u32 v11, $0x13;
	v8 =	vshrl.u32 v8, $0x13  }
0x39: {  	v14 =	vadd.s32 v11, v15;
	v11 =	vadd.s32 $0x1, v4;
	v18 =	vadd.s32 v8, v16;
	v8 =	vld [tilespmem:s6+$0x19040]  }
0x3a: {  	v19 =	vand.u32 $0xFFFFE000, v14;
	v18 =	vand.u32 $0xFFFFE000, v18;
	v14 =	vadd.s32 $0x1, v7  }
0x3b: {  	v17 =	vshra.s32 v11, $0x1F;
	v16 =	vsub.s32 v16, v18;
	v15 =	vsub.s32 v15, v19  }
0x3c: {  	v17 =	vshrl.u32 v17, $0x13;
	v15 =	vsel vm1, v15, v9;
	v9 =	vshra.s32 v14, $0x1F  }
0x3d: {  	vm1 =	veq.s32 v6, v12;
	v12 =	vadd.s32 $0x1, v6;
	v19 =	vshrl.u32 v9, $0x13;
	v9 =	vld [tilespmem:s6+$0x19010]  }
0x3e: {  	v16 =	vsel vm3, v16, v13;
	[tilespmem:s6+$0x19070] =	vst v15;
	v15 =	vshra.s32 v12, $0x1F;
	v13 =	vadd.s32 $0x1, v8  }
0x3f: {  	v18 =	vadd.s32 v17, v11;
	v17 =	vld [tilespmem:s6+$0x18000];
	[tilespmem:s6+$0x19060] =	vst v16;
	v16 =	vshrl.u32 v15, $0x13;
	v15 =	vshra.s32 v13, $0x1F  }
0x40: {  	v20 =	vshrl.u32 v20, $0x13;
	v21 =	vadd.s32 v19, v14;
	v19 =	vshrl.u32 v15, $0x13;
	v15 =	vld [tilespmem:s6+$0x18010]  }
0x41: {  	s7 =	simm.s32 $0x200;
	v20 =	vadd.s32 v20, v10;
	v21 =	vand.u32 $0xFFFFE000, v21;
	v16 =	vadd.s32 v16, v12  }
.LBB2_2:
0x42: {  	s23 =	sshra.s32 s7, $0x2;
	p0 =	sne.s32 s7, $0x3E00;
	s7 =	sadd.s32 $0x200, s7;
	v14 =	vsub.s32 v14, v21;
	v21 =	vadd.s32 $0x1, v9;
	v22 =	vld [tilespmem:s6+$0x18040];
	v19 =	vadd.s32 v19, v13  }
0x43: {  	v20 =	vand.u32 $0xFFFFE000, v20;
	v18 =	vand.u32 $0xFFFFE000, v18;
	v23 =	vld [tilespmem:s23+$0x18060];
	v24 =	vshra.s32 v21, $0x1F  }
0x44: {  	v11 =	vsub.s32 v11, v18;
	v25 =	vld [tilespmem:s23+$0x18070];
	vm3 =	veq.s32 v7, v17;
	v17 =	vshrl.u32 v24, $0x13  }
0x45: {  	v4 =	vsel vm2, v11, v4;
	v18 =	vld [tilespmem:s23+$0x19070];
	vm4 =	veq.s32 v9, v15;
	v15 =	vadd.s32 v17, v21  }
0x46: {  	v10 =	vsub.s32 v10, v20;
	v11 =	vand.u32 $0xFFFFE000, v19;
	v7 =	vsel vm3, v14, v7;
	v17 =	vld [tilespmem:s23+$0x19060];
	[tilespmem:s6+$0x19050] =	vst v4  }
0x47: {  	v5 =	vsel vm0, v10, v5;
	v14 =	vand.u32 $0xFFFFE000, v16;
	v4 =	vld [tilespmem:s23+$0x19050];
	[tilespmem:s6+$0x19000] =	vst v7;
	v7 =	vand.u32 $0xFFFFE000, v15  }
0x48: {  	vm0 =	veq.s32 v8, v22;
	v15 =	vld [tilespmem:s23+$0x18020];
	v7 =	vsub.s32 v21, v7;
	[tilespmem:s6+$0x19030] =	vst v5;
	v5 =	vsub.s32 v13, v11  }
0x49: {  	v10 =	vld [tilespmem:s23+$0x18030];
	v9 =	vsel vm4, v7, v9;
	v7 =	vsub.s32 v12, v14;
	v8 =	vsel vm0, v5, v8  }
0x4a: {  	v5 =	vld [tilespmem:s23+$0x19030];
	vm4 =	veq.s32 v18, v25;
	v12 =	vadd.s32 $0x1, v18;
	v6 =	vsel vm1, v7, v6;
	[tilespmem:s6+$0x19040] =	vst v8  }
0x4b: {  	v7 =	vld [tilespmem:s23+$0x19000];
	vm3 =	veq.s32 v17, v23;
	v13 =	vadd.s32 $0x1, v17;
	v8 =	vshra.s32 v12, $0x1F;
	[tilespmem:s6+$0x19020] =	vst v6  }
0x4c: {  	v16 =	vld [tilespmem:s23+$0x18050];
	v11 =	vshra.s32 v13, $0x1F;
	v8 =	vshrl.u32 v8, $0x13;
	[tilespmem:s6+$0x19010] =	vst v9;
	s6 =	smov.u32 s23  }
0x4d: {  	v6 =	vld [tilespmem:s6+$0x19020];
	v9 =	vshrl.u32 v11, $0x13;
	v8 =	vadd.s32 v8, v12  }
0x4e: {  	v11 =	vadd.s32 $0x1, v4;
	v9 =	vadd.s32 v9, v13;
	v19 =	vand.u32 $0xFFFFE000, v8  }
0x4f: {  	vm0 =	veq.s32 v5, v10;
	v10 =	vadd.s32 $0x1, v5;
	v8 =	vld [tilespmem:s6+$0x19040];
	v9 =	vand.u32 $0xFFFFE000, v9  }
0x50: {  	v14 =	vadd.s32 $0x1, v7;
	v13 =	vsub.s32 v13, v9;
	v9 =	vsub.s32 v12, v19  }
0x51: {  	v12 =	vshra.s32 v11, $0x1F;
	vm2 =	veq.s32 v4, v16;
	v16 =	vsel vm4, v9, v18  }
0x52: {  	v9 =	vshra.s32 v14, $0x1F;
	vm1 =	veq.s32 v6, v15;
	v15 =	vshrl.u32 v12, $0x13  }
.Ltmp0:
0x53: {  	v17 =	vsel vm3, v13, v17;
	v19 =	vshrl.u32 v9, $0x13;
	v12 =	vadd.s32 $0x1, v6;
	v9 =	vld [tilespmem:s6+$0x19010];
	[tilespmem:s6+$0x19070] =	vst v16;
	(pc) =	sbr.rel @p0 .LBB2_2-.Ltmp0, $4  }
0x54: {  	v20 =	vshra.s32 v10, $0x1F;
	v16 =	vshra.s32 v12, $0x1F;
	v13 =	vadd.s32 $0x1, v8;
	[tilespmem:s6+$0x19060] =	vst v17  }
0x55: {  	v18 =	vadd.s32 v15, v11;
	v16 =	vshrl.u32 v16, $0x13;
	v17 =	vld [tilespmem:s6+$0x18000];
	v21 =	vshra.s32 v13, $0x1F  }
0x56: {  	v20 =	vshrl.u32 v20, $0x13;
	v22 =	vadd.s32 v19, v14;
	v15 =	vld [tilespmem:s6+$0x18010];
	v19 =	vshrl.u32 v21, $0x13  }
0x57: {  	v20 =	vadd.s32 v20, v10;
	v16 =	vadd.s32 v16, v12;
	v21 =	vand.u32 $0xFFFFE000, v22  }
0x58: {  	v14 =	vsub.s32 v14, v21;
	v60 =	vadd.s32 $0x1, v9;
	v19 =	vadd.s32 v19, v13  }
0x59: {  	v22 =	vld [tilespmem:s6+$0x18040];
	v20 =	vand.u32 $0xFFFFE000, v20;
	v18 =	vand.u32 $0xFFFFE000, v18;
	v23 =	vshra.s32 v60, $0x1F  }
0x5a: {  	v11 =	vsub.s32 v11, v18;
	v10 =	vsub.s32 v10, v20;
	v62 =	vand.u32 $0xFFFFE000, v19  }
0x5b: {  	vm3 =	veq.s32 v7, v17;
	v61 =	vshrl.u32 v23, $0x13;
	v4 =	vsel vm2, v11, v4  }
0x5c: {  	v5 =	vsel vm0, v10, v5;
	v7 =	vsel vm3, v14, v7;
	[tilespmem:s6+$0x19050] =	vst v4;
	v4 =	vand.u32 $0xFFFFE000, v16  }
0x5d: {  	v17 =	vadd.s32 v61, v60;
	[tilespmem:s6+$0x19000] =	vst v7;
	v7 =	vsub.s32 v13, v62;
	v4 =	vsub.s32 v12, v4  }
0x5e: {  	[tilespmem:s6+$0x19030] =	vst v5;
	v63 =	vand.u32 $0xFFFFE000, v17;
	vm14 =	veq.s32 v8, v22;
	v4 =	vsel vm1, v4, v6  }
0x5f: {  	vm15 =	veq.s32 v9, v15;
	v5 =	vsel vm14, v7, v8;
	v7 =	vsub.s32 v60, v63;
	[tilespmem:s6+$0x19020] =	vst v4  }
0x60: {  	[tilespmem:s6+$0x19040] =	vst v5;
	v5 =	vsel vm15, v7, v9  }
0x61: {  	s7 =	rddreg [dreg:$0x8];
	[tilespmem:s6+$0x19010] =	vst v5  }
0x62: {  	[tilespmem:s24], [sflag:$0x1] =	stream.linear.gather [hbm4b:s7+s24], $0x80, $0x38;
	[tilespmem:$0x1A040] =	vst v63  }
0x63: {  	s23 =	simm.s32 $0x100;
	s30 =	sadd.s32 $0x10, s7  }
0x64: {  	[tilespmem:s23], [sflag:$0x1] =	stream.linear.gather [hbm4b:s30+s24], $0x80, $0x38;
	[tilespmem:$0x1A040] =	vst v63  }
0x65: {  	s9 =	simm.s32 $0x200;
	s31 =	sadd.s32 $0x20, s7  }
0x66: {  	[tilespmem:s9], [sflag:$0x1] =	stream.linear.gather [hbm4b:s31+s24], $0x80, $0x38;
	[tilespmem:$0x1A040] =	vst v63  }
0x67: {  	s29 =	sadd.s32 $0x30, s7;
	s30 =	simm.s32 $0x300  }
0x68: {  	[tilespmem:s30], [sflag:$0x1] =	stream.linear.gather [hbm4b:s29+s24], $0x80, $0x38;
	[tilespmem:$0x1A040] =	vst v63  }
0x69: {  	s31 =	sadd.s32 $0x40, s7;
	s9 =	simm.s32 $0x400  }
0x6a: {  	[tilespmem:s9], [sflag:$0x1] =	stream.linear.gather [hbm4b:s31+s24], $0x80, $0x38;
	[tilespmem:$0x1A040] =	vst v63  }
0x6b: {  	s23 =	sadd.s32 $0x50, s7;
	s29 =	simm.s32 $0x500  }
0x6c: {  	[tilespmem:s29], [sflag:$0x1] =	stream.linear.gather [hbm4b:s23+s24], $0x80, $0x38;
	[tilespmem:$0x1A040] =	vst v63  }
0x6d: {  	s30 =	sadd.s32 $0x60, s7;
	s31 =	simm.s32 $0x600  }
0x6e: {  	[tilespmem:s31], [sflag:$0x1] =	stream.linear.gather [hbm4b:s30+s24], $0x80, $0x38;
	[tilespmem:$0x1A040] =	vst v63  }
0x6f: {  	s9 =	sadd.s32 $0x70, s7;
	s23 =	simm.s32 $0x700  }
0x70: {  	[tilespmem:s23], [sflag:$0x1] =	stream.linear.gather [hbm4b:s9+s24], $0x80, $0x38;
	[tilespmem:$0x1A040] =	vst v63  }
0x71: {  	s7 =	rddreg [dreg:$0x9]  }
0x72: {  	[tilespmem:s26], [sflag:$0x1] =	stream.linear.gather [hbm4b:s7+s24], $0x80, $0x38;
	[tilespmem:$0x1A040] =	vst v63  }
0x73: {  	s29 =	sadd.s32 $0x10, s7;
	s30 =	simm.s32 $0x180  }
0x74: {  	[tilespmem:s30], [sflag:$0x1] =	stream.linear.gather [hbm4b:s29+s24], $0x80, $0x38;
	[tilespmem:$0x1A040] =	vst v63  }
0x75: {  	s31 =	sadd.s32 $0x20, s7;
	s9 =	simm.s32 $0x280  }
0x76: {  	[tilespmem:s9], [sflag:$0x1] =	stream.linear.gather [hbm4b:s31+s24], $0x80, $0x38;
	[tilespmem:$0x1A040] =	vst v63  }
0x77: {  	s29 =	sadd.s32 $0x30, s7;
	s30 =	simm.s32 $0x380  }
0x78: {  	[tilespmem:s30], [sflag:$0x1] =	stream.linear.gather [hbm4b:s29+s24], $0x80, $0x38;
	[tilespmem:$0x1A040] =	vst v63  }
0x79: {  	s31 =	sadd.s32 $0x40, s7;
	s9 =	simm.s32 $0x480  }
0x7a: {  	[tilespmem:s9], [sflag:$0x1] =	stream.linear.gather [hbm4b:s31+s24], $0x80, $0x38;
	[tilespmem:$0x1A040] =	vst v63  }
0x7b: {  	s23 =	sadd.s32 $0x50, s7;
	s29 =	simm.s32 $0x580  }
0x7c: {  	[tilespmem:s29], [sflag:$0x1] =	stream.linear.gather [hbm4b:s23+s24], $0x80, $0x38;
	[tilespmem:$0x1A040] =	vst v63  }
0x7d: {  	s30 =	sadd.s32 $0x60, s7;
	s31 =	simm.s32 $0x680  }
0x7e: {  	[tilespmem:s31], [sflag:$0x1] =	stream.linear.gather [hbm4b:s30+s24], $0x80, $0x38;
	[tilespmem:$0x1A040] =	vst v63  }
0x7f: {  	s7 =	sadd.s32 $0x70, s7;
	s9 =	simm.s32 $0x780  }
0x80: {  	[tilespmem:s9], [sflag:$0x1] =	stream.linear.gather [hbm4b:s7+s24], $0x80, $0x38;
	[tilespmem:$0x1A040] =	vst v63  }
0x81: {  	s23 =	simm.s32 $0x800;
	s7 =	rddreg [dreg:$0xa]  }
0x82: {  	[tilespmem:s23], [sflag:$0x1] =	stream.linear.gather [hbm4b:s7+s24], $0x80, $0x38;
	[tilespmem:$0x1A040] =	vst v63  }
0x83: {  	s30 =	simm.s32 $0x900;
	s29 =	sadd.s32 $0x10, s7  }
0x84: {  	[tilespmem:s30], [sflag:$0x1] =	stream.linear.gather [hbm4b:s29+s24], $0x80, $0x38;
	[tilespmem:$0x1A040] =	vst v63  }
0x85: {  	s9 =	simm.s32 $0xA00;
	s31 =	sadd.s32 $0x20, s7  }
0x86: {  	[tilespmem:s9], [sflag:$0x1] =	stream.linear.gather [hbm4b:s31+s24], $0x80, $0x38;
	[tilespmem:$0x1A040] =	vst v63  }
0x87: {  	s29 =	sadd.s32 $0x30, s7;
	s30 =	simm.s32 $0xB00  }
0x88: {  	[tilespmem:s30], [sflag:$0x1] =	stream.linear.gather [hbm4b:s29+s24], $0x80, $0x38;
	[tilespmem:$0x1A040] =	vst v63  }
0x89: {  	s31 =	sadd.s32 $0x40, s7;
	s9 =	simm.s32 $0xC00  }
0x8a: {  	[tilespmem:s9], [sflag:$0x1] =	stream.linear.gather [hbm4b:s31+s24], $0x80, $0x38;
	[tilespmem:$0x1A040] =	vst v63  }
0x8b: {  	s23 =	sadd.s32 $0x50, s7;
	s29 =	simm.s32 $0xD00  }
0x8c: {  	[tilespmem:s29], [sflag:$0x1] =	stream.linear.gather [hbm4b:s23+s24], $0x80, $0x38;
	[tilespmem:$0x1A040] =	vst v63  }
0x8d: {  	s30 =	sadd.s32 $0x60, s7;
	s31 =	simm.s32 $0xE00  }
0x8e: {  	[tilespmem:s31], [sflag:$0x1] =	stream.linear.gather [hbm4b:s30+s24], $0x80, $0x38;
	[tilespmem:$0x1A040] =	vst v63  }
0x8f: {  	s7 =	sadd.s32 $0x70, s7;
	s9 =	simm.s32 $0xF00  }
0x90: {  	[tilespmem:s9], [sflag:$0x1] =	stream.linear.gather [hbm4b:s7+s24], $0x80, $0x38;
	[tilespmem:$0x1A040] =	vst v63  }
0x91: {  	s23 =	simm.s32 $0x880;
	s7 =	rddreg [dreg:$0xb]  }
0x92: {  	[tilespmem:s23], [sflag:$0x1] =	stream.linear.gather [hbm4b:s7+s24], $0x80, $0x38;
	[tilespmem:$0x1A040] =	vst v63  }
0x93: {  	s30 =	simm.s32 $0x980;
	s29 =	sadd.s32 $0x10, s7  }
0x94: {  	[tilespmem:s30], [sflag:$0x1] =	stream.linear.gather [hbm4b:s29+s24], $0x80, $0x38;
	[tilespmem:$0x1A040] =	vst v63  }
0x95: {  	s9 =	simm.s32 $0xA80;
	s31 =	sadd.s32 $0x20, s7  }
0x96: {  	[tilespmem:s9], [sflag:$0x1] =	stream.linear.gather [hbm4b:s31+s24], $0x80, $0x38;
	[tilespmem:$0x1A040] =	vst v63  }
0x97: {  	s29 =	sadd.s32 $0x30, s7;
	s30 =	simm.s32 $0xB80  }
0x98: {  	[tilespmem:s30], [sflag:$0x1] =	stream.linear.gather [hbm4b:s29+s24], $0x80, $0x38;
	[tilespmem:$0x1A040] =	vst v63  }
0x99: {  	s31 =	sadd.s32 $0x40, s7;
	s9 =	simm.s32 $0xC80  }
0x9a: {  	[tilespmem:s9], [sflag:$0x1] =	stream.linear.gather [hbm4b:s31+s24], $0x80, $0x38;
	[tilespmem:$0x1A040] =	vst v63  }
0x9b: {  	s29 =	sadd.s32 $0x50, s7;
	s30 =	simm.s32 $0xD80  }
0x9c: {  	[tilespmem:s30], [sflag:$0x1] =	stream.linear.gather [hbm4b:s29+s24], $0x80, $0x38;
	[tilespmem:$0x1A040] =	vst v63  }
0x9d: {  	s31 =	sadd.s32 $0x60, s7;
	s9 =	simm.s32 $0xE80  }
0x9e: {  	[tilespmem:s9], [sflag:$0x1] =	stream.linear.gather [hbm4b:s31+s24], $0x80, $0x38;
	[tilespmem:$0x1A040] =	vst v63  }
0x9f: {  	s23 =	sadd.s32 $0x70, s7;
	s29 =	simm.s32 $0xF80  }
0xa0: {  	[tilespmem:s29], [sflag:$0x1] =	stream.linear.gather [hbm4b:s23+s24], $0x80, $0x38;
	[tilespmem:$0x1A040] =	vst v63  }
0xa1: {  	s7 =	rddreg [dreg:$0xc];
	s30 =	simm.s32 $0x1000  }
0xa2: {  	[tilespmem:s30], [sflag:$0x1] =	stream.linear.gather [hbm4b:s7+s24], $0x80, $0x38;
	[tilespmem:$0x1A040] =	vst v63  }
0xa3: {  	s31 =	sadd.s32 $0x10, s7;
	s9 =	simm.s32 $0x1100  }
0xa4: {  	[tilespmem:s9], [sflag:$0x1] =	stream.linear.gather [hbm4b:s31+s24], $0x80, $0x38;
	[tilespmem:$0x1A040] =	vst v63  }
0xa5: {  	s29 =	sadd.s32 $0x20, s7;
	s9 =	simm.s32 $0x1200  }
0xa6: {  	[tilespmem:s9], [sflag:$0x1] =	stream.linear.gather [hbm4b:s29+s24], $0x80, $0x38;
	[tilespmem:$0x1A040] =	vst v63  }
0xa7: {  	s30 =	sadd.s32 $0x30, s7;
	s31 =	simm.s32 $0x1300  }
0xa8: {  	[tilespmem:s31], [sflag:$0x1] =	stream.linear.gather [hbm4b:s30+s24], $0x80, $0x38;
	[tilespmem:$0x1A040] =	vst v63  }
0xa9: {  	s23 =	sadd.s32 $0x40, s7;
	s29 =	simm.s32 $0x1400  }
0xaa: {  	[tilespmem:s29], [sflag:$0x1] =	stream.linear.gather [hbm4b:s23+s24], $0x80, $0x38;
	[tilespmem:$0x1A040] =	vst v63  }
0xab: {  	s30 =	sadd.s32 $0x50, s7;
	s31 =	simm.s32 $0x1500  }
0xac: {  	[tilespmem:s31], [sflag:$0x1] =	stream.linear.gather [hbm4b:s30+s24], $0x80, $0x38;
	[tilespmem:$0x1A040] =	vst v63  }
0xad: {  	s23 =	sadd.s32 $0x60, s7;
	s29 =	simm.s32 $0x1600  }
0xae: {  	[tilespmem:s29], [sflag:$0x1] =	stream.linear.gather [hbm4b:s23+s24], $0x80, $0x38;
	[tilespmem:$0x1A040] =	vst v63  }
0xaf: {  	s30 =	sadd.s32 $0x70, s7;
	s31 =	simm.s32 $0x1700  }
0xb0: {  	[tilespmem:s31], [sflag:$0x1] =	stream.linear.gather [hbm4b:s30+s24], $0x80, $0x38;
	[tilespmem:$0x1A040] =	vst v63  }
0xb1: {  	s9 =	simm.s32 $0x1080;
	s7 =	rddreg [dreg:$0xd]  }
0xb2: {  	[tilespmem:s9], [sflag:$0x1] =	stream.linear.gather [hbm4b:s7+s24], $0x80, $0x38;
	[tilespmem:$0x1A040] =	vst v63  }
0xb3: {  	s23 =	sadd.s32 $0x10, s7;
	s29 =	simm.s32 $0x1180  }
0xb4: {  	[tilespmem:s29], [sflag:$0x1] =	stream.linear.gather [hbm4b:s23+s24], $0x80, $0x38;
	[tilespmem:$0x1A040] =	vst v63  }
0xb5: {  	s30 =	sadd.s32 $0x20, s7;
	s31 =	simm.s32 $0x1280  }
0xb6: {  	[tilespmem:s31], [sflag:$0x1] =	stream.linear.gather [hbm4b:s30+s24], $0x80, $0x38;
	[tilespmem:$0x1A040] =	vst v63  }
0xb7: {  	s23 =	sadd.s32 $0x30, s7;
	s29 =	simm.s32 $0x1380  }
0xb8: {  	[tilespmem:s29], [sflag:$0x1] =	stream.linear.gather [hbm4b:s23+s24], $0x80, $0x38;
	[tilespmem:$0x1A040] =	vst v63  }
0xb9: {  	s30 =	sadd.s32 $0x40, s7;
	s31 =	simm.s32 $0x1480  }
0xba: {  	[tilespmem:s31], [sflag:$0x1] =	stream.linear.gather [hbm4b:s30+s24], $0x80, $0x38;
	[tilespmem:$0x1A040] =	vst v63  }
0xbb: {  	s23 =	sadd.s32 $0x50, s7;
	s29 =	simm.s32 $0x1580  }
0xbc: {  	[tilespmem:s29], [sflag:$0x1] =	stream.linear.gather [hbm4b:s23+s24], $0x80, $0x38;
	[tilespmem:$0x1A040] =	vst v63  }
0xbd: {  	s30 =	sadd.s32 $0x60, s7;
	s31 =	simm.s32 $0x1680  }
0xbe: {  	[tilespmem:s31], [sflag:$0x1] =	stream.linear.gather [hbm4b:s30+s24], $0x80, $0x38;
	[tilespmem:$0x1A040] =	vst v63  }
0xbf: {  	s9 =	sadd.s32 $0x70, s7;
	s23 =	simm.s32 $0x1780  }
0xc0: {  	[tilespmem:s23], [sflag:$0x1] =	stream.linear.gather [hbm4b:s9+s24], $0x80, $0x38;
	[tilespmem:$0x1A040] =	vst v63  }
0xc1: {  	s7 =	rddreg [dreg:$0xe];
	s29 =	simm.s32 $0x1800  }
0xc2: {  	[tilespmem:s29], [sflag:$0x1] =	stream.linear.gather [hbm4b:s7+s24], $0x80, $0x38;
	[tilespmem:$0x1A040] =	vst v63  }
0xc3: {  	s30 =	sadd.s32 $0x10, s7;
	s31 =	simm.s32 $0x1900  }
0xc4: {  	[tilespmem:s31], [sflag:$0x1] =	stream.linear.gather [hbm4b:s30+s24], $0x80, $0x38;
	[tilespmem:$0x1A040] =	vst v63  }
0xc5: {  	s23 =	sadd.s32 $0x20, s7;
	s29 =	simm.s32 $0x1A00  }
0xc6: {  	[tilespmem:s29], [sflag:$0x1] =	stream.linear.gather [hbm4b:s23+s24], $0x80, $0x38;
	[tilespmem:$0x1A040] =	vst v63  }
0xc7: {  	s30 =	sadd.s32 $0x30, s7;
	s31 =	simm.s32 $0x1B00  }
0xc8: {  	[tilespmem:s31], [sflag:$0x1] =	stream.linear.gather [hbm4b:s30+s24], $0x80, $0x38;
	[tilespmem:$0x1A040] =	vst v63  }
0xc9: {  	s23 =	sadd.s32 $0x40, s7;
	s29 =	simm.s32 $0x1C00  }
0xca: {  	[tilespmem:s29], [sflag:$0x1] =	stream.linear.gather [hbm4b:s23+s24], $0x80, $0x38;
	[tilespmem:$0x1A040] =	vst v63  }
0xcb: {  	s30 =	sadd.s32 $0x50, s7;
	s31 =	simm.s32 $0x1D00  }
0xcc: {  	[tilespmem:s31], [sflag:$0x1] =	stream.linear.gather [hbm4b:s30+s24], $0x80, $0x38;
	[tilespmem:$0x1A040] =	vst v63  }
0xcd: {  	s23 =	sadd.s32 $0x60, s7;
	s29 =	simm.s32 $0x1E00  }
0xce: {  	[tilespmem:s29], [sflag:$0x1] =	stream.linear.gather [hbm4b:s23+s24], $0x80, $0x38;
	[tilespmem:$0x1A040] =	vst v63  }
0xcf: {  	s30 =	sadd.s32 $0x70, s7;
	s31 =	simm.s32 $0x1F00  }
0xd0: {  	[tilespmem:s31], [sflag:$0x1] =	stream.linear.gather [hbm4b:s30+s24], $0x80, $0x38;
	[tilespmem:$0x1A040] =	vst v63  }
0xd1: {  	s9 =	simm.s32 $0x1880;
	s7 =	rddreg [dreg:$0xf]  }
0xd2: {  	[tilespmem:s9], [sflag:$0x1] =	stream.linear.gather [hbm4b:s7+s24], $0x80, $0x38;
	[tilespmem:$0x1A040] =	vst v63  }
0xd3: {  	s23 =	sadd.s32 $0x10, s7;
	s29 =	simm.s32 $0x1980  }
0xd4: {  	[tilespmem:s29], [sflag:$0x1] =	stream.linear.gather [hbm4b:s23+s24], $0x80, $0x38;
	[tilespmem:$0x1A040] =	vst v63  }
0xd5: {  	s30 =	sadd.s32 $0x20, s7;
	s31 =	simm.s32 $0x1A80  }
0xd6: {  	[tilespmem:s31], [sflag:$0x1] =	stream.linear.gather [hbm4b:s30+s24], $0x80, $0x38;
	[tilespmem:$0x1A040] =	vst v63  }
0xd7: {  	s23 =	sadd.s32 $0x30, s7;
	s29 =	simm.s32 $0x1B80  }
0xd8: {  	[tilespmem:s29], [sflag:$0x1] =	stream.linear.gather [hbm4b:s23+s24], $0x80, $0x38;
	[tilespmem:$0x1A040] =	vst v63  }
0xd9: {  	s30 =	sadd.s32 $0x40, s7;
	s31 =	simm.s32 $0x1C80  }
0xda: {  	[tilespmem:s31], [sflag:$0x1] =	stream.linear.gather [hbm4b:s30+s24], $0x80, $0x38;
	[tilespmem:$0x1A040] =	vst v63  }
0xdb: {  	s23 =	sadd.s32 $0x50, s7;
	s29 =	simm.s32 $0x1D80  }
0xdc: {  	[tilespmem:s29], [sflag:$0x1] =	stream.linear.gather [hbm4b:s23+s24], $0x80, $0x38;
	[tilespmem:$0x1A040] =	vst v63  }
0xdd: {  	s30 =	sadd.s32 $0x60, s7;
	s31 =	simm.s32 $0x1E80  }
0xde: {  	[tilespmem:s31], [sflag:$0x1] =	stream.linear.gather [hbm4b:s30+s24], $0x80, $0x38;
	[tilespmem:$0x1A040] =	vst v63  }
0xdf: {  	s9 =	sadd.s32 $0x70, s7;
	s23 =	simm.s32 $0x1F80  }
0xe0: {  	[tilespmem:s23], [sflag:$0x1] =	stream.linear.gather [hbm4b:s9+s24], $0x80, $0x38;
	[tilespmem:$0x1A040] =	vst v63  }
0xe1: {  	s7 =	rddreg [dreg:$0x10];
	s29 =	simm.s32 $0x2000  }
0xe2: {  	[tilespmem:s29], [sflag:$0x1] =	stream.linear.gather [hbm4b:s7+s24], $0x80, $0x38;
	[tilespmem:$0x1A040] =	vst v63  }
0xe3: {  	s30 =	sadd.s32 $0x10, s7;
	s31 =	simm.s32 $0x2100  }
0xe4: {  	[tilespmem:s31], [sflag:$0x1] =	stream.linear.gather [hbm4b:s30+s24], $0x80, $0x38;
	[tilespmem:$0x1A040] =	vst v63  }
0xe5: {  	s23 =	sadd.s32 $0x20, s7;
	s29 =	simm.s32 $0x2200  }
0xe6: {  	[tilespmem:s29], [sflag:$0x1] =	stream.linear.gather [hbm4b:s23+s24], $0x80, $0x38;
	[tilespmem:$0x1A040] =	vst v63  }
0xe7: {  	s30 =	sadd.s32 $0x30, s7;
	s31 =	simm.s32 $0x2300  }
0xe8: {  	[tilespmem:s31], [sflag:$0x1] =	stream.linear.gather [hbm4b:s30+s24], $0x80, $0x38;
	[tilespmem:$0x1A040] =	vst v63  }
0xe9: {  	s23 =	sadd.s32 $0x40, s7;
	s29 =	simm.s32 $0x2400  }
0xea: {  	[tilespmem:s29], [sflag:$0x1] =	stream.linear.gather [hbm4b:s23+s24], $0x80, $0x38;
	[tilespmem:$0x1A040] =	vst v63  }
0xeb: {  	s30 =	sadd.s32 $0x50, s7;
	s31 =	simm.s32 $0x2500  }
0xec: {  	[tilespmem:s31], [sflag:$0x1] =	stream.linear.gather [hbm4b:s30+s24], $0x80, $0x38;
	[tilespmem:$0x1A040] =	vst v63  }
0xed: {  	s23 =	sadd.s32 $0x60, s7;
	s29 =	simm.s32 $0x2600  }
0xee: {  	[tilespmem:s29], [sflag:$0x1] =	stream.linear.gather [hbm4b:s23+s24], $0x80, $0x38;
	[tilespmem:$0x1A040] =	vst v63  }
0xef: {  	s30 =	sadd.s32 $0x70, s7;
	s31 =	simm.s32 $0x2700  }
0xf0: {  	[tilespmem:s31], [sflag:$0x1] =	stream.linear.gather [hbm4b:s30+s24], $0x80, $0x38;
	[tilespmem:$0x1A040] =	vst v63  }
0xf1: {  	s9 =	simm.s32 $0x2080;
	s7 =	rddreg [dreg:$0x11]  }
0xf2: {  	[tilespmem:s9], [sflag:$0x1] =	stream.linear.gather [hbm4b:s7+s24], $0x80, $0x38;
	[tilespmem:$0x1A040] =	vst v63  }
0xf3: {  	s23 =	sadd.s32 $0x10, s7;
	s29 =	simm.s32 $0x2180  }
0xf4: {  	[tilespmem:s29], [sflag:$0x1] =	stream.linear.gather [hbm4b:s23+s24], $0x80, $0x38;
	[tilespmem:$0x1A040] =	vst v63  }
0xf5: {  	s30 =	sadd.s32 $0x20, s7;
	s31 =	simm.s32 $0x2280  }
0xf6: {  	[tilespmem:s31], [sflag:$0x1] =	stream.linear.gather [hbm4b:s30+s24], $0x80, $0x38;
	[tilespmem:$0x1A040] =	vst v63  }
0xf7: {  	s23 =	sadd.s32 $0x30, s7;
	s29 =	simm.s32 $0x2380  }
0xf8: {  	[tilespmem:s29], [sflag:$0x1] =	stream.linear.gather [hbm4b:s23+s24], $0x80, $0x38;
	[tilespmem:$0x1A040] =	vst v63  }
0xf9: {  	s30 =	sadd.s32 $0x40, s7;
	s31 =	simm.s32 $0x2480  }
0xfa: {  	[tilespmem:s31], [sflag:$0x1] =	stream.linear.gather [hbm4b:s30+s24], $0x80, $0x38;
	[tilespmem:$0x1A040] =	vst v63  }
0xfb: {  	s23 =	sadd.s32 $0x50, s7;
	s29 =	simm.s32 $0x2580  }
0xfc: {  	[tilespmem:s29], [sflag:$0x1] =	stream.linear.gather [hbm4b:s23+s24], $0x80, $0x38;
	[tilespmem:$0x1A040] =	vst v63  }
0xfd: {  	s30 =	sadd.s32 $0x60, s7;
	s31 =	simm.s32 $0x2680  }
0xfe: {  	[tilespmem:s31], [sflag:$0x1] =	stream.linear.gather [hbm4b:s30+s24], $0x80, $0x38;
	[tilespmem:$0x1A040] =	vst v63  }
0xff: {  	s9 =	sadd.s32 $0x70, s7;
	s23 =	simm.s32 $0x2780  }
0x100: {  	[tilespmem:s23], [sflag:$0x1] =	stream.linear.gather [hbm4b:s9+s24], $0x80, $0x38;
	[tilespmem:$0x1A040] =	vst v63  }
0x101: {  	s7 =	rddreg [dreg:$0x12];
	s29 =	simm.s32 $0x2800  }
0x102: {  	[tilespmem:s29], [sflag:$0x1] =	stream.linear.gather [hbm4b:s7+s24], $0x80, $0x38;
	[tilespmem:$0x1A040] =	vst v63  }
0x103: {  	s30 =	sadd.s32 $0x10, s7;
	s31 =	simm.s32 $0x2900  }
0x104: {  	[tilespmem:s31], [sflag:$0x1] =	stream.linear.gather [hbm4b:s30+s24], $0x80, $0x38;
	[tilespmem:$0x1A040] =	vst v63  }
0x105: {  	s23 =	sadd.s32 $0x20, s7;
	s29 =	simm.s32 $0x2A00  }
0x106: {  	[tilespmem:s29], [sflag:$0x1] =	stream.linear.gather [hbm4b:s23+s24], $0x80, $0x38;
	[tilespmem:$0x1A040] =	vst v63  }
0x107: {  	s30 =	sadd.s32 $0x30, s7;
	s31 =	simm.s32 $0x2B00  }
0x108: {  	[tilespmem:s31], [sflag:$0x1] =	stream.linear.gather [hbm4b:s30+s24], $0x80, $0x38;
	[tilespmem:$0x1A040] =	vst v63  }
0x109: {  	s23 =	sadd.s32 $0x40, s7;
	s29 =	simm.s32 $0x2C00  }
0x10a: {  	[tilespmem:s29], [sflag:$0x1] =	stream.linear.gather [hbm4b:s23+s24], $0x80, $0x38;
	[tilespmem:$0x1A040] =	vst v63  }
0x10b: {  	s30 =	sadd.s32 $0x50, s7;
	s31 =	simm.s32 $0x2D00  }
0x10c: {  	[tilespmem:s31], [sflag:$0x1] =	stream.linear.gather [hbm4b:s30+s24], $0x80, $0x38;
	[tilespmem:$0x1A040] =	vst v63  }
0x10d: {  	s23 =	sadd.s32 $0x60, s7;
	s29 =	simm.s32 $0x2E00  }
0x10e: {  	[tilespmem:s29], [sflag:$0x1] =	stream.linear.gather [hbm4b:s23+s24], $0x80, $0x38;
	[tilespmem:$0x1A040] =	vst v63  }
0x10f: {  	s30 =	sadd.s32 $0x70, s7;
	s31 =	simm.s32 $0x2F00  }
0x110: {  	[tilespmem:s31], [sflag:$0x1] =	stream.linear.gather [hbm4b:s30+s24], $0x80, $0x38;
	[tilespmem:$0x1A040] =	vst v63  }
0x111: {  	s9 =	simm.s32 $0x2880;
	s7 =	rddreg [dreg:$0x13]  }
0x112: {  	[tilespmem:s9], [sflag:$0x1] =	stream.linear.gather [hbm4b:s7+s24], $0x80, $0x38;
	[tilespmem:$0x1A040] =	vst v63  }
0x113: {  	s23 =	sadd.s32 $0x10, s7;
	s29 =	simm.s32 $0x2980  }
0x114: {  	[tilespmem:s29], [sflag:$0x1] =	stream.linear.gather [hbm4b:s23+s24], $0x80, $0x38;
	[tilespmem:$0x1A040] =	vst v63  }
0x115: {  	s30 =	sadd.s32 $0x20, s7;
	s31 =	simm.s32 $0x2A80  }
0x116: {  	[tilespmem:s31], [sflag:$0x1] =	stream.linear.gather [hbm4b:s30+s24], $0x80, $0x38;
	[tilespmem:$0x1A040] =	vst v63  }
0x117: {  	s23 =	sadd.s32 $0x30, s7;
	s29 =	simm.s32 $0x2B80  }
0x118: {  	[tilespmem:s29], [sflag:$0x1] =	stream.linear.gather [hbm4b:s23+s24], $0x80, $0x38;
	[tilespmem:$0x1A040] =	vst v63  }
0x119: {  	s30 =	sadd.s32 $0x40, s7;
	s31 =	simm.s32 $0x2C80  }
0x11a: {  	[tilespmem:s31], [sflag:$0x1] =	stream.linear.gather [hbm4b:s30+s24], $0x80, $0x38;
	[tilespmem:$0x1A040] =	vst v63  }
0x11b: {  	s23 =	sadd.s32 $0x50, s7;
	s29 =	simm.s32 $0x2D80  }
0x11c: {  	[tilespmem:s29], [sflag:$0x1] =	stream.linear.gather [hbm4b:s23+s24], $0x80, $0x38;
	[tilespmem:$0x1A040] =	vst v63  }
0x11d: {  	s30 =	sadd.s32 $0x60, s7;
	s31 =	simm.s32 $0x2E80  }
0x11e: {  	[tilespmem:s31], [sflag:$0x1] =	stream.linear.gather [hbm4b:s30+s24], $0x80, $0x38;
	[tilespmem:$0x1A040] =	vst v63  }
0x11f: {  	s9 =	sadd.s32 $0x70, s7;
	s23 =	simm.s32 $0x2F80  }
0x120: {  	[tilespmem:s23], [sflag:$0x1] =	stream.linear.gather [hbm4b:s9+s24], $0x80, $0x38;
	[tilespmem:$0x1A040] =	vst v63  }
0x121: {  	s7 =	rddreg [dreg:$0x14];
	s29 =	simm.s32 $0x3000  }
0x122: {  	[tilespmem:s29], [sflag:$0x1] =	stream.linear.gather [hbm4b:s7+s24], $0x80, $0x38;
	[tilespmem:$0x1A040] =	vst v63  }
0x123: {  	s30 =	sadd.s32 $0x10, s7;
	s31 =	simm.s32 $0x3100  }
0x124: {  	[tilespmem:s31], [sflag:$0x1] =	stream.linear.gather [hbm4b:s30+s24], $0x80, $0x38;
	[tilespmem:$0x1A040] =	vst v63  }
0x125: {  	s23 =	sadd.s32 $0x20, s7;
	s29 =	simm.s32 $0x3200  }
0x126: {  	[tilespmem:s29], [sflag:$0x1] =	stream.linear.gather [hbm4b:s23+s24], $0x80, $0x38;
	[tilespmem:$0x1A040] =	vst v63  }
0x127: {  	s30 =	sadd.s32 $0x30, s7;
	s31 =	simm.s32 $0x3300  }
0x128: {  	[tilespmem:s31], [sflag:$0x1] =	stream.linear.gather [hbm4b:s30+s24], $0x80, $0x38;
	[tilespmem:$0x1A040] =	vst v63  }
0x129: {  	s23 =	sadd.s32 $0x40, s7;
	s29 =	simm.s32 $0x3400  }
0x12a: {  	[tilespmem:s29], [sflag:$0x1] =	stream.linear.gather [hbm4b:s23+s24], $0x80, $0x38;
	[tilespmem:$0x1A040] =	vst v63  }
0x12b: {  	s30 =	sadd.s32 $0x50, s7;
	s31 =	simm.s32 $0x3500  }
0x12c: {  	[tilespmem:s31], [sflag:$0x1] =	stream.linear.gather [hbm4b:s30+s24], $0x80, $0x38;
	[tilespmem:$0x1A040] =	vst v63  }
0x12d: {  	s23 =	sadd.s32 $0x60, s7;
	s29 =	simm.s32 $0x3600  }
0x12e: {  	[tilespmem:s29], [sflag:$0x1] =	stream.linear.gather [hbm4b:s23+s24], $0x80, $0x38;
	[tilespmem:$0x1A040] =	vst v63  }
0x12f: {  	s30 =	sadd.s32 $0x70, s7;
	s31 =	simm.s32 $0x3700  }
0x130: {  	[tilespmem:s31], [sflag:$0x1] =	stream.linear.gather [hbm4b:s30+s24], $0x80, $0x38;
	[tilespmem:$0x1A040] =	vst v63  }
0x131: {  	s9 =	simm.s32 $0x3080;
	s7 =	rddreg [dreg:$0x15]  }
0x132: {  	[tilespmem:s9], [sflag:$0x1] =	stream.linear.gather [hbm4b:s7+s24], $0x80, $0x38;
	[tilespmem:$0x1A040] =	vst v63  }
0x133: {  	s23 =	sadd.s32 $0x10, s7;
	s29 =	simm.s32 $0x3180  }
0x134: {  	[tilespmem:s29], [sflag:$0x1] =	stream.linear.gather [hbm4b:s23+s24], $0x80, $0x38;
	[tilespmem:$0x1A040] =	vst v63  }
0x135: {  	s30 =	sadd.s32 $0x20, s7;
	s31 =	simm.s32 $0x3280  }
0x136: {  	[tilespmem:s31], [sflag:$0x1] =	stream.linear.gather [hbm4b:s30+s24], $0x80, $0x38;
	[tilespmem:$0x1A040] =	vst v63  }
0x137: {  	s23 =	sadd.s32 $0x30, s7;
	s29 =	simm.s32 $0x3380  }
0x138: {  	[tilespmem:s29], [sflag:$0x1] =	stream.linear.gather [hbm4b:s23+s24], $0x80, $0x38;
	[tilespmem:$0x1A040] =	vst v63  }
0x139: {  	s30 =	sadd.s32 $0x40, s7;
	s31 =	simm.s32 $0x3480  }
0x13a: {  	[tilespmem:s31], [sflag:$0x1] =	stream.linear.gather [hbm4b:s30+s24], $0x80, $0x38;
	[tilespmem:$0x1A040] =	vst v63  }
0x13b: {  	s23 =	sadd.s32 $0x50, s7;
	s29 =	simm.s32 $0x3580  }
0x13c: {  	[tilespmem:s29], [sflag:$0x1] =	stream.linear.gather [hbm4b:s23+s24], $0x80, $0x38;
	[tilespmem:$0x1A040] =	vst v63  }
0x13d: {  	s30 =	sadd.s32 $0x60, s7;
	s31 =	simm.s32 $0x3680  }
0x13e: {  	[tilespmem:s31], [sflag:$0x1] =	stream.linear.gather [hbm4b:s30+s24], $0x80, $0x38;
	[tilespmem:$0x1A040] =	vst v63  }
0x13f: {  	s9 =	sadd.s32 $0x70, s7;
	s23 =	simm.s32 $0x3780  }
0x140: {  	[tilespmem:s23], [sflag:$0x1] =	stream.linear.gather [hbm4b:s9+s24], $0x80, $0x38;
	[tilespmem:$0x1A040] =	vst v63  }
0x141: {  	s7 =	rddreg [dreg:$0x16];
	s29 =	simm.s32 $0x3800  }
0x142: {  	[tilespmem:s29], [sflag:$0x1] =	stream.linear.gather [hbm4b:s7+s24], $0x80, $0x38;
	[tilespmem:$0x1A040] =	vst v63  }
0x143: {  	s30 =	sadd.s32 $0x10, s7;
	s31 =	simm.s32 $0x3900  }
0x144: {  	[tilespmem:s31], [sflag:$0x1] =	stream.linear.gather [hbm4b:s30+s24], $0x80, $0x38;
	[tilespmem:$0x1A040] =	vst v63  }
0x145: {  	s23 =	sadd.s32 $0x20, s7;
	s29 =	simm.s32 $0x3A00  }
0x146: {  	[tilespmem:s29], [sflag:$0x1] =	stream.linear.gather [hbm4b:s23+s24], $0x80, $0x38;
	[tilespmem:$0x1A040] =	vst v63  }
0x147: {  	s30 =	sadd.s32 $0x30, s7;
	s31 =	simm.s32 $0x3B00  }
0x148: {  	[tilespmem:s31], [sflag:$0x1] =	stream.linear.gather [hbm4b:s30+s24], $0x80, $0x38;
	[tilespmem:$0x1A040] =	vst v63  }
0x149: {  	s23 =	sadd.s32 $0x40, s7;
	s29 =	simm.s32 $0x3C00  }
0x14a: {  	[tilespmem:s29], [sflag:$0x1] =	stream.linear.gather [hbm4b:s23+s24], $0x80, $0x38;
	[tilespmem:$0x1A040] =	vst v63  }
0x14b: {  	s30 =	sadd.s32 $0x50, s7;
	s31 =	simm.s32 $0x3D00  }
0x14c: {  	[tilespmem:s31], [sflag:$0x1] =	stream.linear.gather [hbm4b:s30+s24], $0x80, $0x38;
	[tilespmem:$0x1A040] =	vst v63  }
0x14d: {  	s23 =	sadd.s32 $0x60, s7;
	s29 =	simm.s32 $0x3E00  }
0x14e: {  	[tilespmem:s29], [sflag:$0x1] =	stream.linear.gather [hbm4b:s23+s24], $0x80, $0x38;
	[tilespmem:$0x1A040] =	vst v63  }
0x14f: {  	s30 =	sadd.s32 $0x70, s7;
	s31 =	simm.s32 $0x3F00  }
0x150: {  	[tilespmem:s31], [sflag:$0x1] =	stream.linear.gather [hbm4b:s30+s24], $0x80, $0x38;
	[tilespmem:$0x1A040] =	vst v63  }
0x151: {  	s9 =	simm.s32 $0x3880;
	s7 =	rddreg [dreg:$0x18]  }
0x152: {  	[tilespmem:s9], [sflag:$0x1] =	stream.linear.gather [hbm4b:s7+s24], $0x80, $0x38;
	[tilespmem:$0x1A040] =	vst v63  }
0x153: {  	s23 =	sadd.s32 $0x10, s7;
	s29 =	simm.s32 $0x3980  }
0x154: {  	[tilespmem:s29], [sflag:$0x1] =	stream.linear.gather [hbm4b:s23+s24], $0x80, $0x38;
	[tilespmem:$0x1A040] =	vst v63  }
0x155: {  	s30 =	sadd.s32 $0x20, s7;
	s31 =	simm.s32 $0x3A80  }
0x156: {  	[tilespmem:s31], [sflag:$0x1] =	stream.linear.gather [hbm4b:s30+s24], $0x80, $0x38;
	[tilespmem:$0x1A040] =	vst v63  }
0x157: {  	s23 =	sadd.s32 $0x30, s7;
	s29 =	simm.s32 $0x3B80  }
0x158: {  	[tilespmem:s29], [sflag:$0x1] =	stream.linear.gather [hbm4b:s23+s24], $0x80, $0x38;
	[tilespmem:$0x1A040] =	vst v63  }
0x159: {  	s30 =	sadd.s32 $0x40, s7;
	s31 =	simm.s32 $0x3C80  }
0x15a: {  	[tilespmem:s31], [sflag:$0x1] =	stream.linear.gather [hbm4b:s30+s24], $0x80, $0x38;
	[tilespmem:$0x1A040] =	vst v63  }
0x15b: {  	s23 =	sadd.s32 $0x50, s7;
	s29 =	simm.s32 $0x3D80  }
0x15c: {  	[tilespmem:s29], [sflag:$0x1] =	stream.linear.gather [hbm4b:s23+s24], $0x80, $0x38;
	[tilespmem:$0x1A040] =	vst v63  }
0x15d: {  	s30 =	sadd.s32 $0x60, s7;
	s31 =	simm.s32 $0x3E80  }
0x15e: {  	[tilespmem:s31], [sflag:$0x1] =	stream.linear.gather [hbm4b:s30+s24], $0x80, $0x38;
	[tilespmem:$0x1A040] =	vst v63  }
0x15f: {  	s9 =	sadd.s32 $0x70, s7;
	s23 =	simm.s32 $0x3F80  }
0x160: {  	[tilespmem:s23], [sflag:$0x1] =	stream.linear.gather [hbm4b:s9+s24], $0x80, $0x38;
	[tilespmem:$0x1A040] =	vst v63  }
0x161: {  	_ = 	snop  }
0x162: {  	[tilespmem:s0], [sflag:$0x1] =	stream.indirect.gather [hbm4b:s4+s26], $0x40, s25, s26, $0xb8;
	[tilespmem:$0x1A040] =	vst v63  }
0x163: {  	_ = 	snop  }
0x164: {  	[tilespmem:s2], [sflag:$0x1] =	stream.indirect.gather [hbm4b:s4+s26], $0x40, s28, s26, $0xb8;
	[tilespmem:$0x1A040] =	vst v63  }
0x165: {  	s29 =	simm.s32 $0xA000;
	s28 =	simm.s32 $0x18080  }
0x166: {  	[tilespmem:s29], [sflag:$0x1] =	stream.indirect.gather [hbm4b:s4+s26], $0x40, s28, s26, $0xb8;
	[tilespmem:$0x1A040] =	vst v63  }
0x167: {  	s7 =	simm.s32 $0x0;
	s30 =	simm.s32 $0x19080;
	s31 =	simm.s32 $0x12000  }
0x168: {  	v6 =	vimm.f32 $0.0e+00;
	v4 =	vimm.f32 $0.0e+00;
	v5 =	vimm.f32 $0.0e+00;
	[tilespmem:s31], [sflag:$0x1] =	stream.indirect.gather [hbm4b:s4+s26], $0x40, s30, s26, $0xb8;
	[tilespmem:$0x1A040] =	vst v63  }
.LBB2_4:
0x169: {  	s28 =	sshllo.u32 s7, $0x1  }
0x16a: {  	s6 =	sshll.u32 s28, $0xB  }
0x16b: {  	s6 =	sadd.s32 s8, s6  }
0x16c: {  	s6 =	sshrl.u32 s6, $0x3  }
0x16d: {  	s23 =	sadd.s32 s1, s6  }
0x16e: {  	[tilespmem:s5], [sflag:$0x2] =	stream.linear.gather [hbm4b:s23+s24], $0x80, $0x38;
	[tilespmem:$0x1A040] =	vst v63  }
0x16f: {  	s9 =	simm.s32 $0x4100;
	s29 =	sadd.s32 $0x10, s23  }
0x170: {  	[tilespmem:s9], [sflag:$0x2] =	stream.linear.gather [hbm4b:s29+s24], $0x80, $0x38;
	[tilespmem:$0x1A040] =	vst v63  }
0x171: {  	s25 =	simm.s32 $0x4200;
	s29 =	sadd.s32 $0x20, s23  }
0x172: {  	[tilespmem:s25], [sflag:$0x2] =	stream.linear.gather [hbm4b:s29+s24], $0x80, $0x38;
	[tilespmem:$0x1A040] =	vst v63  }
0x173: {  	s30 =	simm.s32 $0x4300;
	s29 =	sadd.s32 $0x30, s23  }
0x174: {  	[tilespmem:s30], [sflag:$0x2] =	stream.linear.gather [hbm4b:s29+s24], $0x80, $0x38;
	[tilespmem:$0x1A040] =	vst v63  }
0x175: {  	s31 =	simm.s32 $0x4400;
	s29 =	sadd.s32 $0x40, s23  }
0x176: {  	[tilespmem:s31], [sflag:$0x2] =	stream.linear.gather [hbm4b:s29+s24], $0x80, $0x38;
	[tilespmem:$0x1A040] =	vst v63  }
0x177: {  	s25 =	simm.s32 $0x4500;
	s29 =	sadd.s32 $0x50, s23  }
0x178: {  	[tilespmem:s25], [sflag:$0x2] =	stream.linear.gather [hbm4b:s29+s24], $0x80, $0x38;
	[tilespmem:$0x1A040] =	vst v63  }
0x179: {  	s30 =	simm.s32 $0x4600;
	s29 =	sadd.s32 $0x60, s23  }
0x17a: {  	[tilespmem:s30], [sflag:$0x2] =	stream.linear.gather [hbm4b:s29+s24], $0x80, $0x38;
	[tilespmem:$0x1A040] =	vst v63  }
0x17b: {  	s29 =	sshllo.u32 s28, $0x1  }
0x17c: {  	s31 =	simm.s32 $0x4700;
	s23 =	sadd.s32 $0x70, s23;
	s9 =	sshll.u32 s29, $0xA  }
0x17d: {  	[tilespmem:s31], [sflag:$0x2] =	stream.linear.gather [hbm4b:s23+s24], $0x80, $0x38;
	[tilespmem:$0x1A040] =	vst v63  }
0x17e: {  	s23 =	sadd.s32 s8, s9  }
0x17f: {  	s23 =	sshrl.u32 s23, $0x3  }
0x180: {  	s25 =	simm.s32 $0x4080;
	s31 =	sadd.s32 s1, s23  }
0x181: {  	[tilespmem:s25], [sflag:$0x2] =	stream.linear.gather [hbm4b:s31+s24], $0x80, $0x38;
	[tilespmem:$0x1A040] =	vst v63  }
0x182: {  	s30 =	simm.s32 $0x4180;
	s23 =	sadd.s32 $0x10, s31  }
0x183: {  	[tilespmem:s30], [sflag:$0x2] =	stream.linear.gather [hbm4b:s23+s24], $0x80, $0x38;
	[tilespmem:$0x1A040] =	vst v63  }
0x184: {  	s25 =	sadd.s32 $0x20, s31;
	s30 =	simm.s32 $0x4280  }
0x185: {  	[tilespmem:s30], [sflag:$0x2] =	stream.linear.gather [hbm4b:s25+s24], $0x80, $0x38;
	[tilespmem:$0x1A040] =	vst v63  }
0x186: {  	s25 =	sadd.s32 $0x30, s31;
	s30 =	simm.s32 $0x4380  }
0x187: {  	[tilespmem:s30], [sflag:$0x2] =	stream.linear.gather [hbm4b:s25+s24], $0x80, $0x38;
	[tilespmem:$0x1A040] =	vst v63  }
0x188: {  	s25 =	sadd.s32 $0x40, s31;
	s30 =	simm.s32 $0x4480  }
0x189: {  	[tilespmem:s30], [sflag:$0x2] =	stream.linear.gather [hbm4b:s25+s24], $0x80, $0x38;
	[tilespmem:$0x1A040] =	vst v63  }
0x18a: {  	s25 =	sadd.s32 $0x50, s31;
	s30 =	simm.s32 $0x4580  }
0x18b: {  	[tilespmem:s30], [sflag:$0x2] =	stream.linear.gather [hbm4b:s25+s24], $0x80, $0x38;
	[tilespmem:$0x1A040] =	vst v63  }
0x18c: {  	s25 =	sadd.s32 $0x60, s31;
	s30 =	simm.s32 $0x4680  }
0x18d: {  	[tilespmem:s30], [sflag:$0x2] =	stream.linear.gather [hbm4b:s25+s24], $0x80, $0x38;
	[tilespmem:$0x1A040] =	vst v63  }
0x18e: {  	s9 =	sor.u32 $0x1000, s6;
	s25 =	sadd.s32 $0x70, s31;
	s30 =	simm.s32 $0x4780  }
0x18f: {  	[tilespmem:s30], [sflag:$0x2] =	stream.linear.gather [hbm4b:s25+s24], $0x80, $0x38;
	[tilespmem:$0x1A040] =	vst v63  }
0x190: {  	s23 =	sadd.s32 s1, s9;
	s25 =	simm.s32 $0x4800  }
0x191: {  	[tilespmem:s25], [sflag:$0x2] =	stream.linear.gather [hbm4b:s23+s24], $0x80, $0x38;
	[tilespmem:$0x1A040] =	vst v63  }
0x192: {  	s30 =	simm.s32 $0x4900;
	s25 =	sadd.s32 $0x10, s23  }
0x193: {  	[tilespmem:s30], [sflag:$0x2] =	stream.linear.gather [hbm4b:s25+s24], $0x80, $0x38;
	[tilespmem:$0x1A040] =	vst v63  }
0x194: {  	s9 =	sadd.s32 $0x20, s23;
	s30 =	simm.s32 $0x4A00  }
0x195: {  	[tilespmem:s30], [sflag:$0x2] =	stream.linear.gather [hbm4b:s9+s24], $0x80, $0x38;
	[tilespmem:$0x1A040] =	vst v63  }
0x196: {  	s9 =	sadd.s32 $0x30, s23;
	s30 =	simm.s32 $0x4B00  }
0x197: {  	[tilespmem:s30], [sflag:$0x2] =	stream.linear.gather [hbm4b:s9+s24], $0x80, $0x38;
	[tilespmem:$0x1A040] =	vst v63  }
0x198: {  	s9 =	sadd.s32 $0x40, s23;
	s30 =	simm.s32 $0x4C00  }
0x199: {  	[tilespmem:s30], [sflag:$0x2] =	stream.linear.gather [hbm4b:s9+s24], $0x80, $0x38;
	[tilespmem:$0x1A040] =	vst v63  }
0x19a: {  	s9 =	sadd.s32 $0x50, s23;
	s30 =	simm.s32 $0x4D00  }
0x19b: {  	[tilespmem:s30], [sflag:$0x2] =	stream.linear.gather [hbm4b:s9+s24], $0x80, $0x38;
	[tilespmem:$0x1A040] =	vst v63  }
0x19c: {  	s9 =	sadd.s32 $0x60, s23;
	s30 =	simm.s32 $0x4E00  }
0x19d: {  	[tilespmem:s30], [sflag:$0x2] =	stream.linear.gather [hbm4b:s9+s24], $0x80, $0x38;
	[tilespmem:$0x1A040] =	vst v63  }
0x19e: {  	s23 =	sadd.s32 $0x70, s23;
	s30 =	simm.s32 $0x4F00  }
0x19f: {  	[tilespmem:s30], [sflag:$0x2] =	stream.linear.gather [hbm4b:s23+s24], $0x80, $0x38;
	[tilespmem:$0x1A040] =	vst v63  }
0x1a0: {  	s25 =	sadd.s32 $0x1000, s31;
	s30 =	simm.s32 $0x4880  }
0x1a1: {  	[tilespmem:s30], [sflag:$0x2] =	stream.linear.gather [hbm4b:s25+s24], $0x80, $0x38;
	[tilespmem:$0x1A040] =	vst v63  }
0x1a2: {  	s25 =	sadd.s32 $0x1010, s31;
	s30 =	simm.s32 $0x4980  }
0x1a3: {  	[tilespmem:s30], [sflag:$0x2] =	stream.linear.gather [hbm4b:s25+s24], $0x80, $0x38;
	[tilespmem:$0x1A040] =	vst v63  }
0x1a4: {  	s25 =	sadd.s32 $0x1020, s31;
	s30 =	simm.s32 $0x4A80  }
0x1a5: {  	[tilespmem:s30], [sflag:$0x2] =	stream.linear.gather [hbm4b:s25+s24], $0x80, $0x38;
	[tilespmem:$0x1A040] =	vst v63  }
0x1a6: {  	s25 =	sadd.s32 $0x1030, s31;
	s30 =	simm.s32 $0x4B80  }
0x1a7: {  	[tilespmem:s30], [sflag:$0x2] =	stream.linear.gather [hbm4b:s25+s24], $0x80, $0x38;
	[tilespmem:$0x1A040] =	vst v63  }
0x1a8: {  	s25 =	sadd.s32 $0x1040, s31;
	s30 =	simm.s32 $0x4C80  }
0x1a9: {  	[tilespmem:s30], [sflag:$0x2] =	stream.linear.gather [hbm4b:s25+s24], $0x80, $0x38;
	[tilespmem:$0x1A040] =	vst v63  }
0x1aa: {  	s25 =	sadd.s32 $0x1050, s31;
	s30 =	simm.s32 $0x4D80  }
0x1ab: {  	[tilespmem:s30], [sflag:$0x2] =	stream.linear.gather [hbm4b:s25+s24], $0x80, $0x38;
	[tilespmem:$0x1A040] =	vst v63  }
0x1ac: {  	s25 =	sadd.s32 $0x1060, s31;
	s30 =	simm.s32 $0x4E80  }
0x1ad: {  	[tilespmem:s30], [sflag:$0x2] =	stream.linear.gather [hbm4b:s25+s24], $0x80, $0x38;
	[tilespmem:$0x1A040] =	vst v63  }
0x1ae: {  	s25 =	sadd.s32 $0x1070, s31;
	s30 =	simm.s32 $0x4F80  }
0x1af: {  	[tilespmem:s30], [sflag:$0x2] =	stream.linear.gather [hbm4b:s25+s24], $0x80, $0x38;
	[tilespmem:$0x1A040] =	vst v63  }
0x1b0: {  	s25 =	sor.u32 $0x2000, s6  }
0x1b1: {  	s30 =	simm.s32 $0x5000;
	s23 =	sadd.s32 s1, s25  }
0x1b2: {  	[tilespmem:s30], [sflag:$0x2] =	stream.linear.gather [hbm4b:s23+s24], $0x80, $0x38;
	[tilespmem:$0x1A040] =	vst v63  }
0x1b3: {  	s9 =	sadd.s32 $0x10, s23;
	s30 =	simm.s32 $0x5100  }
0x1b4: {  	[tilespmem:s30], [sflag:$0x2] =	stream.linear.gather [hbm4b:s9+s24], $0x80, $0x38;
	[tilespmem:$0x1A040] =	vst v63  }
0x1b5: {  	s9 =	sadd.s32 $0x20, s23;
	s30 =	simm.s32 $0x5200  }
0x1b6: {  	[tilespmem:s30], [sflag:$0x2] =	stream.linear.gather [hbm4b:s9+s24], $0x80, $0x38;
	[tilespmem:$0x1A040] =	vst v63  }
0x1b7: {  	s9 =	sadd.s32 $0x30, s23;
	s30 =	simm.s32 $0x5300  }
0x1b8: {  	[tilespmem:s30], [sflag:$0x2] =	stream.linear.gather [hbm4b:s9+s24], $0x80, $0x38;
	[tilespmem:$0x1A040] =	vst v63  }
0x1b9: {  	s9 =	sadd.s32 $0x40, s23;
	s30 =	simm.s32 $0x5400  }
0x1ba: {  	[tilespmem:s30], [sflag:$0x2] =	stream.linear.gather [hbm4b:s9+s24], $0x80, $0x38;
	[tilespmem:$0x1A040] =	vst v63  }
0x1bb: {  	s9 =	sadd.s32 $0x50, s23;
	s30 =	simm.s32 $0x5500  }
0x1bc: {  	[tilespmem:s30], [sflag:$0x2] =	stream.linear.gather [hbm4b:s9+s24], $0x80, $0x38;
	[tilespmem:$0x1A040] =	vst v63  }
0x1bd: {  	s9 =	sadd.s32 $0x60, s23;
	s30 =	simm.s32 $0x5600  }
0x1be: {  	[tilespmem:s30], [sflag:$0x2] =	stream.linear.gather [hbm4b:s9+s24], $0x80, $0x38;
	[tilespmem:$0x1A040] =	vst v63  }
0x1bf: {  	s23 =	sadd.s32 $0x70, s23;
	s30 =	simm.s32 $0x5700  }
0x1c0: {  	[tilespmem:s30], [sflag:$0x2] =	stream.linear.gather [hbm4b:s23+s24], $0x80, $0x38;
	[tilespmem:$0x1A040] =	vst v63  }
0x1c1: {  	s25 =	sadd.s32 $0x2000, s31;
	s30 =	simm.s32 $0x5080  }
0x1c2: {  	[tilespmem:s30], [sflag:$0x2] =	stream.linear.gather [hbm4b:s25+s24], $0x80, $0x38;
	[tilespmem:$0x1A040] =	vst v63  }
0x1c3: {  	s25 =	sadd.s32 $0x2010, s31;
	s30 =	simm.s32 $0x5180  }
0x1c4: {  	[tilespmem:s30], [sflag:$0x2] =	stream.linear.gather [hbm4b:s25+s24], $0x80, $0x38;
	[tilespmem:$0x1A040] =	vst v63  }
0x1c5: {  	s25 =	sadd.s32 $0x2020, s31;
	s30 =	simm.s32 $0x5280  }
0x1c6: {  	[tilespmem:s30], [sflag:$0x2] =	stream.linear.gather [hbm4b:s25+s24], $0x80, $0x38;
	[tilespmem:$0x1A040] =	vst v63  }
0x1c7: {  	s25 =	sadd.s32 $0x2030, s31;
	s30 =	simm.s32 $0x5380  }
0x1c8: {  	[tilespmem:s30], [sflag:$0x2] =	stream.linear.gather [hbm4b:s25+s24], $0x80, $0x38;
	[tilespmem:$0x1A040] =	vst v63  }
0x1c9: {  	s25 =	sadd.s32 $0x2040, s31;
	s30 =	simm.s32 $0x5480  }
0x1ca: {  	[tilespmem:s30], [sflag:$0x2] =	stream.linear.gather [hbm4b:s25+s24], $0x80, $0x38;
	[tilespmem:$0x1A040] =	vst v63  }
0x1cb: {  	s25 =	sadd.s32 $0x2050, s31;
	s30 =	simm.s32 $0x5580  }
0x1cc: {  	[tilespmem:s30], [sflag:$0x2] =	stream.linear.gather [hbm4b:s25+s24], $0x80, $0x38;
	[tilespmem:$0x1A040] =	vst v63  }
0x1cd: {  	s25 =	sadd.s32 $0x2060, s31;
	s30 =	simm.s32 $0x5680  }
0x1ce: {  	[tilespmem:s30], [sflag:$0x2] =	stream.linear.gather [hbm4b:s25+s24], $0x80, $0x38;
	[tilespmem:$0x1A040] =	vst v63  }
0x1cf: {  	s25 =	sadd.s32 $0x2070, s31;
	s30 =	simm.s32 $0x5780  }
0x1d0: {  	[tilespmem:s30], [sflag:$0x2] =	stream.linear.gather [hbm4b:s25+s24], $0x80, $0x38;
	[tilespmem:$0x1A040] =	vst v63  }
0x1d1: {  	s25 =	sor.u32 $0x3000, s6  }
0x1d2: {  	s30 =	simm.s32 $0x5800;
	s23 =	sadd.s32 s1, s25  }
0x1d3: {  	[tilespmem:s30], [sflag:$0x2] =	stream.linear.gather [hbm4b:s23+s24], $0x80, $0x38;
	[tilespmem:$0x1A040] =	vst v63  }
0x1d4: {  	s9 =	sadd.s32 $0x10, s23;
	s30 =	simm.s32 $0x5900  }
0x1d5: {  	[tilespmem:s30], [sflag:$0x2] =	stream.linear.gather [hbm4b:s9+s24], $0x80, $0x38;
	[tilespmem:$0x1A040] =	vst v63  }
0x1d6: {  	s9 =	sadd.s32 $0x20, s23;
	s30 =	simm.s32 $0x5A00  }
0x1d7: {  	[tilespmem:s30], [sflag:$0x2] =	stream.linear.gather [hbm4b:s9+s24], $0x80, $0x38;
	[tilespmem:$0x1A040] =	vst v63  }
0x1d8: {  	s9 =	sadd.s32 $0x30, s23;
	s30 =	simm.s32 $0x5B00  }
0x1d9: {  	[tilespmem:s30], [sflag:$0x2] =	stream.linear.gather [hbm4b:s9+s24], $0x80, $0x38;
	[tilespmem:$0x1A040] =	vst v63  }
0x1da: {  	s9 =	sadd.s32 $0x40, s23;
	s30 =	simm.s32 $0x5C00  }
0x1db: {  	[tilespmem:s30], [sflag:$0x2] =	stream.linear.gather [hbm4b:s9+s24], $0x80, $0x38;
	[tilespmem:$0x1A040] =	vst v63  }
0x1dc: {  	s9 =	sadd.s32 $0x50, s23;
	s30 =	simm.s32 $0x5D00  }
0x1dd: {  	[tilespmem:s30], [sflag:$0x2] =	stream.linear.gather [hbm4b:s9+s24], $0x80, $0x38;
	[tilespmem:$0x1A040] =	vst v63  }
0x1de: {  	s9 =	sadd.s32 $0x60, s23;
	s30 =	simm.s32 $0x5E00  }
0x1df: {  	[tilespmem:s30], [sflag:$0x2] =	stream.linear.gather [hbm4b:s9+s24], $0x80, $0x38;
	[tilespmem:$0x1A040] =	vst v63  }
0x1e0: {  	s23 =	sadd.s32 $0x70, s23;
	s30 =	simm.s32 $0x5F00  }
0x1e1: {  	[tilespmem:s30], [sflag:$0x2] =	stream.linear.gather [hbm4b:s23+s24], $0x80, $0x38;
	[tilespmem:$0x1A040] =	vst v63  }
0x1e2: {  	s25 =	sadd.s32 $0x3000, s31;
	s30 =	simm.s32 $0x5880  }
0x1e3: {  	[tilespmem:s30], [sflag:$0x2] =	stream.linear.gather [hbm4b:s25+s24], $0x80, $0x38;
	[tilespmem:$0x1A040] =	vst v63  }
0x1e4: {  	s25 =	sadd.s32 $0x3010, s31;
	s30 =	simm.s32 $0x5980  }
0x1e5: {  	[tilespmem:s30], [sflag:$0x2] =	stream.linear.gather [hbm4b:s25+s24], $0x80, $0x38;
	[tilespmem:$0x1A040] =	vst v63  }
0x1e6: {  	s25 =	sadd.s32 $0x3020, s31;
	s30 =	simm.s32 $0x5A80  }
0x1e7: {  	[tilespmem:s30], [sflag:$0x2] =	stream.linear.gather [hbm4b:s25+s24], $0x80, $0x38;
	[tilespmem:$0x1A040] =	vst v63  }
0x1e8: {  	s25 =	sadd.s32 $0x3030, s31;
	s30 =	simm.s32 $0x5B80  }
0x1e9: {  	[tilespmem:s30], [sflag:$0x2] =	stream.linear.gather [hbm4b:s25+s24], $0x80, $0x38;
	[tilespmem:$0x1A040] =	vst v63  }
0x1ea: {  	s25 =	sadd.s32 $0x3040, s31;
	s30 =	simm.s32 $0x5C80  }
0x1eb: {  	[tilespmem:s30], [sflag:$0x2] =	stream.linear.gather [hbm4b:s25+s24], $0x80, $0x38;
	[tilespmem:$0x1A040] =	vst v63  }
0x1ec: {  	s25 =	sadd.s32 $0x3050, s31;
	s30 =	simm.s32 $0x5D80  }
0x1ed: {  	[tilespmem:s30], [sflag:$0x2] =	stream.linear.gather [hbm4b:s25+s24], $0x80, $0x38;
	[tilespmem:$0x1A040] =	vst v63  }
0x1ee: {  	s25 =	sadd.s32 $0x3060, s31;
	s30 =	simm.s32 $0x5E80  }
0x1ef: {  	[tilespmem:s30], [sflag:$0x2] =	stream.linear.gather [hbm4b:s25+s24], $0x80, $0x38;
	[tilespmem:$0x1A040] =	vst v63  }
0x1f0: {  	s25 =	sadd.s32 $0x3070, s31;
	s30 =	simm.s32 $0x5F80  }
0x1f1: {  	[tilespmem:s30], [sflag:$0x2] =	stream.linear.gather [hbm4b:s25+s24], $0x80, $0x38;
	[tilespmem:$0x1A040] =	vst v63  }
0x1f2: {  	s25 =	sor.u32 $0x4000, s6  }
0x1f3: {  	s30 =	simm.s32 $0x6000;
	s23 =	sadd.s32 s1, s25  }
0x1f4: {  	[tilespmem:s30], [sflag:$0x2] =	stream.linear.gather [hbm4b:s23+s24], $0x80, $0x38;
	[tilespmem:$0x1A040] =	vst v63  }
0x1f5: {  	s9 =	sadd.s32 $0x10, s23;
	s30 =	simm.s32 $0x6100  }
0x1f6: {  	[tilespmem:s30], [sflag:$0x2] =	stream.linear.gather [hbm4b:s9+s24], $0x80, $0x38;
	[tilespmem:$0x1A040] =	vst v63  }
0x1f7: {  	s9 =	sadd.s32 $0x20, s23;
	s30 =	simm.s32 $0x6200  }
0x1f8: {  	[tilespmem:s30], [sflag:$0x2] =	stream.linear.gather [hbm4b:s9+s24], $0x80, $0x38;
	[tilespmem:$0x1A040] =	vst v63  }
0x1f9: {  	s9 =	sadd.s32 $0x30, s23;
	s30 =	simm.s32 $0x6300  }
0x1fa: {  	[tilespmem:s30], [sflag:$0x2] =	stream.linear.gather [hbm4b:s9+s24], $0x80, $0x38;
	[tilespmem:$0x1A040] =	vst v63  }
0x1fb: {  	s9 =	sadd.s32 $0x40, s23;
	s30 =	simm.s32 $0x6400  }
0x1fc: {  	[tilespmem:s30], [sflag:$0x2] =	stream.linear.gather [hbm4b:s9+s24], $0x80, $0x38;
	[tilespmem:$0x1A040] =	vst v63  }
0x1fd: {  	s9 =	sadd.s32 $0x50, s23;
	s30 =	simm.s32 $0x6500  }
0x1fe: {  	[tilespmem:s30], [sflag:$0x2] =	stream.linear.gather [hbm4b:s9+s24], $0x80, $0x38;
	[tilespmem:$0x1A040] =	vst v63  }
0x1ff: {  	s9 =	sadd.s32 $0x60, s23;
	s30 =	simm.s32 $0x6600  }
0x200: {  	[tilespmem:s30], [sflag:$0x2] =	stream.linear.gather [hbm4b:s9+s24], $0x80, $0x38;
	[tilespmem:$0x1A040] =	vst v63  }
0x201: {  	s23 =	sadd.s32 $0x70, s23;
	s30 =	simm.s32 $0x6700  }
0x202: {  	[tilespmem:s30], [sflag:$0x2] =	stream.linear.gather [hbm4b:s23+s24], $0x80, $0x38;
	[tilespmem:$0x1A040] =	vst v63  }
0x203: {  	s25 =	sadd.s32 $0x4000, s31;
	s30 =	simm.s32 $0x6080  }
0x204: {  	[tilespmem:s30], [sflag:$0x2] =	stream.linear.gather [hbm4b:s25+s24], $0x80, $0x38;
	[tilespmem:$0x1A040] =	vst v63  }
0x205: {  	s25 =	sadd.s32 $0x4010, s31;
	s30 =	simm.s32 $0x6180  }
0x206: {  	[tilespmem:s30], [sflag:$0x2] =	stream.linear.gather [hbm4b:s25+s24], $0x80, $0x38;
	[tilespmem:$0x1A040] =	vst v63  }
0x207: {  	s25 =	sadd.s32 $0x4020, s31;
	s30 =	simm.s32 $0x6280  }
0x208: {  	[tilespmem:s30], [sflag:$0x2] =	stream.linear.gather [hbm4b:s25+s24], $0x80, $0x38;
	[tilespmem:$0x1A040] =	vst v63  }
0x209: {  	s25 =	sadd.s32 $0x4030, s31;
	s30 =	simm.s32 $0x6380  }
0x20a: {  	[tilespmem:s30], [sflag:$0x2] =	stream.linear.gather [hbm4b:s25+s24], $0x80, $0x38;
	[tilespmem:$0x1A040] =	vst v63  }
0x20b: {  	s25 =	sadd.s32 $0x4040, s31;
	s30 =	simm.s32 $0x6480  }
0x20c: {  	[tilespmem:s30], [sflag:$0x2] =	stream.linear.gather [hbm4b:s25+s24], $0x80, $0x38;
	[tilespmem:$0x1A040] =	vst v63  }
0x20d: {  	s25 =	sadd.s32 $0x4050, s31;
	s30 =	simm.s32 $0x6580  }
0x20e: {  	[tilespmem:s30], [sflag:$0x2] =	stream.linear.gather [hbm4b:s25+s24], $0x80, $0x38;
	[tilespmem:$0x1A040] =	vst v63  }
0x20f: {  	s25 =	sadd.s32 $0x4060, s31;
	s30 =	simm.s32 $0x6680  }
0x210: {  	[tilespmem:s30], [sflag:$0x2] =	stream.linear.gather [hbm4b:s25+s24], $0x80, $0x38;
	[tilespmem:$0x1A040] =	vst v63  }
0x211: {  	s25 =	sadd.s32 $0x4070, s31;
	s30 =	simm.s32 $0x6780  }
0x212: {  	[tilespmem:s30], [sflag:$0x2] =	stream.linear.gather [hbm4b:s25+s24], $0x80, $0x38;
	[tilespmem:$0x1A040] =	vst v63  }
0x213: {  	s25 =	sor.u32 $0x5000, s6  }
0x214: {  	s30 =	simm.s32 $0x6800;
	s23 =	sadd.s32 s1, s25  }
0x215: {  	[tilespmem:s30], [sflag:$0x2] =	stream.linear.gather [hbm4b:s23+s24], $0x80, $0x38;
	[tilespmem:$0x1A040] =	vst v63  }
0x216: {  	s9 =	sadd.s32 $0x10, s23;
	s30 =	simm.s32 $0x6900  }
0x217: {  	[tilespmem:s30], [sflag:$0x2] =	stream.linear.gather [hbm4b:s9+s24], $0x80, $0x38;
	[tilespmem:$0x1A040] =	vst v63  }
0x218: {  	s9 =	sadd.s32 $0x20, s23;
	s30 =	simm.s32 $0x6A00  }
0x219: {  	[tilespmem:s30], [sflag:$0x2] =	stream.linear.gather [hbm4b:s9+s24], $0x80, $0x38;
	[tilespmem:$0x1A040] =	vst v63  }
0x21a: {  	s9 =	sadd.s32 $0x30, s23;
	s30 =	simm.s32 $0x6B00  }
0x21b: {  	[tilespmem:s30], [sflag:$0x2] =	stream.linear.gather [hbm4b:s9+s24], $0x80, $0x38;
	[tilespmem:$0x1A040] =	vst v63  }
0x21c: {  	s9 =	sadd.s32 $0x40, s23;
	s30 =	simm.s32 $0x6C00  }
0x21d: {  	[tilespmem:s30], [sflag:$0x2] =	stream.linear.gather [hbm4b:s9+s24], $0x80, $0x38;
	[tilespmem:$0x1A040] =	vst v63  }
0x21e: {  	s9 =	sadd.s32 $0x50, s23;
	s30 =	simm.s32 $0x6D00  }
0x21f: {  	[tilespmem:s30], [sflag:$0x2] =	stream.linear.gather [hbm4b:s9+s24], $0x80, $0x38;
	[tilespmem:$0x1A040] =	vst v63  }
0x220: {  	s9 =	sadd.s32 $0x60, s23;
	s30 =	simm.s32 $0x6E00  }
0x221: {  	[tilespmem:s30], [sflag:$0x2] =	stream.linear.gather [hbm4b:s9+s24], $0x80, $0x38;
	[tilespmem:$0x1A040] =	vst v63  }
0x222: {  	s23 =	sadd.s32 $0x70, s23;
	s30 =	simm.s32 $0x6F00  }
0x223: {  	[tilespmem:s30], [sflag:$0x2] =	stream.linear.gather [hbm4b:s23+s24], $0x80, $0x38;
	[tilespmem:$0x1A040] =	vst v63  }
0x224: {  	s25 =	sadd.s32 $0x5000, s31;
	s30 =	simm.s32 $0x6880  }
0x225: {  	[tilespmem:s30], [sflag:$0x2] =	stream.linear.gather [hbm4b:s25+s24], $0x80, $0x38;
	[tilespmem:$0x1A040] =	vst v63  }
0x226: {  	s25 =	sadd.s32 $0x5010, s31;
	s30 =	simm.s32 $0x6980  }
0x227: {  	[tilespmem:s30], [sflag:$0x2] =	stream.linear.gather [hbm4b:s25+s24], $0x80, $0x38;
	[tilespmem:$0x1A040] =	vst v63  }
0x228: {  	s25 =	sadd.s32 $0x5020, s31;
	s30 =	simm.s32 $0x6A80  }
0x229: {  	[tilespmem:s30], [sflag:$0x2] =	stream.linear.gather [hbm4b:s25+s24], $0x80, $0x38;
	[tilespmem:$0x1A040] =	vst v63  }
0x22a: {  	s25 =	sadd.s32 $0x5030, s31;
	s30 =	simm.s32 $0x6B80  }
0x22b: {  	[tilespmem:s30], [sflag:$0x2] =	stream.linear.gather [hbm4b:s25+s24], $0x80, $0x38;
	[tilespmem:$0x1A040] =	vst v63  }
0x22c: {  	s25 =	sadd.s32 $0x5040, s31;
	s30 =	simm.s32 $0x6C80  }
0x22d: {  	[tilespmem:s30], [sflag:$0x2] =	stream.linear.gather [hbm4b:s25+s24], $0x80, $0x38;
	[tilespmem:$0x1A040] =	vst v63  }
0x22e: {  	s25 =	sadd.s32 $0x5050, s31;
	s30 =	simm.s32 $0x6D80  }
0x22f: {  	[tilespmem:s30], [sflag:$0x2] =	stream.linear.gather [hbm4b:s25+s24], $0x80, $0x38;
	[tilespmem:$0x1A040] =	vst v63  }
0x230: {  	s25 =	sadd.s32 $0x5060, s31;
	s30 =	simm.s32 $0x6E80  }
0x231: {  	[tilespmem:s30], [sflag:$0x2] =	stream.linear.gather [hbm4b:s25+s24], $0x80, $0x38;
	[tilespmem:$0x1A040] =	vst v63  }
0x232: {  	s25 =	sadd.s32 $0x5070, s31;
	s30 =	simm.s32 $0x6F80  }
0x233: {  	[tilespmem:s30], [sflag:$0x2] =	stream.linear.gather [hbm4b:s25+s24], $0x80, $0x38;
	[tilespmem:$0x1A040] =	vst v63  }
0x234: {  	s25 =	sor.u32 $0x6000, s6  }
0x235: {  	s30 =	simm.s32 $0x7000;
	s23 =	sadd.s32 s1, s25  }
0x236: {  	[tilespmem:s30], [sflag:$0x2] =	stream.linear.gather [hbm4b:s23+s24], $0x80, $0x38;
	[tilespmem:$0x1A040] =	vst v63  }
0x237: {  	s9 =	sadd.s32 $0x10, s23;
	s30 =	simm.s32 $0x7100  }
0x238: {  	[tilespmem:s30], [sflag:$0x2] =	stream.linear.gather [hbm4b:s9+s24], $0x80, $0x38;
	[tilespmem:$0x1A040] =	vst v63  }
0x239: {  	s9 =	sadd.s32 $0x20, s23;
	s30 =	simm.s32 $0x7200  }
0x23a: {  	[tilespmem:s30], [sflag:$0x2] =	stream.linear.gather [hbm4b:s9+s24], $0x80, $0x38;
	[tilespmem:$0x1A040] =	vst v63  }
0x23b: {  	s9 =	sadd.s32 $0x30, s23;
	s30 =	simm.s32 $0x7300  }
0x23c: {  	[tilespmem:s30], [sflag:$0x2] =	stream.linear.gather [hbm4b:s9+s24], $0x80, $0x38;
	[tilespmem:$0x1A040] =	vst v63  }
0x23d: {  	s9 =	sadd.s32 $0x40, s23;
	s30 =	simm.s32 $0x7400  }
0x23e: {  	[tilespmem:s30], [sflag:$0x2] =	stream.linear.gather [hbm4b:s9+s24], $0x80, $0x38;
	[tilespmem:$0x1A040] =	vst v63  }
0x23f: {  	s9 =	sadd.s32 $0x50, s23;
	s30 =	simm.s32 $0x7500  }
0x240: {  	[tilespmem:s30], [sflag:$0x2] =	stream.linear.gather [hbm4b:s9+s24], $0x80, $0x38;
	[tilespmem:$0x1A040] =	vst v63  }
0x241: {  	s9 =	sadd.s32 $0x60, s23;
	s30 =	simm.s32 $0x7600  }
0x242: {  	[tilespmem:s30], [sflag:$0x2] =	stream.linear.gather [hbm4b:s9+s24], $0x80, $0x38;
	[tilespmem:$0x1A040] =	vst v63  }
0x243: {  	s23 =	sadd.s32 $0x70, s23;
	s30 =	simm.s32 $0x7700  }
0x244: {  	[tilespmem:s30], [sflag:$0x2] =	stream.linear.gather [hbm4b:s23+s24], $0x80, $0x38;
	[tilespmem:$0x1A040] =	vst v63  }
0x245: {  	s25 =	sadd.s32 $0x6000, s31;
	s30 =	simm.s32 $0x7080  }
0x246: {  	[tilespmem:s30], [sflag:$0x2] =	stream.linear.gather [hbm4b:s25+s24], $0x80, $0x38;
	[tilespmem:$0x1A040] =	vst v63  }
0x247: {  	s25 =	sadd.s32 $0x6010, s31;
	s30 =	simm.s32 $0x7180  }
0x248: {  	[tilespmem:s30], [sflag:$0x2] =	stream.linear.gather [hbm4b:s25+s24], $0x80, $0x38;
	[tilespmem:$0x1A040] =	vst v63  }
0x249: {  	s25 =	sadd.s32 $0x6020, s31;
	s30 =	simm.s32 $0x7280  }
0x24a: {  	[tilespmem:s30], [sflag:$0x2] =	stream.linear.gather [hbm4b:s25+s24], $0x80, $0x38;
	[tilespmem:$0x1A040] =	vst v63  }
0x24b: {  	s25 =	sadd.s32 $0x6030, s31;
	s30 =	simm.s32 $0x7380  }
0x24c: {  	[tilespmem:s30], [sflag:$0x2] =	stream.linear.gather [hbm4b:s25+s24], $0x80, $0x38;
	[tilespmem:$0x1A040] =	vst v63  }
0x24d: {  	s25 =	sadd.s32 $0x6040, s31;
	s30 =	simm.s32 $0x7480  }
0x24e: {  	[tilespmem:s30], [sflag:$0x2] =	stream.linear.gather [hbm4b:s25+s24], $0x80, $0x38;
	[tilespmem:$0x1A040] =	vst v63  }
0x24f: {  	s25 =	sadd.s32 $0x6050, s31;
	s30 =	simm.s32 $0x7580  }
0x250: {  	[tilespmem:s30], [sflag:$0x2] =	stream.linear.gather [hbm4b:s25+s24], $0x80, $0x38;
	[tilespmem:$0x1A040] =	vst v63  }
0x251: {  	s25 =	sadd.s32 $0x6060, s31;
	s30 =	simm.s32 $0x7680  }
0x252: {  	[tilespmem:s30], [sflag:$0x2] =	stream.linear.gather [hbm4b:s25+s24], $0x80, $0x38;
	[tilespmem:$0x1A040] =	vst v63  }
0x253: {  	s6 =	sor.u32 $0x7000, s6;
	s25 =	sadd.s32 $0x6070, s31;
	s30 =	simm.s32 $0x7780  }
0x254: {  	[tilespmem:s30], [sflag:$0x2] =	stream.linear.gather [hbm4b:s25+s24], $0x80, $0x38;
	[tilespmem:$0x1A040] =	vst v63  }
0x255: {  	s6 =	sadd.s32 s1, s6;
	s23 =	simm.s32 $0x7800  }
0x256: {  	[tilespmem:s23], [sflag:$0x2] =	stream.linear.gather [hbm4b:s6+s24], $0x80, $0x38;
	[tilespmem:$0x1A040] =	vst v63  }
0x257: {  	s25 =	sadd.s32 $0x10, s6;
	s30 =	simm.s32 $0x7900  }
0x258: {  	[tilespmem:s30], [sflag:$0x2] =	stream.linear.gather [hbm4b:s25+s24], $0x80, $0x38;
	[tilespmem:$0x1A040] =	vst v63  }
0x259: {  	s25 =	sadd.s32 $0x20, s6;
	s30 =	simm.s32 $0x7A00  }
0x25a: {  	[tilespmem:s30], [sflag:$0x2] =	stream.linear.gather [hbm4b:s25+s24], $0x80, $0x38;
	[tilespmem:$0x1A040] =	vst v63  }
0x25b: {  	s25 =	sadd.s32 $0x30, s6;
	s30 =	simm.s32 $0x7B00  }
0x25c: {  	[tilespmem:s30], [sflag:$0x2] =	stream.linear.gather [hbm4b:s25+s24], $0x80, $0x38;
	[tilespmem:$0x1A040] =	vst v63  }
0x25d: {  	s25 =	sadd.s32 $0x40, s6;
	s30 =	simm.s32 $0x7C00  }
0x25e: {  	[tilespmem:s30], [sflag:$0x2] =	stream.linear.gather [hbm4b:s25+s24], $0x80, $0x38;
	[tilespmem:$0x1A040] =	vst v63  }
0x25f: {  	s25 =	sadd.s32 $0x50, s6;
	s30 =	simm.s32 $0x7D00  }
0x260: {  	[tilespmem:s30], [sflag:$0x2] =	stream.linear.gather [hbm4b:s25+s24], $0x80, $0x38;
	[tilespmem:$0x1A040] =	vst v63  }
0x261: {  	s9 =	sadd.s32 $0x60, s6;
	s25 =	simm.s32 $0x7E00  }
0x262: {  	[tilespmem:s25], [sflag:$0x2] =	stream.linear.gather [hbm4b:s9+s24], $0x80, $0x38;
	[tilespmem:$0x1A040] =	vst v63  }
0x263: {  	s6 =	sadd.s32 $0x70, s6;
	s30 =	simm.s32 $0x7F00  }
0x264: {  	[tilespmem:s30], [sflag:$0x2] =	stream.linear.gather [hbm4b:s6+s24], $0x80, $0x38;
	[tilespmem:$0x1A040] =	vst v63  }
0x265: {  	s23 =	simm.s32 $0x7880;
	s9 =	sadd.s32 $0x7000, s31  }
0x266: {  	[tilespmem:s23], [sflag:$0x2] =	stream.linear.gather [hbm4b:s9+s24], $0x80, $0x38;
	[tilespmem:$0x1A040] =	vst v63  }
0x267: {  	s25 =	sadd.s32 $0x7010, s31  }
0x268: {  	[tilespmem:s10], [sflag:$0x2] =	stream.linear.gather [hbm4b:s25+s24], $0x80, $0x38;
	[tilespmem:$0x1A040] =	vst v63  }
0x269: {  	s30 =	sadd.s32 $0x7020, s31  }
0x26a: {  	[tilespmem:s11], [sflag:$0x2] =	stream.linear.gather [hbm4b:s30+s24], $0x80, $0x38;
	[tilespmem:$0x1A040] =	vst v63  }
0x26b: {  	s9 =	sadd.s32 $0x7030, s31  }
0x26c: {  	[tilespmem:s12], [sflag:$0x2] =	stream.linear.gather [hbm4b:s9+s24], $0x80, $0x38;
	[tilespmem:$0x1A040] =	vst v63  }
0x26d: {  	s23 =	sadd.s32 $0x7040, s31  }
0x26e: {  	[tilespmem:s13], [sflag:$0x2] =	stream.linear.gather [hbm4b:s23+s24], $0x80, $0x38;
	[tilespmem:$0x1A040] =	vst v63  }
0x26f: {  	s25 =	sadd.s32 $0x7050, s31  }
0x270: {  	[tilespmem:s14], [sflag:$0x2] =	stream.linear.gather [hbm4b:s25+s24], $0x80, $0x38;
	[tilespmem:$0x1A040] =	vst v63  }
0x271: {  	s30 =	sadd.s32 $0x7060, s31  }
0x272: {  	[tilespmem:s15], [sflag:$0x2] =	stream.linear.gather [hbm4b:s30+s24], $0x80, $0x38;
	[tilespmem:$0x1A040] =	vst v63  }
0x273: {  	s31 =	sadd.s32 $0x7070, s31;
	s9 =	sshll.u32 s28, $0x8  }
0x274: {  	[tilespmem:s16], [sflag:$0x2] =	stream.linear.gather [hbm4b:s31+s24], $0x80, $0x38;
	[tilespmem:$0x1A040] =	vst v63  }
0x275: {  	s25 =	sadd.s32 $0x18000, s9  }
0x276: {  	[tilespmem:s17], [sflag:$0x2] =	stream.indirect.gather [hbm4b:s4+s26], $0x40, s25, s26, $0xb8;
	[tilespmem:$0x1A040] =	vst v63  }
0x277: {  	s6 =	sadd.s32 $0x19000, s9;
	s30 =	sshll.u32 s29, $0x7  }
0x278: {  	[tilespmem:s18], [sflag:$0x2] =	stream.indirect.gather [hbm4b:s4+s26], $0x40, s6, s26, $0xb8;
	[tilespmem:$0x1A040] =	vst v63  }
0x279: {  	s31 =	sadd.s32 $0x18000, s30  }
0x27a: {  	[tilespmem:s19], [sflag:$0x2] =	stream.indirect.gather [hbm4b:s4+s26], $0x40, s31, s26, $0xb8;
	[tilespmem:$0x1A040] =	vst v63  }
0x27b: {  	s6 =	sadd.s32 $0x19000, s30  }
0x27c: {  	[tilespmem:s20], [sflag:$0x2] =	stream.indirect.gather [hbm4b:s4+s26], $0x40, s6, s26, $0xb8;
	[tilespmem:$0x1A040] =	vst v63  }
0x27d: {  	_ =	swait.ge [sflag:s21], $0x400  }
0x27e: {  	[sflag:s21] =	ssyncset.done $0x0  }
0x27f: {  	[sflag:s21] =	ssyncadd.s32 $0xFFFFFC00  }
0x280: {  	_ =	swait.ge [sflag:s21], $0x400  }
0x281: {  	[sflag:s21] =	ssyncset.done $0x0  }
0x282: {  	[sflag:s21] =	ssyncadd.s32 $0xFFFFFC00  }
0x283: {  	_ =	swait.ge [sflag:s21], $0x400  }
0x284: {  	[sflag:s21] =	ssyncset.done $0x0  }
0x285: {  	[sflag:s21] =	ssyncadd.s32 $0xFFFFFC00  }
0x286: {  	_ =	swait.ge [sflag:s21], $0x400  }
0x287: {  	[sflag:s21] =	ssyncset.done $0x0  }
0x288: {  	[sflag:s21] =	ssyncadd.s32 $0xFFFFFC00  }
0x289: {  	_ =	swait.ge [sflag:s21], $0x400  }
0x28a: {  	[sflag:s21] =	ssyncset.done $0x0  }
0x28b: {  	[sflag:s21] =	ssyncadd.s32 $0xFFFFFC00  }
0x28c: {  	_ =	swait.ge [sflag:s21], $0x400  }
0x28d: {  	[sflag:s21] =	ssyncset.done $0x0  }
0x28e: {  	[sflag:s21] =	ssyncadd.s32 $0xFFFFFC00  }
0x28f: {  	_ =	swait.ge [sflag:s21], $0x400  }
0x290: {  	[sflag:s21] =	ssyncset.done $0x0  }
0x291: {  	[sflag:s21] =	ssyncadd.s32 $0xFFFFFC00  }
0x292: {  	_ =	swait.ge [sflag:s21], $0x400  }
0x293: {  	[sflag:s21] =	ssyncset.done $0x0  }
0x294: {  	[sflag:s21] =	ssyncadd.s32 $0xFFFFFC00  }
0x295: {  	_ =	swait.ge [sflag:s21], $0x400  }
0x296: {  	[sflag:s21] =	ssyncset.done $0x0  }
0x297: {  	[sflag:s21] =	ssyncadd.s32 $0xFFFFFC00  }
0x298: {  	_ =	swait.ge [sflag:s21], $0x400  }
0x299: {  	[sflag:s21] =	ssyncset.done $0x0  }
0x29a: {  	[sflag:s21] =	ssyncadd.s32 $0xFFFFFC00  }
0x29b: {  	_ =	swait.ge [sflag:s21], $0x400  }
0x29c: {  	[sflag:s21] =	ssyncset.done $0x0  }
0x29d: {  	[sflag:s21] =	ssyncadd.s32 $0xFFFFFC00  }
0x29e: {  	_ =	swait.ge [sflag:s21], $0x400  }
0x29f: {  	[sflag:s21] =	ssyncset.done $0x0  }
0x2a0: {  	[sflag:s21] =	ssyncadd.s32 $0xFFFFFC00  }
0x2a1: {  	_ =	swait.ge [sflag:s21], $0x400  }
0x2a2: {  	[sflag:s21] =	ssyncset.done $0x0  }
0x2a3: {  	[sflag:s21] =	ssyncadd.s32 $0xFFFFFC00  }
0x2a4: {  	_ =	swait.ge [sflag:s21], $0x400  }
0x2a5: {  	[sflag:s21] =	ssyncset.done $0x0  }
0x2a6: {  	[sflag:s21] =	ssyncadd.s32 $0xFFFFFC00  }
0x2a7: {  	_ =	swait.ge [sflag:s21], $0x400  }
0x2a8: {  	[sflag:s21] =	ssyncset.done $0x0  }
0x2a9: {  	[sflag:s21] =	ssyncadd.s32 $0xFFFFFC00  }
0x2aa: {  	_ =	swait.ge [sflag:s21], $0x400  }
0x2ab: {  	[sflag:s21] =	ssyncset.done $0x0  }
0x2ac: {  	[sflag:s21] =	ssyncadd.s32 $0xFFFFFC00  }
0x2ad: {  	_ =	swait.ge [sflag:s21], $0x2000  }
0x2ae: {  	[sflag:s21] =	ssyncset.done $0x0  }
0x2af: {  	[sflag:s21] =	ssyncadd.s32 $0xFFFFE000  }
0x2b0: {  	_ =	swait.ge [sflag:s21], $0x2000  }
0x2b1: {  	[sflag:s21] =	ssyncset.done $0x0  }
0x2b2: {  	[sflag:s21] =	ssyncadd.s32 $0xFFFFE000  }
0x2b3: {  	_ =	swait.ge [sflag:s21], $0x2000  }
0x2b4: {  	[sflag:s21] =	ssyncset.done $0x0  }
0x2b5: {  	[sflag:s21] =	ssyncadd.s32 $0xFFFFE000  }
0x2b6: {  	_ =	swait.ge [sflag:s21], $0x2000  }
0x2b7: {  	[sflag:s21] =	ssyncset.done $0x0  }
0x2b8: {  	s28 =	sshll.u32 s7, $0x1;
	s29 =	simm.s32 $0x0;
	[sflag:s21] =	ssyncadd.s32 $0xFFFFE000  }
.LBB2_5:
0x2b9: {  	s6 =	sshll.u32 s29, $0x4  }
0x2ba: {  	s9 =	simm.s32 $0x0;
	v8 =	vor.u32 s6, v0  }
0x2bb: {  	v10 =	vxor.u32 s9, v0;
	v7 =	vshll.u32 v8, $0x6  }
0x2bc: {  	s23 =	simm.s32 $0x2;
	v11 =	vand.u32 $0x38, v10;
	v8 =	vand.u32 v2, v8;
	v10 =	vshll.u32 v10, $0x8  }
0x2bd: {  	v12 =	vxor.u32 s23, v0;
	v10 =	vor.u32 v8, v10  }
0x2be: {  	v13 =	vshll.u32 v12, $0x8;
	v12 =	vor.u32 v7, v12  }
0x2bf: {  	s25 =	simm.s32 $0x1;
	s23 =	simm.s32 $0x3;
	v13 =	vor.u32 v8, v13  }
0x2c0: {  	v14 =	vxor.u32 s25, v0;
	v15 =	vxor.u32 s23, v0  }
0x2c1: {  	v17 =	vshll.u32 v14, $0x8;
	v18 =	vor.u32 v7, v15  }
0x2c2: {  	v17 =	vor.u32 v8, v17;
	v10 =	vld.idx.msk [tilespmem:v10+s3+$0x0], $0xffff  }
0x2c3: {  	v14 =	vor.u32 v7, v14;
	v19 =	vld.idx.msk [tilespmem:v12+s2+$0x0], $0xffff  }
0x2c4: {  	v9 =	vor.u32 v1, v7;
	v13 =	vld.idx.msk [tilespmem:v13+s3+$0x0], $0xffff  }
0x2c5: {  	v11 =	vor.u32 v11, v9;
	v12 =	vld.idx.msk [tilespmem:v12+s0+$0x0], $0xffff  }
0x2c6: {  	v15 =	vshll.u32 v15, $0x8;
	v21 =	vld.idx.msk [tilespmem:v18+s2+$0x0], $0xffff  }
0x2c7: {  	s31 =	simm.s32 $0x6;
	v15 =	vor.u32 v8, v15;
	v17 =	vld.idx.msk [tilespmem:v17+s3+$0x0], $0xffff  }
0x2c8: {  	v23 =	vxor.u32 s31, v0;
	v24 =	vld.idx.msk [tilespmem:v14+s0+$0x0], $0xffff  }
0x2c9: {  	s30 =	simm.s32 $0x4;
	v25 =	vshll.u32 v23, $0x8;
	v14 =	vld.idx.msk [tilespmem:v14+s2+$0x0], $0xffff  }
0x2ca: {  	v20 =	vxor.u32 s30, v0;
	s9 =	simm.s32 $0x5;
	v25 =	vor.u32 v8, v25;
	v16 =	vld.idx.msk [tilespmem:v11+s2+$0x0], $0xffff  }
0x2cb: {  	v27 =	vimm.f32 $0.0e+00;
	s31 =	simm.s32 $0xA;
	v22 =	vshll.u32 v20, $0x8;
	v26 =	vxor.u32 s9, v0;
	v11 =	vld.idx.msk [tilespmem:v11+s0+$0x0], $0xffff  }
0x2cc: {  	v32 =	vxor.u32 s31, v0;
	v22 =	vor.u32 v8, v22;
	v20 =	vor.u32 v7, v20;
	v29 =	vld.idx.msk [tilespmem:v15+s3+$0x0], $0xffff  }
0x2cd: {  	v28 =	vor.u32 v7, v26;
	v23 =	vor.u32 v7, v23;
	v35 =	vshll.u32 v32, $0x8  }
0x2ce: {  	v15 =	vshll.u32 v26, $0x8;
	v19 =	vsub.f32 v13, v19;
	v12 =	vsub.f32 v13, v12  }
0x2cf: {  	v25 =	vld.idx.msk [tilespmem:v25+s3+$0x0], $0xffff;
	v15 =	vor.u32 v8, v15;
	v13 =	vsub.f32 v17, v14;
	v14 =	vsub.f32 v17, v24  }
0x2d0: {  	s30 =	simm.s32 $0x8;
	s25 =	simm.s32 $0x9;
	v32 =	vor.u32 v7, v32;
	v18 =	vld.idx.msk [tilespmem:v18+s0+$0x0], $0xffff;
	v11 =	vsub.f32 v10, v11;
	v10 =	vsub.f32 v10, v16  }
0x2d1: {  	v33 =	vld.idx.msk [tilespmem:v20+s2+$0x0], $0xffff;
	v24 =	vxor.u32 s25, v0;
	v30 =	vsub.f32 v29, v21;
	v21 =	vxor.u32 s30, v0  }
0x2d2: {  	s23 =	simm.s32 $0x7;
	v16 =	vld.idx.msk [tilespmem:v22+s3+$0x0], $0xffff;
	v34 =	vor.u32 v7, v24;
	v22 =	vmul.f32 v19, v19;
	v10 =	vmul.f32 v10, v10  }
0x2d3: {  	v17 =	vld.idx.msk [tilespmem:v28+s0+$0x0], $0xffff;
	s25 =	simm.s32 $0xC;
	v19 =	vxor.u32 s23, v0;
	v31 =	vmul.f32 v12, v12;
	v11 =	vmul.f32 v11, v11  }
0x2d4: {  	v36 =	vld.idx.msk [tilespmem:v15+s3+$0x0], $0xffff;
	v40 =	vmul.f32 v13, v13;
	v13 =	vxor.u32 s25, v0;
	v26 =	vadd.f32 v10, v27  }
0x2d5: {  	v56 =	vld.idx.msk [tilespmem:v23+s0+$0x0], $0xffff;
	v10 =	vand.u32 $0x38, v21;
	v37 =	vadd.f32 v11, v27;
	v11 =	vor.u32 v8, v35  }
0x2d6: {  	s9 =	simm.s32 $0xB;
	v44 =	vld.idx.msk [tilespmem:v32+s2+$0x0], $0xffff;
	v30 =	vmul.f32 v30, v30;
	v21 =	vshll.u32 v21, $0x8;
	v12 =	vor.u32 v10, v9  }
0x2d7: {  	v32 =	vld.idx.msk [tilespmem:v32+s0+$0x0], $0xffff;
	v21 =	vor.u32 v8, v21;
	v10 =	vshll.u32 v24, $0x8;
	v24 =	vxor.u32 s9, v0  }
0x2d8: {  	v15 =	vld.idx.msk [tilespmem:v20+s0+$0x0], $0xffff;
	v20 =	vshll.u32 v24, $0x8;
	v38 =	vor.u32 v8, v10;
	v10 =	vor.u32 v7, v24  }
0x2d9: {  	v28 =	vld.idx.msk [tilespmem:v28+s2+$0x0], $0xffff;
	v17 =	vsub.f32 v36, v17;
	v24 =	vshll.u32 v19, $0x8;
	v22 =	vadd.f32 v22, v26  }
0x2da: {  	s30 =	simm.s32 $0xD;
	v31 =	vadd.f32 v31, v37;
	v41 =	vor.u32 v8, v20;
	v20 =	vshll.u32 v13, $0x8;
	v46 =	vld.idx.msk [tilespmem:v11+s3+$0x0], $0xffff  }
0x2db: {  	v58 =	vor.u32 v8, v24;
	v43 =	vor.u32 v8, v20;
	v20 =	vxor.u32 s30, v0;
	v39 =	vld.idx.msk [tilespmem:v12+s2+$0x0], $0xffff  }
0x2dc: {  	v45 =	vmul.f32 v17, v17;
	v17 =	vor.u32 v7, v20;
	v11 =	vmul.f32 v14, v14;
	v42 =	vld.idx.msk [tilespmem:v12+s0+$0x0], $0xffff  }
0x2dd: {  	v14 =	vsub.f32 v29, v18;
	v18 =	vsub.f32 v25, v56;
	v12 =	vor.u32 v7, v13;
	v57 =	vld.idx.msk [tilespmem:v21+s3+$0x0], $0xffff  }
0x2de: {  	v13 =	vsub.f32 v16, v33;
	v21 =	vld.idx.msk [tilespmem:v23+s2+$0x0], $0xffff;
	v16 =	vsub.f32 v16, v15;
	v15 =	vshll.u32 v20, $0x8  }
0x2df: {  	s31 =	simm.s32 $0xE;
	v60 =	vld.idx.msk [tilespmem:v34+s2+$0x0], $0xffff;
	v20 =	vor.u32 v7, v19;
	v59 =	vadd.f32 v11, v27;
	v27 =	vadd.f32 v40, v27  }
0x2e0: {  	v26 =	vld.idx.msk [tilespmem:v34+s0+$0x0], $0xffff;
	v62 =	vmul.f32 v14, v14;
	v23 =	vmul.f32 v13, v13;
	v13 =	vxor.u32 s31, v0  }
0x2e1: {  	v15 =	vor.u32 v8, v15;
	v19 =	vld.idx.msk [tilespmem:v10+s2+$0x0], $0xffff;
	v16 =	vmul.f32 v16, v16;
	v29 =	vshll.u32 v13, $0x8  }
0x2e2: {  	v24 =	vld.idx.msk [tilespmem:v38+s3+$0x0], $0xffff;
	v30 =	vadd.f32 v30, v27;
	v37 =	vadd.f32 v62, v59;
	v29 =	vor.u32 v8, v29  }
0x2e3: {  	v11 =	vld.idx.msk [tilespmem:v41+s3+$0x0], $0xffff;
	v13 =	vor.u32 v7, v13;
	v22 =	vadd.f32 v23, v22;
	v25 =	vsub.f32 v25, v21  }
0x2e4: {  	v61 =	vsub.f32 v46, v44;
	v23 =	vld.idx.msk [tilespmem:v58+s3+$0x0], $0xffff;
	v21 =	vmul.f32 v18, v18;
	v18 =	vsub.f32 v36, v28  }
0x2e5: {  	v33 =	vsub.f32 v46, v32;
	v42 =	vsub.f32 v57, v42;
	v32 =	vld.idx.msk [tilespmem:v20+s2+$0x0], $0xffff;
	v25 =	vmul.f32 v25, v25  }
0x2e6: {  	v31 =	vadd.f32 v16, v31;
	v63 =	vsub.f32 v57, v39;
	v28 =	vmul.f32 v18, v18;
	v18 =	vld.idx.msk [tilespmem:v43+s3+$0x0], $0xffff  }
0x2e7: {  	v16 =	vmul.f32 v61, v61;
	v27 =	vmul.f32 v42, v42;
	v14 =	vld.idx.msk [tilespmem:v29+s3+$0x0], $0xffff;
	v34 =	vadd.f32 v25, v22  }
0x2e8: {  	s6 =	simm.s32 $0x17;
	s23 =	simm.s32 $0xF;
	v35 =	vmul.f32 v63, v63;
	v29 =	vsub.f32 v24, v60;
	v22 =	vld.idx.msk [tilespmem:v17+s0+$0x0], $0xffff;
	v25 =	vadd.f32 v45, v37  }
.LBB2_6:
0x2e9: {  	s25 =	sadd.s32 $0xFFFFFFF9, s6;
	s31 =	sadd.s32 $0xFFFFFFFA, s6;
	s30 =	sadd.s32 $0xFFFFFFFB, s6;
	v24 =	vsub.f32 v24, v26;
	v36 =	vsub.f32 v11, v19;
	v26 =	vxor.u32 s23, v0  }
0x2ea: {  	p0 =	sne.s32 s6, $0x3F;
	s23 =	smov.u32 s6;
	s6 =	sadd.s32 $0x8, s6;
	v19 =	vxor.u32 s25, v0;
	v37 =	vxor.u32 s31, v0;
	v34 =	vadd.f32 v35, v34;
	v20 =	vld.idx.msk [tilespmem:v20+s0+$0x0], $0xffff  }
0x2eb: {  	v33 =	vmul.f32 v33, v33;
	s25 =	sadd.s32 $0xFFFFFFFC, s23;
	v35 =	vshll.u32 v19, $0x8;
	v19 =	vand.u32 $0x38, v19;
	v38 =	vld.idx.msk [tilespmem:v17+s2+$0x0], $0xffff  }
0x2ec: {  	v28 =	vadd.f32 v28, v30;
	v17 =	vor.u32 v8, v35;
	v19 =	vor.u32 v19, v9;
	v35 =	vld.idx.msk [tilespmem:v10+s0+$0x0], $0xffff  }
0x2ed: {  	v21 =	vadd.f32 v21, v31;
	v30 =	vor.u32 v7, v37;
	v10 =	vshll.u32 v37, $0x8;
	v37 =	vld.idx.msk [tilespmem:v12+s0+$0x0], $0xffff  }
0x2ee: {  	v31 =	vxor.u32 s30, v0;
	v39 =	vxor.u32 s25, v0;
	v32 =	vsub.f32 v23, v32;
	v40 =	vld.idx.msk [tilespmem:v12+s2+$0x0], $0xffff  }
0x2ef: {  	v27 =	vadd.f32 v27, v21;
	v41 =	vshll.u32 v39, $0x8;
	v12 =	vshll.u32 v31, $0x8;
	v42 =	vld.idx.msk [tilespmem:v15+s3+$0x0], $0xffff  }
0x2f0: {  	v21 =	vor.u32 v7, v31;
	v15 =	vor.u32 v8, v12;
	v12 =	vsub.f32 v23, v20;
	v31 =	vld.idx.msk [tilespmem:v13+s0+$0x0], $0xffff  }
0x2f1: {  	v29 =	vmul.f32 v29, v29;
	s25 =	sadd.s32 $0xFFFFFFFD, s23;
	v23 =	vor.u32 v8, v10;
	v10 =	vor.u32 v7, v39;
	v43 =	vld.idx.msk [tilespmem:v19+s2+$0x0], $0xffff  }
0x2f2: {  	v41 =	vor.u32 v8, v41;
	v20 =	vmul.f32 v12, v12;
	v39 =	vld.idx.msk [tilespmem:v19+s0+$0x0], $0xffff;
	v19 =	vxor.u32 s25, v0  }
0x2f3: {  	v44 =	vld.idx.msk [tilespmem:v17+s3+$0x0], $0xffff;
	v17 =	vshll.u32 v19, $0x8;
	v12 =	vor.u32 v7, v19;
	v19 =	vmul.f32 v32, v32  }
0x2f4: {  	s25 =	sadd.s32 $0xFFFFFFFE, s23;
	v25 =	vadd.f32 v20, v25;
	v32 =	vor.u32 v8, v17;
	v17 =	vsub.f32 v18, v40;
	v40 =	vld.idx.msk [tilespmem:v13+s2+$0x0], $0xffff  }
0x2f5: {  	v13 =	vxor.u32 s25, v0;
	v18 =	vsub.f32 v18, v37;
	v20 =	vsub.f32 v42, v22;
	v45 =	vld.idx.msk [tilespmem:v21+s2+$0x0], $0xffff  }
0x2f6: {  	v28 =	vadd.f32 v19, v28;
	v22 =	vld.idx.msk [tilespmem:v15+s3+$0x0], $0xffff;
	v15 =	vshll.u32 v13, $0x8;
	v37 =	vmul.f32 v17, v17  }
0x2f7: {  	v47 =	vmul.f32 v20, v20;
	v46 =	vld.idx.msk [tilespmem:v21+s0+$0x0], $0xffff;
	v15 =	vor.u32 v8, v15;
	v21 =	vshll.u32 v26, $0x8  }
0x2f8: {  	v48 =	vmul.f32 v24, v24;
	s25 =	sadd.s32 $0xFFFFFFFF, s23;
	v17 =	vor.u32 v7, v13;
	v20 =	vor.u32 v7, v26;
	v19 =	vld.idx.msk [tilespmem:v10+s2+$0x0], $0xffff  }
0x2f9: {  	v31 =	vsub.f32 v14, v31;
	v13 =	vxor.u32 s25, v0;
	v24 =	vld.idx.msk [tilespmem:v23+s3+$0x0], $0xffff;
	v23 =	vsub.f32 v11, v35  }
0x2fa: {  	v49 =	vor.u32 v8, v21;
	v35 =	vshll.u32 v13, $0x8;
	v13 =	vor.u32 v7, v13;
	v26 =	vld.idx.msk [tilespmem:v30+s0+$0x0], $0xffff  }
0x2fb: {  	v16 =	vadd.f32 v16, v34;
	v25 =	vadd.f32 v48, v25;
	v35 =	vor.u32 v8, v35;
	v11 =	vld.idx.msk [tilespmem:v41+s3+$0x0], $0xffff  }
0x2fc: {  	v34 =	vsub.f32 v44, v39;
	v21 =	vmul.f32 v31, v31;
	v14 =	vsub.f32 v14, v40  }
0x2fd: {  	v39 =	vld.idx.msk [tilespmem:v30+s2+$0x0], $0xffff;
	v30 =	vmul.f32 v36, v36;
	v36 =	vadd.f32 v37, v16;
	v16 =	vsub.f32 v42, v38  }
0x2fe: {  	v27 =	vadd.f32 v33, v27;
	v29 =	vadd.f32 v29, v28;
	v31 =	vmul.f32 v18, v18  }
.Ltmp1:
0x2ff: {  	v33 =	vmul.f32 v23, v23;
	v37 =	vsub.f32 v22, v45;
	v28 =	vmul.f32 v16, v16;
	v23 =	vld.idx.msk [tilespmem:v49+s3+$0x0], $0xffff;
	(pc) =	sbr.rel @p0 .LBB2_6-.Ltmp1, $4  }
0x300: {  	v31 =	vadd.f32 v31, v27;
	v30 =	vadd.f32 v30, v29;
	v29 =	vmul.f32 v14, v14;
	v18 =	vld.idx.msk [tilespmem:v32+s3+$0x0], $0xffff  }
0x301: {  	v27 =	vmul.f32 v34, v34;
	v38 =	vsub.f32 v44, v43;
	v25 =	vadd.f32 v33, v25;
	v14 =	vld.idx.msk [tilespmem:v35+s3+$0x0], $0xffff  }
0x302: {  	v33 =	vsub.f32 v22, v46;
	v16 =	vmul.f32 v37, v37;
	v34 =	vadd.f32 v29, v36;
	v32 =	vld.idx.msk [tilespmem:v20+s2+$0x0], $0xffff  }
0x303: {  	v25 =	vadd.f32 v47, v25;
	v35 =	vmul.f32 v38, v38;
	v29 =	vsub.f32 v24, v39;
	v22 =	vld.idx.msk [tilespmem:v17+s0+$0x0], $0xffff  }
0x304: {  	_ =	sdelay $0x3  }
0x305: {  	v9 =	vld.idx.msk [tilespmem:v20+s0+$0x0], $0xffff  }
0x306: {  	v36 =	vld.idx.msk [tilespmem:v12+s2+$0x0], $0xffff  }
0x307: {  	v62 =	vxor.u32 s23, v0;
	v63 =	vld.idx.msk [tilespmem:v12+s0+$0x0], $0xffff  }
0x308: {  	v24 =	vsub.f32 v24, v26;
	v15 =	vld.idx.msk [tilespmem:v15+s3+$0x0], $0xffff;
	v21 =	vadd.f32 v21, v31;
	v7 =	vor.u32 v7, v62  }
0x309: {  	v19 =	vsub.f32 v11, v19;
	v38 =	vld.idx.msk [tilespmem:v13+s0+$0x0], $0xffff;
	v41 =	vmul.f32 v33, v33;
	v37 =	vshll.u32 v62, $0x8  }
0x30a: {  	v10 =	vld.idx.msk [tilespmem:v10+s0+$0x0], $0xffff;
	v34 =	vadd.f32 v35, v34;
	v8 =	vor.u32 v8, v37;
	v21 =	vadd.f32 v27, v21  }
0x30b: {  	v39 =	vadd.f32 v28, v30;
	v43 =	vld.idx.msk [tilespmem:v13+s2+$0x0], $0xffff;
	v40 =	vsub.f32 v23, v32  }
0x30c: {  	v17 =	vld.idx.msk [tilespmem:v17+s2+$0x0], $0xffff;
	v29 =	vmul.f32 v29, v29;
	v49 =	vadd.f32 v16, v34;
	v53 =	vadd.f32 v41, v21  }
0x30d: {  	v46 =	vmul.f32 v24, v24;
	v9 =	vsub.f32 v23, v9;
	v42 =	vsub.f32 v18, v36;
	v48 =	vld.idx.msk [tilespmem:v7+s0+$0x0], $0xffff  }
0x30e: {  	v23 =	vmul.f32 v40, v40;
	v12 =	vsub.f32 v18, v63;
	v44 =	vsub.f32 v15, v22;
	v7 =	vld.idx.msk [tilespmem:v7+s2+$0x0], $0xffff  }
0x30f: {  	v47 =	vsub.f32 v14, v38;
	v10 =	vsub.f32 v11, v10;
	v9 =	vmul.f32 v9, v9;
	v8 =	vld.idx.msk [tilespmem:v8+s3+$0x0], $0xffff  }
0x310: {  	v51 =	vmul.f32 v19, v19;
	v13 =	vsub.f32 v14, v43;
	v20 =	vadd.f32 v23, v39  }
0x311: {  	v15 =	vsub.f32 v15, v17;
	v45 =	vmul.f32 v42, v42;
	v9 =	vadd.f32 v9, v25  }
0x312: {  	v18 =	vmul.f32 v44, v44;
	v50 =	vmul.f32 v47, v47;
	v52 =	vadd.f32 v29, v20  }
0x313: {  	v10 =	vmul.f32 v10, v10;
	v12 =	vmul.f32 v12, v12;
	v9 =	vadd.f32 v46, v9  }
0x314: {  	v15 =	vmul.f32 v15, v15;
	v16 =	vadd.f32 v51, v52;
	v7 =	vsub.f32 v8, v7  }
0x315: {  	v55 =	vmul.f32 v13, v13;
	v54 =	vsub.f32 v8, v48;
	v9 =	vadd.f32 v10, v9  }
0x316: {  	v11 =	vadd.f32 v45, v49;
	v56 =	vadd.f32 v15, v16;
	v7 =	vmul.f32 v7, v7  }
0x317: {  	v8 =	vadd.f32 v12, v53;
	v10 =	vmul.f32 v54, v54;
	v9 =	vadd.f32 v18, v9  }
0x318: {  	v57 =	vadd.f32 v55, v11;
	v7 =	vadd.f32 v7, v56  }
0x319: {  	v8 =	vadd.f32 v50, v8;
	v9 =	vadd.f32 v10, v9  }
0x31a: {  	v7 =	vadd.f32 v7, v57  }
0x31b: {  	v8 =	vadd.f32 v9, v8  }
0x31c: {  	v59 =	vshrl.u32 v7, $0x1  }
0x31d: {  	v60 =	vmul.f32 $5.000000000e-01, v7;
	v9 =	vshrl.u32 v8, $0x1;
	v58 =	vmul.f32 $5.000000000e-01, v8  }
0x31e: {  	v11 =	vsub.s32 $0x5F3759DF, v59;
	v9 =	vsub.s32 $0x5F3759DF, v9  }
0x31f: {  	v62 =	vmul.f32 v11, v60;
	v61 =	vmul.f32 v9, v58;
	_ =	sdelay $0x1  }
0x320: {  	v14 =	vmul.f32 v11, v62;
	v13 =	vmul.f32 v9, v61;
	_ =	sdelay $0x1  }
0x321: {  	v14 =	vsub.f32 $1.500000000e+00, v14;
	v13 =	vsub.f32 $1.500000000e+00, v13;
	_ =	sdelay $0x1  }
0x322: {  	v11 =	vmul.f32 v11, v14;
	v9 =	vmul.f32 v9, v13;
	_ =	sdelay $0x1  }
0x323: {  	v14 =	vmul.f32 v11, v60;
	v13 =	vmul.f32 v9, v58;
	_ =	sdelay $0x1  }
0x324: {  	v14 =	vmul.f32 v14, v11;
	v13 =	vmul.f32 v13, v9;
	_ =	sdelay $0x1  }
0x325: {  	v14 =	vsub.f32 $1.500000000e+00, v14;
	v13 =	vsub.f32 $1.500000000e+00, v13;
	_ =	sdelay $0x1  }
0x326: {  	v11 =	vmul.f32 v14, v11;
	v9 =	vmul.f32 v13, v9;
	_ =	sdelay $0x1  }
0x327: {  	v14 =	vmul.f32 v11, v60;
	v13 =	vmul.f32 v9, v58;
	_ =	sdelay $0x1  }
0x328: {  	v14 =	vmul.f32 v14, v11;
	v13 =	vmul.f32 v13, v9;
	_ =	sdelay $0x1  }
0x329: {  	v14 =	vsub.f32 $1.500000000e+00, v14;
	v13 =	vsub.f32 $1.500000000e+00, v13;
	_ =	sdelay $0x1  }
0x32a: {  	v11 =	vmul.f32 v14, v11;
	v9 =	vmul.f32 v13, v9;
	_ =	sdelay $0x1  }
0x32b: {  	v12 =	vmul.f32 v11, v60;
	v10 =	vmul.f32 v9, v58;
	_ =	sdelay $0x1  }
0x32c: {  	v12 =	vmul.f32 v12, v11;
	v10 =	vmul.f32 v10, v9;
	_ =	sdelay $0x1  }
0x32d: {  	v12 =	vsub.f32 $1.500000000e+00, v12;
	v10 =	vsub.f32 $1.500000000e+00, v10;
	_ =	sdelay $0x1  }
0x32e: {  	v63 =	vmul.f32 v12, v11;
	v9 =	vmul.f32 v10, v9;
	_ =	sdelay $0x1  }
0x32f: {  	v7 =	vmul.f32 v63, v7;
	v8 =	vmul.f32 v9, v8  }
0x330: {  	s29 =	sadd.s32 $0x1, s29  }
0x331: {  	p0 =	sne.s32 s29, $0x10;
	v9 =	vsub.f32 v8, v7  }
.Ltmp2:
0x332: {  	_ = 	snop;
	(pc) =	sbr.rel @p0 .LBB2_5-.Ltmp2, $3  }
0x333: {  	v9 =	vadd.f32 $2.000000030e-01, v9;
	_ =	sdelay $0x1  }
0x334: {  	v4 =	vadd.f32 v7, v4;
	v9 =	vmax.f32 v9, $0.0e+00  }
0x335: {  	v5 =	vadd.f32 v8, v5;
	v6 =	vadd.f32 v9, v6  }
0x336: {  	p0 =	seq.s32 s7, $0x7  }
.Ltmp3:
0x337: {  	_ = 	snop;
	(pc) =	sbr.rel @p0 .LBB2_10-.Ltmp3, $1  }
0x338: {  	_ =	sdelay $0x3  }
0x339: {  	s28 =	sadd.s32 $0x2, s28  }
0x33a: {  	s6 =	sshll.u32 s28, $0xB  }
0x33b: {  	s6 =	sadd.s32 s8, s6  }
0x33c: {  	s23 =	sshrl.u32 s6, $0x3  }
0x33d: {  	s31 =	sadd.s32 s1, s23  }
0x33e: {  	[tilespmem:s3], [sflag:$0x1] =	stream.linear.gather [hbm4b:s31+s3], $0x80, $0x38;
	[tilespmem:$0x1A040] =	vst v63  }
0x33f: {  	s25 =	simm.s32 $0x100;
	s29 =	sadd.s32 $0x10, s31  }
0x340: {  	[tilespmem:s25], [sflag:$0x1] =	stream.linear.gather [hbm4b:s29+s3], $0x80, $0x38;
	[tilespmem:$0x1A040] =	vst v63  }
0x341: {  	s9 =	simm.s32 $0x200;
	s30 =	sadd.s32 $0x20, s31  }
0x342: {  	[tilespmem:s9], [sflag:$0x1] =	stream.linear.gather [hbm4b:s30+s3], $0x80, $0x38;
	[tilespmem:$0x1A040] =	vst v63  }
0x343: {  	s25 =	sadd.s32 $0x30, s31;
	s29 =	simm.s32 $0x300  }
0x344: {  	[tilespmem:s29], [sflag:$0x1] =	stream.linear.gather [hbm4b:s25+s3], $0x80, $0x38;
	[tilespmem:$0x1A040] =	vst v63  }
0x345: {  	s30 =	sadd.s32 $0x40, s31;
	s9 =	simm.s32 $0x400  }
0x346: {  	[tilespmem:s9], [sflag:$0x1] =	stream.linear.gather [hbm4b:s30+s3], $0x80, $0x38;
	[tilespmem:$0x1A040] =	vst v63  }
0x347: {  	s25 =	sadd.s32 $0x50, s31;
	s29 =	simm.s32 $0x500  }
0x348: {  	[tilespmem:s29], [sflag:$0x1] =	stream.linear.gather [hbm4b:s25+s3], $0x80, $0x38;
	[tilespmem:$0x1A040] =	vst v63  }
0x349: {  	s30 =	sadd.s32 $0x60, s31;
	s9 =	simm.s32 $0x600  }
0x34a: {  	[tilespmem:s9], [sflag:$0x1] =	stream.linear.gather [hbm4b:s30+s3], $0x80, $0x38;
	[tilespmem:$0x1A040] =	vst v63  }
0x34b: {  	s25 =	sadd.s32 $0x70, s31;
	s29 =	simm.s32 $0x700  }
0x34c: {  	[tilespmem:s29], [sflag:$0x1] =	stream.linear.gather [hbm4b:s25+s3], $0x80, $0x38;
	[tilespmem:$0x1A040] =	vst v63  }
0x34d: {  	s29 =	sshllo.u32 s28, $0x1  }
0x34e: {  	s30 =	sshll.u32 s29, $0xA  }
0x34f: {  	s6 =	sadd.s32 s8, s30  }
0x350: {  	s6 =	sshrl.u32 s6, $0x3  }
0x351: {  	s6 =	sadd.s32 s1, s6  }
0x352: {  	[tilespmem:s26], [sflag:$0x1] =	stream.linear.gather [hbm4b:s6+s3], $0x80, $0x38;
	[tilespmem:$0x1A040] =	vst v63  }
0x353: {  	s30 =	simm.s32 $0x180;
	s9 =	sadd.s32 $0x10, s6  }
0x354: {  	[tilespmem:s30], [sflag:$0x1] =	stream.linear.gather [hbm4b:s9+s3], $0x80, $0x38;
	[tilespmem:$0x1A040] =	vst v63  }
0x355: {  	s25 =	sadd.s32 $0x20, s6;
	s9 =	simm.s32 $0x280  }
0x356: {  	[tilespmem:s9], [sflag:$0x1] =	stream.linear.gather [hbm4b:s25+s3], $0x80, $0x38;
	[tilespmem:$0x1A040] =	vst v63  }
0x357: {  	s25 =	sadd.s32 $0x30, s6;
	s9 =	simm.s32 $0x380  }
0x358: {  	[tilespmem:s9], [sflag:$0x1] =	stream.linear.gather [hbm4b:s25+s3], $0x80, $0x38;
	[tilespmem:$0x1A040] =	vst v63  }
0x359: {  	s25 =	sadd.s32 $0x40, s6;
	s9 =	simm.s32 $0x480  }
0x35a: {  	[tilespmem:s9], [sflag:$0x1] =	stream.linear.gather [hbm4b:s25+s3], $0x80, $0x38;
	[tilespmem:$0x1A040] =	vst v63  }
0x35b: {  	s25 =	sadd.s32 $0x50, s6;
	s9 =	simm.s32 $0x580  }
0x35c: {  	[tilespmem:s9], [sflag:$0x1] =	stream.linear.gather [hbm4b:s25+s3], $0x80, $0x38;
	[tilespmem:$0x1A040] =	vst v63  }
0x35d: {  	s25 =	sadd.s32 $0x60, s6;
	s9 =	simm.s32 $0x680  }
0x35e: {  	[tilespmem:s9], [sflag:$0x1] =	stream.linear.gather [hbm4b:s25+s3], $0x80, $0x38;
	[tilespmem:$0x1A040] =	vst v63  }
0x35f: {  	s25 =	sadd.s32 $0x70, s6;
	s9 =	simm.s32 $0x780  }
0x360: {  	[tilespmem:s9], [sflag:$0x1] =	stream.linear.gather [hbm4b:s25+s3], $0x80, $0x38;
	[tilespmem:$0x1A040] =	vst v63  }
0x361: {  	s25 =	sadd.s32 $0x1000, s31;
	s9 =	simm.s32 $0x800  }
0x362: {  	[tilespmem:s9], [sflag:$0x1] =	stream.linear.gather [hbm4b:s25+s3], $0x80, $0x38;
	[tilespmem:$0x1A040] =	vst v63  }
0x363: {  	s25 =	sadd.s32 $0x1010, s31;
	s9 =	simm.s32 $0x900  }
0x364: {  	[tilespmem:s9], [sflag:$0x1] =	stream.linear.gather [hbm4b:s25+s3], $0x80, $0x38;
	[tilespmem:$0x1A040] =	vst v63  }
0x365: {  	s25 =	sadd.s32 $0x1020, s31;
	s9 =	simm.s32 $0xA00  }
0x366: {  	[tilespmem:s9], [sflag:$0x1] =	stream.linear.gather [hbm4b:s25+s3], $0x80, $0x38;
	[tilespmem:$0x1A040] =	vst v63  }
0x367: {  	s25 =	sadd.s32 $0x1030, s31;
	s9 =	simm.s32 $0xB00  }
0x368: {  	[tilespmem:s9], [sflag:$0x1] =	stream.linear.gather [hbm4b:s25+s3], $0x80, $0x38;
	[tilespmem:$0x1A040] =	vst v63  }
0x369: {  	s25 =	sadd.s32 $0x1040, s31;
	s9 =	simm.s32 $0xC00  }
0x36a: {  	[tilespmem:s9], [sflag:$0x1] =	stream.linear.gather [hbm4b:s25+s3], $0x80, $0x38;
	[tilespmem:$0x1A040] =	vst v63  }
0x36b: {  	s25 =	sadd.s32 $0x1050, s31;
	s9 =	simm.s32 $0xD00  }
0x36c: {  	[tilespmem:s9], [sflag:$0x1] =	stream.linear.gather [hbm4b:s25+s3], $0x80, $0x38;
	[tilespmem:$0x1A040] =	vst v63  }
0x36d: {  	s25 =	sadd.s32 $0x1060, s31;
	s9 =	simm.s32 $0xE00  }
0x36e: {  	[tilespmem:s9], [sflag:$0x1] =	stream.linear.gather [hbm4b:s25+s3], $0x80, $0x38;
	[tilespmem:$0x1A040] =	vst v63  }
0x36f: {  	s25 =	sadd.s32 $0x1070, s31;
	s9 =	simm.s32 $0xF00  }
0x370: {  	[tilespmem:s9], [sflag:$0x1] =	stream.linear.gather [hbm4b:s25+s3], $0x80, $0x38;
	[tilespmem:$0x1A040] =	vst v63  }
0x371: {  	s25 =	sadd.s32 $0x1000, s6;
	s9 =	simm.s32 $0x880  }
0x372: {  	[tilespmem:s9], [sflag:$0x1] =	stream.linear.gather [hbm4b:s25+s3], $0x80, $0x38;
	[tilespmem:$0x1A040] =	vst v63  }
0x373: {  	s25 =	sadd.s32 $0x1010, s6;
	s9 =	simm.s32 $0x980  }
0x374: {  	[tilespmem:s9], [sflag:$0x1] =	stream.linear.gather [hbm4b:s25+s3], $0x80, $0x38;
	[tilespmem:$0x1A040] =	vst v63  }
0x375: {  	s25 =	sadd.s32 $0x1020, s6;
	s9 =	simm.s32 $0xA80  }
0x376: {  	[tilespmem:s9], [sflag:$0x1] =	stream.linear.gather [hbm4b:s25+s3], $0x80, $0x38;
	[tilespmem:$0x1A040] =	vst v63  }
0x377: {  	s25 =	sadd.s32 $0x1030, s6;
	s9 =	simm.s32 $0xB80  }
0x378: {  	[tilespmem:s9], [sflag:$0x1] =	stream.linear.gather [hbm4b:s25+s3], $0x80, $0x38;
	[tilespmem:$0x1A040] =	vst v63  }
0x379: {  	s25 =	sadd.s32 $0x1040, s6;
	s9 =	simm.s32 $0xC80  }
0x37a: {  	[tilespmem:s9], [sflag:$0x1] =	stream.linear.gather [hbm4b:s25+s3], $0x80, $0x38;
	[tilespmem:$0x1A040] =	vst v63  }
0x37b: {  	s25 =	sadd.s32 $0x1050, s6;
	s9 =	simm.s32 $0xD80  }
0x37c: {  	[tilespmem:s9], [sflag:$0x1] =	stream.linear.gather [hbm4b:s25+s3], $0x80, $0x38;
	[tilespmem:$0x1A040] =	vst v63  }
0x37d: {  	s25 =	sadd.s32 $0x1060, s6;
	s9 =	simm.s32 $0xE80  }
0x37e: {  	[tilespmem:s9], [sflag:$0x1] =	stream.linear.gather [hbm4b:s25+s3], $0x80, $0x38;
	[tilespmem:$0x1A040] =	vst v63  }
0x37f: {  	s30 =	sor.u32 $0x2000, s23;
	s25 =	sadd.s32 $0x1070, s6;
	s9 =	simm.s32 $0xF80  }
0x380: {  	[tilespmem:s9], [sflag:$0x1] =	stream.linear.gather [hbm4b:s25+s3], $0x80, $0x38;
	[tilespmem:$0x1A040] =	vst v63  }
0x381: {  	s25 =	sadd.s32 s1, s30;
	s9 =	simm.s32 $0x1000  }
0x382: {  	[tilespmem:s9], [sflag:$0x1] =	stream.linear.gather [hbm4b:s25+s3], $0x80, $0x38;
	[tilespmem:$0x1A040] =	vst v63  }
0x383: {  	s30 =	sadd.s32 $0x10, s25;
	s9 =	simm.s32 $0x1100  }
0x384: {  	[tilespmem:s9], [sflag:$0x1] =	stream.linear.gather [hbm4b:s30+s3], $0x80, $0x38;
	[tilespmem:$0x1A040] =	vst v63  }
0x385: {  	s30 =	sadd.s32 $0x20, s25;
	s9 =	simm.s32 $0x1200  }
0x386: {  	[tilespmem:s9], [sflag:$0x1] =	stream.linear.gather [hbm4b:s30+s3], $0x80, $0x38;
	[tilespmem:$0x1A040] =	vst v63  }
0x387: {  	s30 =	sadd.s32 $0x30, s25;
	s9 =	simm.s32 $0x1300  }
0x388: {  	[tilespmem:s9], [sflag:$0x1] =	stream.linear.gather [hbm4b:s30+s3], $0x80, $0x38;
	[tilespmem:$0x1A040] =	vst v63  }
0x389: {  	s30 =	sadd.s32 $0x40, s25;
	s9 =	simm.s32 $0x1400  }
0x38a: {  	[tilespmem:s9], [sflag:$0x1] =	stream.linear.gather [hbm4b:s30+s3], $0x80, $0x38;
	[tilespmem:$0x1A040] =	vst v63  }
0x38b: {  	s30 =	sadd.s32 $0x50, s25;
	s9 =	simm.s32 $0x1500  }
0x38c: {  	[tilespmem:s9], [sflag:$0x1] =	stream.linear.gather [hbm4b:s30+s3], $0x80, $0x38;
	[tilespmem:$0x1A040] =	vst v63  }
0x38d: {  	s30 =	sadd.s32 $0x60, s25;
	s9 =	simm.s32 $0x1600  }
0x38e: {  	[tilespmem:s9], [sflag:$0x1] =	stream.linear.gather [hbm4b:s30+s3], $0x80, $0x38;
	[tilespmem:$0x1A040] =	vst v63  }
0x38f: {  	s25 =	sadd.s32 $0x70, s25;
	s30 =	simm.s32 $0x1700  }
0x390: {  	[tilespmem:s30], [sflag:$0x1] =	stream.linear.gather [hbm4b:s25+s3], $0x80, $0x38;
	[tilespmem:$0x1A040] =	vst v63  }
0x391: {  	s9 =	sadd.s32 $0x2000, s6;
	s30 =	simm.s32 $0x1080  }
0x392: {  	[tilespmem:s30], [sflag:$0x1] =	stream.linear.gather [hbm4b:s9+s3], $0x80, $0x38;
	[tilespmem:$0x1A040] =	vst v63  }
0x393: {  	s9 =	sadd.s32 $0x2010, s6;
	s30 =	simm.s32 $0x1180  }
0x394: {  	[tilespmem:s30], [sflag:$0x1] =	stream.linear.gather [hbm4b:s9+s3], $0x80, $0x38;
	[tilespmem:$0x1A040] =	vst v63  }
0x395: {  	s9 =	sadd.s32 $0x2020, s6;
	s30 =	simm.s32 $0x1280  }
0x396: {  	[tilespmem:s30], [sflag:$0x1] =	stream.linear.gather [hbm4b:s9+s3], $0x80, $0x38;
	[tilespmem:$0x1A040] =	vst v63  }
0x397: {  	s9 =	sadd.s32 $0x2030, s6;
	s30 =	simm.s32 $0x1380  }
0x398: {  	[tilespmem:s30], [sflag:$0x1] =	stream.linear.gather [hbm4b:s9+s3], $0x80, $0x38;
	[tilespmem:$0x1A040] =	vst v63  }
0x399: {  	s9 =	sadd.s32 $0x2040, s6;
	s30 =	simm.s32 $0x1480  }
0x39a: {  	[tilespmem:s30], [sflag:$0x1] =	stream.linear.gather [hbm4b:s9+s3], $0x80, $0x38;
	[tilespmem:$0x1A040] =	vst v63  }
0x39b: {  	s9 =	sadd.s32 $0x2050, s6;
	s30 =	simm.s32 $0x1580  }
0x39c: {  	[tilespmem:s30], [sflag:$0x1] =	stream.linear.gather [hbm4b:s9+s3], $0x80, $0x38;
	[tilespmem:$0x1A040] =	vst v63  }
0x39d: {  	s9 =	sadd.s32 $0x2060, s6;
	s30 =	simm.s32 $0x1680  }
0x39e: {  	[tilespmem:s30], [sflag:$0x1] =	stream.linear.gather [hbm4b:s9+s3], $0x80, $0x38;
	[tilespmem:$0x1A040] =	vst v63  }
0x39f: {  	s9 =	sadd.s32 $0x2070, s6;
	s30 =	simm.s32 $0x1780  }
0x3a0: {  	[tilespmem:s30], [sflag:$0x1] =	stream.linear.gather [hbm4b:s9+s3], $0x80, $0x38;
	[tilespmem:$0x1A040] =	vst v63  }
0x3a1: {  	s9 =	sadd.s32 $0x3000, s31;
	s30 =	simm.s32 $0x1800  }
0x3a2: {  	[tilespmem:s30], [sflag:$0x1] =	stream.linear.gather [hbm4b:s9+s3], $0x80, $0x38;
	[tilespmem:$0x1A040] =	vst v63  }
0x3a3: {  	s9 =	sadd.s32 $0x3010, s31;
	s30 =	simm.s32 $0x1900  }
0x3a4: {  	[tilespmem:s30], [sflag:$0x1] =	stream.linear.gather [hbm4b:s9+s3], $0x80, $0x38;
	[tilespmem:$0x1A040] =	vst v63  }
0x3a5: {  	s9 =	sadd.s32 $0x3020, s31;
	s30 =	simm.s32 $0x1A00  }
0x3a6: {  	[tilespmem:s30], [sflag:$0x1] =	stream.linear.gather [hbm4b:s9+s3], $0x80, $0x38;
	[tilespmem:$0x1A040] =	vst v63  }
0x3a7: {  	s9 =	sadd.s32 $0x3030, s31;
	s30 =	simm.s32 $0x1B00  }
0x3a8: {  	[tilespmem:s30], [sflag:$0x1] =	stream.linear.gather [hbm4b:s9+s3], $0x80, $0x38;
	[tilespmem:$0x1A040] =	vst v63  }
0x3a9: {  	s9 =	sadd.s32 $0x3040, s31;
	s30 =	simm.s32 $0x1C00  }
0x3aa: {  	[tilespmem:s30], [sflag:$0x1] =	stream.linear.gather [hbm4b:s9+s3], $0x80, $0x38;
	[tilespmem:$0x1A040] =	vst v63  }
0x3ab: {  	s9 =	sadd.s32 $0x3050, s31;
	s30 =	simm.s32 $0x1D00  }
0x3ac: {  	[tilespmem:s30], [sflag:$0x1] =	stream.linear.gather [hbm4b:s9+s3], $0x80, $0x38;
	[tilespmem:$0x1A040] =	vst v63  }
0x3ad: {  	s9 =	sadd.s32 $0x3060, s31;
	s30 =	simm.s32 $0x1E00  }
0x3ae: {  	[tilespmem:s30], [sflag:$0x1] =	stream.linear.gather [hbm4b:s9+s3], $0x80, $0x38;
	[tilespmem:$0x1A040] =	vst v63  }
0x3af: {  	s9 =	sadd.s32 $0x3070, s31;
	s30 =	simm.s32 $0x1F00  }
0x3b0: {  	[tilespmem:s30], [sflag:$0x1] =	stream.linear.gather [hbm4b:s9+s3], $0x80, $0x38;
	[tilespmem:$0x1A040] =	vst v63  }
0x3b1: {  	s9 =	sadd.s32 $0x3000, s6;
	s30 =	simm.s32 $0x1880  }
0x3b2: {  	[tilespmem:s30], [sflag:$0x1] =	stream.linear.gather [hbm4b:s9+s3], $0x80, $0x38;
	[tilespmem:$0x1A040] =	vst v63  }
0x3b3: {  	s9 =	sadd.s32 $0x3010, s6;
	s30 =	simm.s32 $0x1980  }
0x3b4: {  	[tilespmem:s30], [sflag:$0x1] =	stream.linear.gather [hbm4b:s9+s3], $0x80, $0x38;
	[tilespmem:$0x1A040] =	vst v63  }
0x3b5: {  	s9 =	sadd.s32 $0x3020, s6;
	s30 =	simm.s32 $0x1A80  }
0x3b6: {  	[tilespmem:s30], [sflag:$0x1] =	stream.linear.gather [hbm4b:s9+s3], $0x80, $0x38;
	[tilespmem:$0x1A040] =	vst v63  }
0x3b7: {  	s9 =	sadd.s32 $0x3030, s6;
	s30 =	simm.s32 $0x1B80  }
0x3b8: {  	[tilespmem:s30], [sflag:$0x1] =	stream.linear.gather [hbm4b:s9+s3], $0x80, $0x38;
	[tilespmem:$0x1A040] =	vst v63  }
0x3b9: {  	s9 =	sadd.s32 $0x3040, s6;
	s30 =	simm.s32 $0x1C80  }
0x3ba: {  	[tilespmem:s30], [sflag:$0x1] =	stream.linear.gather [hbm4b:s9+s3], $0x80, $0x38;
	[tilespmem:$0x1A040] =	vst v63  }
0x3bb: {  	s9 =	sadd.s32 $0x3050, s6;
	s30 =	simm.s32 $0x1D80  }
0x3bc: {  	[tilespmem:s30], [sflag:$0x1] =	stream.linear.gather [hbm4b:s9+s3], $0x80, $0x38;
	[tilespmem:$0x1A040] =	vst v63  }
0x3bd: {  	s9 =	sadd.s32 $0x3060, s6;
	s30 =	simm.s32 $0x1E80  }
0x3be: {  	[tilespmem:s30], [sflag:$0x1] =	stream.linear.gather [hbm4b:s9+s3], $0x80, $0x38;
	[tilespmem:$0x1A040] =	vst v63  }
0x3bf: {  	s9 =	sadd.s32 $0x3070, s6;
	s30 =	simm.s32 $0x1F80  }
0x3c0: {  	[tilespmem:s30], [sflag:$0x1] =	stream.linear.gather [hbm4b:s9+s3], $0x80, $0x38;
	[tilespmem:$0x1A040] =	vst v63  }
0x3c1: {  	s9 =	sor.u32 $0x4000, s23  }
0x3c2: {  	s30 =	simm.s32 $0x2000;
	s25 =	sadd.s32 s1, s9  }
0x3c3: {  	[tilespmem:s30], [sflag:$0x1] =	stream.linear.gather [hbm4b:s25+s3], $0x80, $0x38;
	[tilespmem:$0x1A040] =	vst v63  }
0x3c4: {  	s9 =	simm.s32 $0x2100;
	s30 =	sadd.s32 $0x10, s25  }
0x3c5: {  	[tilespmem:s9], [sflag:$0x1] =	stream.linear.gather [hbm4b:s30+s3], $0x80, $0x38;
	[tilespmem:$0x1A040] =	vst v63  }
0x3c6: {  	s30 =	sadd.s32 $0x20, s25;
	s9 =	simm.s32 $0x2200  }
0x3c7: {  	[tilespmem:s9], [sflag:$0x1] =	stream.linear.gather [hbm4b:s30+s3], $0x80, $0x38;
	[tilespmem:$0x1A040] =	vst v63  }
0x3c8: {  	s30 =	sadd.s32 $0x30, s25;
	s9 =	simm.s32 $0x2300  }
0x3c9: {  	[tilespmem:s9], [sflag:$0x1] =	stream.linear.gather [hbm4b:s30+s3], $0x80, $0x38;
	[tilespmem:$0x1A040] =	vst v63  }
0x3ca: {  	s30 =	sadd.s32 $0x40, s25;
	s9 =	simm.s32 $0x2400  }
0x3cb: {  	[tilespmem:s9], [sflag:$0x1] =	stream.linear.gather [hbm4b:s30+s3], $0x80, $0x38;
	[tilespmem:$0x1A040] =	vst v63  }
0x3cc: {  	s30 =	sadd.s32 $0x50, s25;
	s9 =	simm.s32 $0x2500  }
0x3cd: {  	[tilespmem:s9], [sflag:$0x1] =	stream.linear.gather [hbm4b:s30+s3], $0x80, $0x38;
	[tilespmem:$0x1A040] =	vst v63  }
0x3ce: {  	s30 =	sadd.s32 $0x60, s25;
	s9 =	simm.s32 $0x2600  }
0x3cf: {  	[tilespmem:s9], [sflag:$0x1] =	stream.linear.gather [hbm4b:s30+s3], $0x80, $0x38;
	[tilespmem:$0x1A040] =	vst v63  }
0x3d0: {  	s25 =	sadd.s32 $0x70, s25;
	s30 =	simm.s32 $0x2700  }
0x3d1: {  	[tilespmem:s30], [sflag:$0x1] =	stream.linear.gather [hbm4b:s25+s3], $0x80, $0x38;
	[tilespmem:$0x1A040] =	vst v63  }
0x3d2: {  	s9 =	sadd.s32 $0x4000, s6;
	s30 =	simm.s32 $0x2080  }
0x3d3: {  	[tilespmem:s30], [sflag:$0x1] =	stream.linear.gather [hbm4b:s9+s3], $0x80, $0x38;
	[tilespmem:$0x1A040] =	vst v63  }
0x3d4: {  	s9 =	sadd.s32 $0x4010, s6;
	s30 =	simm.s32 $0x2180  }
0x3d5: {  	[tilespmem:s30], [sflag:$0x1] =	stream.linear.gather [hbm4b:s9+s3], $0x80, $0x38;
	[tilespmem:$0x1A040] =	vst v63  }
0x3d6: {  	s9 =	sadd.s32 $0x4020, s6;
	s30 =	simm.s32 $0x2280  }
0x3d7: {  	[tilespmem:s30], [sflag:$0x1] =	stream.linear.gather [hbm4b:s9+s3], $0x80, $0x38;
	[tilespmem:$0x1A040] =	vst v63  }
0x3d8: {  	s9 =	sadd.s32 $0x4030, s6;
	s30 =	simm.s32 $0x2380  }
0x3d9: {  	[tilespmem:s30], [sflag:$0x1] =	stream.linear.gather [hbm4b:s9+s3], $0x80, $0x38;
	[tilespmem:$0x1A040] =	vst v63  }
0x3da: {  	s9 =	sadd.s32 $0x4040, s6;
	s30 =	simm.s32 $0x2480  }
0x3db: {  	[tilespmem:s30], [sflag:$0x1] =	stream.linear.gather [hbm4b:s9+s3], $0x80, $0x38;
	[tilespmem:$0x1A040] =	vst v63  }
0x3dc: {  	s9 =	sadd.s32 $0x4050, s6;
	s30 =	simm.s32 $0x2580  }
0x3dd: {  	[tilespmem:s30], [sflag:$0x1] =	stream.linear.gather [hbm4b:s9+s3], $0x80, $0x38;
	[tilespmem:$0x1A040] =	vst v63  }
0x3de: {  	s9 =	sadd.s32 $0x4060, s6;
	s30 =	simm.s32 $0x2680  }
0x3df: {  	[tilespmem:s30], [sflag:$0x1] =	stream.linear.gather [hbm4b:s9+s3], $0x80, $0x38;
	[tilespmem:$0x1A040] =	vst v63  }
0x3e0: {  	s9 =	sadd.s32 $0x4070, s6;
	s30 =	simm.s32 $0x2780  }
0x3e1: {  	[tilespmem:s30], [sflag:$0x1] =	stream.linear.gather [hbm4b:s9+s3], $0x80, $0x38;
	[tilespmem:$0x1A040] =	vst v63  }
0x3e2: {  	s9 =	sadd.s32 $0x5000, s31;
	s30 =	simm.s32 $0x2800  }
0x3e3: {  	[tilespmem:s30], [sflag:$0x1] =	stream.linear.gather [hbm4b:s9+s3], $0x80, $0x38;
	[tilespmem:$0x1A040] =	vst v63  }
0x3e4: {  	s9 =	sadd.s32 $0x5010, s31;
	s30 =	simm.s32 $0x2900  }
0x3e5: {  	[tilespmem:s30], [sflag:$0x1] =	stream.linear.gather [hbm4b:s9+s3], $0x80, $0x38;
	[tilespmem:$0x1A040] =	vst v63  }
0x3e6: {  	s9 =	sadd.s32 $0x5020, s31;
	s30 =	simm.s32 $0x2A00  }
0x3e7: {  	[tilespmem:s30], [sflag:$0x1] =	stream.linear.gather [hbm4b:s9+s3], $0x80, $0x38;
	[tilespmem:$0x1A040] =	vst v63  }
0x3e8: {  	s9 =	sadd.s32 $0x5030, s31;
	s30 =	simm.s32 $0x2B00  }
0x3e9: {  	[tilespmem:s30], [sflag:$0x1] =	stream.linear.gather [hbm4b:s9+s3], $0x80, $0x38;
	[tilespmem:$0x1A040] =	vst v63  }
0x3ea: {  	s9 =	sadd.s32 $0x5040, s31;
	s30 =	simm.s32 $0x2C00  }
0x3eb: {  	[tilespmem:s30], [sflag:$0x1] =	stream.linear.gather [hbm4b:s9+s3], $0x80, $0x38;
	[tilespmem:$0x1A040] =	vst v63  }
0x3ec: {  	s9 =	sadd.s32 $0x5050, s31;
	s30 =	simm.s32 $0x2D00  }
0x3ed: {  	[tilespmem:s30], [sflag:$0x1] =	stream.linear.gather [hbm4b:s9+s3], $0x80, $0x38;
	[tilespmem:$0x1A040] =	vst v63  }
0x3ee: {  	s9 =	sadd.s32 $0x5060, s31;
	s30 =	simm.s32 $0x2E00  }
0x3ef: {  	[tilespmem:s30], [sflag:$0x1] =	stream.linear.gather [hbm4b:s9+s3], $0x80, $0x38;
	[tilespmem:$0x1A040] =	vst v63  }
0x3f0: {  	s9 =	sadd.s32 $0x5070, s31;
	s30 =	simm.s32 $0x2F00  }
0x3f1: {  	[tilespmem:s30], [sflag:$0x1] =	stream.linear.gather [hbm4b:s9+s3], $0x80, $0x38;
	[tilespmem:$0x1A040] =	vst v63  }
0x3f2: {  	s9 =	sadd.s32 $0x5000, s6;
	s30 =	simm.s32 $0x2880  }
0x3f3: {  	[tilespmem:s30], [sflag:$0x1] =	stream.linear.gather [hbm4b:s9+s3], $0x80, $0x38;
	[tilespmem:$0x1A040] =	vst v63  }
0x3f4: {  	s9 =	sadd.s32 $0x5010, s6;
	s30 =	simm.s32 $0x2980  }
0x3f5: {  	[tilespmem:s30], [sflag:$0x1] =	stream.linear.gather [hbm4b:s9+s3], $0x80, $0x38;
	[tilespmem:$0x1A040] =	vst v63  }
0x3f6: {  	s9 =	sadd.s32 $0x5020, s6;
	s30 =	simm.s32 $0x2A80  }
0x3f7: {  	[tilespmem:s30], [sflag:$0x1] =	stream.linear.gather [hbm4b:s9+s3], $0x80, $0x38;
	[tilespmem:$0x1A040] =	vst v63  }
0x3f8: {  	s9 =	sadd.s32 $0x5030, s6;
	s30 =	simm.s32 $0x2B80  }
0x3f9: {  	[tilespmem:s30], [sflag:$0x1] =	stream.linear.gather [hbm4b:s9+s3], $0x80, $0x38;
	[tilespmem:$0x1A040] =	vst v63  }
0x3fa: {  	s9 =	sadd.s32 $0x5040, s6;
	s30 =	simm.s32 $0x2C80  }
0x3fb: {  	[tilespmem:s30], [sflag:$0x1] =	stream.linear.gather [hbm4b:s9+s3], $0x80, $0x38;
	[tilespmem:$0x1A040] =	vst v63  }
0x3fc: {  	s9 =	sadd.s32 $0x5050, s6;
	s30 =	simm.s32 $0x2D80  }
0x3fd: {  	[tilespmem:s30], [sflag:$0x1] =	stream.linear.gather [hbm4b:s9+s3], $0x80, $0x38;
	[tilespmem:$0x1A040] =	vst v63  }
0x3fe: {  	s9 =	sadd.s32 $0x5060, s6;
	s30 =	simm.s32 $0x2E80  }
0x3ff: {  	[tilespmem:s30], [sflag:$0x1] =	stream.linear.gather [hbm4b:s9+s3], $0x80, $0x38;
	[tilespmem:$0x1A040] =	vst v63  }
0x400: {  	s23 =	sor.u32 $0x6000, s23;
	s9 =	sadd.s32 $0x5070, s6;
	s30 =	simm.s32 $0x2F80  }
0x401: {  	[tilespmem:s30], [sflag:$0x1] =	stream.linear.gather [hbm4b:s9+s3], $0x80, $0x38;
	[tilespmem:$0x1A040] =	vst v63  }
0x402: {  	s23 =	sadd.s32 s1, s23;
	s30 =	simm.s32 $0x3000  }
0x403: {  	[tilespmem:s30], [sflag:$0x1] =	stream.linear.gather [hbm4b:s23+s3], $0x80, $0x38;
	[tilespmem:$0x1A040] =	vst v63  }
0x404: {  	s9 =	sadd.s32 $0x10, s23;
	s30 =	simm.s32 $0x3100  }
0x405: {  	[tilespmem:s30], [sflag:$0x1] =	stream.linear.gather [hbm4b:s9+s3], $0x80, $0x38;
	[tilespmem:$0x1A040] =	vst v63  }
0x406: {  	s9 =	sadd.s32 $0x20, s23;
	s30 =	simm.s32 $0x3200  }
0x407: {  	[tilespmem:s30], [sflag:$0x1] =	stream.linear.gather [hbm4b:s9+s3], $0x80, $0x38;
	[tilespmem:$0x1A040] =	vst v63  }
0x408: {  	s9 =	sadd.s32 $0x30, s23;
	s30 =	simm.s32 $0x3300  }
0x409: {  	[tilespmem:s30], [sflag:$0x1] =	stream.linear.gather [hbm4b:s9+s3], $0x80, $0x38;
	[tilespmem:$0x1A040] =	vst v63  }
0x40a: {  	s9 =	sadd.s32 $0x40, s23;
	s30 =	simm.s32 $0x3400  }
0x40b: {  	[tilespmem:s30], [sflag:$0x1] =	stream.linear.gather [hbm4b:s9+s3], $0x80, $0x38;
	[tilespmem:$0x1A040] =	vst v63  }
0x40c: {  	s9 =	sadd.s32 $0x50, s23;
	s30 =	simm.s32 $0x3500  }
0x40d: {  	[tilespmem:s30], [sflag:$0x1] =	stream.linear.gather [hbm4b:s9+s3], $0x80, $0x38;
	[tilespmem:$0x1A040] =	vst v63  }
0x40e: {  	s9 =	sadd.s32 $0x60, s23;
	s30 =	simm.s32 $0x3600  }
0x40f: {  	[tilespmem:s30], [sflag:$0x1] =	stream.linear.gather [hbm4b:s9+s3], $0x80, $0x38;
	[tilespmem:$0x1A040] =	vst v63  }
0x410: {  	s23 =	sadd.s32 $0x70, s23;
	s30 =	simm.s32 $0x3700  }
0x411: {  	[tilespmem:s30], [sflag:$0x1] =	stream.linear.gather [hbm4b:s23+s3], $0x80, $0x38;
	[tilespmem:$0x1A040] =	vst v63  }
0x412: {  	s25 =	sadd.s32 $0x6000, s6;
	s30 =	simm.s32 $0x3080  }
0x413: {  	[tilespmem:s30], [sflag:$0x1] =	stream.linear.gather [hbm4b:s25+s3], $0x80, $0x38;
	[tilespmem:$0x1A040] =	vst v63  }
0x414: {  	s25 =	sadd.s32 $0x6010, s6;
	s30 =	simm.s32 $0x3180  }
0x415: {  	[tilespmem:s30], [sflag:$0x1] =	stream.linear.gather [hbm4b:s25+s3], $0x80, $0x38;
	[tilespmem:$0x1A040] =	vst v63  }
0x416: {  	s25 =	sadd.s32 $0x6020, s6;
	s30 =	simm.s32 $0x3280  }
0x417: {  	[tilespmem:s30], [sflag:$0x1] =	stream.linear.gather [hbm4b:s25+s3], $0x80, $0x38;
	[tilespmem:$0x1A040] =	vst v63  }
0x418: {  	s25 =	sadd.s32 $0x6030, s6;
	s30 =	simm.s32 $0x3380  }
0x419: {  	[tilespmem:s30], [sflag:$0x1] =	stream.linear.gather [hbm4b:s25+s3], $0x80, $0x38;
	[tilespmem:$0x1A040] =	vst v63  }
0x41a: {  	s25 =	sadd.s32 $0x6040, s6;
	s30 =	simm.s32 $0x3480  }
0x41b: {  	[tilespmem:s30], [sflag:$0x1] =	stream.linear.gather [hbm4b:s25+s3], $0x80, $0x38;
	[tilespmem:$0x1A040] =	vst v63  }
0x41c: {  	s25 =	sadd.s32 $0x6050, s6;
	s30 =	simm.s32 $0x3580  }
0x41d: {  	[tilespmem:s30], [sflag:$0x1] =	stream.linear.gather [hbm4b:s25+s3], $0x80, $0x38;
	[tilespmem:$0x1A040] =	vst v63  }
0x41e: {  	s25 =	sadd.s32 $0x6060, s6;
	s30 =	simm.s32 $0x3680  }
0x41f: {  	[tilespmem:s30], [sflag:$0x1] =	stream.linear.gather [hbm4b:s25+s3], $0x80, $0x38;
	[tilespmem:$0x1A040] =	vst v63  }
0x420: {  	s25 =	sadd.s32 $0x6070, s6;
	s30 =	simm.s32 $0x3780  }
0x421: {  	[tilespmem:s30], [sflag:$0x1] =	stream.linear.gather [hbm4b:s25+s3], $0x80, $0x38;
	[tilespmem:$0x1A040] =	vst v63  }
0x422: {  	s25 =	sadd.s32 $0x7000, s31;
	s30 =	simm.s32 $0x3800  }
0x423: {  	[tilespmem:s30], [sflag:$0x1] =	stream.linear.gather [hbm4b:s25+s3], $0x80, $0x38;
	[tilespmem:$0x1A040] =	vst v63  }
0x424: {  	s25 =	sadd.s32 $0x7010, s31;
	s30 =	simm.s32 $0x3900  }
0x425: {  	[tilespmem:s30], [sflag:$0x1] =	stream.linear.gather [hbm4b:s25+s3], $0x80, $0x38;
	[tilespmem:$0x1A040] =	vst v63  }
0x426: {  	s25 =	sadd.s32 $0x7020, s31;
	s30 =	simm.s32 $0x3A00  }
0x427: {  	[tilespmem:s30], [sflag:$0x1] =	stream.linear.gather [hbm4b:s25+s3], $0x80, $0x38;
	[tilespmem:$0x1A040] =	vst v63  }
0x428: {  	s25 =	sadd.s32 $0x7030, s31;
	s30 =	simm.s32 $0x3B00  }
0x429: {  	[tilespmem:s30], [sflag:$0x1] =	stream.linear.gather [hbm4b:s25+s3], $0x80, $0x38;
	[tilespmem:$0x1A040] =	vst v63  }
0x42a: {  	s25 =	sadd.s32 $0x7040, s31;
	s30 =	simm.s32 $0x3C00  }
0x42b: {  	[tilespmem:s30], [sflag:$0x1] =	stream.linear.gather [hbm4b:s25+s3], $0x80, $0x38;
	[tilespmem:$0x1A040] =	vst v63  }
0x42c: {  	s25 =	sadd.s32 $0x7050, s31;
	s30 =	simm.s32 $0x3D00  }
0x42d: {  	[tilespmem:s30], [sflag:$0x1] =	stream.linear.gather [hbm4b:s25+s3], $0x80, $0x38;
	[tilespmem:$0x1A040] =	vst v63  }
0x42e: {  	s9 =	sadd.s32 $0x7060, s31;
	s25 =	simm.s32 $0x3E00  }
0x42f: {  	[tilespmem:s25], [sflag:$0x1] =	stream.linear.gather [hbm4b:s9+s3], $0x80, $0x38;
	[tilespmem:$0x1A040] =	vst v63  }
0x430: {  	s30 =	sadd.s32 $0x7070, s31;
	s31 =	simm.s32 $0x3F00  }
0x431: {  	[tilespmem:s31], [sflag:$0x1] =	stream.linear.gather [hbm4b:s30+s3], $0x80, $0x38;
	[tilespmem:$0x1A040] =	vst v63  }
0x432: {  	s9 =	sadd.s32 $0x7000, s6;
	s25 =	simm.s32 $0x3880  }
0x433: {  	[tilespmem:s25], [sflag:$0x1] =	stream.linear.gather [hbm4b:s9+s3], $0x80, $0x38;
	[tilespmem:$0x1A040] =	vst v63  }
0x434: {  	s30 =	sadd.s32 $0x7010, s6;
	s31 =	simm.s32 $0x3980  }
0x435: {  	[tilespmem:s31], [sflag:$0x1] =	stream.linear.gather [hbm4b:s30+s3], $0x80, $0x38;
	[tilespmem:$0x1A040] =	vst v63  }
0x436: {  	s9 =	sadd.s32 $0x7020, s6;
	s25 =	simm.s32 $0x3A80  }
0x437: {  	[tilespmem:s25], [sflag:$0x1] =	stream.linear.gather [hbm4b:s9+s3], $0x80, $0x38;
	[tilespmem:$0x1A040] =	vst v63  }
0x438: {  	s30 =	sadd.s32 $0x7030, s6;
	s31 =	simm.s32 $0x3B80  }
0x439: {  	[tilespmem:s31], [sflag:$0x1] =	stream.linear.gather [hbm4b:s30+s3], $0x80, $0x38;
	[tilespmem:$0x1A040] =	vst v63  }
0x43a: {  	s9 =	sadd.s32 $0x7040, s6;
	s25 =	simm.s32 $0x3C80  }
0x43b: {  	[tilespmem:s25], [sflag:$0x1] =	stream.linear.gather [hbm4b:s9+s3], $0x80, $0x38;
	[tilespmem:$0x1A040] =	vst v63  }
0x43c: {  	s30 =	sadd.s32 $0x7050, s6;
	s31 =	simm.s32 $0x3D80  }
0x43d: {  	[tilespmem:s31], [sflag:$0x1] =	stream.linear.gather [hbm4b:s30+s3], $0x80, $0x38;
	[tilespmem:$0x1A040] =	vst v63  }
0x43e: {  	s25 =	sadd.s32 $0x7060, s6;
	s30 =	simm.s32 $0x3E80  }
0x43f: {  	[tilespmem:s30], [sflag:$0x1] =	stream.linear.gather [hbm4b:s25+s3], $0x80, $0x38;
	[tilespmem:$0x1A040] =	vst v63  }
0x440: {  	s6 =	sadd.s32 $0x7070, s6;
	s9 =	sshll.u32 s28, $0x8;
	s31 =	simm.s32 $0x3F80  }
0x441: {  	[tilespmem:s31], [sflag:$0x1] =	stream.linear.gather [hbm4b:s6+s3], $0x80, $0x38;
	[tilespmem:$0x1A040] =	vst v63  }
0x442: {  	s25 =	sadd.s32 $0x18000, s9  }
0x443: {  	[tilespmem:s0], [sflag:$0x1] =	stream.indirect.gather [hbm4b:s4+s26], $0x40, s25, s26, $0xb8;
	[tilespmem:$0x1A040] =	vst v63  }
0x444: {  	s28 =	sshll.u32 s29, $0x7;
	s6 =	sadd.s32 $0x19000, s9  }
0x445: {  	[tilespmem:s2], [sflag:$0x1] =	stream.indirect.gather [hbm4b:s4+s26], $0x40, s6, s26, $0xb8;
	[tilespmem:$0x1A040] =	vst v63  }
0x446: {  	s29 =	sadd.s32 $0x18000, s28;
	s30 =	simm.s32 $0xA000  }
0x447: {  	[tilespmem:s30], [sflag:$0x1] =	stream.indirect.gather [hbm4b:s4+s26], $0x40, s29, s26, $0xb8;
	[tilespmem:$0x1A040] =	vst v63  }
0x448: {  	s31 =	simm.s32 $0x12000;
	s6 =	sadd.s32 $0x19000, s28  }
0x449: {  	[tilespmem:s31], [sflag:$0x1] =	stream.indirect.gather [hbm4b:s4+s26], $0x40, s6, s26, $0xb8;
	[tilespmem:$0x1A040] =	vst v63  }
.LBB2_10:
0x44a: {  	_ =	swait.ge [sflag:s22], $0x400  }
0x44b: {  	[sflag:s22] =	ssyncset.done $0x0  }
0x44c: {  	[sflag:s22] =	ssyncadd.s32 $0xFFFFFC00  }
0x44d: {  	_ =	swait.ge [sflag:s22], $0x400  }
0x44e: {  	[sflag:s22] =	ssyncset.done $0x0  }
0x44f: {  	[sflag:s22] =	ssyncadd.s32 $0xFFFFFC00  }
0x450: {  	_ =	swait.ge [sflag:s22], $0x400  }
0x451: {  	[sflag:s22] =	ssyncset.done $0x0  }
0x452: {  	[sflag:s22] =	ssyncadd.s32 $0xFFFFFC00  }
0x453: {  	_ =	swait.ge [sflag:s22], $0x400  }
0x454: {  	[sflag:s22] =	ssyncset.done $0x0  }
0x455: {  	[sflag:s22] =	ssyncadd.s32 $0xFFFFFC00  }
0x456: {  	_ =	swait.ge [sflag:s22], $0x400  }
0x457: {  	[sflag:s22] =	ssyncset.done $0x0  }
0x458: {  	[sflag:s22] =	ssyncadd.s32 $0xFFFFFC00  }
0x459: {  	_ =	swait.ge [sflag:s22], $0x400  }
0x45a: {  	[sflag:s22] =	ssyncset.done $0x0  }
0x45b: {  	[sflag:s22] =	ssyncadd.s32 $0xFFFFFC00  }
0x45c: {  	_ =	swait.ge [sflag:s22], $0x400  }
0x45d: {  	[sflag:s22] =	ssyncset.done $0x0  }
0x45e: {  	[sflag:s22] =	ssyncadd.s32 $0xFFFFFC00  }
0x45f: {  	_ =	swait.ge [sflag:s22], $0x400  }
0x460: {  	[sflag:s22] =	ssyncset.done $0x0  }
0x461: {  	[sflag:s22] =	ssyncadd.s32 $0xFFFFFC00  }
0x462: {  	_ =	swait.ge [sflag:s22], $0x400  }
0x463: {  	[sflag:s22] =	ssyncset.done $0x0  }
0x464: {  	[sflag:s22] =	ssyncadd.s32 $0xFFFFFC00  }
0x465: {  	_ =	swait.ge [sflag:s22], $0x400  }
0x466: {  	[sflag:s22] =	ssyncset.done $0x0  }
0x467: {  	[sflag:s22] =	ssyncadd.s32 $0xFFFFFC00  }
0x468: {  	_ =	swait.ge [sflag:s22], $0x400  }
0x469: {  	[sflag:s22] =	ssyncset.done $0x0  }
0x46a: {  	[sflag:s22] =	ssyncadd.s32 $0xFFFFFC00  }
0x46b: {  	_ =	swait.ge [sflag:s22], $0x400  }
0x46c: {  	[sflag:s22] =	ssyncset.done $0x0  }
0x46d: {  	[sflag:s22] =	ssyncadd.s32 $0xFFFFFC00  }
0x46e: {  	_ =	swait.ge [sflag:s22], $0x400  }
0x46f: {  	[sflag:s22] =	ssyncset.done $0x0  }
0x470: {  	[sflag:s22] =	ssyncadd.s32 $0xFFFFFC00  }
0x471: {  	_ =	swait.ge [sflag:s22], $0x400  }
0x472: {  	[sflag:s22] =	ssyncset.done $0x0  }
0x473: {  	[sflag:s22] =	ssyncadd.s32 $0xFFFFFC00  }
0x474: {  	_ =	swait.ge [sflag:s22], $0x400  }
0x475: {  	[sflag:s22] =	ssyncset.done $0x0  }
0x476: {  	[sflag:s22] =	ssyncadd.s32 $0xFFFFFC00  }
0x477: {  	_ =	swait.ge [sflag:s22], $0x400  }
0x478: {  	[sflag:s22] =	ssyncset.done $0x0  }
0x479: {  	[sflag:s22] =	ssyncadd.s32 $0xFFFFFC00  }
0x47a: {  	_ =	swait.ge [sflag:s22], $0x2000  }
0x47b: {  	[sflag:s22] =	ssyncset.done $0x0  }
0x47c: {  	[sflag:s22] =	ssyncadd.s32 $0xFFFFE000  }
0x47d: {  	_ =	swait.ge [sflag:s22], $0x2000  }
0x47e: {  	[sflag:s22] =	ssyncset.done $0x0  }
0x47f: {  	[sflag:s22] =	ssyncadd.s32 $0xFFFFE000  }
0x480: {  	_ =	swait.ge [sflag:s22], $0x2000  }
0x481: {  	[sflag:s22] =	ssyncset.done $0x0  }
0x482: {  	[sflag:s22] =	ssyncadd.s32 $0xFFFFE000  }
0x483: {  	_ =	swait.ge [sflag:s22], $0x2000  }
0x484: {  	[sflag:s22] =	ssyncset.done $0x0  }
0x485: {  	s28 =	simm.s32 $0x0;
	[sflag:s22] =	ssyncadd.s32 $0xFFFFE000  }
.LBB2_11:
0x486: {  	s6 =	sshll.u32 s28, $0x4  }
0x487: {  	s30 =	simm.s32 $0x0;
	v8 =	vor.u32 s6, v0  }
0x488: {  	v10 =	vxor.u32 s30, v0;
	v7 =	vshll.u32 v8, $0x6  }
0x489: {  	s31 =	simm.s32 $0x2;
	v11 =	vand.u32 $0x38, v10;
	v8 =	vand.u32 v2, v8;
	v10 =	vshll.u32 v10, $0x8  }
0x48a: {  	v12 =	vxor.u32 s31, v0;
	v10 =	vor.u32 v8, v10  }
0x48b: {  	v13 =	vshll.u32 v12, $0x8;
	v12 =	vor.u32 v7, v12  }
0x48c: {  	s9 =	simm.s32 $0x1;
	s23 =	simm.s32 $0x3;
	v13 =	vor.u32 v8, v13  }
0x48d: {  	v14 =	vxor.u32 s9, v0;
	v15 =	vxor.u32 s23, v0  }
0x48e: {  	v17 =	vshll.u32 v14, $0x8;
	v18 =	vor.u32 v7, v15  }
0x48f: {  	v17 =	vor.u32 v8, v17;
	v10 =	vld.idx.msk [tilespmem:v10+s5+$0x0], $0xffff  }
0x490: {  	v14 =	vor.u32 v7, v14;
	v19 =	vld.idx.msk [tilespmem:v12+s18+$0x0], $0xffff  }
0x491: {  	v9 =	vor.u32 v1, v7;
	v13 =	vld.idx.msk [tilespmem:v13+s5+$0x0], $0xffff  }
0x492: {  	v11 =	vor.u32 v11, v9;
	v12 =	vld.idx.msk [tilespmem:v12+s17+$0x0], $0xffff  }
0x493: {  	v15 =	vshll.u32 v15, $0x8;
	v21 =	vld.idx.msk [tilespmem:v18+s18+$0x0], $0xffff  }
0x494: {  	s29 =	simm.s32 $0x6;
	v15 =	vor.u32 v8, v15;
	v17 =	vld.idx.msk [tilespmem:v17+s5+$0x0], $0xffff  }
0x495: {  	v23 =	vxor.u32 s29, v0;
	v24 =	vld.idx.msk [tilespmem:v14+s17+$0x0], $0xffff  }
0x496: {  	s25 =	simm.s32 $0x4;
	v25 =	vshll.u32 v23, $0x8;
	v14 =	vld.idx.msk [tilespmem:v14+s18+$0x0], $0xffff  }
0x497: {  	v20 =	vxor.u32 s25, v0;
	s30 =	simm.s32 $0x5;
	v25 =	vor.u32 v8, v25;
	v16 =	vld.idx.msk [tilespmem:v11+s18+$0x0], $0xffff  }
0x498: {  	v27 =	vimm.f32 $0.0e+00;
	s23 =	simm.s32 $0xA;
	v22 =	vshll.u32 v20, $0x8;
	v26 =	vxor.u32 s30, v0;
	v11 =	vld.idx.msk [tilespmem:v11+s17+$0x0], $0xffff  }
0x499: {  	v32 =	vxor.u32 s23, v0;
	v22 =	vor.u32 v8, v22;
	v20 =	vor.u32 v7, v20;
	v29 =	vld.idx.msk [tilespmem:v15+s5+$0x0], $0xffff  }
0x49a: {  	v28 =	vor.u32 v7, v26;
	v23 =	vor.u32 v7, v23;
	v35 =	vshll.u32 v32, $0x8  }
0x49b: {  	v15 =	vshll.u32 v26, $0x8;
	v19 =	vsub.f32 v13, v19;
	v12 =	vsub.f32 v13, v12  }
0x49c: {  	v25 =	vld.idx.msk [tilespmem:v25+s5+$0x0], $0xffff;
	v15 =	vor.u32 v8, v15;
	v13 =	vsub.f32 v17, v14;
	v14 =	vsub.f32 v17, v24  }
0x49d: {  	s9 =	simm.s32 $0x8;
	s25 =	simm.s32 $0x9;
	v32 =	vor.u32 v7, v32;
	v18 =	vld.idx.msk [tilespmem:v18+s17+$0x0], $0xffff;
	v11 =	vsub.f32 v10, v11;
	v10 =	vsub.f32 v10, v16  }
0x49e: {  	v33 =	vld.idx.msk [tilespmem:v20+s18+$0x0], $0xffff;
	v24 =	vxor.u32 s25, v0;
	v30 =	vsub.f32 v29, v21;
	v21 =	vxor.u32 s9, v0  }
0x49f: {  	s31 =	simm.s32 $0x7;
	v16 =	vld.idx.msk [tilespmem:v22+s5+$0x0], $0xffff;
	v34 =	vor.u32 v7, v24;
	v22 =	vmul.f32 v19, v19;
	v10 =	vmul.f32 v10, v10  }
0x4a0: {  	s29 =	simm.s32 $0xC;
	v17 =	vld.idx.msk [tilespmem:v28+s17+$0x0], $0xffff;
	v19 =	vxor.u32 s31, v0;
	v31 =	vmul.f32 v12, v12;
	v11 =	vmul.f32 v11, v11  }
0x4a1: {  	v36 =	vld.idx.msk [tilespmem:v15+s5+$0x0], $0xffff;
	v40 =	vmul.f32 v13, v13;
	v13 =	vxor.u32 s29, v0;
	v26 =	vadd.f32 v10, v27  }
0x4a2: {  	v56 =	vld.idx.msk [tilespmem:v23+s17+$0x0], $0xffff;
	v10 =	vand.u32 $0x38, v21;
	v37 =	vadd.f32 v11, v27;
	v11 =	vor.u32 v8, v35  }
0x4a3: {  	v44 =	vld.idx.msk [tilespmem:v32+s18+$0x0], $0xffff;
	s25 =	simm.s32 $0xB;
	v30 =	vmul.f32 v30, v30;
	v21 =	vshll.u32 v21, $0x8;
	v12 =	vor.u32 v10, v9  }
0x4a4: {  	v32 =	vld.idx.msk [tilespmem:v32+s17+$0x0], $0xffff;
	v21 =	vor.u32 v8, v21;
	v10 =	vshll.u32 v24, $0x8;
	v24 =	vxor.u32 s25, v0  }
0x4a5: {  	v15 =	vld.idx.msk [tilespmem:v20+s17+$0x0], $0xffff;
	v20 =	vshll.u32 v24, $0x8;
	v38 =	vor.u32 v8, v10;
	v10 =	vor.u32 v7, v24  }
0x4a6: {  	v28 =	vld.idx.msk [tilespmem:v28+s18+$0x0], $0xffff;
	v17 =	vsub.f32 v36, v17;
	v24 =	vshll.u32 v19, $0x8;
	v22 =	vadd.f32 v22, v26  }
0x4a7: {  	s30 =	simm.s32 $0xD;
	v31 =	vadd.f32 v31, v37;
	v41 =	vor.u32 v8, v20;
	v20 =	vshll.u32 v13, $0x8;
	v46 =	vld.idx.msk [tilespmem:v11+s5+$0x0], $0xffff  }
0x4a8: {  	v58 =	vor.u32 v8, v24;
	v43 =	vor.u32 v8, v20;
	v20 =	vxor.u32 s30, v0;
	v39 =	vld.idx.msk [tilespmem:v12+s18+$0x0], $0xffff  }
0x4a9: {  	v45 =	vmul.f32 v17, v17;
	v17 =	vor.u32 v7, v20;
	v11 =	vmul.f32 v14, v14;
	v42 =	vld.idx.msk [tilespmem:v12+s17+$0x0], $0xffff  }
0x4aa: {  	v14 =	vsub.f32 v29, v18;
	v18 =	vsub.f32 v25, v56;
	v12 =	vor.u32 v7, v13;
	v57 =	vld.idx.msk [tilespmem:v21+s5+$0x0], $0xffff  }
0x4ab: {  	v13 =	vsub.f32 v16, v33;
	v21 =	vld.idx.msk [tilespmem:v23+s18+$0x0], $0xffff;
	v16 =	vsub.f32 v16, v15;
	v15 =	vshll.u32 v20, $0x8  }
0x4ac: {  	s31 =	simm.s32 $0xE;
	v60 =	vld.idx.msk [tilespmem:v34+s18+$0x0], $0xffff;
	v20 =	vor.u32 v7, v19;
	v59 =	vadd.f32 v11, v27;
	v27 =	vadd.f32 v40, v27  }
0x4ad: {  	v26 =	vld.idx.msk [tilespmem:v34+s17+$0x0], $0xffff;
	v62 =	vmul.f32 v14, v14;
	v23 =	vmul.f32 v13, v13;
	v13 =	vxor.u32 s31, v0  }
0x4ae: {  	v15 =	vor.u32 v8, v15;
	v19 =	vld.idx.msk [tilespmem:v10+s18+$0x0], $0xffff;
	v16 =	vmul.f32 v16, v16;
	v29 =	vshll.u32 v13, $0x8  }
0x4af: {  	v24 =	vld.idx.msk [tilespmem:v38+s5+$0x0], $0xffff;
	v30 =	vadd.f32 v30, v27;
	v37 =	vadd.f32 v62, v59;
	v29 =	vor.u32 v8, v29  }
0x4b0: {  	v11 =	vld.idx.msk [tilespmem:v41+s5+$0x0], $0xffff;
	v13 =	vor.u32 v7, v13;
	v22 =	vadd.f32 v23, v22;
	v25 =	vsub.f32 v25, v21  }
0x4b1: {  	v61 =	vsub.f32 v46, v44;
	v23 =	vld.idx.msk [tilespmem:v58+s5+$0x0], $0xffff;
	v21 =	vmul.f32 v18, v18;
	v18 =	vsub.f32 v36, v28  }
0x4b2: {  	v33 =	vsub.f32 v46, v32;
	v42 =	vsub.f32 v57, v42;
	v32 =	vld.idx.msk [tilespmem:v20+s18+$0x0], $0xffff;
	v25 =	vmul.f32 v25, v25  }
0x4b3: {  	v31 =	vadd.f32 v16, v31;
	v63 =	vsub.f32 v57, v39;
	v28 =	vmul.f32 v18, v18;
	v18 =	vld.idx.msk [tilespmem:v43+s5+$0x0], $0xffff  }
0x4b4: {  	v16 =	vmul.f32 v61, v61;
	v27 =	vmul.f32 v42, v42;
	v14 =	vld.idx.msk [tilespmem:v29+s5+$0x0], $0xffff;
	v34 =	vadd.f32 v25, v22  }
0x4b5: {  	s6 =	simm.s32 $0x17;
	s23 =	simm.s32 $0xF;
	v35 =	vmul.f32 v63, v63;
	v29 =	vsub.f32 v24, v60;
	v22 =	vld.idx.msk [tilespmem:v17+s17+$0x0], $0xffff;
	v25 =	vadd.f32 v45, v37  }
.LBB2_12:
0x4b6: {  	s25 =	sadd.s32 $0xFFFFFFF9, s6;
	s29 =	sadd.s32 $0xFFFFFFFA, s6;
	s30 =	sadd.s32 $0xFFFFFFFB, s6;
	v24 =	vsub.f32 v24, v26;
	v36 =	vsub.f32 v11, v19;
	v26 =	vxor.u32 s23, v0  }
0x4b7: {  	p0 =	sne.s32 s6, $0x3F;
	s23 =	smov.u32 s6;
	s6 =	sadd.s32 $0x8, s6;
	v19 =	vxor.u32 s25, v0;
	v37 =	vxor.u32 s29, v0;
	v34 =	vadd.f32 v35, v34;
	v20 =	vld.idx.msk [tilespmem:v20+s17+$0x0], $0xffff  }
0x4b8: {  	v33 =	vmul.f32 v33, v33;
	s25 =	sadd.s32 $0xFFFFFFFC, s23;
	v35 =	vshll.u32 v19, $0x8;
	v19 =	vand.u32 $0x38, v19;
	v38 =	vld.idx.msk [tilespmem:v17+s18+$0x0], $0xffff  }
0x4b9: {  	v28 =	vadd.f32 v28, v30;
	v17 =	vor.u32 v8, v35;
	v19 =	vor.u32 v19, v9;
	v35 =	vld.idx.msk [tilespmem:v10+s17+$0x0], $0xffff  }
0x4ba: {  	v21 =	vadd.f32 v21, v31;
	v30 =	vor.u32 v7, v37;
	v10 =	vshll.u32 v37, $0x8;
	v37 =	vld.idx.msk [tilespmem:v12+s17+$0x0], $0xffff  }
0x4bb: {  	v31 =	vxor.u32 s30, v0;
	v39 =	vxor.u32 s25, v0;
	v32 =	vsub.f32 v23, v32;
	v40 =	vld.idx.msk [tilespmem:v12+s18+$0x0], $0xffff  }
0x4bc: {  	v27 =	vadd.f32 v27, v21;
	v41 =	vshll.u32 v39, $0x8;
	v12 =	vshll.u32 v31, $0x8;
	v42 =	vld.idx.msk [tilespmem:v15+s5+$0x0], $0xffff  }
0x4bd: {  	v21 =	vor.u32 v7, v31;
	v15 =	vor.u32 v8, v12;
	v12 =	vsub.f32 v23, v20;
	v31 =	vld.idx.msk [tilespmem:v13+s17+$0x0], $0xffff  }
0x4be: {  	v29 =	vmul.f32 v29, v29;
	s25 =	sadd.s32 $0xFFFFFFFD, s23;
	v23 =	vor.u32 v8, v10;
	v10 =	vor.u32 v7, v39;
	v43 =	vld.idx.msk [tilespmem:v19+s18+$0x0], $0xffff  }
0x4bf: {  	v41 =	vor.u32 v8, v41;
	v20 =	vmul.f32 v12, v12;
	v39 =	vld.idx.msk [tilespmem:v19+s17+$0x0], $0xffff;
	v19 =	vxor.u32 s25, v0  }
0x4c0: {  	v44 =	vld.idx.msk [tilespmem:v17+s5+$0x0], $0xffff;
	v17 =	vshll.u32 v19, $0x8;
	v12 =	vor.u32 v7, v19;
	v19 =	vmul.f32 v32, v32  }
0x4c1: {  	s25 =	sadd.s32 $0xFFFFFFFE, s23;
	v25 =	vadd.f32 v20, v25;
	v32 =	vor.u32 v8, v17;
	v17 =	vsub.f32 v18, v40;
	v40 =	vld.idx.msk [tilespmem:v13+s18+$0x0], $0xffff  }
0x4c2: {  	v13 =	vxor.u32 s25, v0;
	v18 =	vsub.f32 v18, v37;
	v20 =	vsub.f32 v42, v22;
	v45 =	vld.idx.msk [tilespmem:v21+s18+$0x0], $0xffff  }
0x4c3: {  	v28 =	vadd.f32 v19, v28;
	v22 =	vld.idx.msk [tilespmem:v15+s5+$0x0], $0xffff;
	v15 =	vshll.u32 v13, $0x8;
	v37 =	vmul.f32 v17, v17  }
0x4c4: {  	v47 =	vmul.f32 v20, v20;
	v46 =	vld.idx.msk [tilespmem:v21+s17+$0x0], $0xffff;
	v15 =	vor.u32 v8, v15;
	v21 =	vshll.u32 v26, $0x8  }
0x4c5: {  	v48 =	vmul.f32 v24, v24;
	s25 =	sadd.s32 $0xFFFFFFFF, s23;
	v17 =	vor.u32 v7, v13;
	v20 =	vor.u32 v7, v26;
	v19 =	vld.idx.msk [tilespmem:v10+s18+$0x0], $0xffff  }
0x4c6: {  	v31 =	vsub.f32 v14, v31;
	v13 =	vxor.u32 s25, v0;
	v24 =	vld.idx.msk [tilespmem:v23+s5+$0x0], $0xffff;
	v23 =	vsub.f32 v11, v35  }
0x4c7: {  	v49 =	vor.u32 v8, v21;
	v35 =	vshll.u32 v13, $0x8;
	v13 =	vor.u32 v7, v13;
	v26 =	vld.idx.msk [tilespmem:v30+s17+$0x0], $0xffff  }
0x4c8: {  	v16 =	vadd.f32 v16, v34;
	v25 =	vadd.f32 v48, v25;
	v35 =	vor.u32 v8, v35;
	v11 =	vld.idx.msk [tilespmem:v41+s5+$0x0], $0xffff  }
0x4c9: {  	v34 =	vsub.f32 v44, v39;
	v21 =	vmul.f32 v31, v31;
	v14 =	vsub.f32 v14, v40  }
0x4ca: {  	v39 =	vld.idx.msk [tilespmem:v30+s18+$0x0], $0xffff;
	v30 =	vmul.f32 v36, v36;
	v36 =	vadd.f32 v37, v16;
	v16 =	vsub.f32 v42, v38  }
0x4cb: {  	v27 =	vadd.f32 v33, v27;
	v29 =	vadd.f32 v29, v28;
	v31 =	vmul.f32 v18, v18  }
.Ltmp4:
0x4cc: {  	v33 =	vmul.f32 v23, v23;
	v37 =	vsub.f32 v22, v45;
	v28 =	vmul.f32 v16, v16;
	v23 =	vld.idx.msk [tilespmem:v49+s5+$0x0], $0xffff;
	(pc) =	sbr.rel @p0 .LBB2_12-.Ltmp4, $4  }
0x4cd: {  	v31 =	vadd.f32 v31, v27;
	v30 =	vadd.f32 v30, v29;
	v29 =	vmul.f32 v14, v14;
	v18 =	vld.idx.msk [tilespmem:v32+s5+$0x0], $0xffff  }
0x4ce: {  	v27 =	vmul.f32 v34, v34;
	v38 =	vsub.f32 v44, v43;
	v25 =	vadd.f32 v33, v25;
	v14 =	vld.idx.msk [tilespmem:v35+s5+$0x0], $0xffff  }
0x4cf: {  	v33 =	vsub.f32 v22, v46;
	v16 =	vmul.f32 v37, v37;
	v34 =	vadd.f32 v29, v36;
	v32 =	vld.idx.msk [tilespmem:v20+s18+$0x0], $0xffff  }
0x4d0: {  	v25 =	vadd.f32 v47, v25;
	v35 =	vmul.f32 v38, v38;
	v29 =	vsub.f32 v24, v39;
	v22 =	vld.idx.msk [tilespmem:v17+s17+$0x0], $0xffff  }
0x4d1: {  	_ =	sdelay $0x3  }
0x4d2: {  	v9 =	vld.idx.msk [tilespmem:v20+s17+$0x0], $0xffff  }
0x4d3: {  	v36 =	vld.idx.msk [tilespmem:v12+s18+$0x0], $0xffff  }
0x4d4: {  	v62 =	vxor.u32 s23, v0;
	v63 =	vld.idx.msk [tilespmem:v12+s17+$0x0], $0xffff  }
0x4d5: {  	v24 =	vsub.f32 v24, v26;
	v15 =	vld.idx.msk [tilespmem:v15+s5+$0x0], $0xffff;
	v21 =	vadd.f32 v21, v31;
	v7 =	vor.u32 v7, v62  }
0x4d6: {  	v19 =	vsub.f32 v11, v19;
	v38 =	vld.idx.msk [tilespmem:v13+s17+$0x0], $0xffff;
	v41 =	vmul.f32 v33, v33;
	v37 =	vshll.u32 v62, $0x8  }
0x4d7: {  	v10 =	vld.idx.msk [tilespmem:v10+s17+$0x0], $0xffff;
	v34 =	vadd.f32 v35, v34;
	v8 =	vor.u32 v8, v37;
	v21 =	vadd.f32 v27, v21  }
0x4d8: {  	v39 =	vadd.f32 v28, v30;
	v43 =	vld.idx.msk [tilespmem:v13+s18+$0x0], $0xffff;
	v40 =	vsub.f32 v23, v32  }
0x4d9: {  	v17 =	vld.idx.msk [tilespmem:v17+s18+$0x0], $0xffff;
	v29 =	vmul.f32 v29, v29;
	v49 =	vadd.f32 v16, v34;
	v53 =	vadd.f32 v41, v21  }
0x4da: {  	v46 =	vmul.f32 v24, v24;
	v9 =	vsub.f32 v23, v9;
	v42 =	vsub.f32 v18, v36;
	v48 =	vld.idx.msk [tilespmem:v7+s17+$0x0], $0xffff  }
0x4db: {  	v23 =	vmul.f32 v40, v40;
	v12 =	vsub.f32 v18, v63;
	v44 =	vsub.f32 v15, v22;
	v7 =	vld.idx.msk [tilespmem:v7+s18+$0x0], $0xffff  }
0x4dc: {  	v47 =	vsub.f32 v14, v38;
	v10 =	vsub.f32 v11, v10;
	v9 =	vmul.f32 v9, v9;
	v8 =	vld.idx.msk [tilespmem:v8+s5+$0x0], $0xffff  }
0x4dd: {  	v51 =	vmul.f32 v19, v19;
	v13 =	vsub.f32 v14, v43;
	v20 =	vadd.f32 v23, v39  }
0x4de: {  	v15 =	vsub.f32 v15, v17;
	v45 =	vmul.f32 v42, v42;
	v9 =	vadd.f32 v9, v25  }
0x4df: {  	v18 =	vmul.f32 v44, v44;
	v50 =	vmul.f32 v47, v47;
	v52 =	vadd.f32 v29, v20  }
0x4e0: {  	v10 =	vmul.f32 v10, v10;
	v12 =	vmul.f32 v12, v12;
	v9 =	vadd.f32 v46, v9  }
0x4e1: {  	v15 =	vmul.f32 v15, v15;
	v16 =	vadd.f32 v51, v52;
	v7 =	vsub.f32 v8, v7  }
0x4e2: {  	v55 =	vmul.f32 v13, v13;
	v54 =	vsub.f32 v8, v48;
	v9 =	vadd.f32 v10, v9  }
0x4e3: {  	v11 =	vadd.f32 v45, v49;
	v56 =	vadd.f32 v15, v16;
	v7 =	vmul.f32 v7, v7  }
0x4e4: {  	v8 =	vadd.f32 v12, v53;
	v10 =	vmul.f32 v54, v54;
	v9 =	vadd.f32 v18, v9  }
0x4e5: {  	v57 =	vadd.f32 v55, v11;
	v7 =	vadd.f32 v7, v56  }
0x4e6: {  	v8 =	vadd.f32 v50, v8;
	v9 =	vadd.f32 v10, v9  }
0x4e7: {  	v7 =	vadd.f32 v7, v57  }
0x4e8: {  	v8 =	vadd.f32 v9, v8  }
0x4e9: {  	v59 =	vshrl.u32 v7, $0x1  }
0x4ea: {  	v60 =	vmul.f32 $5.000000000e-01, v7;
	v9 =	vshrl.u32 v8, $0x1;
	v58 =	vmul.f32 $5.000000000e-01, v8  }
0x4eb: {  	v11 =	vsub.s32 $0x5F3759DF, v59;
	v9 =	vsub.s32 $0x5F3759DF, v9  }
0x4ec: {  	v62 =	vmul.f32 v11, v60;
	v61 =	vmul.f32 v9, v58;
	_ =	sdelay $0x1  }
0x4ed: {  	v14 =	vmul.f32 v11, v62;
	v13 =	vmul.f32 v9, v61;
	_ =	sdelay $0x1  }
0x4ee: {  	v14 =	vsub.f32 $1.500000000e+00, v14;
	v13 =	vsub.f32 $1.500000000e+00, v13;
	_ =	sdelay $0x1  }
0x4ef: {  	v11 =	vmul.f32 v11, v14;
	v9 =	vmul.f32 v9, v13;
	_ =	sdelay $0x1  }
0x4f0: {  	v14 =	vmul.f32 v11, v60;
	v13 =	vmul.f32 v9, v58;
	_ =	sdelay $0x1  }
0x4f1: {  	v14 =	vmul.f32 v14, v11;
	v13 =	vmul.f32 v13, v9;
	_ =	sdelay $0x1  }
0x4f2: {  	v14 =	vsub.f32 $1.500000000e+00, v14;
	v13 =	vsub.f32 $1.500000000e+00, v13;
	_ =	sdelay $0x1  }
0x4f3: {  	v11 =	vmul.f32 v14, v11;
	v9 =	vmul.f32 v13, v9;
	_ =	sdelay $0x1  }
0x4f4: {  	v14 =	vmul.f32 v11, v60;
	v13 =	vmul.f32 v9, v58;
	_ =	sdelay $0x1  }
0x4f5: {  	v14 =	vmul.f32 v14, v11;
	v13 =	vmul.f32 v13, v9;
	_ =	sdelay $0x1  }
0x4f6: {  	v14 =	vsub.f32 $1.500000000e+00, v14;
	v13 =	vsub.f32 $1.500000000e+00, v13;
	_ =	sdelay $0x1  }
0x4f7: {  	v11 =	vmul.f32 v14, v11;
	v9 =	vmul.f32 v13, v9;
	_ =	sdelay $0x1  }
0x4f8: {  	v12 =	vmul.f32 v11, v60;
	v10 =	vmul.f32 v9, v58;
	_ =	sdelay $0x1  }
0x4f9: {  	v12 =	vmul.f32 v12, v11;
	v10 =	vmul.f32 v10, v9;
	_ =	sdelay $0x1  }
0x4fa: {  	v12 =	vsub.f32 $1.500000000e+00, v12;
	v10 =	vsub.f32 $1.500000000e+00, v10;
	_ =	sdelay $0x1  }
0x4fb: {  	v63 =	vmul.f32 v12, v11;
	v9 =	vmul.f32 v10, v9;
	_ =	sdelay $0x1  }
0x4fc: {  	v7 =	vmul.f32 v63, v7;
	v8 =	vmul.f32 v9, v8  }
0x4fd: {  	s28 =	sadd.s32 $0x1, s28  }
0x4fe: {  	p0 =	sne.s32 s28, $0x10;
	v9 =	vsub.f32 v8, v7  }
.Ltmp5:
0x4ff: {  	_ = 	snop;
	(pc) =	sbr.rel @p0 .LBB2_11-.Ltmp5, $3  }
0x500: {  	v9 =	vadd.f32 $2.000000030e-01, v9;
	_ =	sdelay $0x1  }
0x501: {  	v4 =	vadd.f32 v7, v4;
	v9 =	vmax.f32 v9, $0.0e+00  }
0x502: {  	v5 =	vadd.f32 v8, v5;
	v6 =	vadd.f32 v9, v6  }
0x503: {  	s7 =	sadd.s32 $0x1, s7  }
0x504: {  	p0 =	sne.s32 s7, $0x8  }
.Ltmp6:
0x505: {  	_ = 	snop;
	(pc) =	sbr.rel @p0 .LBB2_4-.Ltmp6, $1  }
0x506: {  	_ =	sdelay $0x3  }
0x507: {  	[tilespmem:$0x1A000] =	vst v6  }
0x508: {  	[tilespmem:$0x1A010] =	vst v5  }
0x509: {  	[tilespmem:$0x1A020] =	vst v4  }
0x50a: {  	[tilespmem:$0x1A030] =	vst v3;
	s6 =	rddreg [dreg:$0x17];
	s7 =	simm.s32 $0x1A000;
	s23 =	simm.s32 $0x3  }
0x50b: {  	[hbm4b:s6+s3] =	stream.linear.scatter [tilespmem:s7], [sflag:$0x3], $0x40, $0x38;
	[tilespmem:$0x1A040] =	vst v63  }
0x50c: {  	_ =	swait.ge [sflag:s23], $0x40  }
0x50d: {  	s30 =	rddreg [dreg:$0x1a]  }
0x50e: {  	s31 =	rddreg [dreg:$0x19];
	s7 =	sadd.s32 $0x1, s30  }
0x50f: {  	p0 =	sne.s32 s7, s31  }
.Ltmp7:
0x510: {  	_ = 	snop;
	(pc) =	sbr.rel @p0 .LBB2_1-.Ltmp7, $3  }
0x511: {  	_ =	sdelay $0x1  }
0x512: {  	[sflag:s23] =	ssyncset.done $0x0  }
0x513: {  	s25 =	simm.s32 $0x18000;
	s28 =	simm.s32 $0x19000;
	[sflag:s23] =	ssyncadd.s32 $0xFFFFFFC0  }
0x514: {  	_ =	sfence.sel $0x180000  }
0x515: {  	[bflag:$0x0] =	sbarrier.arrive $0xFFFF  }
0x516: {  	_ =	strace $0x90000047  }
0x517: {  	s0 =	stileid.u32;
	[bflag:$0x2] =	sbarrier.arrive $0xFFFF  }
0x518: {  	p0 =	sne.s32 s0, $0x0;
	s0 =	rddreg [dreg:$0x5]  }
0x519: {  	s0 =	sadd.s32 @!p0 $0x100000, s0  }
0x51a: {  	[sflag:s0] =	ssyncadd.tile.s32 @!p0 $0x1;
	_ =	shalt  }
.Lfunc_end2:
_tile_overlayer_lowered:
.L_overlay_start_2:
0x51b: {  	(tag) =	ssettag $0x2  }
0x51c: {  	s0 =	rddreg [dreg:$0x0];
	s2 =	stileid.u32  }
0x51d: {  	s1 =	rddreg [dreg:$0x1];
	p0 =	sne.s32 s2, $0x0  }
0x51e: {  	s3 =	rddreg [dreg:$0x2];
	[bflag:$0x3] =	sbarrier.arrive $0xFFFF;
	s2 =	simm.s32 @!p0 $0x1C03  }
0x51f: {  	[timem:s3], [sflag:s2] =	dma.local @!p0 [hbm:s0], s1  }
0x520: {  	s0 =	simm.s32 @!p0 $0x3  }
0x521: {  	_ =	swait.ge @!p0 [sflag:s0], s1  }
0x522: {  	s1 =	ssub.s32 @!p0 $0x0, s1;
	[sflag:s0] =	ssyncset.done @!p0 $0x0  }
0x523: {  	[sflag:s0] =	ssyncadd.s32 @!p0 s1  }
0x524: {  	[bflag:$0x3] =	sbarrier.arrive $0xFFFF  }
0x525: {  	_ =	shalt  }

</sc_bundles>
